<compile_context>
chip_gen: v7x
topology: tpu7x:2x2x1
jax: 0.10.2.dev20260603
libtpu: 0.0.44.dev20260713+nightly
codegen_flags: <defaults>
</compile_context>

<pallas_src>
import math

import jax
import jax.numpy as jnp
from jax import lax
from jax.experimental import pallas as pl
from jax.experimental.pallas import tpu as pltpu
from jax.experimental.pallas import tpu_sc as plsc

D_MODEL = 64
LANES = 16
NUM_CORES = 2
NUM_WORKERS = 32
CHUNK = 128
NBUF = 3
SCALE = math.sqrt(D_MODEL)


def _emb_body(xt_hbm, lut_hbm, out_hbm, idx_t, pbuf, gbuf, sbuf,
              gsem, ssem):
    nb = xt_hbm.shape[0]
    wid = lax.axis_index("s") * NUM_CORES + lax.axis_index("c")
    a0 = wid * CHUNK

    pltpu.sync_copy(xt_hbm.at[:, pl.ds(a0, CHUNK)], idx_t)

    def start_gather(b, slot):
        for g in range(CHUNK // LANES):
            sl = pl.ds(g * LANES, LANES)
            pbuf[slot, sl] = idx_t[b, sl] >> 1
        pltpu.async_copy(lut_hbm.at[pbuf.at[slot]], gbuf.at[slot],
                         gsem.at[slot])

    for s in range(NBUF):
        start_gather(s, s)

    def process(g, s):
        gv = jnp.full((LANES,), g, jnp.int32)

        def row(i, _):
            hb = plsc.load_gather(idx_t, [gv, jnp.full((LANES,), i, jnp.int32)])
            m = jnp.bitwise_and(hb, 1) == 1
            for j in range(D_MODEL // LANES):
                lo = gbuf[s, i, pl.ds(j * LANES, LANES)]
                hi = gbuf[s, i, pl.ds(D_MODEL + j * LANES, LANES)]
                sbuf[s, i, pl.ds(j * LANES, LANES)] = (
                    jnp.where(m, hi, lo) * SCALE)
            return 0

        lax.fori_loop(0, CHUNK, row, 0, unroll=8)
        pltpu.async_copy(sbuf.at[s], out_hbm.at[pl.ds(a0, CHUNK), g, :],
                         ssem.at[s])

    def slab(b, _):
        for s in range(NBUF):
            g = b * NBUF + s
            pltpu.make_async_copy(
                lut_hbm.at[pbuf.at[s]], gbuf.at[s], gsem.at[s]).wait()

            @pl.when(b > 0)
            def _wait_scatter():
                pltpu.make_async_copy(
                    sbuf.at[s], out_hbm.at[pl.ds(a0, CHUNK), 0, :],
                    ssem.at[s]).wait()

            process(g, s)

            @pl.when(g + NBUF < nb)
            def _next():
                start_gather(g + NBUF, s)
        return 0

    lax.fori_loop(0, nb // NBUF, slab, 0)
    tail0 = (nb // NBUF) * NBUF
    for g in range(tail0, nb):
        s = g % NBUF
        pltpu.make_async_copy(
            lut_hbm.at[pbuf.at[s]], gbuf.at[s], gsem.at[s]).wait()
        pltpu.make_async_copy(
            sbuf.at[s], out_hbm.at[pl.ds(a0, CHUNK), 0, :],
            ssem.at[s]).wait()
        process(g, s)

    for s in range(NBUF):
        pltpu.make_async_copy(
            sbuf.at[s], out_hbm.at[pl.ds(a0, CHUNK), 0, :],
            ssem.at[s]).wait()


def kernel(x, lut):
    n_rows, n_cols = x.shape
    xt = jnp.swapaxes(x, 0, 1).astype(jnp.int32)
    lut_pairs = lut.reshape(lut.shape[0] // 2, 2 * D_MODEL)

    return pl.kernel(
        _emb_body,
        out_type=jax.ShapeDtypeStruct((n_rows, n_cols, D_MODEL), jnp.float32),
        mesh=plsc.VectorSubcoreMesh(core_axis_name="c", subcore_axis_name="s"),
        compiler_params=pltpu.CompilerParams(
            use_tc_tiling_on_sc=True, needs_layout_passes=False),
        scratch_types=[
            pltpu.VMEM((n_cols, CHUNK), jnp.int32),
            pltpu.VMEM((NBUF, CHUNK), jnp.int32),
            pltpu.VMEM((NBUF, CHUNK, 2 * D_MODEL), jnp.float32),
            pltpu.VMEM((NBUF, CHUNK, D_MODEL), jnp.float32),
            pltpu.SemaphoreType.DMA((NBUF,)),
            pltpu.SemaphoreType.DMA((NBUF,)),
        ],
    )(xt, lut_pairs)

# --- scband reference (transcript-rebuilt; emitter-appended) ---
"""Pipeline reference for scband-embeddings-61615600828684 (READ-ONLY COPY).

The authoritative reference and input builder live on the scoring server;
editing this copy changes nothing except your own understanding.
"""

import jax, jax.numpy as jnp
import numpy as np
import math

D_MODEL = 64
VOCAB = 1000000

def setup_inputs(seed: int = 0) -> dict:
    key = jax.random.key(seed)
    k1, k2 = jax.random.split(key)
    x = jax.random.randint(k1, (4096, 200), 0, VOCAB, dtype=jnp.int64 if jax.config.read('jax_enable_x64') else jnp.int32)
    lut = jax.random.normal(k2, (VOCAB, D_MODEL), dtype=jnp.float32)
    return {"x": x, "lut": lut}

def reference(x, lut):
    # Embedding lookup scaled by sqrt(d_model)
    emb = jnp.take(lut, x, axis=0)
    return emb * math.sqrt(D_MODEL)

if __name__ == "__main__":
    import jax
    _d = setup_inputs()
    print(jax.jit(kernel)(*tuple(_d.values())))

</pallas_src>

<mosaic_0001>
#map = affine_map<(d0, d1) -> (0, 0)>
#map1 = affine_map<(d0, d1) -> (0, 0, 0)>
module attributes {stable_mosaic.version = 14 : i64} {
  func.func @_emb_body(%arg0: i32, %arg1: i32, %arg2: memref<200x4096xi32, #tpu.memory_space<hbm>>, %arg3: memref<500000x128xf32, #tpu.memory_space<hbm>>, %arg4: memref<4096x200x64xf32, #tpu.memory_space<hbm>>, %arg5: memref<200x128xi32, #tpu.memory_space<vmem>>, %arg6: memref<3x128xi32, #tpu.memory_space<vmem>>, %arg7: memref<3x128x128xf32, #tpu.memory_space<vmem>>, %arg8: memref<3x128x64xf32, #tpu.memory_space<vmem>>, %arg9: memref<3x!tpu.dma_semaphore, #tpu.memory_space<semaphore_mem>>, %arg10: memref<3x!tpu.dma_semaphore, #tpu.memory_space<semaphore_mem>>) attributes {dimension_semantics = [#tpu.dimension_semantics<core_parallel>, #tpu.dimension_semantics<subcore_parallel>], iteration_bounds = array<i64: 2, 16>, scalar_prefetch = 0 : i64, scratch_operands = 6 : i64, tpu.core_type = #tpu.core_type<sc_vector_subcore>, window_params = [{transform_indices = #map}, {transform_indices = #map}, {transform_indices = #map1}]} {
    %mul3A = arith.constant 2 : i32
    %mul3A_0 = arith.muli %arg1, %mul3A : i32
    %add3A = arith.addi %mul3A_0, %arg0 : i32
    %mul3A_1 = arith.constant 128 : i32
    %mul3A_2 = arith.muli %add3A, %mul3A_1 : i32
    "tpu.region"() ({
      %run_scoped3A = tpu.sem_alloc : memref<!tpu.dma_semaphore, #tpu.memory_space<semaphore_mem>>
      %dma_start3A_493 = arith.constant 0 : i32
      %dma_start3A_494 = tpu.memref_slice %arg2[%dma_start3A_493, %mul3A_2] : memref<200x4096xi32, #tpu.memory_space<hbm>> -> memref<200x128xi32, #tpu.memory_space<hbm>>
      %dma_start3A_495 = arith.constant 0 : i32
      %dma_start3A_496 = tpu.memref_slice %arg2[%dma_start3A_495, %mul3A_2] : memref<200x4096xi32, #tpu.memory_space<hbm>> -> memref<200x128xi32, #tpu.memory_space<hbm>>
      tpu.enqueue_dma source(%dma_start3A_496 : memref<200x128xi32, #tpu.memory_space<hbm>>) target(%arg5 : memref<200x128xi32, #tpu.memory_space<vmem>>) target_semaphore(%run_scoped3A : memref<!tpu.dma_semaphore, #tpu.memory_space<semaphore_mem>>)
      %dma_wait3A_497 = arith.constant 0 : i32
      %dma_wait3A_498 = tpu.memref_slice %arg2[%dma_wait3A_497, %mul3A_2] : memref<200x4096xi32, #tpu.memory_space<hbm>> -> memref<200x128xi32, #tpu.memory_space<hbm>>
      %dma_wait3A_499 = arith.constant 0 : i32
      %dma_wait3A_500 = tpu.memref_slice %arg2[%dma_wait3A_499, %mul3A_2] : memref<200x4096xi32, #tpu.memory_space<hbm>> -> memref<200x128xi32, #tpu.memory_space<hbm>>
      tpu.wait_dma2 semaphore(%run_scoped3A : memref<!tpu.dma_semaphore, #tpu.memory_space<semaphore_mem>>) src(%dma_wait3A_500 : memref<200x128xi32, #tpu.memory_space<hbm>>) dst(%arg5 : memref<200x128xi32, #tpu.memory_space<vmem>>)
      tpu.yield
    }) : () -> ()
    %get3A = arith.constant 0 : i32
    %get3A_3 = arith.index_cast %get3A : i32 to index
    %get3A_4 = arith.constant 0 : index
    %get3A_5 = tpu.vector_load %arg5[%get3A_3, %get3A_4] {strides = array<i32>} : memref<200x128xi32, #tpu.memory_space<vmem>>, vector<16xi32>,
    %shift_right_arithmetic3A = arith.constant 1 : i32
    %shift_right_arithmetic3A_6 = vector.broadcast %shift_right_arithmetic3A : i32 to vector<16xi32>
    %shift_right_arithmetic3A_7 = arith.shrsi %get3A_5, %shift_right_arithmetic3A_6 : vector<16xi32>
    %swap3A = arith.constant 0 : i32
    %swap3A_8 = arith.index_cast %swap3A : i32 to index
    %swap3A_9 = arith.constant 0 : index
    %swap3A_10 = tpu.vector_load %arg6[%swap3A_8, %swap3A_9] {strides = array<i32>} : memref<3x128xi32, #tpu.memory_space<vmem>>, vector<16xi32>,
    tpu.vector_store %arg6[%swap3A_8, %swap3A_9], %shift_right_arithmetic3A_7 {strides = array<i32>} : memref<3x128xi32, #tpu.memory_space<vmem>>, vector<16xi32>,
    %get3A_11 = arith.constant 0 : i32
    %get3A_12 = arith.index_cast %get3A_11 : i32 to index
    %get3A_13 = arith.constant 16 : index
    %get3A_14 = tpu.vector_load %arg5[%get3A_12, %get3A_13] {strides = array<i32>} : memref<200x128xi32, #tpu.memory_space<vmem>>, vector<16xi32>,
    %shift_right_arithmetic3A_15 = arith.constant 1 : i32
    %shift_right_arithmetic3A_16 = vector.broadcast %shift_right_arithmetic3A_15 : i32 to vector<16xi32>
    %shift_right_arithmetic3A_17 = arith.shrsi %get3A_14, %shift_right_arithmetic3A_16 : vector<16xi32>
    %swap3A_18 = arith.constant 0 : i32
    %swap3A_19 = arith.index_cast %swap3A_18 : i32 to index
    %swap3A_20 = arith.constant 16 : index
    %swap3A_21 = tpu.vector_load %arg6[%swap3A_19, %swap3A_20] {strides = array<i32>} : memref<3x128xi32, #tpu.memory_space<vmem>>, vector<16xi32>,
    tpu.vector_store %arg6[%swap3A_19, %swap3A_20], %shift_right_arithmetic3A_17 {strides = array<i32>} : memref<3x128xi32, #tpu.memory_space<vmem>>, vector<16xi32>,
    %get3A_22 = arith.constant 0 : i32
    %get3A_23 = arith.index_cast %get3A_22 : i32 to index
    %get3A_24 = arith.constant 32 : index
    %get3A_25 = tpu.vector_load %arg5[%get3A_23, %get3A_24] {strides = array<i32>} : memref<200x128xi32, #tpu.memory_space<vmem>>, vector<16xi32>,
    %shift_right_arithmetic3A_26 = arith.constant 1 : i32
    %shift_right_arithmetic3A_27 = vector.broadcast %shift_right_arithmetic3A_26 : i32 to vector<16xi32>
    %shift_right_arithmetic3A_28 = arith.shrsi %get3A_25, %shift_right_arithmetic3A_27 : vector<16xi32>
    %swap3A_29 = arith.constant 0 : i32
    %swap3A_30 = arith.index_cast %swap3A_29 : i32 to index
    %swap3A_31 = arith.constant 32 : index
    %swap3A_32 = tpu.vector_load %arg6[%swap3A_30, %swap3A_31] {strides = array<i32>} : memref<3x128xi32, #tpu.memory_space<vmem>>, vector<16xi32>,
    tpu.vector_store %arg6[%swap3A_30, %swap3A_31], %shift_right_arithmetic3A_28 {strides = array<i32>} : memref<3x128xi32, #tpu.memory_space<vmem>>, vector<16xi32>,
    %get3A_33 = arith.constant 0 : i32
    %get3A_34 = arith.index_cast %get3A_33 : i32 to index
    %get3A_35 = arith.constant 48 : index
    %get3A_36 = tpu.vector_load %arg5[%get3A_34, %get3A_35] {strides = array<i32>} : memref<200x128xi32, #tpu.memory_space<vmem>>, vector<16xi32>,
    %shift_right_arithmetic3A_37 = arith.constant 1 : i32
    %shift_right_arithmetic3A_38 = vector.broadcast %shift_right_arithmetic3A_37 : i32 to vector<16xi32>
    %shift_right_arithmetic3A_39 = arith.shrsi %get3A_36, %shift_right_arithmetic3A_38 : vector<16xi32>
    %swap3A_40 = arith.constant 0 : i32
    %swap3A_41 = arith.index_cast %swap3A_40 : i32 to index
    %swap3A_42 = arith.constant 48 : index
    %swap3A_43 = tpu.vector_load %arg6[%swap3A_41, %swap3A_42] {strides = array<i32>} : memref<3x128xi32, #tpu.memory_space<vmem>>, vector<16xi32>,
    tpu.vector_store %arg6[%swap3A_41, %swap3A_42], %shift_right_arithmetic3A_39 {strides = array<i32>} : memref<3x128xi32, #tpu.memory_space<vmem>>, vector<16xi32>,
    %get3A_44 = arith.constant 0 : i32
    %get3A_45 = arith.index_cast %get3A_44 : i32 to index
    %get3A_46 = arith.constant 64 : index
    %get3A_47 = tpu.vector_load %arg5[%get3A_45, %get3A_46] {strides = array<i32>} : memref<200x128xi32, #tpu.memory_space<vmem>>, vector<16xi32>,
    %shift_right_arithmetic3A_48 = arith.constant 1 : i32
    %shift_right_arithmetic3A_49 = vector.broadcast %shift_right_arithmetic3A_48 : i32 to vector<16xi32>
    %shift_right_arithmetic3A_50 = arith.shrsi %get3A_47, %shift_right_arithmetic3A_49 : vector<16xi32>
    %swap3A_51 = arith.constant 0 : i32
    %swap3A_52 = arith.index_cast %swap3A_51 : i32 to index
    %swap3A_53 = arith.constant 64 : index
    %swap3A_54 = tpu.vector_load %arg6[%swap3A_52, %swap3A_53] {strides = array<i32>} : memref<3x128xi32, #tpu.memory_space<vmem>>, vector<16xi32>,
    tpu.vector_store %arg6[%swap3A_52, %swap3A_53], %shift_right_arithmetic3A_50 {strides = array<i32>} : memref<3x128xi32, #tpu.memory_space<vmem>>, vector<16xi32>,
    %get3A_55 = arith.constant 0 : i32
    %get3A_56 = arith.index_cast %get3A_55 : i32 to index
    %get3A_57 = arith.constant 80 : index
    %get3A_58 = tpu.vector_load %arg5[%get3A_56, %get3A_57] {strides = array<i32>} : memref<200x128xi32, #tpu.memory_space<vmem>>, vector<16xi32>,
    %shift_right_arithmetic3A_59 = arith.constant 1 : i32
    %shift_right_arithmetic3A_60 = vector.broadcast %shift_right_arithmetic3A_59 : i32 to vector<16xi32>
    %shift_right_arithmetic3A_61 = arith.shrsi %get3A_58, %shift_right_arithmetic3A_60 : vector<16xi32>
    %swap3A_62 = arith.constant 0 : i32
    %swap3A_63 = arith.index_cast %swap3A_62 : i32 to index
    %swap3A_64 = arith.constant 80 : index
    %swap3A_65 = tpu.vector_load %arg6[%swap3A_63, %swap3A_64] {strides = array<i32>} : memref<3x128xi32, #tpu.memory_space<vmem>>, vector<16xi32>,
    tpu.vector_store %arg6[%swap3A_63, %swap3A_64], %shift_right_arithmetic3A_61 {strides = array<i32>} : memref<3x128xi32, #tpu.memory_space<vmem>>, vector<16xi32>,
    %get3A_66 = arith.constant 0 : i32
    %get3A_67 = arith.index_cast %get3A_66 : i32 to index
    %get3A_68 = arith.constant 96 : index
    %get3A_69 = tpu.vector_load %arg5[%get3A_67, %get3A_68] {strides = array<i32>} : memref<200x128xi32, #tpu.memory_space<vmem>>, vector<16xi32>,
    %shift_right_arithmetic3A_70 = arith.constant 1 : i32
    %shift_right_arithmetic3A_71 = vector.broadcast %shift_right_arithmetic3A_70 : i32 to vector<16xi32>
    %shift_right_arithmetic3A_72 = arith.shrsi %get3A_69, %shift_right_arithmetic3A_71 : vector<16xi32>
    %swap3A_73 = arith.constant 0 : i32
    %swap3A_74 = arith.index_cast %swap3A_73 : i32 to index
    %swap3A_75 = arith.constant 96 : index
    %swap3A_76 = tpu.vector_load %arg6[%swap3A_74, %swap3A_75] {strides = array<i32>} : memref<3x128xi32, #tpu.memory_space<vmem>>, vector<16xi32>,
    tpu.vector_store %arg6[%swap3A_74, %swap3A_75], %shift_right_arithmetic3A_72 {strides = array<i32>} : memref<3x128xi32, #tpu.memory_space<vmem>>, vector<16xi32>,
    %get3A_77 = arith.constant 0 : i32
    %get3A_78 = arith.index_cast %get3A_77 : i32 to index
    %get3A_79 = arith.constant 112 : index
    %get3A_80 = tpu.vector_load %arg5[%get3A_78, %get3A_79] {strides = array<i32>} : memref<200x128xi32, #tpu.memory_space<vmem>>, vector<16xi32>,
    %shift_right_arithmetic3A_81 = arith.constant 1 : i32
    %shift_right_arithmetic3A_82 = vector.broadcast %shift_right_arithmetic3A_81 : i32 to vector<16xi32>
    %shift_right_arithmetic3A_83 = arith.shrsi %get3A_80, %shift_right_arithmetic3A_82 : vector<16xi32>
    %swap3A_84 = arith.constant 0 : i32
    %swap3A_85 = arith.index_cast %swap3A_84 : i32 to index
    %swap3A_86 = arith.constant 112 : index
    %swap3A_87 = tpu.vector_load %arg6[%swap3A_85, %swap3A_86] {strides = array<i32>} : memref<3x128xi32, #tpu.memory_space<vmem>>, vector<16xi32>,
    tpu.vector_store %arg6[%swap3A_85, %swap3A_86], %shift_right_arithmetic3A_83 {strides = array<i32>} : memref<3x128xi32, #tpu.memory_space<vmem>>, vector<16xi32>,
    %dma_start3A = arith.constant 0 : i32
    %dma_start3A_88 = arith.constant 0 : i32
    %dma_start3A_89 = arith.constant 0 : i32
    %dma_start3A_90 = arith.constant 0 : i32
    %dma_start3A_91 = arith.constant 0 : i32
    %dma_start3A_92 = tpu.memref_slice %arg7[%dma_start3A_88, %dma_start3A_90, %dma_start3A_91] : memref<3x128x128xf32, #tpu.memory_space<vmem>> -> memref<1x128x128xf32, #tpu.memory_space<vmem>>
    %dma_start3A_93 = tpu.memref_squeeze %dma_start3A_92 : memref<1x128x128xf32, #tpu.memory_space<vmem>> -> memref<128x128xf32, #tpu.memory_space<vmem>>
    %dma_start3A_94 = arith.constant 0 : i32
    %dma_start3A_95 = tpu.memref_slice %arg6[%dma_start3A, %dma_start3A_94] : memref<3x128xi32, #tpu.memory_space<vmem>> -> memref<1x128xi32, #tpu.memory_space<vmem>>
    %dma_start3A_96 = tpu.memref_squeeze %dma_start3A_95 : memref<1x128xi32, #tpu.memory_space<vmem>> -> memref<128xi32, #tpu.memory_space<vmem>>
    %dma_start3A_97 = arith.constant 0 : i32
    %dma_start3A_98 = arith.constant 0 : i32
    %dma_start3A_99 = tpu.memref_slice %arg3[%dma_start3A_97, %dma_start3A_98] : memref<500000x128xf32, #tpu.memory_space<hbm>> -> memref<500000x128xf32, #tpu.memory_space<hbm>>
    %dma_start3A_100 = tpu.memref_slice %arg9[%dma_start3A_89] : memref<3x!tpu.dma_semaphore, #tpu.memory_space<semaphore_mem>> -> memref<1x!tpu.dma_semaphore, #tpu.memory_space<semaphore_mem>>
    %dma_start3A_101 = tpu.memref_squeeze %dma_start3A_100 : memref<1x!tpu.dma_semaphore, #tpu.memory_space<semaphore_mem>> -> memref<!tpu.dma_semaphore, #tpu.memory_space<semaphore_mem>>
    tpu.enqueue_indirect_dma source(%dma_start3A_99 : memref<500000x128xf32, #tpu.memory_space<hbm>>) target(%dma_start3A_93 : memref<128x128xf32, #tpu.memory_space<vmem>>) offsets(%dma_start3A_96 : memref<128xi32, #tpu.memory_space<vmem>>) semaphore(%dma_start3A_101 : memref<!tpu.dma_semaphore, #tpu.memory_space<semaphore_mem>>)
    %get3A_102 = arith.constant 1 : i32
    %get3A_103 = arith.index_cast %get3A_102 : i32 to index
    %get3A_104 = arith.constant 0 : index
    %get3A_105 = tpu.vector_load %arg5[%get3A_103, %get3A_104] {strides = array<i32>} : memref<200x128xi32, #tpu.memory_space<vmem>>, vector<16xi32>,
    %shift_right_arithmetic3A_106 = arith.constant 1 : i32
    %shift_right_arithmetic3A_107 = vector.broadcast %shift_right_arithmetic3A_106 : i32 to vector<16xi32>
    %shift_right_arithmetic3A_108 = arith.shrsi %get3A_105, %shift_right_arithmetic3A_107 : vector<16xi32>
    %swap3A_109 = arith.constant 1 : i32
    %swap3A_110 = arith.index_cast %swap3A_109 : i32 to index
    %swap3A_111 = arith.constant 0 : index
    %swap3A_112 = tpu.vector_load %arg6[%swap3A_110, %swap3A_111] {strides = array<i32>} : memref<3x128xi32, #tpu.memory_space<vmem>>, vector<16xi32>,
    tpu.vector_store %arg6[%swap3A_110, %swap3A_111], %shift_right_arithmetic3A_108 {strides = array<i32>} : memref<3x128xi32, #tpu.memory_space<vmem>>, vector<16xi32>,
    %get3A_113 = arith.constant 1 : i32
    %get3A_114 = arith.index_cast %get3A_113 : i32 to index
    %get3A_115 = arith.constant 16 : index
    %get3A_116 = tpu.vector_load %arg5[%get3A_114, %get3A_115] {strides = array<i32>} : memref<200x128xi32, #tpu.memory_space<vmem>>, vector<16xi32>,
    %shift_right_arithmetic3A_117 = arith.constant 1 : i32
    %shift_right_arithmetic3A_118 = vector.broadcast %shift_right_arithmetic3A_117 : i32 to vector<16xi32>
    %shift_right_arithmetic3A_119 = arith.shrsi %get3A_116, %shift_right_arithmetic3A_118 : vector<16xi32>
    %swap3A_120 = arith.constant 1 : i32
    %swap3A_121 = arith.index_cast %swap3A_120 : i32 to index
    %swap3A_122 = arith.constant 16 : index
    %swap3A_123 = tpu.vector_load %arg6[%swap3A_121, %swap3A_122] {strides = array<i32>} : memref<3x128xi32, #tpu.memory_space<vmem>>, vector<16xi32>,
    tpu.vector_store %arg6[%swap3A_121, %swap3A_122], %shift_right_arithmetic3A_119 {strides = array<i32>} : memref<3x128xi32, #tpu.memory_space<vmem>>, vector<16xi32>,
    %get3A_124 = arith.constant 1 : i32
    %get3A_125 = arith.index_cast %get3A_124 : i32 to index
    %get3A_126 = arith.constant 32 : index
    %get3A_127 = tpu.vector_load %arg5[%get3A_125, %get3A_126] {strides = array<i32>} : memref<200x128xi32, #tpu.memory_space<vmem>>, vector<16xi32>,
    %shift_right_arithmetic3A_128 = arith.constant 1 : i32
    %shift_right_arithmetic3A_129 = vector.broadcast %shift_right_arithmetic3A_128 : i32 to vector<16xi32>
    %shift_right_arithmetic3A_130 = arith.shrsi %get3A_127, %shift_right_arithmetic3A_129 : vector<16xi32>
    %swap3A_131 = arith.constant 1 : i32
    %swap3A_132 = arith.index_cast %swap3A_131 : i32 to index
    %swap3A_133 = arith.constant 32 : index
    %swap3A_134 = tpu.vector_load %arg6[%swap3A_132, %swap3A_133] {strides = array<i32>} : memref<3x128xi32, #tpu.memory_space<vmem>>, vector<16xi32>,
    tpu.vector_store %arg6[%swap3A_132, %swap3A_133], %shift_right_arithmetic3A_130 {strides = array<i32>} : memref<3x128xi32, #tpu.memory_space<vmem>>, vector<16xi32>,
    %get3A_135 = arith.constant 1 : i32
    %get3A_136 = arith.index_cast %get3A_135 : i32 to index
    %get3A_137 = arith.constant 48 : index
    %get3A_138 = tpu.vector_load %arg5[%get3A_136, %get3A_137] {strides = array<i32>} : memref<200x128xi32, #tpu.memory_space<vmem>>, vector<16xi32>,
    %shift_right_arithmetic3A_139 = arith.constant 1 : i32
    %shift_right_arithmetic3A_140 = vector.broadcast %shift_right_arithmetic3A_139 : i32 to vector<16xi32>
    %shift_right_arithmetic3A_141 = arith.shrsi %get3A_138, %shift_right_arithmetic3A_140 : vector<16xi32>
    %swap3A_142 = arith.constant 1 : i32
    %swap3A_143 = arith.index_cast %swap3A_142 : i32 to index
    %swap3A_144 = arith.constant 48 : index
    %swap3A_145 = tpu.vector_load %arg6[%swap3A_143, %swap3A_144] {strides = array<i32>} : memref<3x128xi32, #tpu.memory_space<vmem>>, vector<16xi32>,
    tpu.vector_store %arg6[%swap3A_143, %swap3A_144], %shift_right_arithmetic3A_141 {strides = array<i32>} : memref<3x128xi32, #tpu.memory_space<vmem>>, vector<16xi32>,
    %get3A_146 = arith.constant 1 : i32
    %get3A_147 = arith.index_cast %get3A_146 : i32 to index
    %get3A_148 = arith.constant 64 : index
    %get3A_149 = tpu.vector_load %arg5[%get3A_147, %get3A_148] {strides = array<i32>} : memref<200x128xi32, #tpu.memory_space<vmem>>, vector<16xi32>,
    %shift_right_arithmetic3A_150 = arith.constant 1 : i32
    %shift_right_arithmetic3A_151 = vector.broadcast %shift_right_arithmetic3A_150 : i32 to vector<16xi32>
    %shift_right_arithmetic3A_152 = arith.shrsi %get3A_149, %shift_right_arithmetic3A_151 : vector<16xi32>
    %swap3A_153 = arith.constant 1 : i32
    %swap3A_154 = arith.index_cast %swap3A_153 : i32 to index
    %swap3A_155 = arith.constant 64 : index
    %swap3A_156 = tpu.vector_load %arg6[%swap3A_154, %swap3A_155] {strides = array<i32>} : memref<3x128xi32, #tpu.memory_space<vmem>>, vector<16xi32>,
    tpu.vector_store %arg6[%swap3A_154, %swap3A_155], %shift_right_arithmetic3A_152 {strides = array<i32>} : memref<3x128xi32, #tpu.memory_space<vmem>>, vector<16xi32>,
    %get3A_157 = arith.constant 1 : i32
    %get3A_158 = arith.index_cast %get3A_157 : i32 to index
    %get3A_159 = arith.constant 80 : index
    %get3A_160 = tpu.vector_load %arg5[%get3A_158, %get3A_159] {strides = array<i32>} : memref<200x128xi32, #tpu.memory_space<vmem>>, vector<16xi32>,
    %shift_right_arithmetic3A_161 = arith.constant 1 : i32
    %shift_right_arithmetic3A_162 = vector.broadcast %shift_right_arithmetic3A_161 : i32 to vector<16xi32>
    %shift_right_arithmetic3A_163 = arith.shrsi %get3A_160, %shift_right_arithmetic3A_162 : vector<16xi32>
    %swap3A_164 = arith.constant 1 : i32
    %swap3A_165 = arith.index_cast %swap3A_164 : i32 to index
    %swap3A_166 = arith.constant 80 : index
    %swap3A_167 = tpu.vector_load %arg6[%swap3A_165, %swap3A_166] {strides = array<i32>} : memref<3x128xi32, #tpu.memory_space<vmem>>, vector<16xi32>,
    tpu.vector_store %arg6[%swap3A_165, %swap3A_166], %shift_right_arithmetic3A_163 {strides = array<i32>} : memref<3x128xi32, #tpu.memory_space<vmem>>, vector<16xi32>,
    %get3A_168 = arith.constant 1 : i32
    %get3A_169 = arith.index_cast %get3A_168 : i32 to index
    %get3A_170 = arith.constant 96 : index
    %get3A_171 = tpu.vector_load %arg5[%get3A_169, %get3A_170] {strides = array<i32>} : memref<200x128xi32, #tpu.memory_space<vmem>>, vector<16xi32>,
    %shift_right_arithmetic3A_172 = arith.constant 1 : i32
    %shift_right_arithmetic3A_173 = vector.broadcast %shift_right_arithmetic3A_172 : i32 to vector<16xi32>
    %shift_right_arithmetic3A_174 = arith.shrsi %get3A_171, %shift_right_arithmetic3A_173 : vector<16xi32>
    %swap3A_175 = arith.constant 1 : i32
    %swap3A_176 = arith.index_cast %swap3A_175 : i32 to index
    %swap3A_177 = arith.constant 96 : index
    %swap3A_178 = tpu.vector_load %arg6[%swap3A_176, %swap3A_177] {strides = array<i32>} : memref<3x128xi32, #tpu.memory_space<vmem>>, vector<16xi32>,
    tpu.vector_store %arg6[%swap3A_176, %swap3A_177], %shift_right_arithmetic3A_174 {strides = array<i32>} : memref<3x128xi32, #tpu.memory_space<vmem>>, vector<16xi32>,
    %get3A_179 = arith.constant 1 : i32
    %get3A_180 = arith.index_cast %get3A_179 : i32 to index
    %get3A_181 = arith.constant 112 : index
    %get3A_182 = tpu.vector_load %arg5[%get3A_180, %get3A_181] {strides = array<i32>} : memref<200x128xi32, #tpu.memory_space<vmem>>, vector<16xi32>,
    %shift_right_arithmetic3A_183 = arith.constant 1 : i32
    %shift_right_arithmetic3A_184 = vector.broadcast %shift_right_arithmetic3A_183 : i32 to vector<16xi32>
    %shift_right_arithmetic3A_185 = arith.shrsi %get3A_182, %shift_right_arithmetic3A_184 : vector<16xi32>
    %swap3A_186 = arith.constant 1 : i32
    %swap3A_187 = arith.index_cast %swap3A_186 : i32 to index
    %swap3A_188 = arith.constant 112 : index
    %swap3A_189 = tpu.vector_load %arg6[%swap3A_187, %swap3A_188] {strides = array<i32>} : memref<3x128xi32, #tpu.memory_space<vmem>>, vector<16xi32>,
    tpu.vector_store %arg6[%swap3A_187, %swap3A_188], %shift_right_arithmetic3A_185 {strides = array<i32>} : memref<3x128xi32, #tpu.memory_space<vmem>>, vector<16xi32>,
    %dma_start3A_190 = arith.constant 1 : i32
    %dma_start3A_191 = arith.constant 1 : i32
    %dma_start3A_192 = arith.constant 1 : i32
    %dma_start3A_193 = arith.constant 0 : i32
    %dma_start3A_194 = arith.constant 0 : i32
    %dma_start3A_195 = tpu.memref_slice %arg7[%dma_start3A_191, %dma_start3A_193, %dma_start3A_194] : memref<3x128x128xf32, #tpu.memory_space<vmem>> -> memref<1x128x128xf32, #tpu.memory_space<vmem>>
    %dma_start3A_196 = tpu.memref_squeeze %dma_start3A_195 : memref<1x128x128xf32, #tpu.memory_space<vmem>> -> memref<128x128xf32, #tpu.memory_space<vmem>>
    %dma_start3A_197 = arith.constant 0 : i32
    %dma_start3A_198 = tpu.memref_slice %arg6[%dma_start3A_190, %dma_start3A_197] : memref<3x128xi32, #tpu.memory_space<vmem>> -> memref<1x128xi32, #tpu.memory_space<vmem>>
    %dma_start3A_199 = tpu.memref_squeeze %dma_start3A_198 : memref<1x128xi32, #tpu.memory_space<vmem>> -> memref<128xi32, #tpu.memory_space<vmem>>
    %dma_start3A_200 = arith.constant 0 : i32
    %dma_start3A_201 = arith.constant 0 : i32
    %dma_start3A_202 = tpu.memref_slice %arg3[%dma_start3A_200, %dma_start3A_201] : memref<500000x128xf32, #tpu.memory_space<hbm>> -> memref<500000x128xf32, #tpu.memory_space<hbm>>
    %dma_start3A_203 = tpu.memref_slice %arg9[%dma_start3A_192] : memref<3x!tpu.dma_semaphore, #tpu.memory_space<semaphore_mem>> -> memref<1x!tpu.dma_semaphore, #tpu.memory_space<semaphore_mem>>
    %dma_start3A_204 = tpu.memref_squeeze %dma_start3A_203 : memref<1x!tpu.dma_semaphore, #tpu.memory_space<semaphore_mem>> -> memref<!tpu.dma_semaphore, #tpu.memory_space<semaphore_mem>>
    tpu.enqueue_indirect_dma source(%dma_start3A_202 : memref<500000x128xf32, #tpu.memory_space<hbm>>) target(%dma_start3A_196 : memref<128x128xf32, #tpu.memory_space<vmem>>) offsets(%dma_start3A_199 : memref<128xi32, #tpu.memory_space<vmem>>) semaphore(%dma_start3A_204 : memref<!tpu.dma_semaphore, #tpu.memory_space<semaphore_mem>>)
    %get3A_205 = arith.constant 2 : i32
    %get3A_206 = arith.index_cast %get3A_205 : i32 to index
    %get3A_207 = arith.constant 0 : index
    %get3A_208 = tpu.vector_load %arg5[%get3A_206, %get3A_207] {strides = array<i32>} : memref<200x128xi32, #tpu.memory_space<vmem>>, vector<16xi32>,
    %shift_right_arithmetic3A_209 = arith.constant 1 : i32
    %shift_right_arithmetic3A_210 = vector.broadcast %shift_right_arithmetic3A_209 : i32 to vector<16xi32>
    %shift_right_arithmetic3A_211 = arith.shrsi %get3A_208, %shift_right_arithmetic3A_210 : vector<16xi32>
    %swap3A_212 = arith.constant 2 : i32
    %swap3A_213 = arith.index_cast %swap3A_212 : i32 to index
    %swap3A_214 = arith.constant 0 : index
    %swap3A_215 = tpu.vector_load %arg6[%swap3A_213, %swap3A_214] {strides = array<i32>} : memref<3x128xi32, #tpu.memory_space<vmem>>, vector<16xi32>,
    tpu.vector_store %arg6[%swap3A_213, %swap3A_214], %shift_right_arithmetic3A_211 {strides = array<i32>} : memref<3x128xi32, #tpu.memory_space<vmem>>, vector<16xi32>,
    %get3A_216 = arith.constant 2 : i32
    %get3A_217 = arith.index_cast %get3A_216 : i32 to index
    %get3A_218 = arith.constant 16 : index
    %get3A_219 = tpu.vector_load %arg5[%get3A_217, %get3A_218] {strides = array<i32>} : memref<200x128xi32, #tpu.memory_space<vmem>>, vector<16xi32>,
    %shift_right_arithmetic3A_220 = arith.constant 1 : i32
    %shift_right_arithmetic3A_221 = vector.broadcast %shift_right_arithmetic3A_220 : i32 to vector<16xi32>
    %shift_right_arithmetic3A_222 = arith.shrsi %get3A_219, %shift_right_arithmetic3A_221 : vector<16xi32>
    %swap3A_223 = arith.constant 2 : i32
    %swap3A_224 = arith.index_cast %swap3A_223 : i32 to index
    %swap3A_225 = arith.constant 16 : index
    %swap3A_226 = tpu.vector_load %arg6[%swap3A_224, %swap3A_225] {strides = array<i32>} : memref<3x128xi32, #tpu.memory_space<vmem>>, vector<16xi32>,
    tpu.vector_store %arg6[%swap3A_224, %swap3A_225], %shift_right_arithmetic3A_222 {strides = array<i32>} : memref<3x128xi32, #tpu.memory_space<vmem>>, vector<16xi32>,
    %get3A_227 = arith.constant 2 : i32
    %get3A_228 = arith.index_cast %get3A_227 : i32 to index
    %get3A_229 = arith.constant 32 : index
    %get3A_230 = tpu.vector_load %arg5[%get3A_228, %get3A_229] {strides = array<i32>} : memref<200x128xi32, #tpu.memory_space<vmem>>, vector<16xi32>,
    %shift_right_arithmetic3A_231 = arith.constant 1 : i32
    %shift_right_arithmetic3A_232 = vector.broadcast %shift_right_arithmetic3A_231 : i32 to vector<16xi32>
    %shift_right_arithmetic3A_233 = arith.shrsi %get3A_230, %shift_right_arithmetic3A_232 : vector<16xi32>
    %swap3A_234 = arith.constant 2 : i32
    %swap3A_235 = arith.index_cast %swap3A_234 : i32 to index
    %swap3A_236 = arith.constant 32 : index
    %swap3A_237 = tpu.vector_load %arg6[%swap3A_235, %swap3A_236] {strides = array<i32>} : memref<3x128xi32, #tpu.memory_space<vmem>>, vector<16xi32>,
    tpu.vector_store %arg6[%swap3A_235, %swap3A_236], %shift_right_arithmetic3A_233 {strides = array<i32>} : memref<3x128xi32, #tpu.memory_space<vmem>>, vector<16xi32>,
    %get3A_238 = arith.constant 2 : i32
    %get3A_239 = arith.index_cast %get3A_238 : i32 to index
    %get3A_240 = arith.constant 48 : index
    %get3A_241 = tpu.vector_load %arg5[%get3A_239, %get3A_240] {strides = array<i32>} : memref<200x128xi32, #tpu.memory_space<vmem>>, vector<16xi32>,
    %shift_right_arithmetic3A_242 = arith.constant 1 : i32
    %shift_right_arithmetic3A_243 = vector.broadcast %shift_right_arithmetic3A_242 : i32 to vector<16xi32>
    %shift_right_arithmetic3A_244 = arith.shrsi %get3A_241, %shift_right_arithmetic3A_243 : vector<16xi32>
    %swap3A_245 = arith.constant 2 : i32
    %swap3A_246 = arith.index_cast %swap3A_245 : i32 to index
    %swap3A_247 = arith.constant 48 : index
    %swap3A_248 = tpu.vector_load %arg6[%swap3A_246, %swap3A_247] {strides = array<i32>} : memref<3x128xi32, #tpu.memory_space<vmem>>, vector<16xi32>,
    tpu.vector_store %arg6[%swap3A_246, %swap3A_247], %shift_right_arithmetic3A_244 {strides = array<i32>} : memref<3x128xi32, #tpu.memory_space<vmem>>, vector<16xi32>,
    %get3A_249 = arith.constant 2 : i32
    %get3A_250 = arith.index_cast %get3A_249 : i32 to index
    %get3A_251 = arith.constant 64 : index
    %get3A_252 = tpu.vector_load %arg5[%get3A_250, %get3A_251] {strides = array<i32>} : memref<200x128xi32, #tpu.memory_space<vmem>>, vector<16xi32>,
    %shift_right_arithmetic3A_253 = arith.constant 1 : i32
    %shift_right_arithmetic3A_254 = vector.broadcast %shift_right_arithmetic3A_253 : i32 to vector<16xi32>
    %shift_right_arithmetic3A_255 = arith.shrsi %get3A_252, %shift_right_arithmetic3A_254 : vector<16xi32>
    %swap3A_256 = arith.constant 2 : i32
    %swap3A_257 = arith.index_cast %swap3A_256 : i32 to index
    %swap3A_258 = arith.constant 64 : index
    %swap3A_259 = tpu.vector_load %arg6[%swap3A_257, %swap3A_258] {strides = array<i32>} : memref<3x128xi32, #tpu.memory_space<vmem>>, vector<16xi32>,
    tpu.vector_store %arg6[%swap3A_257, %swap3A_258], %shift_right_arithmetic3A_255 {strides = array<i32>} : memref<3x128xi32, #tpu.memory_space<vmem>>, vector<16xi32>,
    %get3A_260 = arith.constant 2 : i32
    %get3A_261 = arith.index_cast %get3A_260 : i32 to index
    %get3A_262 = arith.constant 80 : index
    %get3A_263 = tpu.vector_load %arg5[%get3A_261, %get3A_262] {strides = array<i32>} : memref<200x128xi32, #tpu.memory_space<vmem>>, vector<16xi32>,
    %shift_right_arithmetic3A_264 = arith.constant 1 : i32
    %shift_right_arithmetic3A_265 = vector.broadcast %shift_right_arithmetic3A_264 : i32 to vector<16xi32>
    %shift_right_arithmetic3A_266 = arith.shrsi %get3A_263, %shift_right_arithmetic3A_265 : vector<16xi32>
    %swap3A_267 = arith.constant 2 : i32
    %swap3A_268 = arith.index_cast %swap3A_267 : i32 to index
    %swap3A_269 = arith.constant 80 : index
    %swap3A_270 = tpu.vector_load %arg6[%swap3A_268, %swap3A_269] {strides = array<i32>} : memref<3x128xi32, #tpu.memory_space<vmem>>, vector<16xi32>,
    tpu.vector_store %arg6[%swap3A_268, %swap3A_269], %shift_right_arithmetic3A_266 {strides = array<i32>} : memref<3x128xi32, #tpu.memory_space<vmem>>, vector<16xi32>,
    %get3A_271 = arith.constant 2 : i32
    %get3A_272 = arith.index_cast %get3A_271 : i32 to index
    %get3A_273 = arith.constant 96 : index
    %get3A_274 = tpu.vector_load %arg5[%get3A_272, %get3A_273] {strides = array<i32>} : memref<200x128xi32, #tpu.memory_space<vmem>>, vector<16xi32>,
    %shift_right_arithmetic3A_275 = arith.constant 1 : i32
    %shift_right_arithmetic3A_276 = vector.broadcast %shift_right_arithmetic3A_275 : i32 to vector<16xi32>
    %shift_right_arithmetic3A_277 = arith.shrsi %get3A_274, %shift_right_arithmetic3A_276 : vector<16xi32>
    %swap3A_278 = arith.constant 2 : i32
    %swap3A_279 = arith.index_cast %swap3A_278 : i32 to index
    %swap3A_280 = arith.constant 96 : index
    %swap3A_281 = tpu.vector_load %arg6[%swap3A_279, %swap3A_280] {strides = array<i32>} : memref<3x128xi32, #tpu.memory_space<vmem>>, vector<16xi32>,
    tpu.vector_store %arg6[%swap3A_279, %swap3A_280], %shift_right_arithmetic3A_277 {strides = array<i32>} : memref<3x128xi32, #tpu.memory_space<vmem>>, vector<16xi32>,
    %get3A_282 = arith.constant 2 : i32
    %get3A_283 = arith.index_cast %get3A_282 : i32 to index
    %get3A_284 = arith.constant 112 : index
    %get3A_285 = tpu.vector_load %arg5[%get3A_283, %get3A_284] {strides = array<i32>} : memref<200x128xi32, #tpu.memory_space<vmem>>, vector<16xi32>,
    %shift_right_arithmetic3A_286 = arith.constant 1 : i32
    %shift_right_arithmetic3A_287 = vector.broadcast %shift_right_arithmetic3A_286 : i32 to vector<16xi32>
    %shift_right_arithmetic3A_288 = arith.shrsi %get3A_285, %shift_right_arithmetic3A_287 : vector<16xi32>
    %swap3A_289 = arith.constant 2 : i32
    %swap3A_290 = arith.index_cast %swap3A_289 : i32 to index
    %swap3A_291 = arith.constant 112 : index
    %swap3A_292 = tpu.vector_load %arg6[%swap3A_290, %swap3A_291] {strides = array<i32>} : memref<3x128xi32, #tpu.memory_space<vmem>>, vector<16xi32>,
    tpu.vector_store %arg6[%swap3A_290, %swap3A_291], %shift_right_arithmetic3A_288 {strides = array<i32>} : memref<3x128xi32, #tpu.memory_space<vmem>>, vector<16xi32>,
    %dma_start3A_293 = arith.constant 2 : i32
    %dma_start3A_294 = arith.constant 2 : i32
    %dma_start3A_295 = arith.constant 2 : i32
    %dma_start3A_296 = arith.constant 0 : i32
    %dma_start3A_297 = arith.constant 0 : i32
    %dma_start3A_298 = tpu.memref_slice %arg7[%dma_start3A_294, %dma_start3A_296, %dma_start3A_297] : memref<3x128x128xf32, #tpu.memory_space<vmem>> -> memref<1x128x128xf32, #tpu.memory_space<vmem>>
    %dma_start3A_299 = tpu.memref_squeeze %dma_start3A_298 : memref<1x128x128xf32, #tpu.memory_space<vmem>> -> memref<128x128xf32, #tpu.memory_space<vmem>>
    %dma_start3A_300 = arith.constant 0 : i32
    %dma_start3A_301 = tpu.memref_slice %arg6[%dma_start3A_293, %dma_start3A_300] : memref<3x128xi32, #tpu.memory_space<vmem>> -> memref<1x128xi32, #tpu.memory_space<vmem>>
    %dma_start3A_302 = tpu.memref_squeeze %dma_start3A_301 : memref<1x128xi32, #tpu.memory_space<vmem>> -> memref<128xi32, #tpu.memory_space<vmem>>
    %dma_start3A_303 = arith.constant 0 : i32
    %dma_start3A_304 = arith.constant 0 : i32
    %dma_start3A_305 = tpu.memref_slice %arg3[%dma_start3A_303, %dma_start3A_304] : memref<500000x128xf32, #tpu.memory_space<hbm>> -> memref<500000x128xf32, #tpu.memory_space<hbm>>
    %dma_start3A_306 = tpu.memref_slice %arg9[%dma_start3A_295] : memref<3x!tpu.dma_semaphore, #tpu.memory_space<semaphore_mem>> -> memref<1x!tpu.dma_semaphore, #tpu.memory_space<semaphore_mem>>
    %dma_start3A_307 = tpu.memref_squeeze %dma_start3A_306 : memref<1x!tpu.dma_semaphore, #tpu.memory_space<semaphore_mem>> -> memref<!tpu.dma_semaphore, #tpu.memory_space<semaphore_mem>>
    tpu.enqueue_indirect_dma source(%dma_start3A_305 : memref<500000x128xf32, #tpu.memory_space<hbm>>) target(%dma_start3A_299 : memref<128x128xf32, #tpu.memory_space<vmem>>) offsets(%dma_start3A_302 : memref<128xi32, #tpu.memory_space<vmem>>) semaphore(%dma_start3A_307 : memref<!tpu.dma_semaphore, #tpu.memory_space<semaphore_mem>>)
    %scan3A = arith.constant 0 : i32
    %scan3A_308 = arith.constant 0 : i32
    %scan3A_309 = arith.constant 66 : i32
    %scan3A_310 = arith.addi %scan3A_308, %scan3A_309 : i32
    %scan3A_311 = arith.constant 1 : i32
    %scan3A_312 = scf.for %scan3A_493 = %scan3A_308 to %scan3A_310 step %scan3A_311 iter_args(%scan3A_494 = %scan3A) -> (i32)  : i32 {
      %mul3A_495 = arith.constant 3 : i32
      %mul3A_496 = arith.muli %scan3A_493, %mul3A_495 : i32
      %add3A_497 = arith.constant 0 : i32
      %add3A_498 = arith.addi %mul3A_496, %add3A_497 : i32
      %dma_wait3A_499 = arith.constant 0 : i32
      %dma_wait3A_500 = arith.constant 0 : i32
      %dma_wait3A_501 = arith.constant 0 : i32
      %dma_wait3A_502 = arith.constant 0 : i32
      %dma_wait3A_503 = arith.constant 0 : i32
      %dma_wait3A_504 = tpu.memref_slice %arg7[%dma_wait3A_500, %dma_wait3A_502, %dma_wait3A_503] : memref<3x128x128xf32, #tpu.memory_space<vmem>> -> memref<1x128x128xf32, #tpu.memory_space<vmem>>
      %dma_wait3A_505 = tpu.memref_squeeze %dma_wait3A_504 : memref<1x128x128xf32, #tpu.memory_space<vmem>> -> memref<128x128xf32, #tpu.memory_space<vmem>>
      %dma_wait3A_506 = arith.constant 0 : i32
      %dma_wait3A_507 = tpu.memref_slice %arg6[%dma_wait3A_499, %dma_wait3A_506] : memref<3x128xi32, #tpu.memory_space<vmem>> -> memref<1x128xi32, #tpu.memory_space<vmem>>
      %dma_wait3A_508 = tpu.memref_squeeze %dma_wait3A_507 : memref<1x128xi32, #tpu.memory_space<vmem>> -> memref<128xi32, #tpu.memory_space<vmem>>
      %dma_wait3A_509 = arith.constant 0 : i32
      %dma_wait3A_510 = arith.constant 0 : i32
      %dma_wait3A_511 = tpu.memref_slice %arg3[%dma_wait3A_509, %dma_wait3A_510] : memref<500000x128xf32, #tpu.memory_space<hbm>> -> memref<500000x128xf32, #tpu.memory_space<hbm>>
      %dma_wait3A_512 = tpu.memref_slice %arg9[%dma_wait3A_501] : memref<3x!tpu.dma_semaphore, #tpu.memory_space<semaphore_mem>> -> memref<1x!tpu.dma_semaphore, #tpu.memory_space<semaphore_mem>>
      %dma_wait3A_513 = tpu.memref_squeeze %dma_wait3A_512 : memref<1x!tpu.dma_semaphore, #tpu.memory_space<semaphore_mem>> -> memref<!tpu.dma_semaphore, #tpu.memory_space<semaphore_mem>>
      tpu.wait_indirect_dma semaphore(%dma_wait3A_513 : memref<!tpu.dma_semaphore, #tpu.memory_space<semaphore_mem>>) src(%dma_wait3A_511 : memref<500000x128xf32, #tpu.memory_space<hbm>>) dst(%dma_wait3A_505 : memref<128x128xf32, #tpu.memory_space<vmem>>)
      %gt3A = arith.constant 0 : i32
      %gt3A_514 = arith.cmpi sgt, %scan3A_493, %gt3A : i32
      %convert_element_type3A = arith.extui %gt3A_514 : i1 to i32
      %cond3A = arith.constant 0 : i32
      %cond3A_515 = arith.cmpi ne, %convert_element_type3A, %cond3A : i32
      scf.if %cond3A_515 {
        %dma_wait3A_663 = arith.constant 0 : i32
        %dma_wait3A_664 = arith.constant 0 : i32
        %dma_wait3A_665 = arith.constant 0 : i32
        %dma_wait3A_666 = arith.constant 0 : i32
        %dma_wait3A_667 = arith.constant 0 : i32
        %dma_wait3A_668 = tpu.memref_slice %arg8[%dma_wait3A_663, %dma_wait3A_666, %dma_wait3A_667] : memref<3x128x64xf32, #tpu.memory_space<vmem>> -> memref<1x128x64xf32, #tpu.memory_space<vmem>>
        %dma_wait3A_669 = tpu.memref_squeeze %dma_wait3A_668 : memref<1x128x64xf32, #tpu.memory_space<vmem>> -> memref<128x64xf32, #tpu.memory_space<vmem>>
        %dma_wait3A_670 = arith.constant 0 : i32
        %dma_wait3A_671 = tpu.memref_slice %arg4[%mul3A_2, %dma_wait3A_664, %dma_wait3A_670] : memref<4096x200x64xf32, #tpu.memory_space<hbm>> -> memref<128x1x64xf32, #tpu.memory_space<hbm>>
        %dma_wait3A_672 = tpu.memref_squeeze %dma_wait3A_671 : memref<128x1x64xf32, #tpu.memory_space<hbm>> -> memref<128x64xf32, #tpu.memory_space<hbm>>
        %dma_wait3A_673 = tpu.memref_slice %arg10[%dma_wait3A_665] : memref<3x!tpu.dma_semaphore, #tpu.memory_space<semaphore_mem>> -> memref<1x!tpu.dma_semaphore, #tpu.memory_space<semaphore_mem>>
        %dma_wait3A_674 = tpu.memref_squeeze %dma_wait3A_673 : memref<1x!tpu.dma_semaphore, #tpu.memory_space<semaphore_mem>> -> memref<!tpu.dma_semaphore, #tpu.memory_space<semaphore_mem>>
        %dma_wait3A_675 = arith.constant 0 : i32
        %dma_wait3A_676 = tpu.memref_slice %arg4[%mul3A_2, %dma_wait3A_664, %dma_wait3A_675] : memref<4096x200x64xf32, #tpu.memory_space<hbm>> -> memref<128x1x64xf32, #tpu.memory_space<hbm>>
        %dma_wait3A_677 = tpu.memref_squeeze %dma_wait3A_676 : memref<128x1x64xf32, #tpu.memory_space<hbm>> -> memref<128x64xf32, #tpu.memory_space<hbm>>
        %dma_wait3A_678 = arith.constant 0 : i32
        %dma_wait3A_679 = arith.constant 0 : i32
        %dma_wait3A_680 = tpu.memref_slice %arg8[%dma_wait3A_663, %dma_wait3A_678, %dma_wait3A_679] : memref<3x128x64xf32, #tpu.memory_space<vmem>> -> memref<1x128x64xf32, #tpu.memory_space<vmem>>
        %dma_wait3A_681 = tpu.memref_squeeze %dma_wait3A_680 : memref<1x128x64xf32, #tpu.memory_space<vmem>> -> memref<128x64xf32, #tpu.memory_space<vmem>>
        tpu.wait_dma2 semaphore(%dma_wait3A_674 : memref<!tpu.dma_semaphore, #tpu.memory_space<semaphore_mem>>) src(%dma_wait3A_681 : memref<128x64xf32, #tpu.memory_space<vmem>>) dst(%dma_wait3A_677 : memref<128x64xf32, #tpu.memory_space<hbm>>)
      } else {
      }
      %broadcast_in_dim3A_516 = vector.broadcast %add3A_498 : i32 to vector<16xi32>
      %scan3A_517 = arith.constant 0 : i32
      %scan3A_518 = arith.constant 0 : i32
      %scan3A_519 = arith.constant 128 : i32
      %scan3A_520 = arith.addi %scan3A_518, %scan3A_519 : i32
      %scan3A_521 = arith.constant 8 : i32
      %scan3A_522 = scf.for %scan3A_663 = %scan3A_518 to %scan3A_520 step %scan3A_521 iter_args(%scan3A_664 = %scan3A_517) -> (i32)  : i32 {
        %broadcast_in_dim3A_665 = vector.broadcast %scan3A_663 : i32 to vector<16xi32>
        %gather3A = tpu.vector_load_idx %arg5[%broadcast_in_dim3A_516, %broadcast_in_dim3A_665] : memref<200x128xi32, #tpu.memory_space<vmem>>[vector<16xi32>, vector<16xi32>], vector<16xi32>,
        %and3A = arith.constant 1 : i32
        %and3A_666 = vector.broadcast %and3A : i32 to vector<16xi32>
        %and3A_667 = arith.andi %gather3A, %and3A_666 : vector<16xi32>
        %eq3A = arith.constant 1 : i32
        %eq3A_668 = vector.broadcast %eq3A : i32 to vector<16xi32>
        %eq3A_669 = arith.cmpi eq, %and3A_667, %eq3A_668 : vector<16xi32>
        %get3A_670 = arith.constant 0 : i32
        %get3A_671 = arith.index_cast %get3A_670 : i32 to index
        %get3A_672 = arith.index_cast %scan3A_663 : i32 to index
        %get3A_673 = arith.constant 0 : index
        %get3A_674 = tpu.vector_load %arg7[%get3A_671, %get3A_672, %get3A_673] {strides = array<i32>} : memref<3x128x128xf32, #tpu.memory_space<vmem>>, vector<16xf32>,
        %get3A_675 = arith.constant 0 : i32
        %get3A_676 = arith.index_cast %get3A_675 : i32 to index
        %get3A_677 = arith.index_cast %scan3A_663 : i32 to index
        %get3A_678 = arith.constant 64 : index
        %get3A_679 = tpu.vector_load %arg7[%get3A_676, %get3A_677, %get3A_678] {strides = array<i32>} : memref<3x128x128xf32, #tpu.memory_space<vmem>>, vector<16xf32>,
        %select_n3A = arith.select %eq3A_669, %get3A_679, %get3A_674 : vector<16xi1>, vector<16xf32>
        %mul3A_680 = arith.constant 8.000000e+00 : f32
        %mul3A_681 = vector.broadcast %mul3A_680 : f32 to vector<16xf32>
        %mul3A_682 = arith.mulf %select_n3A, %mul3A_681 : vector<16xf32>
        %swap3A_683 = arith.constant 0 : i32
        %swap3A_684 = arith.index_cast %swap3A_683 : i32 to index
        %swap3A_685 = arith.index_cast %scan3A_663 : i32 to index
        %swap3A_686 = arith.constant 0 : index
        %swap3A_687 = tpu.vector_load %arg8[%swap3A_684, %swap3A_685, %swap3A_686] {strides = array<i32>} : memref<3x128x64xf32, #tpu.memory_space<vmem>>, vector<16xf32>,
        tpu.vector_store %arg8[%swap3A_684, %swap3A_685, %swap3A_686], %mul3A_682 {strides = array<i32>} : memref<3x128x64xf32, #tpu.memory_space<vmem>>, vector<16xf32>,
        %get3A_688 = arith.constant 0 : i32
        %get3A_689 = arith.index_cast %get3A_688 : i32 to index
        %get3A_690 = arith.index_cast %scan3A_663 : i32 to index
        %get3A_691 = arith.constant 16 : index
        %get3A_692 = tpu.vector_load %arg7[%get3A_689, %get3A_690, %get3A_691] {strides = array<i32>} : memref<3x128x128xf32, #tpu.memory_space<vmem>>, vector<16xf32>,
        %get3A_693 = arith.constant 0 : i32
        %get3A_694 = arith.index_cast %get3A_693 : i32 to index
        %get3A_695 = arith.index_cast %scan3A_663 : i32 to index
        %get3A_696 = arith.constant 80 : index
        %get3A_697 = tpu.vector_load %arg7[%get3A_694, %get3A_695, %get3A_696] {strides = array<i32>} : memref<3x128x128xf32, #tpu.memory_space<vmem>>, vector<16xf32>,
        %select_n3A_698 = arith.select %eq3A_669, %get3A_697, %get3A_692 : vector<16xi1>, vector<16xf32>
        %mul3A_699 = arith.constant 8.000000e+00 : f32
        %mul3A_700 = vector.broadcast %mul3A_699 : f32 to vector<16xf32>
        %mul3A_701 = arith.mulf %select_n3A_698, %mul3A_700 : vector<16xf32>
        %swap3A_702 = arith.constant 0 : i32
        %swap3A_703 = arith.index_cast %swap3A_702 : i32 to index
        %swap3A_704 = arith.index_cast %scan3A_663 : i32 to index
        %swap3A_705 = arith.constant 16 : index
        %swap3A_706 = tpu.vector_load %arg8[%swap3A_703, %swap3A_704, %swap3A_705] {strides = array<i32>} : memref<3x128x64xf32, #tpu.memory_space<vmem>>, vector<16xf32>,
        tpu.vector_store %arg8[%swap3A_703, %swap3A_704, %swap3A_705], %mul3A_701 {strides = array<i32>} : memref<3x128x64xf32, #tpu.memory_space<vmem>>, vector<16xf32>,
        %get3A_707 = arith.constant 0 : i32
        %get3A_708 = arith.index_cast %get3A_707 : i32 to index
        %get3A_709 = arith.index_cast %scan3A_663 : i32 to index
        %get3A_710 = arith.constant 32 : index
        %get3A_711 = tpu.vector_load %arg7[%get3A_708, %get3A_709, %get3A_710] {strides = array<i32>} : memref<3x128x128xf32, #tpu.memory_space<vmem>>, vector<16xf32>,
        %get3A_712 = arith.constant 0 : i32
        %get3A_713 = arith.index_cast %get3A_712 : i32 to index
        %get3A_714 = arith.index_cast %scan3A_663 : i32 to index
        %get3A_715 = arith.constant 96 : index
        %get3A_716 = tpu.vector_load %arg7[%get3A_713, %get3A_714, %get3A_715] {strides = array<i32>} : memref<3x128x128xf32, #tpu.memory_space<vmem>>, vector<16xf32>,
        %select_n3A_717 = arith.select %eq3A_669, %get3A_716, %get3A_711 : vector<16xi1>, vector<16xf32>
        %mul3A_718 = arith.constant 8.000000e+00 : f32
        %mul3A_719 = vector.broadcast %mul3A_718 : f32 to vector<16xf32>
        %mul3A_720 = arith.mulf %select_n3A_717, %mul3A_719 : vector<16xf32>
        %swap3A_721 = arith.constant 0 : i32
        %swap3A_722 = arith.index_cast %swap3A_721 : i32 to index
        %swap3A_723 = arith.index_cast %scan3A_663 : i32 to index
        %swap3A_724 = arith.constant 32 : index
        %swap3A_725 = tpu.vector_load %arg8[%swap3A_722, %swap3A_723, %swap3A_724] {strides = array<i32>} : memref<3x128x64xf32, #tpu.memory_space<vmem>>, vector<16xf32>,
        tpu.vector_store %arg8[%swap3A_722, %swap3A_723, %swap3A_724], %mul3A_720 {strides = array<i32>} : memref<3x128x64xf32, #tpu.memory_space<vmem>>, vector<16xf32>,
        %get3A_726 = arith.constant 0 : i32
        %get3A_727 = arith.index_cast %get3A_726 : i32 to index
        %get3A_728 = arith.index_cast %scan3A_663 : i32 to index
        %get3A_729 = arith.constant 48 : index
        %get3A_730 = tpu.vector_load %arg7[%get3A_727, %get3A_728, %get3A_729] {strides = array<i32>} : memref<3x128x128xf32, #tpu.memory_space<vmem>>, vector<16xf32>,
        %get3A_731 = arith.constant 0 : i32
        %get3A_732 = arith.index_cast %get3A_731 : i32 to index
        %get3A_733 = arith.index_cast %scan3A_663 : i32 to index
        %get3A_734 = arith.constant 112 : index
        %get3A_735 = tpu.vector_load %arg7[%get3A_732, %get3A_733, %get3A_734] {strides = array<i32>} : memref<3x128x128xf32, #tpu.memory_space<vmem>>, vector<16xf32>,
        %select_n3A_736 = arith.select %eq3A_669, %get3A_735, %get3A_730 : vector<16xi1>, vector<16xf32>
        %mul3A_737 = arith.constant 8.000000e+00 : f32
        %mul3A_738 = vector.broadcast %mul3A_737 : f32 to vector<16xf32>
        %mul3A_739 = arith.mulf %select_n3A_736, %mul3A_738 : vector<16xf32>
        %swap3A_740 = arith.constant 0 : i32
        %swap3A_741 = arith.index_cast %swap3A_740 : i32 to index
        %swap3A_742 = arith.index_cast %scan3A_663 : i32 to index
        %swap3A_743 = arith.constant 48 : index
        %swap3A_744 = tpu.vector_load %arg8[%swap3A_741, %swap3A_742, %swap3A_743] {strides = array<i32>} : memref<3x128x64xf32, #tpu.memory_space<vmem>>, vector<16xf32>,
        tpu.vector_store %arg8[%swap3A_741, %swap3A_742, %swap3A_743], %mul3A_739 {strides = array<i32>} : memref<3x128x64xf32, #tpu.memory_space<vmem>>, vector<16xf32>,
        %scan3A_745 = arith.constant 0 : i32
        %scan3A_746 = arith.constant 1 : i32
        %scan3A_747 = arith.addi %scan3A_663, %scan3A_746 : i32
        %broadcast_in_dim3A_748 = vector.broadcast %scan3A_747 : i32 to vector<16xi32>
        %gather3A_749 = tpu.vector_load_idx %arg5[%broadcast_in_dim3A_516, %broadcast_in_dim3A_748] : memref<200x128xi32, #tpu.memory_space<vmem>>[vector<16xi32>, vector<16xi32>], vector<16xi32>,
        %and3A_750 = arith.constant 1 : i32
        %and3A_751 = vector.broadcast %and3A_750 : i32 to vector<16xi32>
        %and3A_752 = arith.andi %gather3A_749, %and3A_751 : vector<16xi32>
        %eq3A_753 = arith.constant 1 : i32
        %eq3A_754 = vector.broadcast %eq3A_753 : i32 to vector<16xi32>
        %eq3A_755 = arith.cmpi eq, %and3A_752, %eq3A_754 : vector<16xi32>
        %get3A_756 = arith.constant 0 : i32
        %get3A_757 = arith.index_cast %get3A_756 : i32 to index
        %get3A_758 = arith.index_cast %scan3A_747 : i32 to index
        %get3A_759 = arith.constant 0 : index
        %get3A_760 = tpu.vector_load %arg7[%get3A_757, %get3A_758, %get3A_759] {strides = array<i32>} : memref<3x128x128xf32, #tpu.memory_space<vmem>>, vector<16xf32>,
        %get3A_761 = arith.constant 0 : i32
        %get3A_762 = arith.index_cast %get3A_761 : i32 to index
        %get3A_763 = arith.index_cast %scan3A_747 : i32 to index
        %get3A_764 = arith.constant 64 : index
        %get3A_765 = tpu.vector_load %arg7[%get3A_762, %get3A_763, %get3A_764] {strides = array<i32>} : memref<3x128x128xf32, #tpu.memory_space<vmem>>, vector<16xf32>,
        %select_n3A_766 = arith.select %eq3A_755, %get3A_765, %get3A_760 : vector<16xi1>, vector<16xf32>
        %mul3A_767 = arith.constant 8.000000e+00 : f32
        %mul3A_768 = vector.broadcast %mul3A_767 : f32 to vector<16xf32>
        %mul3A_769 = arith.mulf %select_n3A_766, %mul3A_768 : vector<16xf32>
        %swap3A_770 = arith.constant 0 : i32
        %swap3A_771 = arith.index_cast %swap3A_770 : i32 to index
        %swap3A_772 = arith.index_cast %scan3A_747 : i32 to index
        %swap3A_773 = arith.constant 0 : index
        %swap3A_774 = tpu.vector_load %arg8[%swap3A_771, %swap3A_772, %swap3A_773] {strides = array<i32>} : memref<3x128x64xf32, #tpu.memory_space<vmem>>, vector<16xf32>,
        tpu.vector_store %arg8[%swap3A_771, %swap3A_772, %swap3A_773], %mul3A_769 {strides = array<i32>} : memref<3x128x64xf32, #tpu.memory_space<vmem>>, vector<16xf32>,
        %get3A_775 = arith.constant 0 : i32
        %get3A_776 = arith.index_cast %get3A_775 : i32 to index
        %get3A_777 = arith.index_cast %scan3A_747 : i32 to index
        %get3A_778 = arith.constant 16 : index
        %get3A_779 = tpu.vector_load %arg7[%get3A_776, %get3A_777, %get3A_778] {strides = array<i32>} : memref<3x128x128xf32, #tpu.memory_space<vmem>>, vector<16xf32>,
        %get3A_780 = arith.constant 0 : i32
        %get3A_781 = arith.index_cast %get3A_780 : i32 to index
        %get3A_782 = arith.index_cast %scan3A_747 : i32 to index
        %get3A_783 = arith.constant 80 : index
        %get3A_784 = tpu.vector_load %arg7[%get3A_781, %get3A_782, %get3A_783] {strides = array<i32>} : memref<3x128x128xf32, #tpu.memory_space<vmem>>, vector<16xf32>,
        %select_n3A_785 = arith.select %eq3A_755, %get3A_784, %get3A_779 : vector<16xi1>, vector<16xf32>
        %mul3A_786 = arith.constant 8.000000e+00 : f32
        %mul3A_787 = vector.broadcast %mul3A_786 : f32 to vector<16xf32>
        %mul3A_788 = arith.mulf %select_n3A_785, %mul3A_787 : vector<16xf32>
        %swap3A_789 = arith.constant 0 : i32
        %swap3A_790 = arith.index_cast %swap3A_789 : i32 to index
        %swap3A_791 = arith.index_cast %scan3A_747 : i32 to index
        %swap3A_792 = arith.constant 16 : index
        %swap3A_793 = tpu.vector_load %arg8[%swap3A_790, %swap3A_791, %swap3A_792] {strides = array<i32>} : memref<3x128x64xf32, #tpu.memory_space<vmem>>, vector<16xf32>,
        tpu.vector_store %arg8[%swap3A_790, %swap3A_791, %swap3A_792], %mul3A_788 {strides = array<i32>} : memref<3x128x64xf32, #tpu.memory_space<vmem>>, vector<16xf32>,
        %get3A_794 = arith.constant 0 : i32
        %get3A_795 = arith.index_cast %get3A_794 : i32 to index
        %get3A_796 = arith.index_cast %scan3A_747 : i32 to index
        %get3A_797 = arith.constant 32 : index
        %get3A_798 = tpu.vector_load %arg7[%get3A_795, %get3A_796, %get3A_797] {strides = array<i32>} : memref<3x128x128xf32, #tpu.memory_space<vmem>>, vector<16xf32>,
        %get3A_799 = arith.constant 0 : i32
        %get3A_800 = arith.index_cast %get3A_799 : i32 to index
        %get3A_801 = arith.index_cast %scan3A_747 : i32 to index
        %get3A_802 = arith.constant 96 : index
        %get3A_803 = tpu.vector_load %arg7[%get3A_800, %get3A_801, %get3A_802] {strides = array<i32>} : memref<3x128x128xf32, #tpu.memory_space<vmem>>, vector<16xf32>,
        %select_n3A_804 = arith.select %eq3A_755, %get3A_803, %get3A_798 : vector<16xi1>, vector<16xf32>
        %mul3A_805 = arith.constant 8.000000e+00 : f32
        %mul3A_806 = vector.broadcast %mul3A_805 : f32 to vector<16xf32>
        %mul3A_807 = arith.mulf %select_n3A_804, %mul3A_806 : vector<16xf32>
        %swap3A_808 = arith.constant 0 : i32
        %swap3A_809 = arith.index_cast %swap3A_808 : i32 to index
        %swap3A_810 = arith.index_cast %scan3A_747 : i32 to index
        %swap3A_811 = arith.constant 32 : index
        %swap3A_812 = tpu.vector_load %arg8[%swap3A_809, %swap3A_810, %swap3A_811] {strides = array<i32>} : memref<3x128x64xf32, #tpu.memory_space<vmem>>, vector<16xf32>,
        tpu.vector_store %arg8[%swap3A_809, %swap3A_810, %swap3A_811], %mul3A_807 {strides = array<i32>} : memref<3x128x64xf32, #tpu.memory_space<vmem>>, vector<16xf32>,
        %get3A_813 = arith.constant 0 : i32
        %get3A_814 = arith.index_cast %get3A_813 : i32 to index
        %get3A_815 = arith.index_cast %scan3A_747 : i32 to index
        %get3A_816 = arith.constant 48 : index
        %get3A_817 = tpu.vector_load %arg7[%get3A_814, %get3A_815, %get3A_816] {strides = array<i32>} : memref<3x128x128xf32, #tpu.memory_space<vmem>>, vector<16xf32>,
        %get3A_818 = arith.constant 0 : i32
        %get3A_819 = arith.index_cast %get3A_818 : i32 to index
        %get3A_820 = arith.index_cast %scan3A_747 : i32 to index
        %get3A_821 = arith.constant 112 : index
        %get3A_822 = tpu.vector_load %arg7[%get3A_819, %get3A_820, %get3A_821] {strides = array<i32>} : memref<3x128x128xf32, #tpu.memory_space<vmem>>, vector<16xf32>,
        %select_n3A_823 = arith.select %eq3A_755, %get3A_822, %get3A_817 : vector<16xi1>, vector<16xf32>
        %mul3A_824 = arith.constant 8.000000e+00 : f32
        %mul3A_825 = vector.broadcast %mul3A_824 : f32 to vector<16xf32>
        %mul3A_826 = arith.mulf %select_n3A_823, %mul3A_825 : vector<16xf32>
        %swap3A_827 = arith.constant 0 : i32
        %swap3A_828 = arith.index_cast %swap3A_827 : i32 to index
        %swap3A_829 = arith.index_cast %scan3A_747 : i32 to index
        %swap3A_830 = arith.constant 48 : index
        %swap3A_831 = tpu.vector_load %arg8[%swap3A_828, %swap3A_829, %swap3A_830] {strides = array<i32>} : memref<3x128x64xf32, #tpu.memory_space<vmem>>, vector<16xf32>,
        tpu.vector_store %arg8[%swap3A_828, %swap3A_829, %swap3A_830], %mul3A_826 {strides = array<i32>} : memref<3x128x64xf32, #tpu.memory_space<vmem>>, vector<16xf32>,
        %scan3A_832 = arith.constant 0 : i32
        %scan3A_833 = arith.constant 2 : i32
        %scan3A_834 = arith.addi %scan3A_663, %scan3A_833 : i32
        %broadcast_in_dim3A_835 = vector.broadcast %scan3A_834 : i32 to vector<16xi32>
        %gather3A_836 = tpu.vector_load_idx %arg5[%broadcast_in_dim3A_516, %broadcast_in_dim3A_835] : memref<200x128xi32, #tpu.memory_space<vmem>>[vector<16xi32>, vector<16xi32>], vector<16xi32>,
        %and3A_837 = arith.constant 1 : i32
        %and3A_838 = vector.broadcast %and3A_837 : i32 to vector<16xi32>
        %and3A_839 = arith.andi %gather3A_836, %and3A_838 : vector<16xi32>
        %eq3A_840 = arith.constant 1 : i32
        %eq3A_841 = vector.broadcast %eq3A_840 : i32 to vector<16xi32>
        %eq3A_842 = arith.cmpi eq, %and3A_839, %eq3A_841 : vector<16xi32>
        %get3A_843 = arith.constant 0 : i32
        %get3A_844 = arith.index_cast %get3A_843 : i32 to index
        %get3A_845 = arith.index_cast %scan3A_834 : i32 to index
        %get3A_846 = arith.constant 0 : index
        %get3A_847 = tpu.vector_load %arg7[%get3A_844, %get3A_845, %get3A_846] {strides = array<i32>} : memref<3x128x128xf32, #tpu.memory_space<vmem>>, vector<16xf32>,
        %get3A_848 = arith.constant 0 : i32
        %get3A_849 = arith.index_cast %get3A_848 : i32 to index
        %get3A_850 = arith.index_cast %scan3A_834 : i32 to index
        %get3A_851 = arith.constant 64 : index
        %get3A_852 = tpu.vector_load %arg7[%get3A_849, %get3A_850, %get3A_851] {strides = array<i32>} : memref<3x128x128xf32, #tpu.memory_space<vmem>>, vector<16xf32>,
        %select_n3A_853 = arith.select %eq3A_842, %get3A_852, %get3A_847 : vector<16xi1>, vector<16xf32>
        %mul3A_854 = arith.constant 8.000000e+00 : f32
        %mul3A_855 = vector.broadcast %mul3A_854 : f32 to vector<16xf32>
        %mul3A_856 = arith.mulf %select_n3A_853, %mul3A_855 : vector<16xf32>
        %swap3A_857 = arith.constant 0 : i32
        %swap3A_858 = arith.index_cast %swap3A_857 : i32 to index
        %swap3A_859 = arith.index_cast %scan3A_834 : i32 to index
        %swap3A_860 = arith.constant 0 : index
        %swap3A_861 = tpu.vector_load %arg8[%swap3A_858, %swap3A_859, %swap3A_860] {strides = array<i32>} : memref<3x128x64xf32, #tpu.memory_space<vmem>>, vector<16xf32>,
        tpu.vector_store %arg8[%swap3A_858, %swap3A_859, %swap3A_860], %mul3A_856 {strides = array<i32>} : memref<3x128x64xf32, #tpu.memory_space<vmem>>, vector<16xf32>,
        %get3A_862 = arith.constant 0 : i32
        %get3A_863 = arith.index_cast %get3A_862 : i32 to index
        %get3A_864 = arith.index_cast %scan3A_834 : i32 to index
        %get3A_865 = arith.constant 16 : index
        %get3A_866 = tpu.vector_load %arg7[%get3A_863, %get3A_864, %get3A_865] {strides = array<i32>} : memref<3x128x128xf32, #tpu.memory_space<vmem>>, vector<16xf32>,
        %get3A_867 = arith.constant 0 : i32
        %get3A_868 = arith.index_cast %get3A_867 : i32 to index
        %get3A_869 = arith.index_cast %scan3A_834 : i32 to index
        %get3A_870 = arith.constant 80 : index
        %get3A_871 = tpu.vector_load %arg7[%get3A_868, %get3A_869, %get3A_870] {strides = array<i32>} : memref<3x128x128xf32, #tpu.memory_space<vmem>>, vector<16xf32>,
        %select_n3A_872 = arith.select %eq3A_842, %get3A_871, %get3A_866 : vector<16xi1>, vector<16xf32>
        %mul3A_873 = arith.constant 8.000000e+00 : f32
        %mul3A_874 = vector.broadcast %mul3A_873 : f32 to vector<16xf32>
        %mul3A_875 = arith.mulf %select_n3A_872, %mul3A_874 : vector<16xf32>
        %swap3A_876 = arith.constant 0 : i32
        %swap3A_877 = arith.index_cast %swap3A_876 : i32 to index
        %swap3A_878 = arith.index_cast %scan3A_834 : i32 to index
        %swap3A_879 = arith.constant 16 : index
        %swap3A_880 = tpu.vector_load %arg8[%swap3A_877, %swap3A_878, %swap3A_879] {strides = array<i32>} : memref<3x128x64xf32, #tpu.memory_space<vmem>>, vector<16xf32>,
        tpu.vector_store %arg8[%swap3A_877, %swap3A_878, %swap3A_879], %mul3A_875 {strides = array<i32>} : memref<3x128x64xf32, #tpu.memory_space<vmem>>, vector<16xf32>,
        %get3A_881 = arith.constant 0 : i32
        %get3A_882 = arith.index_cast %get3A_881 : i32 to index
        %get3A_883 = arith.index_cast %scan3A_834 : i32 to index
        %get3A_884 = arith.constant 32 : index
        %get3A_885 = tpu.vector_load %arg7[%get3A_882, %get3A_883, %get3A_884] {strides = array<i32>} : memref<3x128x128xf32, #tpu.memory_space<vmem>>, vector<16xf32>,
        %get3A_886 = arith.constant 0 : i32
        %get3A_887 = arith.index_cast %get3A_886 : i32 to index
        %get3A_888 = arith.index_cast %scan3A_834 : i32 to index
        %get3A_889 = arith.constant 96 : index
        %get3A_890 = tpu.vector_load %arg7[%get3A_887, %get3A_888, %get3A_889] {strides = array<i32>} : memref<3x128x128xf32, #tpu.memory_space<vmem>>, vector<16xf32>,
        %select_n3A_891 = arith.select %eq3A_842, %get3A_890, %get3A_885 : vector<16xi1>, vector<16xf32>
        %mul3A_892 = arith.constant 8.000000e+00 : f32
        %mul3A_893 = vector.broadcast %mul3A_892 : f32 to vector<16xf32>
        %mul3A_894 = arith.mulf %select_n3A_891, %mul3A_893 : vector<16xf32>
        %swap3A_895 = arith.constant 0 : i32
        %swap3A_896 = arith.index_cast %swap3A_895 : i32 to index
        %swap3A_897 = arith.index_cast %scan3A_834 : i32 to index
        %swap3A_898 = arith.constant 32 : index
        %swap3A_899 = tpu.vector_load %arg8[%swap3A_896, %swap3A_897, %swap3A_898] {strides = array<i32>} : memref<3x128x64xf32, #tpu.memory_space<vmem>>, vector<16xf32>,
        tpu.vector_store %arg8[%swap3A_896, %swap3A_897, %swap3A_898], %mul3A_894 {strides = array<i32>} : memref<3x128x64xf32, #tpu.memory_space<vmem>>, vector<16xf32>,
        %get3A_900 = arith.constant 0 : i32
        %get3A_901 = arith.index_cast %get3A_900 : i32 to index
        %get3A_902 = arith.index_cast %scan3A_834 : i32 to index
        %get3A_903 = arith.constant 48 : index
        %get3A_904 = tpu.vector_load %arg7[%get3A_901, %get3A_902, %get3A_903] {strides = array<i32>} : memref<3x128x128xf32, #tpu.memory_space<vmem>>, vector<16xf32>,
        %get3A_905 = arith.constant 0 : i32
        %get3A_906 = arith.index_cast %get3A_905 : i32 to index
        %get3A_907 = arith.index_cast %scan3A_834 : i32 to index
        %get3A_908 = arith.constant 112 : index
        %get3A_909 = tpu.vector_load %arg7[%get3A_906, %get3A_907, %get3A_908] {strides = array<i32>} : memref<3x128x128xf32, #tpu.memory_space<vmem>>, vector<16xf32>,
        %select_n3A_910 = arith.select %eq3A_842, %get3A_909, %get3A_904 : vector<16xi1>, vector<16xf32>
        %mul3A_911 = arith.constant 8.000000e+00 : f32
        %mul3A_912 = vector.broadcast %mul3A_911 : f32 to vector<16xf32>
        %mul3A_913 = arith.mulf %select_n3A_910, %mul3A_912 : vector<16xf32>
        %swap3A_914 = arith.constant 0 : i32
        %swap3A_915 = arith.index_cast %swap3A_914 : i32 to index
        %swap3A_916 = arith.index_cast %scan3A_834 : i32 to index
        %swap3A_917 = arith.constant 48 : index
        %swap3A_918 = tpu.vector_load %arg8[%swap3A_915, %swap3A_916, %swap3A_917] {strides = array<i32>} : memref<3x128x64xf32, #tpu.memory_space<vmem>>, vector<16xf32>,
        tpu.vector_store %arg8[%swap3A_915, %swap3A_916, %swap3A_917], %mul3A_913 {strides = array<i32>} : memref<3x128x64xf32, #tpu.memory_space<vmem>>, vector<16xf32>,
        %scan3A_919 = arith.constant 0 : i32
        %scan3A_920 = arith.constant 3 : i32
        %scan3A_921 = arith.addi %scan3A_663, %scan3A_920 : i32
        %broadcast_in_dim3A_922 = vector.broadcast %scan3A_921 : i32 to vector<16xi32>
        %gather3A_923 = tpu.vector_load_idx %arg5[%broadcast_in_dim3A_516, %broadcast_in_dim3A_922] : memref<200x128xi32, #tpu.memory_space<vmem>>[vector<16xi32>, vector<16xi32>], vector<16xi32>,
        %and3A_924 = arith.constant 1 : i32
        %and3A_925 = vector.broadcast %and3A_924 : i32 to vector<16xi32>
        %and3A_926 = arith.andi %gather3A_923, %and3A_925 : vector<16xi32>
        %eq3A_927 = arith.constant 1 : i32
        %eq3A_928 = vector.broadcast %eq3A_927 : i32 to vector<16xi32>
        %eq3A_929 = arith.cmpi eq, %and3A_926, %eq3A_928 : vector<16xi32>
        %get3A_930 = arith.constant 0 : i32
        %get3A_931 = arith.index_cast %get3A_930 : i32 to index
        %get3A_932 = arith.index_cast %scan3A_921 : i32 to index
        %get3A_933 = arith.constant 0 : index
        %get3A_934 = tpu.vector_load %arg7[%get3A_931, %get3A_932, %get3A_933] {strides = array<i32>} : memref<3x128x128xf32, #tpu.memory_space<vmem>>, vector<16xf32>,
        %get3A_935 = arith.constant 0 : i32
        %get3A_936 = arith.index_cast %get3A_935 : i32 to index
        %get3A_937 = arith.index_cast %scan3A_921 : i32 to index
        %get3A_938 = arith.constant 64 : index
        %get3A_939 = tpu.vector_load %arg7[%get3A_936, %get3A_937, %get3A_938] {strides = array<i32>} : memref<3x128x128xf32, #tpu.memory_space<vmem>>, vector<16xf32>,
        %select_n3A_940 = arith.select %eq3A_929, %get3A_939, %get3A_934 : vector<16xi1>, vector<16xf32>
        %mul3A_941 = arith.constant 8.000000e+00 : f32
        %mul3A_942 = vector.broadcast %mul3A_941 : f32 to vector<16xf32>
        %mul3A_943 = arith.mulf %select_n3A_940, %mul3A_942 : vector<16xf32>
        %swap3A_944 = arith.constant 0 : i32
        %swap3A_945 = arith.index_cast %swap3A_944 : i32 to index
        %swap3A_946 = arith.index_cast %scan3A_921 : i32 to index
        %swap3A_947 = arith.constant 0 : index
        %swap3A_948 = tpu.vector_load %arg8[%swap3A_945, %swap3A_946, %swap3A_947] {strides = array<i32>} : memref<3x128x64xf32, #tpu.memory_space<vmem>>, vector<16xf32>,
        tpu.vector_store %arg8[%swap3A_945, %swap3A_946, %swap3A_947], %mul3A_943 {strides = array<i32>} : memref<3x128x64xf32, #tpu.memory_space<vmem>>, vector<16xf32>,
        %get3A_949 = arith.constant 0 : i32
        %get3A_950 = arith.index_cast %get3A_949 : i32 to index
        %get3A_951 = arith.index_cast %scan3A_921 : i32 to index
        %get3A_952 = arith.constant 16 : index
        %get3A_953 = tpu.vector_load %arg7[%get3A_950, %get3A_951, %get3A_952] {strides = array<i32>} : memref<3x128x128xf32, #tpu.memory_space<vmem>>, vector<16xf32>,
        %get3A_954 = arith.constant 0 : i32
        %get3A_955 = arith.index_cast %get3A_954 : i32 to index
        %get3A_956 = arith.index_cast %scan3A_921 : i32 to index
        %get3A_957 = arith.constant 80 : index
        %get3A_958 = tpu.vector_load %arg7[%get3A_955, %get3A_956, %get3A_957] {strides = array<i32>} : memref<3x128x128xf32, #tpu.memory_space<vmem>>, vector<16xf32>,
        %select_n3A_959 = arith.select %eq3A_929, %get3A_958, %get3A_953 : vector<16xi1>, vector<16xf32>
        %mul3A_960 = arith.constant 8.000000e+00 : f32
        %mul3A_961 = vector.broadcast %mul3A_960 : f32 to vector<16xf32>
        %mul3A_962 = arith.mulf %select_n3A_959, %mul3A_961 : vector<16xf32>
        %swap3A_963 = arith.constant 0 : i32
        %swap3A_964 = arith.index_cast %swap3A_963 : i32 to index
        %swap3A_965 = arith.index_cast %scan3A_921 : i32 to index
        %swap3A_966 = arith.constant 16 : index
        %swap3A_967 = tpu.vector_load %arg8[%swap3A_964, %swap3A_965, %swap3A_966] {strides = array<i32>} : memref<3x128x64xf32, #tpu.memory_space<vmem>>, vector<16xf32>,
        tpu.vector_store %arg8[%swap3A_964, %swap3A_965, %swap3A_966], %mul3A_962 {strides = array<i32>} : memref<3x128x64xf32, #tpu.memory_space<vmem>>, vector<16xf32>,
        %get3A_968 = arith.constant 0 : i32
        %get3A_969 = arith.index_cast %get3A_968 : i32 to index
        %get3A_970 = arith.index_cast %scan3A_921 : i32 to index
        %get3A_971 = arith.constant 32 : index
        %get3A_972 = tpu.vector_load %arg7[%get3A_969, %get3A_970, %get3A_971] {strides = array<i32>} : memref<3x128x128xf32, #tpu.memory_space<vmem>>, vector<16xf32>,
        %get3A_973 = arith.constant 0 : i32
        %get3A_974 = arith.index_cast %get3A_973 : i32 to index
        %get3A_975 = arith.index_cast %scan3A_921 : i32 to index
        %get3A_976 = arith.constant 96 : index
        %get3A_977 = tpu.vector_load %arg7[%get3A_974, %get3A_975, %get3A_976] {strides = array<i32>} : memref<3x128x128xf32, #tpu.memory_space<vmem>>, vector<16xf32>,
        %select_n3A_978 = arith.select %eq3A_929, %get3A_977, %get3A_972 : vector<16xi1>, vector<16xf32>
        %mul3A_979 = arith.constant 8.000000e+00 : f32
        %mul3A_980 = vector.broadcast %mul3A_979 : f32 to vector<16xf32>
        %mul3A_981 = arith.mulf %select_n3A_978, %mul3A_980 : vector<16xf32>
        %swap3A_982 = arith.constant 0 : i32
        %swap3A_983 = arith.index_cast %swap3A_982 : i32 to index
        %swap3A_984 = arith.index_cast %scan3A_921 : i32 to index
        %swap3A_985 = arith.constant 32 : index
        %swap3A_986 = tpu.vector_load %arg8[%swap3A_983, %swap3A_984, %swap3A_985] {strides = array<i32>} : memref<3x128x64xf32, #tpu.memory_space<vmem>>, vector<16xf32>,
        tpu.vector_store %arg8[%swap3A_983, %swap3A_984, %swap3A_985], %mul3A_981 {strides = array<i32>} : memref<3x128x64xf32, #tpu.memory_space<vmem>>, vector<16xf32>,
        %get3A_987 = arith.constant 0 : i32
        %get3A_988 = arith.index_cast %get3A_987 : i32 to index
        %get3A_989 = arith.index_cast %scan3A_921 : i32 to index
        %get3A_990 = arith.constant 48 : index
        %get3A_991 = tpu.vector_load %arg7[%get3A_988, %get3A_989, %get3A_990] {strides = array<i32>} : memref<3x128x128xf32, #tpu.memory_space<vmem>>, vector<16xf32>,
        %get3A_992 = arith.constant 0 : i32
        %get3A_993 = arith.index_cast %get3A_992 : i32 to index
        %get3A_994 = arith.index_cast %scan3A_921 : i32 to index
        %get3A_995 = arith.constant 112 : index
        %get3A_996 = tpu.vector_load %arg7[%get3A_993, %get3A_994, %get3A_995] {strides = array<i32>} : memref<3x128x128xf32, #tpu.memory_space<vmem>>, vector<16xf32>,
        %select_n3A_997 = arith.select %eq3A_929, %get3A_996, %get3A_991 : vector<16xi1>, vector<16xf32>
        %mul3A_998 = arith.constant 8.000000e+00 : f32
        %mul3A_999 = vector.broadcast %mul3A_998 : f32 to vector<16xf32>
        %mul3A_1000 = arith.mulf %select_n3A_997, %mul3A_999 : vector<16xf32>
        %swap3A_1001 = arith.constant 0 : i32
        %swap3A_1002 = arith.index_cast %swap3A_1001 : i32 to index
        %swap3A_1003 = arith.index_cast %scan3A_921 : i32 to index
        %swap3A_1004 = arith.constant 48 : index
        %swap3A_1005 = tpu.vector_load %arg8[%swap3A_1002, %swap3A_1003, %swap3A_1004] {strides = array<i32>} : memref<3x128x64xf32, #tpu.memory_space<vmem>>, vector<16xf32>,
        tpu.vector_store %arg8[%swap3A_1002, %swap3A_1003, %swap3A_1004], %mul3A_1000 {strides = array<i32>} : memref<3x128x64xf32, #tpu.memory_space<vmem>>, vector<16xf32>,
        %scan3A_1006 = arith.constant 0 : i32
        %scan3A_1007 = arith.constant 4 : i32
        %scan3A_1008 = arith.addi %scan3A_663, %scan3A_1007 : i32
        %broadcast_in_dim3A_1009 = vector.broadcast %scan3A_1008 : i32 to vector<16xi32>
        %gather3A_1010 = tpu.vector_load_idx %arg5[%broadcast_in_dim3A_516, %broadcast_in_dim3A_1009] : memref<200x128xi32, #tpu.memory_space<vmem>>[vector<16xi32>, vector<16xi32>], vector<16xi32>,
        %and3A_1011 = arith.constant 1 : i32
        %and3A_1012 = vector.broadcast %and3A_1011 : i32 to vector<16xi32>
        %and3A_1013 = arith.andi %gather3A_1010, %and3A_1012 : vector<16xi32>
        %eq3A_1014 = arith.constant 1 : i32
        %eq3A_1015 = vector.broadcast %eq3A_1014 : i32 to vector<16xi32>
        %eq3A_1016 = arith.cmpi eq, %and3A_1013, %eq3A_1015 : vector<16xi32>
        %get3A_1017 = arith.constant 0 : i32
        %get3A_1018 = arith.index_cast %get3A_1017 : i32 to index
        %get3A_1019 = arith.index_cast %scan3A_1008 : i32 to index
        %get3A_1020 = arith.constant 0 : index
        %get3A_1021 = tpu.vector_load %arg7[%get3A_1018, %get3A_1019, %get3A_1020] {strides = array<i32>} : memref<3x128x128xf32, #tpu.memory_space<vmem>>, vector<16xf32>,
        %get3A_1022 = arith.constant 0 : i32
        %get3A_1023 = arith.index_cast %get3A_1022 : i32 to index
        %get3A_1024 = arith.index_cast %scan3A_1008 : i32 to index
        %get3A_1025 = arith.constant 64 : index
        %get3A_1026 = tpu.vector_load %arg7[%get3A_1023, %get3A_1024, %get3A_1025] {strides = array<i32>} : memref<3x128x128xf32, #tpu.memory_space<vmem>>, vector<16xf32>,
        %select_n3A_1027 = arith.select %eq3A_1016, %get3A_1026, %get3A_1021 : vector<16xi1>, vector<16xf32>
        %mul3A_1028 = arith.constant 8.000000e+00 : f32
        %mul3A_1029 = vector.broadcast %mul3A_1028 : f32 to vector<16xf32>
        %mul3A_1030 = arith.mulf %select_n3A_1027, %mul3A_1029 : vector<16xf32>
        %swap3A_1031 = arith.constant 0 : i32
        %swap3A_1032 = arith.index_cast %swap3A_1031 : i32 to index
        %swap3A_1033 = arith.index_cast %scan3A_1008 : i32 to index
        %swap3A_1034 = arith.constant 0 : index
        %swap3A_1035 = tpu.vector_load %arg8[%swap3A_1032, %swap3A_1033, %swap3A_1034] {strides = array<i32>} : memref<3x128x64xf32, #tpu.memory_space<vmem>>, vector<16xf32>,
        tpu.vector_store %arg8[%swap3A_1032, %swap3A_1033, %swap3A_1034], %mul3A_1030 {strides = array<i32>} : memref<3x128x64xf32, #tpu.memory_space<vmem>>, vector<16xf32>,
        %get3A_1036 = arith.constant 0 : i32
        %get3A_1037 = arith.index_cast %get3A_1036 : i32 to index
        %get3A_1038 = arith.index_cast %scan3A_1008 : i32 to index
        %get3A_1039 = arith.constant 16 : index
        %get3A_1040 = tpu.vector_load %arg7[%get3A_1037, %get3A_1038, %get3A_1039] {strides = array<i32>} : memref<3x128x128xf32, #tpu.memory_space<vmem>>, vector<16xf32>,
        %get3A_1041 = arith.constant 0 : i32
        %get3A_1042 = arith.index_cast %get3A_1041 : i32 to index
        %get3A_1043 = arith.index_cast %scan3A_1008 : i32 to index
        %get3A_1044 = arith.constant 80 : index
        %get3A_1045 = tpu.vector_load %arg7[%get3A_1042, %get3A_1043, %get3A_1044] {strides = array<i32>} : memref<3x128x128xf32, #tpu.memory_space<vmem>>, vector<16xf32>,
        %select_n3A_1046 = arith.select %eq3A_1016, %get3A_1045, %get3A_1040 : vector<16xi1>, vector<16xf32>
        %mul3A_1047 = arith.constant 8.000000e+00 : f32
        %mul3A_1048 = vector.broadcast %mul3A_1047 : f32 to vector<16xf32>
        %mul3A_1049 = arith.mulf %select_n3A_1046, %mul3A_1048 : vector<16xf32>
        %swap3A_1050 = arith.constant 0 : i32
        %swap3A_1051 = arith.index_cast %swap3A_1050 : i32 to index
        %swap3A_1052 = arith.index_cast %scan3A_1008 : i32 to index
        %swap3A_1053 = arith.constant 16 : index
        %swap3A_1054 = tpu.vector_load %arg8[%swap3A_1051, %swap3A_1052, %swap3A_1053] {strides = array<i32>} : memref<3x128x64xf32, #tpu.memory_space<vmem>>, vector<16xf32>,
        tpu.vector_store %arg8[%swap3A_1051, %swap3A_1052, %swap3A_1053], %mul3A_1049 {strides = array<i32>} : memref<3x128x64xf32, #tpu.memory_space<vmem>>, vector<16xf32>,
        %get3A_1055 = arith.constant 0 : i32
        %get3A_1056 = arith.index_cast %get3A_1055 : i32 to index
        %get3A_1057 = arith.index_cast %scan3A_1008 : i32 to index
        %get3A_1058 = arith.constant 32 : index
        %get3A_1059 = tpu.vector_load %arg7[%get3A_1056, %get3A_1057, %get3A_1058] {strides = array<i32>} : memref<3x128x128xf32, #tpu.memory_space<vmem>>, vector<16xf32>,
        %get3A_1060 = arith.constant 0 : i32
        %get3A_1061 = arith.index_cast %get3A_1060 : i32 to index
        %get3A_1062 = arith.index_cast %scan3A_1008 : i32 to index
        %get3A_1063 = arith.constant 96 : index
        %get3A_1064 = tpu.vector_load %arg7[%get3A_1061, %get3A_1062, %get3A_1063] {strides = array<i32>} : memref<3x128x128xf32, #tpu.memory_space<vmem>>, vector<16xf32>,
        %select_n3A_1065 = arith.select %eq3A_1016, %get3A_1064, %get3A_1059 : vector<16xi1>, vector<16xf32>
        %mul3A_1066 = arith.constant 8.000000e+00 : f32
        %mul3A_1067 = vector.broadcast %mul3A_1066 : f32 to vector<16xf32>
        %mul3A_1068 = arith.mulf %select_n3A_1065, %mul3A_1067 : vector<16xf32>
        %swap3A_1069 = arith.constant 0 : i32
        %swap3A_1070 = arith.index_cast %swap3A_1069 : i32 to index
        %swap3A_1071 = arith.index_cast %scan3A_1008 : i32 to index
        %swap3A_1072 = arith.constant 32 : index
        %swap3A_1073 = tpu.vector_load %arg8[%swap3A_1070, %swap3A_1071, %swap3A_1072] {strides = array<i32>} : memref<3x128x64xf32, #tpu.memory_space<vmem>>, vector<16xf32>,
        tpu.vector_store %arg8[%swap3A_1070, %swap3A_1071, %swap3A_1072], %mul3A_1068 {strides = array<i32>} : memref<3x128x64xf32, #tpu.memory_space<vmem>>, vector<16xf32>,
        %get3A_1074 = arith.constant 0 : i32
        %get3A_1075 = arith.index_cast %get3A_1074 : i32 to index
        %get3A_1076 = arith.index_cast %scan3A_1008 : i32 to index
        %get3A_1077 = arith.constant 48 : index
        %get3A_1078 = tpu.vector_load %arg7[%get3A_1075, %get3A_1076, %get3A_1077] {strides = array<i32>} : memref<3x128x128xf32, #tpu.memory_space<vmem>>, vector<16xf32>,
        %get3A_1079 = arith.constant 0 : i32
        %get3A_1080 = arith.index_cast %get3A_1079 : i32 to index
        %get3A_1081 = arith.index_cast %scan3A_1008 : i32 to index
        %get3A_1082 = arith.constant 112 : index
        %get3A_1083 = tpu.vector_load %arg7[%get3A_1080, %get3A_1081, %get3A_1082] {strides = array<i32>} : memref<3x128x128xf32, #tpu.memory_space<vmem>>, vector<16xf32>,
        %select_n3A_1084 = arith.select %eq3A_1016, %get3A_1083, %get3A_1078 : vector<16xi1>, vector<16xf32>
        %mul3A_1085 = arith.constant 8.000000e+00 : f32
        %mul3A_1086 = vector.broadcast %mul3A_1085 : f32 to vector<16xf32>
        %mul3A_1087 = arith.mulf %select_n3A_1084, %mul3A_1086 : vector<16xf32>
        %swap3A_1088 = arith.constant 0 : i32
        %swap3A_1089 = arith.index_cast %swap3A_1088 : i32 to index
        %swap3A_1090 = arith.index_cast %scan3A_1008 : i32 to index
        %swap3A_1091 = arith.constant 48 : index
        %swap3A_1092 = tpu.vector_load %arg8[%swap3A_1089, %swap3A_1090, %swap3A_1091] {strides = array<i32>} : memref<3x128x64xf32, #tpu.memory_space<vmem>>, vector<16xf32>,
        tpu.vector_store %arg8[%swap3A_1089, %swap3A_1090, %swap3A_1091], %mul3A_1087 {strides = array<i32>} : memref<3x128x64xf32, #tpu.memory_space<vmem>>, vector<16xf32>,
        %scan3A_1093 = arith.constant 0 : i32
        %scan3A_1094 = arith.constant 5 : i32
        %scan3A_1095 = arith.addi %scan3A_663, %scan3A_1094 : i32
        %broadcast_in_dim3A_1096 = vector.broadcast %scan3A_1095 : i32 to vector<16xi32>
        %gather3A_1097 = tpu.vector_load_idx %arg5[%broadcast_in_dim3A_516, %broadcast_in_dim3A_1096] : memref<200x128xi32, #tpu.memory_space<vmem>>[vector<16xi32>, vector<16xi32>], vector<16xi32>,
        %and3A_1098 = arith.constant 1 : i32
        %and3A_1099 = vector.broadcast %and3A_1098 : i32 to vector<16xi32>
        %and3A_1100 = arith.andi %gather3A_1097, %and3A_1099 : vector<16xi32>
        %eq3A_1101 = arith.constant 1 : i32
        %eq3A_1102 = vector.broadcast %eq3A_1101 : i32 to vector<16xi32>
        %eq3A_1103 = arith.cmpi eq, %and3A_1100, %eq3A_1102 : vector<16xi32>
        %get3A_1104 = arith.constant 0 : i32
        %get3A_1105 = arith.index_cast %get3A_1104 : i32 to index
        %get3A_1106 = arith.index_cast %scan3A_1095 : i32 to index
        %get3A_1107 = arith.constant 0 : index
        %get3A_1108 = tpu.vector_load %arg7[%get3A_1105, %get3A_1106, %get3A_1107] {strides = array<i32>} : memref<3x128x128xf32, #tpu.memory_space<vmem>>, vector<16xf32>,
        %get3A_1109 = arith.constant 0 : i32
        %get3A_1110 = arith.index_cast %get3A_1109 : i32 to index
        %get3A_1111 = arith.index_cast %scan3A_1095 : i32 to index
        %get3A_1112 = arith.constant 64 : index
        %get3A_1113 = tpu.vector_load %arg7[%get3A_1110, %get3A_1111, %get3A_1112] {strides = array<i32>} : memref<3x128x128xf32, #tpu.memory_space<vmem>>, vector<16xf32>,
        %select_n3A_1114 = arith.select %eq3A_1103, %get3A_1113, %get3A_1108 : vector<16xi1>, vector<16xf32>
        %mul3A_1115 = arith.constant 8.000000e+00 : f32
        %mul3A_1116 = vector.broadcast %mul3A_1115 : f32 to vector<16xf32>
        %mul3A_1117 = arith.mulf %select_n3A_1114, %mul3A_1116 : vector<16xf32>
        %swap3A_1118 = arith.constant 0 : i32
        %swap3A_1119 = arith.index_cast %swap3A_1118 : i32 to index
        %swap3A_1120 = arith.index_cast %scan3A_1095 : i32 to index
        %swap3A_1121 = arith.constant 0 : index
        %swap3A_1122 = tpu.vector_load %arg8[%swap3A_1119, %swap3A_1120, %swap3A_1121] {strides = array<i32>} : memref<3x128x64xf32, #tpu.memory_space<vmem>>, vector<16xf32>,
        tpu.vector_store %arg8[%swap3A_1119, %swap3A_1120, %swap3A_1121], %mul3A_1117 {strides = array<i32>} : memref<3x128x64xf32, #tpu.memory_space<vmem>>, vector<16xf32>,
        %get3A_1123 = arith.constant 0 : i32
        %get3A_1124 = arith.index_cast %get3A_1123 : i32 to index
        %get3A_1125 = arith.index_cast %scan3A_1095 : i32 to index
        %get3A_1126 = arith.constant 16 : index
        %get3A_1127 = tpu.vector_load %arg7[%get3A_1124, %get3A_1125, %get3A_1126] {strides = array<i32>} : memref<3x128x128xf32, #tpu.memory_space<vmem>>, vector<16xf32>,
        %get3A_1128 = arith.constant 0 : i32
        %get3A_1129 = arith.index_cast %get3A_1128 : i32 to index
        %get3A_1130 = arith.index_cast %scan3A_1095 : i32 to index
        %get3A_1131 = arith.constant 80 : index
        %get3A_1132 = tpu.vector_load %arg7[%get3A_1129, %get3A_1130, %get3A_1131] {strides = array<i32>} : memref<3x128x128xf32, #tpu.memory_space<vmem>>, vector<16xf32>,
        %select_n3A_1133 = arith.select %eq3A_1103, %get3A_1132, %get3A_1127 : vector<16xi1>, vector<16xf32>
        %mul3A_1134 = arith.constant 8.000000e+00 : f32
        %mul3A_1135 = vector.broadcast %mul3A_1134 : f32 to vector<16xf32>
        %mul3A_1136 = arith.mulf %select_n3A_1133, %mul3A_1135 : vector<16xf32>
        %swap3A_1137 = arith.constant 0 : i32
        %swap3A_1138 = arith.index_cast %swap3A_1137 : i32 to index
        %swap3A_1139 = arith.index_cast %scan3A_1095 : i32 to index
        %swap3A_1140 = arith.constant 16 : index
        %swap3A_1141 = tpu.vector_load %arg8[%swap3A_1138, %swap3A_1139, %swap3A_1140] {strides = array<i32>} : memref<3x128x64xf32, #tpu.memory_space<vmem>>, vector<16xf32>,
        tpu.vector_store %arg8[%swap3A_1138, %swap3A_1139, %swap3A_1140], %mul3A_1136 {strides = array<i32>} : memref<3x128x64xf32, #tpu.memory_space<vmem>>, vector<16xf32>,
        %get3A_1142 = arith.constant 0 : i32
        %get3A_1143 = arith.index_cast %get3A_1142 : i32 to index
        %get3A_1144 = arith.index_cast %scan3A_1095 : i32 to index
        %get3A_1145 = arith.constant 32 : index
        %get3A_1146 = tpu.vector_load %arg7[%get3A_1143, %get3A_1144, %get3A_1145] {strides = array<i32>} : memref<3x128x128xf32, #tpu.memory_space<vmem>>, vector<16xf32>,
        %get3A_1147 = arith.constant 0 : i32
        %get3A_1148 = arith.index_cast %get3A_1147 : i32 to index
        %get3A_1149 = arith.index_cast %scan3A_1095 : i32 to index
        %get3A_1150 = arith.constant 96 : index
        %get3A_1151 = tpu.vector_load %arg7[%get3A_1148, %get3A_1149, %get3A_1150] {strides = array<i32>} : memref<3x128x128xf32, #tpu.memory_space<vmem>>, vector<16xf32>,
        %select_n3A_1152 = arith.select %eq3A_1103, %get3A_1151, %get3A_1146 : vector<16xi1>, vector<16xf32>
        %mul3A_1153 = arith.constant 8.000000e+00 : f32
        %mul3A_1154 = vector.broadcast %mul3A_1153 : f32 to vector<16xf32>
        %mul3A_1155 = arith.mulf %select_n3A_1152, %mul3A_1154 : vector<16xf32>
        %swap3A_1156 = arith.constant 0 : i32
        %swap3A_1157 = arith.index_cast %swap3A_1156 : i32 to index
        %swap3A_1158 = arith.index_cast %scan3A_1095 : i32 to index
        %swap3A_1159 = arith.constant 32 : index
        %swap3A_1160 = tpu.vector_load %arg8[%swap3A_1157, %swap3A_1158, %swap3A_1159] {strides = array<i32>} : memref<3x128x64xf32, #tpu.memory_space<vmem>>, vector<16xf32>,
        tpu.vector_store %arg8[%swap3A_1157, %swap3A_1158, %swap3A_1159], %mul3A_1155 {strides = array<i32>} : memref<3x128x64xf32, #tpu.memory_space<vmem>>, vector<16xf32>,
        %get3A_1161 = arith.constant 0 : i32
        %get3A_1162 = arith.index_cast %get3A_1161 : i32 to index
        %get3A_1163 = arith.index_cast %scan3A_1095 : i32 to index
        %get3A_1164 = arith.constant 48 : index
        %get3A_1165 = tpu.vector_load %arg7[%get3A_1162, %get3A_1163, %get3A_1164] {strides = array<i32>} : memref<3x128x128xf32, #tpu.memory_space<vmem>>, vector<16xf32>,
        %get3A_1166 = arith.constant 0 : i32
        %get3A_1167 = arith.index_cast %get3A_1166 : i32 to index
        %get3A_1168 = arith.index_cast %scan3A_1095 : i32 to index
        %get3A_1169 = arith.constant 112 : index
        %get3A_1170 = tpu.vector_load %arg7[%get3A_1167, %get3A_1168, %get3A_1169] {strides = array<i32>} : memref<3x128x128xf32, #tpu.memory_space<vmem>>, vector<16xf32>,
        %select_n3A_1171 = arith.select %eq3A_1103, %get3A_1170, %get3A_1165 : vector<16xi1>, vector<16xf32>
        %mul3A_1172 = arith.constant 8.000000e+00 : f32
        %mul3A_1173 = vector.broadcast %mul3A_1172 : f32 to vector<16xf32>
        %mul3A_1174 = arith.mulf %select_n3A_1171, %mul3A_1173 : vector<16xf32>
        %swap3A_1175 = arith.constant 0 : i32
        %swap3A_1176 = arith.index_cast %swap3A_1175 : i32 to index
        %swap3A_1177 = arith.index_cast %scan3A_1095 : i32 to index
        %swap3A_1178 = arith.constant 48 : index
        %swap3A_1179 = tpu.vector_load %arg8[%swap3A_1176, %swap3A_1177, %swap3A_1178] {strides = array<i32>} : memref<3x128x64xf32, #tpu.memory_space<vmem>>, vector<16xf32>,
        tpu.vector_store %arg8[%swap3A_1176, %swap3A_1177, %swap3A_1178], %mul3A_1174 {strides = array<i32>} : memref<3x128x64xf32, #tpu.memory_space<vmem>>, vector<16xf32>,
        %scan3A_1180 = arith.constant 0 : i32
        %scan3A_1181 = arith.constant 6 : i32
        %scan3A_1182 = arith.addi %scan3A_663, %scan3A_1181 : i32
        %broadcast_in_dim3A_1183 = vector.broadcast %scan3A_1182 : i32 to vector<16xi32>
        %gather3A_1184 = tpu.vector_load_idx %arg5[%broadcast_in_dim3A_516, %broadcast_in_dim3A_1183] : memref<200x128xi32, #tpu.memory_space<vmem>>[vector<16xi32>, vector<16xi32>], vector<16xi32>,
        %and3A_1185 = arith.constant 1 : i32
        %and3A_1186 = vector.broadcast %and3A_1185 : i32 to vector<16xi32>
        %and3A_1187 = arith.andi %gather3A_1184, %and3A_1186 : vector<16xi32>
        %eq3A_1188 = arith.constant 1 : i32
        %eq3A_1189 = vector.broadcast %eq3A_1188 : i32 to vector<16xi32>
        %eq3A_1190 = arith.cmpi eq, %and3A_1187, %eq3A_1189 : vector<16xi32>
        %get3A_1191 = arith.constant 0 : i32
        %get3A_1192 = arith.index_cast %get3A_1191 : i32 to index
        %get3A_1193 = arith.index_cast %scan3A_1182 : i32 to index
        %get3A_1194 = arith.constant 0 : index
        %get3A_1195 = tpu.vector_load %arg7[%get3A_1192, %get3A_1193, %get3A_1194] {strides = array<i32>} : memref<3x128x128xf32, #tpu.memory_space<vmem>>, vector<16xf32>,
        %get3A_1196 = arith.constant 0 : i32
        %get3A_1197 = arith.index_cast %get3A_1196 : i32 to index
        %get3A_1198 = arith.index_cast %scan3A_1182 : i32 to index
        %get3A_1199 = arith.constant 64 : index
        %get3A_1200 = tpu.vector_load %arg7[%get3A_1197, %get3A_1198, %get3A_1199] {strides = array<i32>} : memref<3x128x128xf32, #tpu.memory_space<vmem>>, vector<16xf32>,
        %select_n3A_1201 = arith.select %eq3A_1190, %get3A_1200, %get3A_1195 : vector<16xi1>, vector<16xf32>
        %mul3A_1202 = arith.constant 8.000000e+00 : f32
        %mul3A_1203 = vector.broadcast %mul3A_1202 : f32 to vector<16xf32>
        %mul3A_1204 = arith.mulf %select_n3A_1201, %mul3A_1203 : vector<16xf32>
        %swap3A_1205 = arith.constant 0 : i32
        %swap3A_1206 = arith.index_cast %swap3A_1205 : i32 to index
        %swap3A_1207 = arith.index_cast %scan3A_1182 : i32 to index
        %swap3A_1208 = arith.constant 0 : index
        %swap3A_1209 = tpu.vector_load %arg8[%swap3A_1206, %swap3A_1207, %swap3A_1208] {strides = array<i32>} : memref<3x128x64xf32, #tpu.memory_space<vmem>>, vector<16xf32>,
        tpu.vector_store %arg8[%swap3A_1206, %swap3A_1207, %swap3A_1208], %mul3A_1204 {strides = array<i32>} : memref<3x128x64xf32, #tpu.memory_space<vmem>>, vector<16xf32>,
        %get3A_1210 = arith.constant 0 : i32
        %get3A_1211 = arith.index_cast %get3A_1210 : i32 to index
        %get3A_1212 = arith.index_cast %scan3A_1182 : i32 to index
        %get3A_1213 = arith.constant 16 : index
        %get3A_1214 = tpu.vector_load %arg7[%get3A_1211, %get3A_1212, %get3A_1213] {strides = array<i32>} : memref<3x128x128xf32, #tpu.memory_space<vmem>>, vector<16xf32>,
        %get3A_1215 = arith.constant 0 : i32
        %get3A_1216 = arith.index_cast %get3A_1215 : i32 to index
        %get3A_1217 = arith.index_cast %scan3A_1182 : i32 to index
        %get3A_1218 = arith.constant 80 : index
        %get3A_1219 = tpu.vector_load %arg7[%get3A_1216, %get3A_1217, %get3A_1218] {strides = array<i32>} : memref<3x128x128xf32, #tpu.memory_space<vmem>>, vector<16xf32>,
        %select_n3A_1220 = arith.select %eq3A_1190, %get3A_1219, %get3A_1214 : vector<16xi1>, vector<16xf32>
        %mul3A_1221 = arith.constant 8.000000e+00 : f32
        %mul3A_1222 = vector.broadcast %mul3A_1221 : f32 to vector<16xf32>
        %mul3A_1223 = arith.mulf %select_n3A_1220, %mul3A_1222 : vector<16xf32>
        %swap3A_1224 = arith.constant 0 : i32
        %swap3A_1225 = arith.index_cast %swap3A_1224 : i32 to index
        %swap3A_1226 = arith.index_cast %scan3A_1182 : i32 to index
        %swap3A_1227 = arith.constant 16 : index
        %swap3A_1228 = tpu.vector_load %arg8[%swap3A_1225, %swap3A_1226, %swap3A_1227] {strides = array<i32>} : memref<3x128x64xf32, #tpu.memory_space<vmem>>, vector<16xf32>,
        tpu.vector_store %arg8[%swap3A_1225, %swap3A_1226, %swap3A_1227], %mul3A_1223 {strides = array<i32>} : memref<3x128x64xf32, #tpu.memory_space<vmem>>, vector<16xf32>,
        %get3A_1229 = arith.constant 0 : i32
        %get3A_1230 = arith.index_cast %get3A_1229 : i32 to index
        %get3A_1231 = arith.index_cast %scan3A_1182 : i32 to index
        %get3A_1232 = arith.constant 32 : index
        %get3A_1233 = tpu.vector_load %arg7[%get3A_1230, %get3A_1231, %get3A_1232] {strides = array<i32>} : memref<3x128x128xf32, #tpu.memory_space<vmem>>, vector<16xf32>,
        %get3A_1234 = arith.constant 0 : i32
        %get3A_1235 = arith.index_cast %get3A_1234 : i32 to index
        %get3A_1236 = arith.index_cast %scan3A_1182 : i32 to index
        %get3A_1237 = arith.constant 96 : index
        %get3A_1238 = tpu.vector_load %arg7[%get3A_1235, %get3A_1236, %get3A_1237] {strides = array<i32>} : memref<3x128x128xf32, #tpu.memory_space<vmem>>, vector<16xf32>,
        %select_n3A_1239 = arith.select %eq3A_1190, %get3A_1238, %get3A_1233 : vector<16xi1>, vector<16xf32>
        %mul3A_1240 = arith.constant 8.000000e+00 : f32
        %mul3A_1241 = vector.broadcast %mul3A_1240 : f32 to vector<16xf32>
        %mul3A_1242 = arith.mulf %select_n3A_1239, %mul3A_1241 : vector<16xf32>
        %swap3A_1243 = arith.constant 0 : i32
        %swap3A_1244 = arith.index_cast %swap3A_1243 : i32 to index
        %swap3A_1245 = arith.index_cast %scan3A_1182 : i32 to index
        %swap3A_1246 = arith.constant 32 : index
        %swap3A_1247 = tpu.vector_load %arg8[%swap3A_1244, %swap3A_1245, %swap3A_1246] {strides = array<i32>} : memref<3x128x64xf32, #tpu.memory_space<vmem>>, vector<16xf32>,
        tpu.vector_store %arg8[%swap3A_1244, %swap3A_1245, %swap3A_1246], %mul3A_1242 {strides = array<i32>} : memref<3x128x64xf32, #tpu.memory_space<vmem>>, vector<16xf32>,
        %get3A_1248 = arith.constant 0 : i32
        %get3A_1249 = arith.index_cast %get3A_1248 : i32 to index
        %get3A_1250 = arith.index_cast %scan3A_1182 : i32 to index
        %get3A_1251 = arith.constant 48 : index
        %get3A_1252 = tpu.vector_load %arg7[%get3A_1249, %get3A_1250, %get3A_1251] {strides = array<i32>} : memref<3x128x128xf32, #tpu.memory_space<vmem>>, vector<16xf32>,
        %get3A_1253 = arith.constant 0 : i32
        %get3A_1254 = arith.index_cast %get3A_1253 : i32 to index
        %get3A_1255 = arith.index_cast %scan3A_1182 : i32 to index
        %get3A_1256 = arith.constant 112 : index
        %get3A_1257 = tpu.vector_load %arg7[%get3A_1254, %get3A_1255, %get3A_1256] {strides = array<i32>} : memref<3x128x128xf32, #tpu.memory_space<vmem>>, vector<16xf32>,
        %select_n3A_1258 = arith.select %eq3A_1190, %get3A_1257, %get3A_1252 : vector<16xi1>, vector<16xf32>
        %mul3A_1259 = arith.constant 8.000000e+00 : f32
        %mul3A_1260 = vector.broadcast %mul3A_1259 : f32 to vector<16xf32>
        %mul3A_1261 = arith.mulf %select_n3A_1258, %mul3A_1260 : vector<16xf32>
        %swap3A_1262 = arith.constant 0 : i32
        %swap3A_1263 = arith.index_cast %swap3A_1262 : i32 to index
        %swap3A_1264 = arith.index_cast %scan3A_1182 : i32 to index
        %swap3A_1265 = arith.constant 48 : index
        %swap3A_1266 = tpu.vector_load %arg8[%swap3A_1263, %swap3A_1264, %swap3A_1265] {strides = array<i32>} : memref<3x128x64xf32, #tpu.memory_space<vmem>>, vector<16xf32>,
        tpu.vector_store %arg8[%swap3A_1263, %swap3A_1264, %swap3A_1265], %mul3A_1261 {strides = array<i32>} : memref<3x128x64xf32, #tpu.memory_space<vmem>>, vector<16xf32>,
        %scan3A_1267 = arith.constant 0 : i32
        %scan3A_1268 = arith.constant 7 : i32
        %scan3A_1269 = arith.addi %scan3A_663, %scan3A_1268 : i32
        %broadcast_in_dim3A_1270 = vector.broadcast %scan3A_1269 : i32 to vector<16xi32>
        %gather3A_1271 = tpu.vector_load_idx %arg5[%broadcast_in_dim3A_516, %broadcast_in_dim3A_1270] : memref<200x128xi32, #tpu.memory_space<vmem>>[vector<16xi32>, vector<16xi32>], vector<16xi32>,
        %and3A_1272 = arith.constant 1 : i32
        %and3A_1273 = vector.broadcast %and3A_1272 : i32 to vector<16xi32>
        %and3A_1274 = arith.andi %gather3A_1271, %and3A_1273 : vector<16xi32>
        %eq3A_1275 = arith.constant 1 : i32
        %eq3A_1276 = vector.broadcast %eq3A_1275 : i32 to vector<16xi32>
        %eq3A_1277 = arith.cmpi eq, %and3A_1274, %eq3A_1276 : vector<16xi32>
        %get3A_1278 = arith.constant 0 : i32
        %get3A_1279 = arith.index_cast %get3A_1278 : i32 to index
        %get3A_1280 = arith.index_cast %scan3A_1269 : i32 to index
        %get3A_1281 = arith.constant 0 : index
        %get3A_1282 = tpu.vector_load %arg7[%get3A_1279, %get3A_1280, %get3A_1281] {strides = array<i32>} : memref<3x128x128xf32, #tpu.memory_space<vmem>>, vector<16xf32>,
        %get3A_1283 = arith.constant 0 : i32
        %get3A_1284 = arith.index_cast %get3A_1283 : i32 to index
        %get3A_1285 = arith.index_cast %scan3A_1269 : i32 to index
        %get3A_1286 = arith.constant 64 : index
        %get3A_1287 = tpu.vector_load %arg7[%get3A_1284, %get3A_1285, %get3A_1286] {strides = array<i32>} : memref<3x128x128xf32, #tpu.memory_space<vmem>>, vector<16xf32>,
        %select_n3A_1288 = arith.select %eq3A_1277, %get3A_1287, %get3A_1282 : vector<16xi1>, vector<16xf32>
        %mul3A_1289 = arith.constant 8.000000e+00 : f32
        %mul3A_1290 = vector.broadcast %mul3A_1289 : f32 to vector<16xf32>
        %mul3A_1291 = arith.mulf %select_n3A_1288, %mul3A_1290 : vector<16xf32>
        %swap3A_1292 = arith.constant 0 : i32
        %swap3A_1293 = arith.index_cast %swap3A_1292 : i32 to index
        %swap3A_1294 = arith.index_cast %scan3A_1269 : i32 to index
        %swap3A_1295 = arith.constant 0 : index
        %swap3A_1296 = tpu.vector_load %arg8[%swap3A_1293, %swap3A_1294, %swap3A_1295] {strides = array<i32>} : memref<3x128x64xf32, #tpu.memory_space<vmem>>, vector<16xf32>,
        tpu.vector_store %arg8[%swap3A_1293, %swap3A_1294, %swap3A_1295], %mul3A_1291 {strides = array<i32>} : memref<3x128x64xf32, #tpu.memory_space<vmem>>, vector<16xf32>,
        %get3A_1297 = arith.constant 0 : i32
        %get3A_1298 = arith.index_cast %get3A_1297 : i32 to index
        %get3A_1299 = arith.index_cast %scan3A_1269 : i32 to index
        %get3A_1300 = arith.constant 16 : index
        %get3A_1301 = tpu.vector_load %arg7[%get3A_1298, %get3A_1299, %get3A_1300] {strides = array<i32>} : memref<3x128x128xf32, #tpu.memory_space<vmem>>, vector<16xf32>,
        %get3A_1302 = arith.constant 0 : i32
        %get3A_1303 = arith.index_cast %get3A_1302 : i32 to index
        %get3A_1304 = arith.index_cast %scan3A_1269 : i32 to index
        %get3A_1305 = arith.constant 80 : index
        %get3A_1306 = tpu.vector_load %arg7[%get3A_1303, %get3A_1304, %get3A_1305] {strides = array<i32>} : memref<3x128x128xf32, #tpu.memory_space<vmem>>, vector<16xf32>,
        %select_n3A_1307 = arith.select %eq3A_1277, %get3A_1306, %get3A_1301 : vector<16xi1>, vector<16xf32>
        %mul3A_1308 = arith.constant 8.000000e+00 : f32
        %mul3A_1309 = vector.broadcast %mul3A_1308 : f32 to vector<16xf32>
        %mul3A_1310 = arith.mulf %select_n3A_1307, %mul3A_1309 : vector<16xf32>
        %swap3A_1311 = arith.constant 0 : i32
        %swap3A_1312 = arith.index_cast %swap3A_1311 : i32 to index
        %swap3A_1313 = arith.index_cast %scan3A_1269 : i32 to index
        %swap3A_1314 = arith.constant 16 : index
        %swap3A_1315 = tpu.vector_load %arg8[%swap3A_1312, %swap3A_1313, %swap3A_1314] {strides = array<i32>} : memref<3x128x64xf32, #tpu.memory_space<vmem>>, vector<16xf32>,
        tpu.vector_store %arg8[%swap3A_1312, %swap3A_1313, %swap3A_1314], %mul3A_1310 {strides = array<i32>} : memref<3x128x64xf32, #tpu.memory_space<vmem>>, vector<16xf32>,
        %get3A_1316 = arith.constant 0 : i32
        %get3A_1317 = arith.index_cast %get3A_1316 : i32 to index
        %get3A_1318 = arith.index_cast %scan3A_1269 : i32 to index
        %get3A_1319 = arith.constant 32 : index
        %get3A_1320 = tpu.vector_load %arg7[%get3A_1317, %get3A_1318, %get3A_1319] {strides = array<i32>} : memref<3x128x128xf32, #tpu.memory_space<vmem>>, vector<16xf32>,
        %get3A_1321 = arith.constant 0 : i32
        %get3A_1322 = arith.index_cast %get3A_1321 : i32 to index
        %get3A_1323 = arith.index_cast %scan3A_1269 : i32 to index
        %get3A_1324 = arith.constant 96 : index
        %get3A_1325 = tpu.vector_load %arg7[%get3A_1322, %get3A_1323, %get3A_1324] {strides = array<i32>} : memref<3x128x128xf32, #tpu.memory_space<vmem>>, vector<16xf32>,
        %select_n3A_1326 = arith.select %eq3A_1277, %get3A_1325, %get3A_1320 : vector<16xi1>, vector<16xf32>
        %mul3A_1327 = arith.constant 8.000000e+00 : f32
        %mul3A_1328 = vector.broadcast %mul3A_1327 : f32 to vector<16xf32>
        %mul3A_1329 = arith.mulf %select_n3A_1326, %mul3A_1328 : vector<16xf32>
        %swap3A_1330 = arith.constant 0 : i32
        %swap3A_1331 = arith.index_cast %swap3A_1330 : i32 to index
        %swap3A_1332 = arith.index_cast %scan3A_1269 : i32 to index
        %swap3A_1333 = arith.constant 32 : index
        %swap3A_1334 = tpu.vector_load %arg8[%swap3A_1331, %swap3A_1332, %swap3A_1333] {strides = array<i32>} : memref<3x128x64xf32, #tpu.memory_space<vmem>>, vector<16xf32>,
        tpu.vector_store %arg8[%swap3A_1331, %swap3A_1332, %swap3A_1333], %mul3A_1329 {strides = array<i32>} : memref<3x128x64xf32, #tpu.memory_space<vmem>>, vector<16xf32>,
        %get3A_1335 = arith.constant 0 : i32
        %get3A_1336 = arith.index_cast %get3A_1335 : i32 to index
        %get3A_1337 = arith.index_cast %scan3A_1269 : i32 to index
        %get3A_1338 = arith.constant 48 : index
        %get3A_1339 = tpu.vector_load %arg7[%get3A_1336, %get3A_1337, %get3A_1338] {strides = array<i32>} : memref<3x128x128xf32, #tpu.memory_space<vmem>>, vector<16xf32>,
        %get3A_1340 = arith.constant 0 : i32
        %get3A_1341 = arith.index_cast %get3A_1340 : i32 to index
        %get3A_1342 = arith.index_cast %scan3A_1269 : i32 to index
        %get3A_1343 = arith.constant 112 : index
        %get3A_1344 = tpu.vector_load %arg7[%get3A_1341, %get3A_1342, %get3A_1343] {strides = array<i32>} : memref<3x128x128xf32, #tpu.memory_space<vmem>>, vector<16xf32>,
        %select_n3A_1345 = arith.select %eq3A_1277, %get3A_1344, %get3A_1339 : vector<16xi1>, vector<16xf32>
        %mul3A_1346 = arith.constant 8.000000e+00 : f32
        %mul3A_1347 = vector.broadcast %mul3A_1346 : f32 to vector<16xf32>
        %mul3A_1348 = arith.mulf %select_n3A_1345, %mul3A_1347 : vector<16xf32>
        %swap3A_1349 = arith.constant 0 : i32
        %swap3A_1350 = arith.index_cast %swap3A_1349 : i32 to index
        %swap3A_1351 = arith.index_cast %scan3A_1269 : i32 to index
        %swap3A_1352 = arith.constant 48 : index
        %swap3A_1353 = tpu.vector_load %arg8[%swap3A_1350, %swap3A_1351, %swap3A_1352] {strides = array<i32>} : memref<3x128x64xf32, #tpu.memory_space<vmem>>, vector<16xf32>,
        tpu.vector_store %arg8[%swap3A_1350, %swap3A_1351, %swap3A_1352], %mul3A_1348 {strides = array<i32>} : memref<3x128x64xf32, #tpu.memory_space<vmem>>, vector<16xf32>,
        %scan3A_1354 = arith.constant 0 : i32
        scf.yield %scan3A_1354 : i32
      }
      %scan3A_523 = arith.constant 128 : i32
      %dma_start3A_524 = arith.constant 0 : i32
      %dma_start3A_525 = arith.constant 0 : i32
      %dma_start3A_526 = arith.constant 0 : i32
      %dma_start3A_527 = arith.constant 0 : i32
      %dma_start3A_528 = tpu.memref_slice %arg8[%dma_start3A_524, %dma_start3A_526, %dma_start3A_527] : memref<3x128x64xf32, #tpu.memory_space<vmem>> -> memref<1x128x64xf32, #tpu.memory_space<vmem>>
      %dma_start3A_529 = tpu.memref_squeeze %dma_start3A_528 : memref<1x128x64xf32, #tpu.memory_space<vmem>> -> memref<128x64xf32, #tpu.memory_space<vmem>>
      %dma_start3A_530 = arith.constant 0 : i32
      %dma_start3A_531 = tpu.memref_slice %arg4[%mul3A_2, %add3A_498, %dma_start3A_530] : memref<4096x200x64xf32, #tpu.memory_space<hbm>> -> memref<128x1x64xf32, #tpu.memory_space<hbm>>
      %dma_start3A_532 = tpu.memref_squeeze %dma_start3A_531 : memref<128x1x64xf32, #tpu.memory_space<hbm>> -> memref<128x64xf32, #tpu.memory_space<hbm>>
      %dma_start3A_533 = tpu.memref_slice %arg10[%dma_start3A_525] : memref<3x!tpu.dma_semaphore, #tpu.memory_space<semaphore_mem>> -> memref<1x!tpu.dma_semaphore, #tpu.memory_space<semaphore_mem>>
      %dma_start3A_534 = tpu.memref_squeeze %dma_start3A_533 : memref<1x!tpu.dma_semaphore, #tpu.memory_space<semaphore_mem>> -> memref<!tpu.dma_semaphore, #tpu.memory_space<semaphore_mem>>
      %dma_start3A_535 = arith.constant 0 : i32
      %dma_start3A_536 = tpu.memref_slice %arg4[%mul3A_2, %add3A_498, %dma_start3A_535] : memref<4096x200x64xf32, #tpu.memory_space<hbm>> -> memref<128x1x64xf32, #tpu.memory_space<hbm>>
      %dma_start3A_537 = tpu.memref_squeeze %dma_start3A_536 : memref<128x1x64xf32, #tpu.memory_space<hbm>> -> memref<128x64xf32, #tpu.memory_space<hbm>>
      %dma_start3A_538 = arith.constant 0 : i32
      %dma_start3A_539 = arith.constant 0 : i32
      %dma_start3A_540 = tpu.memref_slice %arg8[%dma_start3A_524, %dma_start3A_538, %dma_start3A_539] : memref<3x128x64xf32, #tpu.memory_space<vmem>> -> memref<1x128x64xf32, #tpu.memory_space<vmem>>
      %dma_start3A_541 = tpu.memref_squeeze %dma_start3A_540 : memref<1x128x64xf32, #tpu.memory_space<vmem>> -> memref<128x64xf32, #tpu.memory_space<vmem>>
      tpu.enqueue_dma source(%dma_start3A_541 : memref<128x64xf32, #tpu.memory_space<vmem>>) target(%dma_start3A_537 : memref<128x64xf32, #tpu.memory_space<hbm>>) target_semaphore(%dma_start3A_534 : memref<!tpu.dma_semaphore, #tpu.memory_space<semaphore_mem>>)
      %add3A_542 = arith.constant 3 : i32
      %add3A_543 = arith.addi %add3A_498, %add3A_542 : i32
      %lt3A = arith.constant 200 : i32
      %lt3A_544 = arith.cmpi slt, %add3A_543, %lt3A : i32
      %convert_element_type3A_545 = arith.extui %lt3A_544 : i1 to i32
      %cond3A_546 = arith.constant 0 : i32
      %cond3A_547 = arith.cmpi ne, %convert_element_type3A_545, %cond3A_546 : i32
      scf.if %cond3A_547 {
        %add3A_663 = arith.constant 3 : i32
        %add3A_664 = arith.addi %add3A_498, %add3A_663 : i32
        %get3A_665 = arith.index_cast %add3A_664 : i32 to index
        %get3A_666 = arith.constant 0 : index
        %get3A_667 = tpu.vector_load %arg5[%get3A_665, %get3A_666] {strides = array<i32>} : memref<200x128xi32, #tpu.memory_space<vmem>>, vector<16xi32>,
        %shift_right_arithmetic3A_668 = arith.constant 1 : i32
        %shift_right_arithmetic3A_669 = vector.broadcast %shift_right_arithmetic3A_668 : i32 to vector<16xi32>
        %shift_right_arithmetic3A_670 = arith.shrsi %get3A_667, %shift_right_arithmetic3A_669 : vector<16xi32>
        %swap3A_671 = arith.constant 0 : i32
        %swap3A_672 = arith.index_cast %swap3A_671 : i32 to index
        %swap3A_673 = arith.constant 0 : index
        %swap3A_674 = tpu.vector_load %arg6[%swap3A_672, %swap3A_673] {strides = array<i32>} : memref<3x128xi32, #tpu.memory_space<vmem>>, vector<16xi32>,
        tpu.vector_store %arg6[%swap3A_672, %swap3A_673], %shift_right_arithmetic3A_670 {strides = array<i32>} : memref<3x128xi32, #tpu.memory_space<vmem>>, vector<16xi32>,
        %get3A_675 = arith.index_cast %add3A_664 : i32 to index
        %get3A_676 = arith.constant 16 : index
        %get3A_677 = tpu.vector_load %arg5[%get3A_675, %get3A_676] {strides = array<i32>} : memref<200x128xi32, #tpu.memory_space<vmem>>, vector<16xi32>,
        %shift_right_arithmetic3A_678 = arith.constant 1 : i32
        %shift_right_arithmetic3A_679 = vector.broadcast %shift_right_arithmetic3A_678 : i32 to vector<16xi32>
        %shift_right_arithmetic3A_680 = arith.shrsi %get3A_677, %shift_right_arithmetic3A_679 : vector<16xi32>
        %swap3A_681 = arith.constant 0 : i32
        %swap3A_682 = arith.index_cast %swap3A_681 : i32 to index
        %swap3A_683 = arith.constant 16 : index
        %swap3A_684 = tpu.vector_load %arg6[%swap3A_682, %swap3A_683] {strides = array<i32>} : memref<3x128xi32, #tpu.memory_space<vmem>>, vector<16xi32>,
        tpu.vector_store %arg6[%swap3A_682, %swap3A_683], %shift_right_arithmetic3A_680 {strides = array<i32>} : memref<3x128xi32, #tpu.memory_space<vmem>>, vector<16xi32>,
        %get3A_685 = arith.index_cast %add3A_664 : i32 to index
        %get3A_686 = arith.constant 32 : index
        %get3A_687 = tpu.vector_load %arg5[%get3A_685, %get3A_686] {strides = array<i32>} : memref<200x128xi32, #tpu.memory_space<vmem>>, vector<16xi32>,
        %shift_right_arithmetic3A_688 = arith.constant 1 : i32
        %shift_right_arithmetic3A_689 = vector.broadcast %shift_right_arithmetic3A_688 : i32 to vector<16xi32>
        %shift_right_arithmetic3A_690 = arith.shrsi %get3A_687, %shift_right_arithmetic3A_689 : vector<16xi32>
        %swap3A_691 = arith.constant 0 : i32
        %swap3A_692 = arith.index_cast %swap3A_691 : i32 to index
        %swap3A_693 = arith.constant 32 : index
        %swap3A_694 = tpu.vector_load %arg6[%swap3A_692, %swap3A_693] {strides = array<i32>} : memref<3x128xi32, #tpu.memory_space<vmem>>, vector<16xi32>,
        tpu.vector_store %arg6[%swap3A_692, %swap3A_693], %shift_right_arithmetic3A_690 {strides = array<i32>} : memref<3x128xi32, #tpu.memory_space<vmem>>, vector<16xi32>,
        %get3A_695 = arith.index_cast %add3A_664 : i32 to index
        %get3A_696 = arith.constant 48 : index
        %get3A_697 = tpu.vector_load %arg5[%get3A_695, %get3A_696] {strides = array<i32>} : memref<200x128xi32, #tpu.memory_space<vmem>>, vector<16xi32>,
        %shift_right_arithmetic3A_698 = arith.constant 1 : i32
        %shift_right_arithmetic3A_699 = vector.broadcast %shift_right_arithmetic3A_698 : i32 to vector<16xi32>
        %shift_right_arithmetic3A_700 = arith.shrsi %get3A_697, %shift_right_arithmetic3A_699 : vector<16xi32>
        %swap3A_701 = arith.constant 0 : i32
        %swap3A_702 = arith.index_cast %swap3A_701 : i32 to index
        %swap3A_703 = arith.constant 48 : index
        %swap3A_704 = tpu.vector_load %arg6[%swap3A_702, %swap3A_703] {strides = array<i32>} : memref<3x128xi32, #tpu.memory_space<vmem>>, vector<16xi32>,
        tpu.vector_store %arg6[%swap3A_702, %swap3A_703], %shift_right_arithmetic3A_700 {strides = array<i32>} : memref<3x128xi32, #tpu.memory_space<vmem>>, vector<16xi32>,
        %get3A_705 = arith.index_cast %add3A_664 : i32 to index
        %get3A_706 = arith.constant 64 : index
        %get3A_707 = tpu.vector_load %arg5[%get3A_705, %get3A_706] {strides = array<i32>} : memref<200x128xi32, #tpu.memory_space<vmem>>, vector<16xi32>,
        %shift_right_arithmetic3A_708 = arith.constant 1 : i32
        %shift_right_arithmetic3A_709 = vector.broadcast %shift_right_arithmetic3A_708 : i32 to vector<16xi32>
        %shift_right_arithmetic3A_710 = arith.shrsi %get3A_707, %shift_right_arithmetic3A_709 : vector<16xi32>
        %swap3A_711 = arith.constant 0 : i32
        %swap3A_712 = arith.index_cast %swap3A_711 : i32 to index
        %swap3A_713 = arith.constant 64 : index
        %swap3A_714 = tpu.vector_load %arg6[%swap3A_712, %swap3A_713] {strides = array<i32>} : memref<3x128xi32, #tpu.memory_space<vmem>>, vector<16xi32>,
        tpu.vector_store %arg6[%swap3A_712, %swap3A_713], %shift_right_arithmetic3A_710 {strides = array<i32>} : memref<3x128xi32, #tpu.memory_space<vmem>>, vector<16xi32>,
        %get3A_715 = arith.index_cast %add3A_664 : i32 to index
        %get3A_716 = arith.constant 80 : index
        %get3A_717 = tpu.vector_load %arg5[%get3A_715, %get3A_716] {strides = array<i32>} : memref<200x128xi32, #tpu.memory_space<vmem>>, vector<16xi32>,
        %shift_right_arithmetic3A_718 = arith.constant 1 : i32
        %shift_right_arithmetic3A_719 = vector.broadcast %shift_right_arithmetic3A_718 : i32 to vector<16xi32>
        %shift_right_arithmetic3A_720 = arith.shrsi %get3A_717, %shift_right_arithmetic3A_719 : vector<16xi32>
        %swap3A_721 = arith.constant 0 : i32
        %swap3A_722 = arith.index_cast %swap3A_721 : i32 to index
        %swap3A_723 = arith.constant 80 : index
        %swap3A_724 = tpu.vector_load %arg6[%swap3A_722, %swap3A_723] {strides = array<i32>} : memref<3x128xi32, #tpu.memory_space<vmem>>, vector<16xi32>,
        tpu.vector_store %arg6[%swap3A_722, %swap3A_723], %shift_right_arithmetic3A_720 {strides = array<i32>} : memref<3x128xi32, #tpu.memory_space<vmem>>, vector<16xi32>,
        %get3A_725 = arith.index_cast %add3A_664 : i32 to index
        %get3A_726 = arith.constant 96 : index
        %get3A_727 = tpu.vector_load %arg5[%get3A_725, %get3A_726] {strides = array<i32>} : memref<200x128xi32, #tpu.memory_space<vmem>>, vector<16xi32>,
        %shift_right_arithmetic3A_728 = arith.constant 1 : i32
        %shift_right_arithmetic3A_729 = vector.broadcast %shift_right_arithmetic3A_728 : i32 to vector<16xi32>
        %shift_right_arithmetic3A_730 = arith.shrsi %get3A_727, %shift_right_arithmetic3A_729 : vector<16xi32>
        %swap3A_731 = arith.constant 0 : i32
        %swap3A_732 = arith.index_cast %swap3A_731 : i32 to index
        %swap3A_733 = arith.constant 96 : index
        %swap3A_734 = tpu.vector_load %arg6[%swap3A_732, %swap3A_733] {strides = array<i32>} : memref<3x128xi32, #tpu.memory_space<vmem>>, vector<16xi32>,
        tpu.vector_store %arg6[%swap3A_732, %swap3A_733], %shift_right_arithmetic3A_730 {strides = array<i32>} : memref<3x128xi32, #tpu.memory_space<vmem>>, vector<16xi32>,
        %get3A_735 = arith.index_cast %add3A_664 : i32 to index
        %get3A_736 = arith.constant 112 : index
        %get3A_737 = tpu.vector_load %arg5[%get3A_735, %get3A_736] {strides = array<i32>} : memref<200x128xi32, #tpu.memory_space<vmem>>, vector<16xi32>,
        %shift_right_arithmetic3A_738 = arith.constant 1 : i32
        %shift_right_arithmetic3A_739 = vector.broadcast %shift_right_arithmetic3A_738 : i32 to vector<16xi32>
        %shift_right_arithmetic3A_740 = arith.shrsi %get3A_737, %shift_right_arithmetic3A_739 : vector<16xi32>
        %swap3A_741 = arith.constant 0 : i32
        %swap3A_742 = arith.index_cast %swap3A_741 : i32 to index
        %swap3A_743 = arith.constant 112 : index
        %swap3A_744 = tpu.vector_load %arg6[%swap3A_742, %swap3A_743] {strides = array<i32>} : memref<3x128xi32, #tpu.memory_space<vmem>>, vector<16xi32>,
        tpu.vector_store %arg6[%swap3A_742, %swap3A_743], %shift_right_arithmetic3A_740 {strides = array<i32>} : memref<3x128xi32, #tpu.memory_space<vmem>>, vector<16xi32>,
        %dma_start3A_745 = arith.constant 0 : i32
        %dma_start3A_746 = arith.constant 0 : i32
        %dma_start3A_747 = arith.constant 0 : i32
        %dma_start3A_748 = arith.constant 0 : i32
        %dma_start3A_749 = arith.constant 0 : i32
        %dma_start3A_750 = tpu.memref_slice %arg7[%dma_start3A_746, %dma_start3A_748, %dma_start3A_749] : memref<3x128x128xf32, #tpu.memory_space<vmem>> -> memref<1x128x128xf32, #tpu.memory_space<vmem>>
        %dma_start3A_751 = tpu.memref_squeeze %dma_start3A_750 : memref<1x128x128xf32, #tpu.memory_space<vmem>> -> memref<128x128xf32, #tpu.memory_space<vmem>>
        %dma_start3A_752 = arith.constant 0 : i32
        %dma_start3A_753 = tpu.memref_slice %arg6[%dma_start3A_745, %dma_start3A_752] : memref<3x128xi32, #tpu.memory_space<vmem>> -> memref<1x128xi32, #tpu.memory_space<vmem>>
        %dma_start3A_754 = tpu.memref_squeeze %dma_start3A_753 : memref<1x128xi32, #tpu.memory_space<vmem>> -> memref<128xi32, #tpu.memory_space<vmem>>
        %dma_start3A_755 = arith.constant 0 : i32
        %dma_start3A_756 = arith.constant 0 : i32
        %dma_start3A_757 = tpu.memref_slice %arg3[%dma_start3A_755, %dma_start3A_756] : memref<500000x128xf32, #tpu.memory_space<hbm>> -> memref<500000x128xf32, #tpu.memory_space<hbm>>
        %dma_start3A_758 = tpu.memref_slice %arg9[%dma_start3A_747] : memref<3x!tpu.dma_semaphore, #tpu.memory_space<semaphore_mem>> -> memref<1x!tpu.dma_semaphore, #tpu.memory_space<semaphore_mem>>
        %dma_start3A_759 = tpu.memref_squeeze %dma_start3A_758 : memref<1x!tpu.dma_semaphore, #tpu.memory_space<semaphore_mem>> -> memref<!tpu.dma_semaphore, #tpu.memory_space<semaphore_mem>>
        tpu.enqueue_indirect_dma source(%dma_start3A_757 : memref<500000x128xf32, #tpu.memory_space<hbm>>) target(%dma_start3A_751 : memref<128x128xf32, #tpu.memory_space<vmem>>) offsets(%dma_start3A_754 : memref<128xi32, #tpu.memory_space<vmem>>) semaphore(%dma_start3A_759 : memref<!tpu.dma_semaphore, #tpu.memory_space<semaphore_mem>>)
      } else {
      }
      %mul3A_548 = arith.constant 3 : i32
      %mul3A_549 = arith.muli %scan3A_493, %mul3A_548 : i32
      %add3A_550 = arith.constant 1 : i32
      %add3A_551 = arith.addi %mul3A_549, %add3A_550 : i32
      %dma_wait3A_552 = arith.constant 1 : i32
      %dma_wait3A_553 = arith.constant 1 : i32
      %dma_wait3A_554 = arith.constant 1 : i32
      %dma_wait3A_555 = arith.constant 0 : i32
      %dma_wait3A_556 = arith.constant 0 : i32
      %dma_wait3A_557 = tpu.memref_slice %arg7[%dma_wait3A_553, %dma_wait3A_555, %dma_wait3A_556] : memref<3x128x128xf32, #tpu.memory_space<vmem>> -> memref<1x128x128xf32, #tpu.memory_space<vmem>>
      %dma_wait3A_558 = tpu.memref_squeeze %dma_wait3A_557 : memref<1x128x128xf32, #tpu.memory_space<vmem>> -> memref<128x128xf32, #tpu.memory_space<vmem>>
      %dma_wait3A_559 = arith.constant 0 : i32
      %dma_wait3A_560 = tpu.memref_slice %arg6[%dma_wait3A_552, %dma_wait3A_559] : memref<3x128xi32, #tpu.memory_space<vmem>> -> memref<1x128xi32, #tpu.memory_space<vmem>>
      %dma_wait3A_561 = tpu.memref_squeeze %dma_wait3A_560 : memref<1x128xi32, #tpu.memory_space<vmem>> -> memref<128xi32, #tpu.memory_space<vmem>>
      %dma_wait3A_562 = arith.constant 0 : i32
      %dma_wait3A_563 = arith.constant 0 : i32
      %dma_wait3A_564 = tpu.memref_slice %arg3[%dma_wait3A_562, %dma_wait3A_563] : memref<500000x128xf32, #tpu.memory_space<hbm>> -> memref<500000x128xf32, #tpu.memory_space<hbm>>
      %dma_wait3A_565 = tpu.memref_slice %arg9[%dma_wait3A_554] : memref<3x!tpu.dma_semaphore, #tpu.memory_space<semaphore_mem>> -> memref<1x!tpu.dma_semaphore, #tpu.memory_space<semaphore_mem>>
      %dma_wait3A_566 = tpu.memref_squeeze %dma_wait3A_565 : memref<1x!tpu.dma_semaphore, #tpu.memory_space<semaphore_mem>> -> memref<!tpu.dma_semaphore, #tpu.memory_space<semaphore_mem>>
      tpu.wait_indirect_dma semaphore(%dma_wait3A_566 : memref<!tpu.dma_semaphore, #tpu.memory_space<semaphore_mem>>) src(%dma_wait3A_564 : memref<500000x128xf32, #tpu.memory_space<hbm>>) dst(%dma_wait3A_558 : memref<128x128xf32, #tpu.memory_space<vmem>>)
      %gt3A_567 = arith.constant 0 : i32
      %gt3A_568 = arith.cmpi sgt, %scan3A_493, %gt3A_567 : i32
      %convert_element_type3A_569 = arith.extui %gt3A_568 : i1 to i32
      %cond3A_570 = arith.constant 0 : i32
      %cond3A_571 = arith.cmpi ne, %convert_element_type3A_569, %cond3A_570 : i32
      scf.if %cond3A_571 {
        %dma_wait3A_663 = arith.constant 1 : i32
        %dma_wait3A_664 = arith.constant 0 : i32
        %dma_wait3A_665 = arith.constant 1 : i32
        %dma_wait3A_666 = arith.constant 0 : i32
        %dma_wait3A_667 = arith.constant 0 : i32
        %dma_wait3A_668 = tpu.memref_slice %arg8[%dma_wait3A_663, %dma_wait3A_666, %dma_wait3A_667] : memref<3x128x64xf32, #tpu.memory_space<vmem>> -> memref<1x128x64xf32, #tpu.memory_space<vmem>>
        %dma_wait3A_669 = tpu.memref_squeeze %dma_wait3A_668 : memref<1x128x64xf32, #tpu.memory_space<vmem>> -> memref<128x64xf32, #tpu.memory_space<vmem>>
        %dma_wait3A_670 = arith.constant 0 : i32
        %dma_wait3A_671 = tpu.memref_slice %arg4[%mul3A_2, %dma_wait3A_664, %dma_wait3A_670] : memref<4096x200x64xf32, #tpu.memory_space<hbm>> -> memref<128x1x64xf32, #tpu.memory_space<hbm>>
        %dma_wait3A_672 = tpu.memref_squeeze %dma_wait3A_671 : memref<128x1x64xf32, #tpu.memory_space<hbm>> -> memref<128x64xf32, #tpu.memory_space<hbm>>
        %dma_wait3A_673 = tpu.memref_slice %arg10[%dma_wait3A_665] : memref<3x!tpu.dma_semaphore, #tpu.memory_space<semaphore_mem>> -> memref<1x!tpu.dma_semaphore, #tpu.memory_space<semaphore_mem>>
        %dma_wait3A_674 = tpu.memref_squeeze %dma_wait3A_673 : memref<1x!tpu.dma_semaphore, #tpu.memory_space<semaphore_mem>> -> memref<!tpu.dma_semaphore, #tpu.memory_space<semaphore_mem>>
        %dma_wait3A_675 = arith.constant 0 : i32
        %dma_wait3A_676 = tpu.memref_slice %arg4[%mul3A_2, %dma_wait3A_664, %dma_wait3A_675] : memref<4096x200x64xf32, #tpu.memory_space<hbm>> -> memref<128x1x64xf32, #tpu.memory_space<hbm>>
        %dma_wait3A_677 = tpu.memref_squeeze %dma_wait3A_676 : memref<128x1x64xf32, #tpu.memory_space<hbm>> -> memref<128x64xf32, #tpu.memory_space<hbm>>
        %dma_wait3A_678 = arith.constant 0 : i32
        %dma_wait3A_679 = arith.constant 0 : i32
        %dma_wait3A_680 = tpu.memref_slice %arg8[%dma_wait3A_663, %dma_wait3A_678, %dma_wait3A_679] : memref<3x128x64xf32, #tpu.memory_space<vmem>> -> memref<1x128x64xf32, #tpu.memory_space<vmem>>
        %dma_wait3A_681 = tpu.memref_squeeze %dma_wait3A_680 : memref<1x128x64xf32, #tpu.memory_space<vmem>> -> memref<128x64xf32, #tpu.memory_space<vmem>>
        tpu.wait_dma2 semaphore(%dma_wait3A_674 : memref<!tpu.dma_semaphore, #tpu.memory_space<semaphore_mem>>) src(%dma_wait3A_681 : memref<128x64xf32, #tpu.memory_space<vmem>>) dst(%dma_wait3A_677 : memref<128x64xf32, #tpu.memory_space<hbm>>)
      } else {
      }
      %broadcast_in_dim3A_572 = vector.broadcast %add3A_551 : i32 to vector<16xi32>
      %scan3A_573 = arith.constant 0 : i32
      %scan3A_574 = arith.constant 0 : i32
      %scan3A_575 = arith.constant 128 : i32
      %scan3A_576 = arith.addi %scan3A_574, %scan3A_575 : i32
      %scan3A_577 = arith.constant 8 : i32
      %scan3A_578 = scf.for %scan3A_663 = %scan3A_574 to %scan3A_576 step %scan3A_577 iter_args(%scan3A_664 = %scan3A_573) -> (i32)  : i32 {
        %broadcast_in_dim3A_665 = vector.broadcast %scan3A_663 : i32 to vector<16xi32>
        %gather3A = tpu.vector_load_idx %arg5[%broadcast_in_dim3A_572, %broadcast_in_dim3A_665] : memref<200x128xi32, #tpu.memory_space<vmem>>[vector<16xi32>, vector<16xi32>], vector<16xi32>,
        %and3A = arith.constant 1 : i32
        %and3A_666 = vector.broadcast %and3A : i32 to vector<16xi32>
        %and3A_667 = arith.andi %gather3A, %and3A_666 : vector<16xi32>
        %eq3A = arith.constant 1 : i32
        %eq3A_668 = vector.broadcast %eq3A : i32 to vector<16xi32>
        %eq3A_669 = arith.cmpi eq, %and3A_667, %eq3A_668 : vector<16xi32>
        %get3A_670 = arith.constant 1 : i32
        %get3A_671 = arith.index_cast %get3A_670 : i32 to index
        %get3A_672 = arith.index_cast %scan3A_663 : i32 to index
        %get3A_673 = arith.constant 0 : index
        %get3A_674 = tpu.vector_load %arg7[%get3A_671, %get3A_672, %get3A_673] {strides = array<i32>} : memref<3x128x128xf32, #tpu.memory_space<vmem>>, vector<16xf32>,
        %get3A_675 = arith.constant 1 : i32
        %get3A_676 = arith.index_cast %get3A_675 : i32 to index
        %get3A_677 = arith.index_cast %scan3A_663 : i32 to index
        %get3A_678 = arith.constant 64 : index
        %get3A_679 = tpu.vector_load %arg7[%get3A_676, %get3A_677, %get3A_678] {strides = array<i32>} : memref<3x128x128xf32, #tpu.memory_space<vmem>>, vector<16xf32>,
        %select_n3A = arith.select %eq3A_669, %get3A_679, %get3A_674 : vector<16xi1>, vector<16xf32>
        %mul3A_680 = arith.constant 8.000000e+00 : f32
        %mul3A_681 = vector.broadcast %mul3A_680 : f32 to vector<16xf32>
        %mul3A_682 = arith.mulf %select_n3A, %mul3A_681 : vector<16xf32>
        %swap3A_683 = arith.constant 1 : i32
        %swap3A_684 = arith.index_cast %swap3A_683 : i32 to index
        %swap3A_685 = arith.index_cast %scan3A_663 : i32 to index
        %swap3A_686 = arith.constant 0 : index
        %swap3A_687 = tpu.vector_load %arg8[%swap3A_684, %swap3A_685, %swap3A_686] {strides = array<i32>} : memref<3x128x64xf32, #tpu.memory_space<vmem>>, vector<16xf32>,
        tpu.vector_store %arg8[%swap3A_684, %swap3A_685, %swap3A_686], %mul3A_682 {strides = array<i32>} : memref<3x128x64xf32, #tpu.memory_space<vmem>>, vector<16xf32>,
        %get3A_688 = arith.constant 1 : i32
        %get3A_689 = arith.index_cast %get3A_688 : i32 to index
        %get3A_690 = arith.index_cast %scan3A_663 : i32 to index
        %get3A_691 = arith.constant 16 : index
        %get3A_692 = tpu.vector_load %arg7[%get3A_689, %get3A_690, %get3A_691] {strides = array<i32>} : memref<3x128x128xf32, #tpu.memory_space<vmem>>, vector<16xf32>,
        %get3A_693 = arith.constant 1 : i32
        %get3A_694 = arith.index_cast %get3A_693 : i32 to index
        %get3A_695 = arith.index_cast %scan3A_663 : i32 to index
        %get3A_696 = arith.constant 80 : index
        %get3A_697 = tpu.vector_load %arg7[%get3A_694, %get3A_695, %get3A_696] {strides = array<i32>} : memref<3x128x128xf32, #tpu.memory_space<vmem>>, vector<16xf32>,
        %select_n3A_698 = arith.select %eq3A_669, %get3A_697, %get3A_692 : vector<16xi1>, vector<16xf32>
        %mul3A_699 = arith.constant 8.000000e+00 : f32
        %mul3A_700 = vector.broadcast %mul3A_699 : f32 to vector<16xf32>
        %mul3A_701 = arith.mulf %select_n3A_698, %mul3A_700 : vector<16xf32>
        %swap3A_702 = arith.constant 1 : i32
        %swap3A_703 = arith.index_cast %swap3A_702 : i32 to index
        %swap3A_704 = arith.index_cast %scan3A_663 : i32 to index
        %swap3A_705 = arith.constant 16 : index
        %swap3A_706 = tpu.vector_load %arg8[%swap3A_703, %swap3A_704, %swap3A_705] {strides = array<i32>} : memref<3x128x64xf32, #tpu.memory_space<vmem>>, vector<16xf32>,
        tpu.vector_store %arg8[%swap3A_703, %swap3A_704, %swap3A_705], %mul3A_701 {strides = array<i32>} : memref<3x128x64xf32, #tpu.memory_space<vmem>>, vector<16xf32>,
        %get3A_707 = arith.constant 1 : i32
        %get3A_708 = arith.index_cast %get3A_707 : i32 to index
        %get3A_709 = arith.index_cast %scan3A_663 : i32 to index
        %get3A_710 = arith.constant 32 : index
        %get3A_711 = tpu.vector_load %arg7[%get3A_708, %get3A_709, %get3A_710] {strides = array<i32>} : memref<3x128x128xf32, #tpu.memory_space<vmem>>, vector<16xf32>,
        %get3A_712 = arith.constant 1 : i32
        %get3A_713 = arith.index_cast %get3A_712 : i32 to index
        %get3A_714 = arith.index_cast %scan3A_663 : i32 to index
        %get3A_715 = arith.constant 96 : index
        %get3A_716 = tpu.vector_load %arg7[%get3A_713, %get3A_714, %get3A_715] {strides = array<i32>} : memref<3x128x128xf32, #tpu.memory_space<vmem>>, vector<16xf32>,
        %select_n3A_717 = arith.select %eq3A_669, %get3A_716, %get3A_711 : vector<16xi1>, vector<16xf32>
        %mul3A_718 = arith.constant 8.000000e+00 : f32
        %mul3A_719 = vector.broadcast %mul3A_718 : f32 to vector<16xf32>
        %mul3A_720 = arith.mulf %select_n3A_717, %mul3A_719 : vector<16xf32>
        %swap3A_721 = arith.constant 1 : i32
        %swap3A_722 = arith.index_cast %swap3A_721 : i32 to index
        %swap3A_723 = arith.index_cast %scan3A_663 : i32 to index
        %swap3A_724 = arith.constant 32 : index
        %swap3A_725 = tpu.vector_load %arg8[%swap3A_722, %swap3A_723, %swap3A_724] {strides = array<i32>} : memref<3x128x64xf32, #tpu.memory_space<vmem>>, vector<16xf32>,
        tpu.vector_store %arg8[%swap3A_722, %swap3A_723, %swap3A_724], %mul3A_720 {strides = array<i32>} : memref<3x128x64xf32, #tpu.memory_space<vmem>>, vector<16xf32>,
        %get3A_726 = arith.constant 1 : i32
        %get3A_727 = arith.index_cast %get3A_726 : i32 to index
        %get3A_728 = arith.index_cast %scan3A_663 : i32 to index
        %get3A_729 = arith.constant 48 : index
        %get3A_730 = tpu.vector_load %arg7[%get3A_727, %get3A_728, %get3A_729] {strides = array<i32>} : memref<3x128x128xf32, #tpu.memory_space<vmem>>, vector<16xf32>,
        %get3A_731 = arith.constant 1 : i32
        %get3A_732 = arith.index_cast %get3A_731 : i32 to index
        %get3A_733 = arith.index_cast %scan3A_663 : i32 to index
        %get3A_734 = arith.constant 112 : index
        %get3A_735 = tpu.vector_load %arg7[%get3A_732, %get3A_733, %get3A_734] {strides = array<i32>} : memref<3x128x128xf32, #tpu.memory_space<vmem>>, vector<16xf32>,
        %select_n3A_736 = arith.select %eq3A_669, %get3A_735, %get3A_730 : vector<16xi1>, vector<16xf32>
        %mul3A_737 = arith.constant 8.000000e+00 : f32
        %mul3A_738 = vector.broadcast %mul3A_737 : f32 to vector<16xf32>
        %mul3A_739 = arith.mulf %select_n3A_736, %mul3A_738 : vector<16xf32>
        %swap3A_740 = arith.constant 1 : i32
        %swap3A_741 = arith.index_cast %swap3A_740 : i32 to index
        %swap3A_742 = arith.index_cast %scan3A_663 : i32 to index
        %swap3A_743 = arith.constant 48 : index
        %swap3A_744 = tpu.vector_load %arg8[%swap3A_741, %swap3A_742, %swap3A_743] {strides = array<i32>} : memref<3x128x64xf32, #tpu.memory_space<vmem>>, vector<16xf32>,
        tpu.vector_store %arg8[%swap3A_741, %swap3A_742, %swap3A_743], %mul3A_739 {strides = array<i32>} : memref<3x128x64xf32, #tpu.memory_space<vmem>>, vector<16xf32>,
        %scan3A_745 = arith.constant 0 : i32
        %scan3A_746 = arith.constant 1 : i32
        %scan3A_747 = arith.addi %scan3A_663, %scan3A_746 : i32
        %broadcast_in_dim3A_748 = vector.broadcast %scan3A_747 : i32 to vector<16xi32>
        %gather3A_749 = tpu.vector_load_idx %arg5[%broadcast_in_dim3A_572, %broadcast_in_dim3A_748] : memref<200x128xi32, #tpu.memory_space<vmem>>[vector<16xi32>, vector<16xi32>], vector<16xi32>,
        %and3A_750 = arith.constant 1 : i32
        %and3A_751 = vector.broadcast %and3A_750 : i32 to vector<16xi32>
        %and3A_752 = arith.andi %gather3A_749, %and3A_751 : vector<16xi32>
        %eq3A_753 = arith.constant 1 : i32
        %eq3A_754 = vector.broadcast %eq3A_753 : i32 to vector<16xi32>
        %eq3A_755 = arith.cmpi eq, %and3A_752, %eq3A_754 : vector<16xi32>
        %get3A_756 = arith.constant 1 : i32
        %get3A_757 = arith.index_cast %get3A_756 : i32 to index
        %get3A_758 = arith.index_cast %scan3A_747 : i32 to index
        %get3A_759 = arith.constant 0 : index
        %get3A_760 = tpu.vector_load %arg7[%get3A_757, %get3A_758, %get3A_759] {strides = array<i32>} : memref<3x128x128xf32, #tpu.memory_space<vmem>>, vector<16xf32>,
        %get3A_761 = arith.constant 1 : i32
        %get3A_762 = arith.index_cast %get3A_761 : i32 to index
        %get3A_763 = arith.index_cast %scan3A_747 : i32 to index
        %get3A_764 = arith.constant 64 : index
        %get3A_765 = tpu.vector_load %arg7[%get3A_762, %get3A_763, %get3A_764] {strides = array<i32>} : memref<3x128x128xf32, #tpu.memory_space<vmem>>, vector<16xf32>,
        %select_n3A_766 = arith.select %eq3A_755, %get3A_765, %get3A_760 : vector<16xi1>, vector<16xf32>
        %mul3A_767 = arith.constant 8.000000e+00 : f32
        %mul3A_768 = vector.broadcast %mul3A_767 : f32 to vector<16xf32>
        %mul3A_769 = arith.mulf %select_n3A_766, %mul3A_768 : vector<16xf32>
        %swap3A_770 = arith.constant 1 : i32
        %swap3A_771 = arith.index_cast %swap3A_770 : i32 to index
        %swap3A_772 = arith.index_cast %scan3A_747 : i32 to index
        %swap3A_773 = arith.constant 0 : index
        %swap3A_774 = tpu.vector_load %arg8[%swap3A_771, %swap3A_772, %swap3A_773] {strides = array<i32>} : memref<3x128x64xf32, #tpu.memory_space<vmem>>, vector<16xf32>,
        tpu.vector_store %arg8[%swap3A_771, %swap3A_772, %swap3A_773], %mul3A_769 {strides = array<i32>} : memref<3x128x64xf32, #tpu.memory_space<vmem>>, vector<16xf32>,
        %get3A_775 = arith.constant 1 : i32
        %get3A_776 = arith.index_cast %get3A_775 : i32 to index
        %get3A_777 = arith.index_cast %scan3A_747 : i32 to index
        %get3A_778 = arith.constant 16 : index
        %get3A_779 = tpu.vector_load %arg7[%get3A_776, %get3A_777, %get3A_778] {strides = array<i32>} : memref<3x128x128xf32, #tpu.memory_space<vmem>>, vector<16xf32>,
        %get3A_780 = arith.constant 1 : i32
        %get3A_781 = arith.index_cast %get3A_780 : i32 to index
        %get3A_782 = arith.index_cast %scan3A_747 : i32 to index
        %get3A_783 = arith.constant 80 : index
        %get3A_784 = tpu.vector_load %arg7[%get3A_781, %get3A_782, %get3A_783] {strides = array<i32>} : memref<3x128x128xf32, #tpu.memory_space<vmem>>, vector<16xf32>,
        %select_n3A_785 = arith.select %eq3A_755, %get3A_784, %get3A_779 : vector<16xi1>, vector<16xf32>
        %mul3A_786 = arith.constant 8.000000e+00 : f32
        %mul3A_787 = vector.broadcast %mul3A_786 : f32 to vector<16xf32>
        %mul3A_788 = arith.mulf %select_n3A_785, %mul3A_787 : vector<16xf32>
        %swap3A_789 = arith.constant 1 : i32
        %swap3A_790 = arith.index_cast %swap3A_789 : i32 to index
        %swap3A_791 = arith.index_cast %scan3A_747 : i32 to index
        %swap3A_792 = arith.constant 16 : index
        %swap3A_793 = tpu.vector_load %arg8[%swap3A_790, %swap3A_791, %swap3A_792] {strides = array<i32>} : memref<3x128x64xf32, #tpu.memory_space<vmem>>, vector<16xf32>,
        tpu.vector_store %arg8[%swap3A_790, %swap3A_791, %swap3A_792], %mul3A_788 {strides = array<i32>} : memref<3x128x64xf32, #tpu.memory_space<vmem>>, vector<16xf32>,
        %get3A_794 = arith.constant 1 : i32
        %get3A_795 = arith.index_cast %get3A_794 : i32 to index
        %get3A_796 = arith.index_cast %scan3A_747 : i32 to index
        %get3A_797 = arith.constant 32 : index
        %get3A_798 = tpu.vector_load %arg7[%get3A_795, %get3A_796, %get3A_797] {strides = array<i32>} : memref<3x128x128xf32, #tpu.memory_space<vmem>>, vector<16xf32>,
        %get3A_799 = arith.constant 1 : i32
        %get3A_800 = arith.index_cast %get3A_799 : i32 to index
        %get3A_801 = arith.index_cast %scan3A_747 : i32 to index
        %get3A_802 = arith.constant 96 : index
        %get3A_803 = tpu.vector_load %arg7[%get3A_800, %get3A_801, %get3A_802] {strides = array<i32>} : memref<3x128x128xf32, #tpu.memory_space<vmem>>, vector<16xf32>,
        %select_n3A_804 = arith.select %eq3A_755, %get3A_803, %get3A_798 : vector<16xi1>, vector<16xf32>
        %mul3A_805 = arith.constant 8.000000e+00 : f32
        %mul3A_806 = vector.broadcast %mul3A_805 : f32 to vector<16xf32>
        %mul3A_807 = arith.mulf %select_n3A_804, %mul3A_806 : vector<16xf32>
        %swap3A_808 = arith.constant 1 : i32
        %swap3A_809 = arith.index_cast %swap3A_808 : i32 to index
        %swap3A_810 = arith.index_cast %scan3A_747 : i32 to index
        %swap3A_811 = arith.constant 32 : index
        %swap3A_812 = tpu.vector_load %arg8[%swap3A_809, %swap3A_810, %swap3A_811] {strides = array<i32>} : memref<3x128x64xf32, #tpu.memory_space<vmem>>, vector<16xf32>,
        tpu.vector_store %arg8[%swap3A_809, %swap3A_810, %swap3A_811], %mul3A_807 {strides = array<i32>} : memref<3x128x64xf32, #tpu.memory_space<vmem>>, vector<16xf32>,
        %get3A_813 = arith.constant 1 : i32
        %get3A_814 = arith.index_cast %get3A_813 : i32 to index
        %get3A_815 = arith.index_cast %scan3A_747 : i32 to index
        %get3A_816 = arith.constant 48 : index
        %get3A_817 = tpu.vector_load %arg7[%get3A_814, %get3A_815, %get3A_816] {strides = array<i32>} : memref<3x128x128xf32, #tpu.memory_space<vmem>>, vector<16xf32>,
        %get3A_818 = arith.constant 1 : i32
        %get3A_819 = arith.index_cast %get3A_818 : i32 to index
        %get3A_820 = arith.index_cast %scan3A_747 : i32 to index
        %get3A_821 = arith.constant 112 : index
        %get3A_822 = tpu.vector_load %arg7[%get3A_819, %get3A_820, %get3A_821] {strides = array<i32>} : memref<3x128x128xf32, #tpu.memory_space<vmem>>, vector<16xf32>,
        %select_n3A_823 = arith.select %eq3A_755, %get3A_822, %get3A_817 : vector<16xi1>, vector<16xf32>
        %mul3A_824 = arith.constant 8.000000e+00 : f32
        %mul3A_825 = vector.broadcast %mul3A_824 : f32 to vector<16xf32>
        %mul3A_826 = arith.mulf %select_n3A_823, %mul3A_825 : vector<16xf32>
        %swap3A_827 = arith.constant 1 : i32
        %swap3A_828 = arith.index_cast %swap3A_827 : i32 to index
        %swap3A_829 = arith.index_cast %scan3A_747 : i32 to index
        %swap3A_830 = arith.constant 48 : index
        %swap3A_831 = tpu.vector_load %arg8[%swap3A_828, %swap3A_829, %swap3A_830] {strides = array<i32>} : memref<3x128x64xf32, #tpu.memory_space<vmem>>, vector<16xf32>,
        tpu.vector_store %arg8[%swap3A_828, %swap3A_829, %swap3A_830], %mul3A_826 {strides = array<i32>} : memref<3x128x64xf32, #tpu.memory_space<vmem>>, vector<16xf32>,
        %scan3A_832 = arith.constant 0 : i32
        %scan3A_833 = arith.constant 2 : i32
        %scan3A_834 = arith.addi %scan3A_663, %scan3A_833 : i32
        %broadcast_in_dim3A_835 = vector.broadcast %scan3A_834 : i32 to vector<16xi32>
        %gather3A_836 = tpu.vector_load_idx %arg5[%broadcast_in_dim3A_572, %broadcast_in_dim3A_835] : memref<200x128xi32, #tpu.memory_space<vmem>>[vector<16xi32>, vector<16xi32>], vector<16xi32>,
        %and3A_837 = arith.constant 1 : i32
        %and3A_838 = vector.broadcast %and3A_837 : i32 to vector<16xi32>
        %and3A_839 = arith.andi %gather3A_836, %and3A_838 : vector<16xi32>
        %eq3A_840 = arith.constant 1 : i32
        %eq3A_841 = vector.broadcast %eq3A_840 : i32 to vector<16xi32>
        %eq3A_842 = arith.cmpi eq, %and3A_839, %eq3A_841 : vector<16xi32>
        %get3A_843 = arith.constant 1 : i32
        %get3A_844 = arith.index_cast %get3A_843 : i32 to index
        %get3A_845 = arith.index_cast %scan3A_834 : i32 to index
        %get3A_846 = arith.constant 0 : index
        %get3A_847 = tpu.vector_load %arg7[%get3A_844, %get3A_845, %get3A_846] {strides = array<i32>} : memref<3x128x128xf32, #tpu.memory_space<vmem>>, vector<16xf32>,
        %get3A_848 = arith.constant 1 : i32
        %get3A_849 = arith.index_cast %get3A_848 : i32 to index
        %get3A_850 = arith.index_cast %scan3A_834 : i32 to index
        %get3A_851 = arith.constant 64 : index
        %get3A_852 = tpu.vector_load %arg7[%get3A_849, %get3A_850, %get3A_851] {strides = array<i32>} : memref<3x128x128xf32, #tpu.memory_space<vmem>>, vector<16xf32>,
        %select_n3A_853 = arith.select %eq3A_842, %get3A_852, %get3A_847 : vector<16xi1>, vector<16xf32>
        %mul3A_854 = arith.constant 8.000000e+00 : f32
        %mul3A_855 = vector.broadcast %mul3A_854 : f32 to vector<16xf32>
        %mul3A_856 = arith.mulf %select_n3A_853, %mul3A_855 : vector<16xf32>
        %swap3A_857 = arith.constant 1 : i32
        %swap3A_858 = arith.index_cast %swap3A_857 : i32 to index
        %swap3A_859 = arith.index_cast %scan3A_834 : i32 to index
        %swap3A_860 = arith.constant 0 : index
        %swap3A_861 = tpu.vector_load %arg8[%swap3A_858, %swap3A_859, %swap3A_860] {strides = array<i32>} : memref<3x128x64xf32, #tpu.memory_space<vmem>>, vector<16xf32>,
        tpu.vector_store %arg8[%swap3A_858, %swap3A_859, %swap3A_860], %mul3A_856 {strides = array<i32>} : memref<3x128x64xf32, #tpu.memory_space<vmem>>, vector<16xf32>,
        %get3A_862 = arith.constant 1 : i32
        %get3A_863 = arith.index_cast %get3A_862 : i32 to index
        %get3A_864 = arith.index_cast %scan3A_834 : i32 to index
        %get3A_865 = arith.constant 16 : index
        %get3A_866 = tpu.vector_load %arg7[%get3A_863, %get3A_864, %get3A_865] {strides = array<i32>} : memref<3x128x128xf32, #tpu.memory_space<vmem>>, vector<16xf32>,
        %get3A_867 = arith.constant 1 : i32
        %get3A_868 = arith.index_cast %get3A_867 : i32 to index
        %get3A_869 = arith.index_cast %scan3A_834 : i32 to index
        %get3A_870 = arith.constant 80 : index
        %get3A_871 = tpu.vector_load %arg7[%get3A_868, %get3A_869, %get3A_870] {strides = array<i32>} : memref<3x128x128xf32, #tpu.memory_space<vmem>>, vector<16xf32>,
        %select_n3A_872 = arith.select %eq3A_842, %get3A_871, %get3A_866 : vector<16xi1>, vector<16xf32>
        %mul3A_873 = arith.constant 8.000000e+00 : f32
        %mul3A_874 = vector.broadcast %mul3A_873 : f32 to vector<16xf32>
        %mul3A_875 = arith.mulf %select_n3A_872, %mul3A_874 : vector<16xf32>
        %swap3A_876 = arith.constant 1 : i32
        %swap3A_877 = arith.index_cast %swap3A_876 : i32 to index
        %swap3A_878 = arith.index_cast %scan3A_834 : i32 to index
        %swap3A_879 = arith.constant 16 : index
        %swap3A_880 = tpu.vector_load %arg8[%swap3A_877, %swap3A_878, %swap3A_879] {strides = array<i32>} : memref<3x128x64xf32, #tpu.memory_space<vmem>>, vector<16xf32>,
        tpu.vector_store %arg8[%swap3A_877, %swap3A_878, %swap3A_879], %mul3A_875 {strides = array<i32>} : memref<3x128x64xf32, #tpu.memory_space<vmem>>, vector<16xf32>,
        %get3A_881 = arith.constant 1 : i32
        %get3A_882 = arith.index_cast %get3A_881 : i32 to index
        %get3A_883 = arith.index_cast %scan3A_834 : i32 to index
        %get3A_884 = arith.constant 32 : index
        %get3A_885 = tpu.vector_load %arg7[%get3A_882, %get3A_883, %get3A_884] {strides = array<i32>} : memref<3x128x128xf32, #tpu.memory_space<vmem>>, vector<16xf32>,
        %get3A_886 = arith.constant 1 : i32
        %get3A_887 = arith.index_cast %get3A_886 : i32 to index
        %get3A_888 = arith.index_cast %scan3A_834 : i32 to index
        %get3A_889 = arith.constant 96 : index
        %get3A_890 = tpu.vector_load %arg7[%get3A_887, %get3A_888, %get3A_889] {strides = array<i32>} : memref<3x128x128xf32, #tpu.memory_space<vmem>>, vector<16xf32>,
        %select_n3A_891 = arith.select %eq3A_842, %get3A_890, %get3A_885 : vector<16xi1>, vector<16xf32>
        %mul3A_892 = arith.constant 8.000000e+00 : f32
        %mul3A_893 = vector.broadcast %mul3A_892 : f32 to vector<16xf32>
        %mul3A_894 = arith.mulf %select_n3A_891, %mul3A_893 : vector<16xf32>
        %swap3A_895 = arith.constant 1 : i32
        %swap3A_896 = arith.index_cast %swap3A_895 : i32 to index
        %swap3A_897 = arith.index_cast %scan3A_834 : i32 to index
        %swap3A_898 = arith.constant 32 : index
        %swap3A_899 = tpu.vector_load %arg8[%swap3A_896, %swap3A_897, %swap3A_898] {strides = array<i32>} : memref<3x128x64xf32, #tpu.memory_space<vmem>>, vector<16xf32>,
        tpu.vector_store %arg8[%swap3A_896, %swap3A_897, %swap3A_898], %mul3A_894 {strides = array<i32>} : memref<3x128x64xf32, #tpu.memory_space<vmem>>, vector<16xf32>,
        %get3A_900 = arith.constant 1 : i32
        %get3A_901 = arith.index_cast %get3A_900 : i32 to index
        %get3A_902 = arith.index_cast %scan3A_834 : i32 to index
        %get3A_903 = arith.constant 48 : index
        %get3A_904 = tpu.vector_load %arg7[%get3A_901, %get3A_902, %get3A_903] {strides = array<i32>} : memref<3x128x128xf32, #tpu.memory_space<vmem>>, vector<16xf32>,
        %get3A_905 = arith.constant 1 : i32
        %get3A_906 = arith.index_cast %get3A_905 : i32 to index
        %get3A_907 = arith.index_cast %scan3A_834 : i32 to index
        %get3A_908 = arith.constant 112 : index
        %get3A_909 = tpu.vector_load %arg7[%get3A_906, %get3A_907, %get3A_908] {strides = array<i32>} : memref<3x128x128xf32, #tpu.memory_space<vmem>>, vector<16xf32>,
        %select_n3A_910 = arith.select %eq3A_842, %get3A_909, %get3A_904 : vector<16xi1>, vector<16xf32>
        %mul3A_911 = arith.constant 8.000000e+00 : f32
        %mul3A_912 = vector.broadcast %mul3A_911 : f32 to vector<16xf32>
        %mul3A_913 = arith.mulf %select_n3A_910, %mul3A_912 : vector<16xf32>
        %swap3A_914 = arith.constant 1 : i32
        %swap3A_915 = arith.index_cast %swap3A_914 : i32 to index
        %swap3A_916 = arith.index_cast %scan3A_834 : i32 to index
        %swap3A_917 = arith.constant 48 : index
        %swap3A_918 = tpu.vector_load %arg8[%swap3A_915, %swap3A_916, %swap3A_917] {strides = array<i32>} : memref<3x128x64xf32, #tpu.memory_space<vmem>>, vector<16xf32>,
        tpu.vector_store %arg8[%swap3A_915, %swap3A_916, %swap3A_917], %mul3A_913 {strides = array<i32>} : memref<3x128x64xf32, #tpu.memory_space<vmem>>, vector<16xf32>,
        %scan3A_919 = arith.constant 0 : i32
        %scan3A_920 = arith.constant 3 : i32
        %scan3A_921 = arith.addi %scan3A_663, %scan3A_920 : i32
        %broadcast_in_dim3A_922 = vector.broadcast %scan3A_921 : i32 to vector<16xi32>
        %gather3A_923 = tpu.vector_load_idx %arg5[%broadcast_in_dim3A_572, %broadcast_in_dim3A_922] : memref<200x128xi32, #tpu.memory_space<vmem>>[vector<16xi32>, vector<16xi32>], vector<16xi32>,
        %and3A_924 = arith.constant 1 : i32
        %and3A_925 = vector.broadcast %and3A_924 : i32 to vector<16xi32>
        %and3A_926 = arith.andi %gather3A_923, %and3A_925 : vector<16xi32>
        %eq3A_927 = arith.constant 1 : i32
        %eq3A_928 = vector.broadcast %eq3A_927 : i32 to vector<16xi32>
        %eq3A_929 = arith.cmpi eq, %and3A_926, %eq3A_928 : vector<16xi32>
        %get3A_930 = arith.constant 1 : i32
        %get3A_931 = arith.index_cast %get3A_930 : i32 to index
        %get3A_932 = arith.index_cast %scan3A_921 : i32 to index
        %get3A_933 = arith.constant 0 : index
        %get3A_934 = tpu.vector_load %arg7[%get3A_931, %get3A_932, %get3A_933] {strides = array<i32>} : memref<3x128x128xf32, #tpu.memory_space<vmem>>, vector<16xf32>,
        %get3A_935 = arith.constant 1 : i32
        %get3A_936 = arith.index_cast %get3A_935 : i32 to index
        %get3A_937 = arith.index_cast %scan3A_921 : i32 to index
        %get3A_938 = arith.constant 64 : index
        %get3A_939 = tpu.vector_load %arg7[%get3A_936, %get3A_937, %get3A_938] {strides = array<i32>} : memref<3x128x128xf32, #tpu.memory_space<vmem>>, vector<16xf32>,
        %select_n3A_940 = arith.select %eq3A_929, %get3A_939, %get3A_934 : vector<16xi1>, vector<16xf32>
        %mul3A_941 = arith.constant 8.000000e+00 : f32
        %mul3A_942 = vector.broadcast %mul3A_941 : f32 to vector<16xf32>
        %mul3A_943 = arith.mulf %select_n3A_940, %mul3A_942 : vector<16xf32>
        %swap3A_944 = arith.constant 1 : i32
        %swap3A_945 = arith.index_cast %swap3A_944 : i32 to index
        %swap3A_946 = arith.index_cast %scan3A_921 : i32 to index
        %swap3A_947 = arith.constant 0 : index
        %swap3A_948 = tpu.vector_load %arg8[%swap3A_945, %swap3A_946, %swap3A_947] {strides = array<i32>} : memref<3x128x64xf32, #tpu.memory_space<vmem>>, vector<16xf32>,
        tpu.vector_store %arg8[%swap3A_945, %swap3A_946, %swap3A_947], %mul3A_943 {strides = array<i32>} : memref<3x128x64xf32, #tpu.memory_space<vmem>>, vector<16xf32>,
        %get3A_949 = arith.constant 1 : i32
        %get3A_950 = arith.index_cast %get3A_949 : i32 to index
        %get3A_951 = arith.index_cast %scan3A_921 : i32 to index
        %get3A_952 = arith.constant 16 : index
        %get3A_953 = tpu.vector_load %arg7[%get3A_950, %get3A_951, %get3A_952] {strides = array<i32>} : memref<3x128x128xf32, #tpu.memory_space<vmem>>, vector<16xf32>,
        %get3A_954 = arith.constant 1 : i32
        %get3A_955 = arith.index_cast %get3A_954 : i32 to index
        %get3A_956 = arith.index_cast %scan3A_921 : i32 to index
        %get3A_957 = arith.constant 80 : index
        %get3A_958 = tpu.vector_load %arg7[%get3A_955, %get3A_956, %get3A_957] {strides = array<i32>} : memref<3x128x128xf32, #tpu.memory_space<vmem>>, vector<16xf32>,
        %select_n3A_959 = arith.select %eq3A_929, %get3A_958, %get3A_953 : vector<16xi1>, vector<16xf32>
        %mul3A_960 = arith.constant 8.000000e+00 : f32
        %mul3A_961 = vector.broadcast %mul3A_960 : f32 to vector<16xf32>
        %mul3A_962 = arith.mulf %select_n3A_959, %mul3A_961 : vector<16xf32>
        %swap3A_963 = arith.constant 1 : i32
        %swap3A_964 = arith.index_cast %swap3A_963 : i32 to index
        %swap3A_965 = arith.index_cast %scan3A_921 : i32 to index
        %swap3A_966 = arith.constant 16 : index
        %swap3A_967 = tpu.vector_load %arg8[%swap3A_964, %swap3A_965, %swap3A_966] {strides = array<i32>} : memref<3x128x64xf32, #tpu.memory_space<vmem>>, vector<16xf32>,
        tpu.vector_store %arg8[%swap3A_964, %swap3A_965, %swap3A_966], %mul3A_962 {strides = array<i32>} : memref<3x128x64xf32, #tpu.memory_space<vmem>>, vector<16xf32>,
        %get3A_968 = arith.constant 1 : i32
        %get3A_969 = arith.index_cast %get3A_968 : i32 to index
        %get3A_970 = arith.index_cast %scan3A_921 : i32 to index
        %get3A_971 = arith.constant 32 : index
        %get3A_972 = tpu.vector_load %arg7[%get3A_969, %get3A_970, %get3A_971] {strides = array<i32>} : memref<3x128x128xf32, #tpu.memory_space<vmem>>, vector<16xf32>,
        %get3A_973 = arith.constant 1 : i32
        %get3A_974 = arith.index_cast %get3A_973 : i32 to index
        %get3A_975 = arith.index_cast %scan3A_921 : i32 to index
        %get3A_976 = arith.constant 96 : index
        %get3A_977 = tpu.vector_load %arg7[%get3A_974, %get3A_975, %get3A_976] {strides = array<i32>} : memref<3x128x128xf32, #tpu.memory_space<vmem>>, vector<16xf32>,
        %select_n3A_978 = arith.select %eq3A_929, %get3A_977, %get3A_972 : vector<16xi1>, vector<16xf32>
        %mul3A_979 = arith.constant 8.000000e+00 : f32
        %mul3A_980 = vector.broadcast %mul3A_979 : f32 to vector<16xf32>
        %mul3A_981 = arith.mulf %select_n3A_978, %mul3A_980 : vector<16xf32>
        %swap3A_982 = arith.constant 1 : i32
        %swap3A_983 = arith.index_cast %swap3A_982 : i32 to index
        %swap3A_984 = arith.index_cast %scan3A_921 : i32 to index
        %swap3A_985 = arith.constant 32 : index
        %swap3A_986 = tpu.vector_load %arg8[%swap3A_983, %swap3A_984, %swap3A_985] {strides = array<i32>} : memref<3x128x64xf32, #tpu.memory_space<vmem>>, vector<16xf32>,
        tpu.vector_store %arg8[%swap3A_983, %swap3A_984, %swap3A_985], %mul3A_981 {strides = array<i32>} : memref<3x128x64xf32, #tpu.memory_space<vmem>>, vector<16xf32>,
        %get3A_987 = arith.constant 1 : i32
        %get3A_988 = arith.index_cast %get3A_987 : i32 to index
        %get3A_989 = arith.index_cast %scan3A_921 : i32 to index
        %get3A_990 = arith.constant 48 : index
        %get3A_991 = tpu.vector_load %arg7[%get3A_988, %get3A_989, %get3A_990] {strides = array<i32>} : memref<3x128x128xf32, #tpu.memory_space<vmem>>, vector<16xf32>,
        %get3A_992 = arith.constant 1 : i32
        %get3A_993 = arith.index_cast %get3A_992 : i32 to index
        %get3A_994 = arith.index_cast %scan3A_921 : i32 to index
        %get3A_995 = arith.constant 112 : index
        %get3A_996 = tpu.vector_load %arg7[%get3A_993, %get3A_994, %get3A_995] {strides = array<i32>} : memref<3x128x128xf32, #tpu.memory_space<vmem>>, vector<16xf32>,
        %select_n3A_997 = arith.select %eq3A_929, %get3A_996, %get3A_991 : vector<16xi1>, vector<16xf32>
        %mul3A_998 = arith.constant 8.000000e+00 : f32
        %mul3A_999 = vector.broadcast %mul3A_998 : f32 to vector<16xf32>
        %mul3A_1000 = arith.mulf %select_n3A_997, %mul3A_999 : vector<16xf32>
        %swap3A_1001 = arith.constant 1 : i32
        %swap3A_1002 = arith.index_cast %swap3A_1001 : i32 to index
        %swap3A_1003 = arith.index_cast %scan3A_921 : i32 to index
        %swap3A_1004 = arith.constant 48 : index
        %swap3A_1005 = tpu.vector_load %arg8[%swap3A_1002, %swap3A_1003, %swap3A_1004] {strides = array<i32>} : memref<3x128x64xf32, #tpu.memory_space<vmem>>, vector<16xf32>,
        tpu.vector_store %arg8[%swap3A_1002, %swap3A_1003, %swap3A_1004], %mul3A_1000 {strides = array<i32>} : memref<3x128x64xf32, #tpu.memory_space<vmem>>, vector<16xf32>,
        %scan3A_1006 = arith.constant 0 : i32
        %scan3A_1007 = arith.constant 4 : i32
        %scan3A_1008 = arith.addi %scan3A_663, %scan3A_1007 : i32
        %broadcast_in_dim3A_1009 = vector.broadcast %scan3A_1008 : i32 to vector<16xi32>
        %gather3A_1010 = tpu.vector_load_idx %arg5[%broadcast_in_dim3A_572, %broadcast_in_dim3A_1009] : memref<200x128xi32, #tpu.memory_space<vmem>>[vector<16xi32>, vector<16xi32>], vector<16xi32>,
        %and3A_1011 = arith.constant 1 : i32
        %and3A_1012 = vector.broadcast %and3A_1011 : i32 to vector<16xi32>
        %and3A_1013 = arith.andi %gather3A_1010, %and3A_1012 : vector<16xi32>
        %eq3A_1014 = arith.constant 1 : i32
        %eq3A_1015 = vector.broadcast %eq3A_1014 : i32 to vector<16xi32>
        %eq3A_1016 = arith.cmpi eq, %and3A_1013, %eq3A_1015 : vector<16xi32>
        %get3A_1017 = arith.constant 1 : i32
        %get3A_1018 = arith.index_cast %get3A_1017 : i32 to index
        %get3A_1019 = arith.index_cast %scan3A_1008 : i32 to index
        %get3A_1020 = arith.constant 0 : index
        %get3A_1021 = tpu.vector_load %arg7[%get3A_1018, %get3A_1019, %get3A_1020] {strides = array<i32>} : memref<3x128x128xf32, #tpu.memory_space<vmem>>, vector<16xf32>,
        %get3A_1022 = arith.constant 1 : i32
        %get3A_1023 = arith.index_cast %get3A_1022 : i32 to index
        %get3A_1024 = arith.index_cast %scan3A_1008 : i32 to index
        %get3A_1025 = arith.constant 64 : index
        %get3A_1026 = tpu.vector_load %arg7[%get3A_1023, %get3A_1024, %get3A_1025] {strides = array<i32>} : memref<3x128x128xf32, #tpu.memory_space<vmem>>, vector<16xf32>,
        %select_n3A_1027 = arith.select %eq3A_1016, %get3A_1026, %get3A_1021 : vector<16xi1>, vector<16xf32>
        %mul3A_1028 = arith.constant 8.000000e+00 : f32
        %mul3A_1029 = vector.broadcast %mul3A_1028 : f32 to vector<16xf32>
        %mul3A_1030 = arith.mulf %select_n3A_1027, %mul3A_1029 : vector<16xf32>
        %swap3A_1031 = arith.constant 1 : i32
        %swap3A_1032 = arith.index_cast %swap3A_1031 : i32 to index
        %swap3A_1033 = arith.index_cast %scan3A_1008 : i32 to index
        %swap3A_1034 = arith.constant 0 : index
        %swap3A_1035 = tpu.vector_load %arg8[%swap3A_1032, %swap3A_1033, %swap3A_1034] {strides = array<i32>} : memref<3x128x64xf32, #tpu.memory_space<vmem>>, vector<16xf32>,
        tpu.vector_store %arg8[%swap3A_1032, %swap3A_1033, %swap3A_1034], %mul3A_1030 {strides = array<i32>} : memref<3x128x64xf32, #tpu.memory_space<vmem>>, vector<16xf32>,
        %get3A_1036 = arith.constant 1 : i32
        %get3A_1037 = arith.index_cast %get3A_1036 : i32 to index
        %get3A_1038 = arith.index_cast %scan3A_1008 : i32 to index
        %get3A_1039 = arith.constant 16 : index
        %get3A_1040 = tpu.vector_load %arg7[%get3A_1037, %get3A_1038, %get3A_1039] {strides = array<i32>} : memref<3x128x128xf32, #tpu.memory_space<vmem>>, vector<16xf32>,
        %get3A_1041 = arith.constant 1 : i32
        %get3A_1042 = arith.index_cast %get3A_1041 : i32 to index
        %get3A_1043 = arith.index_cast %scan3A_1008 : i32 to index
        %get3A_1044 = arith.constant 80 : index
        %get3A_1045 = tpu.vector_load %arg7[%get3A_1042, %get3A_1043, %get3A_1044] {strides = array<i32>} : memref<3x128x128xf32, #tpu.memory_space<vmem>>, vector<16xf32>,
        %select_n3A_1046 = arith.select %eq3A_1016, %get3A_1045, %get3A_1040 : vector<16xi1>, vector<16xf32>
        %mul3A_1047 = arith.constant 8.000000e+00 : f32
        %mul3A_1048 = vector.broadcast %mul3A_1047 : f32 to vector<16xf32>
        %mul3A_1049 = arith.mulf %select_n3A_1046, %mul3A_1048 : vector<16xf32>
        %swap3A_1050 = arith.constant 1 : i32
        %swap3A_1051 = arith.index_cast %swap3A_1050 : i32 to index
        %swap3A_1052 = arith.index_cast %scan3A_1008 : i32 to index
        %swap3A_1053 = arith.constant 16 : index
        %swap3A_1054 = tpu.vector_load %arg8[%swap3A_1051, %swap3A_1052, %swap3A_1053] {strides = array<i32>} : memref<3x128x64xf32, #tpu.memory_space<vmem>>, vector<16xf32>,
        tpu.vector_store %arg8[%swap3A_1051, %swap3A_1052, %swap3A_1053], %mul3A_1049 {strides = array<i32>} : memref<3x128x64xf32, #tpu.memory_space<vmem>>, vector<16xf32>,
        %get3A_1055 = arith.constant 1 : i32
        %get3A_1056 = arith.index_cast %get3A_1055 : i32 to index
        %get3A_1057 = arith.index_cast %scan3A_1008 : i32 to index
        %get3A_1058 = arith.constant 32 : index
        %get3A_1059 = tpu.vector_load %arg7[%get3A_1056, %get3A_1057, %get3A_1058] {strides = array<i32>} : memref<3x128x128xf32, #tpu.memory_space<vmem>>, vector<16xf32>,
        %get3A_1060 = arith.constant 1 : i32
        %get3A_1061 = arith.index_cast %get3A_1060 : i32 to index
        %get3A_1062 = arith.index_cast %scan3A_1008 : i32 to index
        %get3A_1063 = arith.constant 96 : index
        %get3A_1064 = tpu.vector_load %arg7[%get3A_1061, %get3A_1062, %get3A_1063] {strides = array<i32>} : memref<3x128x128xf32, #tpu.memory_space<vmem>>, vector<16xf32>,
        %select_n3A_1065 = arith.select %eq3A_1016, %get3A_1064, %get3A_1059 : vector<16xi1>, vector<16xf32>
        %mul3A_1066 = arith.constant 8.000000e+00 : f32
        %mul3A_1067 = vector.broadcast %mul3A_1066 : f32 to vector<16xf32>
        %mul3A_1068 = arith.mulf %select_n3A_1065, %mul3A_1067 : vector<16xf32>
        %swap3A_1069 = arith.constant 1 : i32
        %swap3A_1070 = arith.index_cast %swap3A_1069 : i32 to index
        %swap3A_1071 = arith.index_cast %scan3A_1008 : i32 to index
        %swap3A_1072 = arith.constant 32 : index
        %swap3A_1073 = tpu.vector_load %arg8[%swap3A_1070, %swap3A_1071, %swap3A_1072] {strides = array<i32>} : memref<3x128x64xf32, #tpu.memory_space<vmem>>, vector<16xf32>,
        tpu.vector_store %arg8[%swap3A_1070, %swap3A_1071, %swap3A_1072], %mul3A_1068 {strides = array<i32>} : memref<3x128x64xf32, #tpu.memory_space<vmem>>, vector<16xf32>,
        %get3A_1074 = arith.constant 1 : i32
        %get3A_1075 = arith.index_cast %get3A_1074 : i32 to index
        %get3A_1076 = arith.index_cast %scan3A_1008 : i32 to index
        %get3A_1077 = arith.constant 48 : index
        %get3A_1078 = tpu.vector_load %arg7[%get3A_1075, %get3A_1076, %get3A_1077] {strides = array<i32>} : memref<3x128x128xf32, #tpu.memory_space<vmem>>, vector<16xf32>,
        %get3A_1079 = arith.constant 1 : i32
        %get3A_1080 = arith.index_cast %get3A_1079 : i32 to index
        %get3A_1081 = arith.index_cast %scan3A_1008 : i32 to index
        %get3A_1082 = arith.constant 112 : index
        %get3A_1083 = tpu.vector_load %arg7[%get3A_1080, %get3A_1081, %get3A_1082] {strides = array<i32>} : memref<3x128x128xf32, #tpu.memory_space<vmem>>, vector<16xf32>,
        %select_n3A_1084 = arith.select %eq3A_1016, %get3A_1083, %get3A_1078 : vector<16xi1>, vector<16xf32>
        %mul3A_1085 = arith.constant 8.000000e+00 : f32
        %mul3A_1086 = vector.broadcast %mul3A_1085 : f32 to vector<16xf32>
        %mul3A_1087 = arith.mulf %select_n3A_1084, %mul3A_1086 : vector<16xf32>
        %swap3A_1088 = arith.constant 1 : i32
        %swap3A_1089 = arith.index_cast %swap3A_1088 : i32 to index
        %swap3A_1090 = arith.index_cast %scan3A_1008 : i32 to index
        %swap3A_1091 = arith.constant 48 : index
        %swap3A_1092 = tpu.vector_load %arg8[%swap3A_1089, %swap3A_1090, %swap3A_1091] {strides = array<i32>} : memref<3x128x64xf32, #tpu.memory_space<vmem>>, vector<16xf32>,
        tpu.vector_store %arg8[%swap3A_1089, %swap3A_1090, %swap3A_1091], %mul3A_1087 {strides = array<i32>} : memref<3x128x64xf32, #tpu.memory_space<vmem>>, vector<16xf32>,
        %scan3A_1093 = arith.constant 0 : i32
        %scan3A_1094 = arith.constant 5 : i32
        %scan3A_1095 = arith.addi %scan3A_663, %scan3A_1094 : i32
        %broadcast_in_dim3A_1096 = vector.broadcast %scan3A_1095 : i32 to vector<16xi32>
        %gather3A_1097 = tpu.vector_load_idx %arg5[%broadcast_in_dim3A_572, %broadcast_in_dim3A_1096] : memref<200x128xi32, #tpu.memory_space<vmem>>[vector<16xi32>, vector<16xi32>], vector<16xi32>,
        %and3A_1098 = arith.constant 1 : i32
        %and3A_1099 = vector.broadcast %and3A_1098 : i32 to vector<16xi32>
        %and3A_1100 = arith.andi %gather3A_1097, %and3A_1099 : vector<16xi32>
        %eq3A_1101 = arith.constant 1 : i32
        %eq3A_1102 = vector.broadcast %eq3A_1101 : i32 to vector<16xi32>
        %eq3A_1103 = arith.cmpi eq, %and3A_1100, %eq3A_1102 : vector<16xi32>
        %get3A_1104 = arith.constant 1 : i32
        %get3A_1105 = arith.index_cast %get3A_1104 : i32 to index
        %get3A_1106 = arith.index_cast %scan3A_1095 : i32 to index
        %get3A_1107 = arith.constant 0 : index
        %get3A_1108 = tpu.vector_load %arg7[%get3A_1105, %get3A_1106, %get3A_1107] {strides = array<i32>} : memref<3x128x128xf32, #tpu.memory_space<vmem>>, vector<16xf32>,
        %get3A_1109 = arith.constant 1 : i32
        %get3A_1110 = arith.index_cast %get3A_1109 : i32 to index
        %get3A_1111 = arith.index_cast %scan3A_1095 : i32 to index
        %get3A_1112 = arith.constant 64 : index
        %get3A_1113 = tpu.vector_load %arg7[%get3A_1110, %get3A_1111, %get3A_1112] {strides = array<i32>} : memref<3x128x128xf32, #tpu.memory_space<vmem>>, vector<16xf32>,
        %select_n3A_1114 = arith.select %eq3A_1103, %get3A_1113, %get3A_1108 : vector<16xi1>, vector<16xf32>
        %mul3A_1115 = arith.constant 8.000000e+00 : f32
        %mul3A_1116 = vector.broadcast %mul3A_1115 : f32 to vector<16xf32>
        %mul3A_1117 = arith.mulf %select_n3A_1114, %mul3A_1116 : vector<16xf32>
        %swap3A_1118 = arith.constant 1 : i32
        %swap3A_1119 = arith.index_cast %swap3A_1118 : i32 to index
        %swap3A_1120 = arith.index_cast %scan3A_1095 : i32 to index
        %swap3A_1121 = arith.constant 0 : index
        %swap3A_1122 = tpu.vector_load %arg8[%swap3A_1119, %swap3A_1120, %swap3A_1121] {strides = array<i32>} : memref<3x128x64xf32, #tpu.memory_space<vmem>>, vector<16xf32>,
        tpu.vector_store %arg8[%swap3A_1119, %swap3A_1120, %swap3A_1121], %mul3A_1117 {strides = array<i32>} : memref<3x128x64xf32, #tpu.memory_space<vmem>>, vector<16xf32>,
        %get3A_1123 = arith.constant 1 : i32
        %get3A_1124 = arith.index_cast %get3A_1123 : i32 to index
        %get3A_1125 = arith.index_cast %scan3A_1095 : i32 to index
        %get3A_1126 = arith.constant 16 : index
        %get3A_1127 = tpu.vector_load %arg7[%get3A_1124, %get3A_1125, %get3A_1126] {strides = array<i32>} : memref<3x128x128xf32, #tpu.memory_space<vmem>>, vector<16xf32>,
        %get3A_1128 = arith.constant 1 : i32
        %get3A_1129 = arith.index_cast %get3A_1128 : i32 to index
        %get3A_1130 = arith.index_cast %scan3A_1095 : i32 to index
        %get3A_1131 = arith.constant 80 : index
        %get3A_1132 = tpu.vector_load %arg7[%get3A_1129, %get3A_1130, %get3A_1131] {strides = array<i32>} : memref<3x128x128xf32, #tpu.memory_space<vmem>>, vector<16xf32>,
        %select_n3A_1133 = arith.select %eq3A_1103, %get3A_1132, %get3A_1127 : vector<16xi1>, vector<16xf32>
        %mul3A_1134 = arith.constant 8.000000e+00 : f32
        %mul3A_1135 = vector.broadcast %mul3A_1134 : f32 to vector<16xf32>
        %mul3A_1136 = arith.mulf %select_n3A_1133, %mul3A_1135 : vector<16xf32>
        %swap3A_1137 = arith.constant 1 : i32
        %swap3A_1138 = arith.index_cast %swap3A_1137 : i32 to index
        %swap3A_1139 = arith.index_cast %scan3A_1095 : i32 to index
        %swap3A_1140 = arith.constant 16 : index
        %swap3A_1141 = tpu.vector_load %arg8[%swap3A_1138, %swap3A_1139, %swap3A_1140] {strides = array<i32>} : memref<3x128x64xf32, #tpu.memory_space<vmem>>, vector<16xf32>,
        tpu.vector_store %arg8[%swap3A_1138, %swap3A_1139, %swap3A_1140], %mul3A_1136 {strides = array<i32>} : memref<3x128x64xf32, #tpu.memory_space<vmem>>, vector<16xf32>,
        %get3A_1142 = arith.constant 1 : i32
        %get3A_1143 = arith.index_cast %get3A_1142 : i32 to index
        %get3A_1144 = arith.index_cast %scan3A_1095 : i32 to index
        %get3A_1145 = arith.constant 32 : index
        %get3A_1146 = tpu.vector_load %arg7[%get3A_1143, %get3A_1144, %get3A_1145] {strides = array<i32>} : memref<3x128x128xf32, #tpu.memory_space<vmem>>, vector<16xf32>,
        %get3A_1147 = arith.constant 1 : i32
        %get3A_1148 = arith.index_cast %get3A_1147 : i32 to index
        %get3A_1149 = arith.index_cast %scan3A_1095 : i32 to index
        %get3A_1150 = arith.constant 96 : index
        %get3A_1151 = tpu.vector_load %arg7[%get3A_1148, %get3A_1149, %get3A_1150] {strides = array<i32>} : memref<3x128x128xf32, #tpu.memory_space<vmem>>, vector<16xf32>,
        %select_n3A_1152 = arith.select %eq3A_1103, %get3A_1151, %get3A_1146 : vector<16xi1>, vector<16xf32>
        %mul3A_1153 = arith.constant 8.000000e+00 : f32
        %mul3A_1154 = vector.broadcast %mul3A_1153 : f32 to vector<16xf32>
        %mul3A_1155 = arith.mulf %select_n3A_1152, %mul3A_1154 : vector<16xf32>
        %swap3A_1156 = arith.constant 1 : i32
        %swap3A_1157 = arith.index_cast %swap3A_1156 : i32 to index
        %swap3A_1158 = arith.index_cast %scan3A_1095 : i32 to index
        %swap3A_1159 = arith.constant 32 : index
        %swap3A_1160 = tpu.vector_load %arg8[%swap3A_1157, %swap3A_1158, %swap3A_1159] {strides = array<i32>} : memref<3x128x64xf32, #tpu.memory_space<vmem>>, vector<16xf32>,
        tpu.vector_store %arg8[%swap3A_1157, %swap3A_1158, %swap3A_1159], %mul3A_1155 {strides = array<i32>} : memref<3x128x64xf32, #tpu.memory_space<vmem>>, vector<16xf32>,
        %get3A_1161 = arith.constant 1 : i32
        %get3A_1162 = arith.index_cast %get3A_1161 : i32 to index
        %get3A_1163 = arith.index_cast %scan3A_1095 : i32 to index
        %get3A_1164 = arith.constant 48 : index
        %get3A_1165 = tpu.vector_load %arg7[%get3A_1162, %get3A_1163, %get3A_1164] {strides = array<i32>} : memref<3x128x128xf32, #tpu.memory_space<vmem>>, vector<16xf32>,
        %get3A_1166 = arith.constant 1 : i32
        %get3A_1167 = arith.index_cast %get3A_1166 : i32 to index
        %get3A_1168 = arith.index_cast %scan3A_1095 : i32 to index
        %get3A_1169 = arith.constant 112 : index
        %get3A_1170 = tpu.vector_load %arg7[%get3A_1167, %get3A_1168, %get3A_1169] {strides = array<i32>} : memref<3x128x128xf32, #tpu.memory_space<vmem>>, vector<16xf32>,
        %select_n3A_1171 = arith.select %eq3A_1103, %get3A_1170, %get3A_1165 : vector<16xi1>, vector<16xf32>
        %mul3A_1172 = arith.constant 8.000000e+00 : f32
        %mul3A_1173 = vector.broadcast %mul3A_1172 : f32 to vector<16xf32>
        %mul3A_1174 = arith.mulf %select_n3A_1171, %mul3A_1173 : vector<16xf32>
        %swap3A_1175 = arith.constant 1 : i32
        %swap3A_1176 = arith.index_cast %swap3A_1175 : i32 to index
        %swap3A_1177 = arith.index_cast %scan3A_1095 : i32 to index
        %swap3A_1178 = arith.constant 48 : index
        %swap3A_1179 = tpu.vector_load %arg8[%swap3A_1176, %swap3A_1177, %swap3A_1178] {strides = array<i32>} : memref<3x128x64xf32, #tpu.memory_space<vmem>>, vector<16xf32>,
        tpu.vector_store %arg8[%swap3A_1176, %swap3A_1177, %swap3A_1178], %mul3A_1174 {strides = array<i32>} : memref<3x128x64xf32, #tpu.memory_space<vmem>>, vector<16xf32>,
        %scan3A_1180 = arith.constant 0 : i32
        %scan3A_1181 = arith.constant 6 : i32
        %scan3A_1182 = arith.addi %scan3A_663, %scan3A_1181 : i32
        %broadcast_in_dim3A_1183 = vector.broadcast %scan3A_1182 : i32 to vector<16xi32>
        %gather3A_1184 = tpu.vector_load_idx %arg5[%broadcast_in_dim3A_572, %broadcast_in_dim3A_1183] : memref<200x128xi32, #tpu.memory_space<vmem>>[vector<16xi32>, vector<16xi32>], vector<16xi32>,
        %and3A_1185 = arith.constant 1 : i32
        %and3A_1186 = vector.broadcast %and3A_1185 : i32 to vector<16xi32>
        %and3A_1187 = arith.andi %gather3A_1184, %and3A_1186 : vector<16xi32>
        %eq3A_1188 = arith.constant 1 : i32
        %eq3A_1189 = vector.broadcast %eq3A_1188 : i32 to vector<16xi32>
        %eq3A_1190 = arith.cmpi eq, %and3A_1187, %eq3A_1189 : vector<16xi32>
        %get3A_1191 = arith.constant 1 : i32
        %get3A_1192 = arith.index_cast %get3A_1191 : i32 to index
        %get3A_1193 = arith.index_cast %scan3A_1182 : i32 to index
        %get3A_1194 = arith.constant 0 : index
        %get3A_1195 = tpu.vector_load %arg7[%get3A_1192, %get3A_1193, %get3A_1194] {strides = array<i32>} : memref<3x128x128xf32, #tpu.memory_space<vmem>>, vector<16xf32>,
        %get3A_1196 = arith.constant 1 : i32
        %get3A_1197 = arith.index_cast %get3A_1196 : i32 to index
        %get3A_1198 = arith.index_cast %scan3A_1182 : i32 to index
        %get3A_1199 = arith.constant 64 : index
        %get3A_1200 = tpu.vector_load %arg7[%get3A_1197, %get3A_1198, %get3A_1199] {strides = array<i32>} : memref<3x128x128xf32, #tpu.memory_space<vmem>>, vector<16xf32>,
        %select_n3A_1201 = arith.select %eq3A_1190, %get3A_1200, %get3A_1195 : vector<16xi1>, vector<16xf32>
        %mul3A_1202 = arith.constant 8.000000e+00 : f32
        %mul3A_1203 = vector.broadcast %mul3A_1202 : f32 to vector<16xf32>
        %mul3A_1204 = arith.mulf %select_n3A_1201, %mul3A_1203 : vector<16xf32>
        %swap3A_1205 = arith.constant 1 : i32
        %swap3A_1206 = arith.index_cast %swap3A_1205 : i32 to index
        %swap3A_1207 = arith.index_cast %scan3A_1182 : i32 to index
        %swap3A_1208 = arith.constant 0 : index
        %swap3A_1209 = tpu.vector_load %arg8[%swap3A_1206, %swap3A_1207, %swap3A_1208] {strides = array<i32>} : memref<3x128x64xf32, #tpu.memory_space<vmem>>, vector<16xf32>,
        tpu.vector_store %arg8[%swap3A_1206, %swap3A_1207, %swap3A_1208], %mul3A_1204 {strides = array<i32>} : memref<3x128x64xf32, #tpu.memory_space<vmem>>, vector<16xf32>,
        %get3A_1210 = arith.constant 1 : i32
        %get3A_1211 = arith.index_cast %get3A_1210 : i32 to index
        %get3A_1212 = arith.index_cast %scan3A_1182 : i32 to index
        %get3A_1213 = arith.constant 16 : index
        %get3A_1214 = tpu.vector_load %arg7[%get3A_1211, %get3A_1212, %get3A_1213] {strides = array<i32>} : memref<3x128x128xf32, #tpu.memory_space<vmem>>, vector<16xf32>,
        %get3A_1215 = arith.constant 1 : i32
        %get3A_1216 = arith.index_cast %get3A_1215 : i32 to index
        %get3A_1217 = arith.index_cast %scan3A_1182 : i32 to index
        %get3A_1218 = arith.constant 80 : index
        %get3A_1219 = tpu.vector_load %arg7[%get3A_1216, %get3A_1217, %get3A_1218] {strides = array<i32>} : memref<3x128x128xf32, #tpu.memory_space<vmem>>, vector<16xf32>,
        %select_n3A_1220 = arith.select %eq3A_1190, %get3A_1219, %get3A_1214 : vector<16xi1>, vector<16xf32>
        %mul3A_1221 = arith.constant 8.000000e+00 : f32
        %mul3A_1222 = vector.broadcast %mul3A_1221 : f32 to vector<16xf32>
        %mul3A_1223 = arith.mulf %select_n3A_1220, %mul3A_1222 : vector<16xf32>
        %swap3A_1224 = arith.constant 1 : i32
        %swap3A_1225 = arith.index_cast %swap3A_1224 : i32 to index
        %swap3A_1226 = arith.index_cast %scan3A_1182 : i32 to index
        %swap3A_1227 = arith.constant 16 : index
        %swap3A_1228 = tpu.vector_load %arg8[%swap3A_1225, %swap3A_1226, %swap3A_1227] {strides = array<i32>} : memref<3x128x64xf32, #tpu.memory_space<vmem>>, vector<16xf32>,
        tpu.vector_store %arg8[%swap3A_1225, %swap3A_1226, %swap3A_1227], %mul3A_1223 {strides = array<i32>} : memref<3x128x64xf32, #tpu.memory_space<vmem>>, vector<16xf32>,
        %get3A_1229 = arith.constant 1 : i32
        %get3A_1230 = arith.index_cast %get3A_1229 : i32 to index
        %get3A_1231 = arith.index_cast %scan3A_1182 : i32 to index
        %get3A_1232 = arith.constant 32 : index
        %get3A_1233 = tpu.vector_load %arg7[%get3A_1230, %get3A_1231, %get3A_1232] {strides = array<i32>} : memref<3x128x128xf32, #tpu.memory_space<vmem>>, vector<16xf32>,
        %get3A_1234 = arith.constant 1 : i32
        %get3A_1235 = arith.index_cast %get3A_1234 : i32 to index
        %get3A_1236 = arith.index_cast %scan3A_1182 : i32 to index
        %get3A_1237 = arith.constant 96 : index
        %get3A_1238 = tpu.vector_load %arg7[%get3A_1235, %get3A_1236, %get3A_1237] {strides = array<i32>} : memref<3x128x128xf32, #tpu.memory_space<vmem>>, vector<16xf32>,
        %select_n3A_1239 = arith.select %eq3A_1190, %get3A_1238, %get3A_1233 : vector<16xi1>, vector<16xf32>
        %mul3A_1240 = arith.constant 8.000000e+00 : f32
        %mul3A_1241 = vector.broadcast %mul3A_1240 : f32 to vector<16xf32>
        %mul3A_1242 = arith.mulf %select_n3A_1239, %mul3A_1241 : vector<16xf32>
        %swap3A_1243 = arith.constant 1 : i32
        %swap3A_1244 = arith.index_cast %swap3A_1243 : i32 to index
        %swap3A_1245 = arith.index_cast %scan3A_1182 : i32 to index
        %swap3A_1246 = arith.constant 32 : index
        %swap3A_1247 = tpu.vector_load %arg8[%swap3A_1244, %swap3A_1245, %swap3A_1246] {strides = array<i32>} : memref<3x128x64xf32, #tpu.memory_space<vmem>>, vector<16xf32>,
        tpu.vector_store %arg8[%swap3A_1244, %swap3A_1245, %swap3A_1246], %mul3A_1242 {strides = array<i32>} : memref<3x128x64xf32, #tpu.memory_space<vmem>>, vector<16xf32>,
        %get3A_1248 = arith.constant 1 : i32
        %get3A_1249 = arith.index_cast %get3A_1248 : i32 to index
        %get3A_1250 = arith.index_cast %scan3A_1182 : i32 to index
        %get3A_1251 = arith.constant 48 : index
        %get3A_1252 = tpu.vector_load %arg7[%get3A_1249, %get3A_1250, %get3A_1251] {strides = array<i32>} : memref<3x128x128xf32, #tpu.memory_space<vmem>>, vector<16xf32>,
        %get3A_1253 = arith.constant 1 : i32
        %get3A_1254 = arith.index_cast %get3A_1253 : i32 to index
        %get3A_1255 = arith.index_cast %scan3A_1182 : i32 to index
        %get3A_1256 = arith.constant 112 : index
        %get3A_1257 = tpu.vector_load %arg7[%get3A_1254, %get3A_1255, %get3A_1256] {strides = array<i32>} : memref<3x128x128xf32, #tpu.memory_space<vmem>>, vector<16xf32>,
        %select_n3A_1258 = arith.select %eq3A_1190, %get3A_1257, %get3A_1252 : vector<16xi1>, vector<16xf32>
        %mul3A_1259 = arith.constant 8.000000e+00 : f32
        %mul3A_1260 = vector.broadcast %mul3A_1259 : f32 to vector<16xf32>
        %mul3A_1261 = arith.mulf %select_n3A_1258, %mul3A_1260 : vector<16xf32>
        %swap3A_1262 = arith.constant 1 : i32
        %swap3A_1263 = arith.index_cast %swap3A_1262 : i32 to index
        %swap3A_1264 = arith.index_cast %scan3A_1182 : i32 to index
        %swap3A_1265 = arith.constant 48 : index
        %swap3A_1266 = tpu.vector_load %arg8[%swap3A_1263, %swap3A_1264, %swap3A_1265] {strides = array<i32>} : memref<3x128x64xf32, #tpu.memory_space<vmem>>, vector<16xf32>,
        tpu.vector_store %arg8[%swap3A_1263, %swap3A_1264, %swap3A_1265], %mul3A_1261 {strides = array<i32>} : memref<3x128x64xf32, #tpu.memory_space<vmem>>, vector<16xf32>,
        %scan3A_1267 = arith.constant 0 : i32
        %scan3A_1268 = arith.constant 7 : i32
        %scan3A_1269 = arith.addi %scan3A_663, %scan3A_1268 : i32
        %broadcast_in_dim3A_1270 = vector.broadcast %scan3A_1269 : i32 to vector<16xi32>
        %gather3A_1271 = tpu.vector_load_idx %arg5[%broadcast_in_dim3A_572, %broadcast_in_dim3A_1270] : memref<200x128xi32, #tpu.memory_space<vmem>>[vector<16xi32>, vector<16xi32>], vector<16xi32>,
        %and3A_1272 = arith.constant 1 : i32
        %and3A_1273 = vector.broadcast %and3A_1272 : i32 to vector<16xi32>
        %and3A_1274 = arith.andi %gather3A_1271, %and3A_1273 : vector<16xi32>
        %eq3A_1275 = arith.constant 1 : i32
        %eq3A_1276 = vector.broadcast %eq3A_1275 : i32 to vector<16xi32>
        %eq3A_1277 = arith.cmpi eq, %and3A_1274, %eq3A_1276 : vector<16xi32>
        %get3A_1278 = arith.constant 1 : i32
        %get3A_1279 = arith.index_cast %get3A_1278 : i32 to index
        %get3A_1280 = arith.index_cast %scan3A_1269 : i32 to index
        %get3A_1281 = arith.constant 0 : index
        %get3A_1282 = tpu.vector_load %arg7[%get3A_1279, %get3A_1280, %get3A_1281] {strides = array<i32>} : memref<3x128x128xf32, #tpu.memory_space<vmem>>, vector<16xf32>,
        %get3A_1283 = arith.constant 1 : i32
        %get3A_1284 = arith.index_cast %get3A_1283 : i32 to index
        %get3A_1285 = arith.index_cast %scan3A_1269 : i32 to index
        %get3A_1286 = arith.constant 64 : index
        %get3A_1287 = tpu.vector_load %arg7[%get3A_1284, %get3A_1285, %get3A_1286] {strides = array<i32>} : memref<3x128x128xf32, #tpu.memory_space<vmem>>, vector<16xf32>,
        %select_n3A_1288 = arith.select %eq3A_1277, %get3A_1287, %get3A_1282 : vector<16xi1>, vector<16xf32>
        %mul3A_1289 = arith.constant 8.000000e+00 : f32
        %mul3A_1290 = vector.broadcast %mul3A_1289 : f32 to vector<16xf32>
        %mul3A_1291 = arith.mulf %select_n3A_1288, %mul3A_1290 : vector<16xf32>
        %swap3A_1292 = arith.constant 1 : i32
        %swap3A_1293 = arith.index_cast %swap3A_1292 : i32 to index
        %swap3A_1294 = arith.index_cast %scan3A_1269 : i32 to index
        %swap3A_1295 = arith.constant 0 : index
        %swap3A_1296 = tpu.vector_load %arg8[%swap3A_1293, %swap3A_1294, %swap3A_1295] {strides = array<i32>} : memref<3x128x64xf32, #tpu.memory_space<vmem>>, vector<16xf32>,
        tpu.vector_store %arg8[%swap3A_1293, %swap3A_1294, %swap3A_1295], %mul3A_1291 {strides = array<i32>} : memref<3x128x64xf32, #tpu.memory_space<vmem>>, vector<16xf32>,
        %get3A_1297 = arith.constant 1 : i32
        %get3A_1298 = arith.index_cast %get3A_1297 : i32 to index
        %get3A_1299 = arith.index_cast %scan3A_1269 : i32 to index
        %get3A_1300 = arith.constant 16 : index
        %get3A_1301 = tpu.vector_load %arg7[%get3A_1298, %get3A_1299, %get3A_1300] {strides = array<i32>} : memref<3x128x128xf32, #tpu.memory_space<vmem>>, vector<16xf32>,
        %get3A_1302 = arith.constant 1 : i32
        %get3A_1303 = arith.index_cast %get3A_1302 : i32 to index
        %get3A_1304 = arith.index_cast %scan3A_1269 : i32 to index
        %get3A_1305 = arith.constant 80 : index
        %get3A_1306 = tpu.vector_load %arg7[%get3A_1303, %get3A_1304, %get3A_1305] {strides = array<i32>} : memref<3x128x128xf32, #tpu.memory_space<vmem>>, vector<16xf32>,
        %select_n3A_1307 = arith.select %eq3A_1277, %get3A_1306, %get3A_1301 : vector<16xi1>, vector<16xf32>
        %mul3A_1308 = arith.constant 8.000000e+00 : f32
        %mul3A_1309 = vector.broadcast %mul3A_1308 : f32 to vector<16xf32>
        %mul3A_1310 = arith.mulf %select_n3A_1307, %mul3A_1309 : vector<16xf32>
        %swap3A_1311 = arith.constant 1 : i32
        %swap3A_1312 = arith.index_cast %swap3A_1311 : i32 to index
        %swap3A_1313 = arith.index_cast %scan3A_1269 : i32 to index
        %swap3A_1314 = arith.constant 16 : index
        %swap3A_1315 = tpu.vector_load %arg8[%swap3A_1312, %swap3A_1313, %swap3A_1314] {strides = array<i32>} : memref<3x128x64xf32, #tpu.memory_space<vmem>>, vector<16xf32>,
        tpu.vector_store %arg8[%swap3A_1312, %swap3A_1313, %swap3A_1314], %mul3A_1310 {strides = array<i32>} : memref<3x128x64xf32, #tpu.memory_space<vmem>>, vector<16xf32>,
        %get3A_1316 = arith.constant 1 : i32
        %get3A_1317 = arith.index_cast %get3A_1316 : i32 to index
        %get3A_1318 = arith.index_cast %scan3A_1269 : i32 to index
        %get3A_1319 = arith.constant 32 : index
        %get3A_1320 = tpu.vector_load %arg7[%get3A_1317, %get3A_1318, %get3A_1319] {strides = array<i32>} : memref<3x128x128xf32, #tpu.memory_space<vmem>>, vector<16xf32>,
        %get3A_1321 = arith.constant 1 : i32
        %get3A_1322 = arith.index_cast %get3A_1321 : i32 to index
        %get3A_1323 = arith.index_cast %scan3A_1269 : i32 to index
        %get3A_1324 = arith.constant 96 : index
        %get3A_1325 = tpu.vector_load %arg7[%get3A_1322, %get3A_1323, %get3A_1324] {strides = array<i32>} : memref<3x128x128xf32, #tpu.memory_space<vmem>>, vector<16xf32>,
        %select_n3A_1326 = arith.select %eq3A_1277, %get3A_1325, %get3A_1320 : vector<16xi1>, vector<16xf32>
        %mul3A_1327 = arith.constant 8.000000e+00 : f32
        %mul3A_1328 = vector.broadcast %mul3A_1327 : f32 to vector<16xf32>
        %mul3A_1329 = arith.mulf %select_n3A_1326, %mul3A_1328 : vector<16xf32>
        %swap3A_1330 = arith.constant 1 : i32
        %swap3A_1331 = arith.index_cast %swap3A_1330 : i32 to index
        %swap3A_1332 = arith.index_cast %scan3A_1269 : i32 to index
        %swap3A_1333 = arith.constant 32 : index
        %swap3A_1334 = tpu.vector_load %arg8[%swap3A_1331, %swap3A_1332, %swap3A_1333] {strides = array<i32>} : memref<3x128x64xf32, #tpu.memory_space<vmem>>, vector<16xf32>,
        tpu.vector_store %arg8[%swap3A_1331, %swap3A_1332, %swap3A_1333], %mul3A_1329 {strides = array<i32>} : memref<3x128x64xf32, #tpu.memory_space<vmem>>, vector<16xf32>,
        %get3A_1335 = arith.constant 1 : i32
        %get3A_1336 = arith.index_cast %get3A_1335 : i32 to index
        %get3A_1337 = arith.index_cast %scan3A_1269 : i32 to index
        %get3A_1338 = arith.constant 48 : index
        %get3A_1339 = tpu.vector_load %arg7[%get3A_1336, %get3A_1337, %get3A_1338] {strides = array<i32>} : memref<3x128x128xf32, #tpu.memory_space<vmem>>, vector<16xf32>,
        %get3A_1340 = arith.constant 1 : i32
        %get3A_1341 = arith.index_cast %get3A_1340 : i32 to index
        %get3A_1342 = arith.index_cast %scan3A_1269 : i32 to index
        %get3A_1343 = arith.constant 112 : index
        %get3A_1344 = tpu.vector_load %arg7[%get3A_1341, %get3A_1342, %get3A_1343] {strides = array<i32>} : memref<3x128x128xf32, #tpu.memory_space<vmem>>, vector<16xf32>,
        %select_n3A_1345 = arith.select %eq3A_1277, %get3A_1344, %get3A_1339 : vector<16xi1>, vector<16xf32>
        %mul3A_1346 = arith.constant 8.000000e+00 : f32
        %mul3A_1347 = vector.broadcast %mul3A_1346 : f32 to vector<16xf32>
        %mul3A_1348 = arith.mulf %select_n3A_1345, %mul3A_1347 : vector<16xf32>
        %swap3A_1349 = arith.constant 1 : i32
        %swap3A_1350 = arith.index_cast %swap3A_1349 : i32 to index
        %swap3A_1351 = arith.index_cast %scan3A_1269 : i32 to index
        %swap3A_1352 = arith.constant 48 : index
        %swap3A_1353 = tpu.vector_load %arg8[%swap3A_1350, %swap3A_1351, %swap3A_1352] {strides = array<i32>} : memref<3x128x64xf32, #tpu.memory_space<vmem>>, vector<16xf32>,
        tpu.vector_store %arg8[%swap3A_1350, %swap3A_1351, %swap3A_1352], %mul3A_1348 {strides = array<i32>} : memref<3x128x64xf32, #tpu.memory_space<vmem>>, vector<16xf32>,
        %scan3A_1354 = arith.constant 0 : i32
        scf.yield %scan3A_1354 : i32
      }
      %scan3A_579 = arith.constant 128 : i32
      %dma_start3A_580 = arith.constant 1 : i32
      %dma_start3A_581 = arith.constant 1 : i32
      %dma_start3A_582 = arith.constant 0 : i32
      %dma_start3A_583 = arith.constant 0 : i32
      %dma_start3A_584 = tpu.memref_slice %arg8[%dma_start3A_580, %dma_start3A_582, %dma_start3A_583] : memref<3x128x64xf32, #tpu.memory_space<vmem>> -> memref<1x128x64xf32, #tpu.memory_space<vmem>>
      %dma_start3A_585 = tpu.memref_squeeze %dma_start3A_584 : memref<1x128x64xf32, #tpu.memory_space<vmem>> -> memref<128x64xf32, #tpu.memory_space<vmem>>
      %dma_start3A_586 = arith.constant 0 : i32
      %dma_start3A_587 = tpu.memref_slice %arg4[%mul3A_2, %add3A_551, %dma_start3A_586] : memref<4096x200x64xf32, #tpu.memory_space<hbm>> -> memref<128x1x64xf32, #tpu.memory_space<hbm>>
      %dma_start3A_588 = tpu.memref_squeeze %dma_start3A_587 : memref<128x1x64xf32, #tpu.memory_space<hbm>> -> memref<128x64xf32, #tpu.memory_space<hbm>>
      %dma_start3A_589 = tpu.memref_slice %arg10[%dma_start3A_581] : memref<3x!tpu.dma_semaphore, #tpu.memory_space<semaphore_mem>> -> memref<1x!tpu.dma_semaphore, #tpu.memory_space<semaphore_mem>>
      %dma_start3A_590 = tpu.memref_squeeze %dma_start3A_589 : memref<1x!tpu.dma_semaphore, #tpu.memory_space<semaphore_mem>> -> memref<!tpu.dma_semaphore, #tpu.memory_space<semaphore_mem>>
      %dma_start3A_591 = arith.constant 0 : i32
      %dma_start3A_592 = tpu.memref_slice %arg4[%mul3A_2, %add3A_551, %dma_start3A_591] : memref<4096x200x64xf32, #tpu.memory_space<hbm>> -> memref<128x1x64xf32, #tpu.memory_space<hbm>>
      %dma_start3A_593 = tpu.memref_squeeze %dma_start3A_592 : memref<128x1x64xf32, #tpu.memory_space<hbm>> -> memref<128x64xf32, #tpu.memory_space<hbm>>
      %dma_start3A_594 = arith.constant 0 : i32
      %dma_start3A_595 = arith.constant 0 : i32
      %dma_start3A_596 = tpu.memref_slice %arg8[%dma_start3A_580, %dma_start3A_594, %dma_start3A_595] : memref<3x128x64xf32, #tpu.memory_space<vmem>> -> memref<1x128x64xf32, #tpu.memory_space<vmem>>
      %dma_start3A_597 = tpu.memref_squeeze %dma_start3A_596 : memref<1x128x64xf32, #tpu.memory_space<vmem>> -> memref<128x64xf32, #tpu.memory_space<vmem>>
      tpu.enqueue_dma source(%dma_start3A_597 : memref<128x64xf32, #tpu.memory_space<vmem>>) target(%dma_start3A_593 : memref<128x64xf32, #tpu.memory_space<hbm>>) target_semaphore(%dma_start3A_590 : memref<!tpu.dma_semaphore, #tpu.memory_space<semaphore_mem>>)
      %add3A_598 = arith.constant 3 : i32
      %add3A_599 = arith.addi %add3A_551, %add3A_598 : i32
      %lt3A_600 = arith.constant 200 : i32
      %lt3A_601 = arith.cmpi slt, %add3A_599, %lt3A_600 : i32
      %convert_element_type3A_602 = arith.extui %lt3A_601 : i1 to i32
      %cond3A_603 = arith.constant 0 : i32
      %cond3A_604 = arith.cmpi ne, %convert_element_type3A_602, %cond3A_603 : i32
      scf.if %cond3A_604 {
        %add3A_663 = arith.constant 3 : i32
        %add3A_664 = arith.addi %add3A_551, %add3A_663 : i32
        %get3A_665 = arith.index_cast %add3A_664 : i32 to index
        %get3A_666 = arith.constant 0 : index
        %get3A_667 = tpu.vector_load %arg5[%get3A_665, %get3A_666] {strides = array<i32>} : memref<200x128xi32, #tpu.memory_space<vmem>>, vector<16xi32>,
        %shift_right_arithmetic3A_668 = arith.constant 1 : i32
        %shift_right_arithmetic3A_669 = vector.broadcast %shift_right_arithmetic3A_668 : i32 to vector<16xi32>
        %shift_right_arithmetic3A_670 = arith.shrsi %get3A_667, %shift_right_arithmetic3A_669 : vector<16xi32>
        %swap3A_671 = arith.constant 1 : i32
        %swap3A_672 = arith.index_cast %swap3A_671 : i32 to index
        %swap3A_673 = arith.constant 0 : index
        %swap3A_674 = tpu.vector_load %arg6[%swap3A_672, %swap3A_673] {strides = array<i32>} : memref<3x128xi32, #tpu.memory_space<vmem>>, vector<16xi32>,
        tpu.vector_store %arg6[%swap3A_672, %swap3A_673], %shift_right_arithmetic3A_670 {strides = array<i32>} : memref<3x128xi32, #tpu.memory_space<vmem>>, vector<16xi32>,
        %get3A_675 = arith.index_cast %add3A_664 : i32 to index
        %get3A_676 = arith.constant 16 : index
        %get3A_677 = tpu.vector_load %arg5[%get3A_675, %get3A_676] {strides = array<i32>} : memref<200x128xi32, #tpu.memory_space<vmem>>, vector<16xi32>,
        %shift_right_arithmetic3A_678 = arith.constant 1 : i32
        %shift_right_arithmetic3A_679 = vector.broadcast %shift_right_arithmetic3A_678 : i32 to vector<16xi32>
        %shift_right_arithmetic3A_680 = arith.shrsi %get3A_677, %shift_right_arithmetic3A_679 : vector<16xi32>
        %swap3A_681 = arith.constant 1 : i32
        %swap3A_682 = arith.index_cast %swap3A_681 : i32 to index
        %swap3A_683 = arith.constant 16 : index
        %swap3A_684 = tpu.vector_load %arg6[%swap3A_682, %swap3A_683] {strides = array<i32>} : memref<3x128xi32, #tpu.memory_space<vmem>>, vector<16xi32>,
        tpu.vector_store %arg6[%swap3A_682, %swap3A_683], %shift_right_arithmetic3A_680 {strides = array<i32>} : memref<3x128xi32, #tpu.memory_space<vmem>>, vector<16xi32>,
        %get3A_685 = arith.index_cast %add3A_664 : i32 to index
        %get3A_686 = arith.constant 32 : index
        %get3A_687 = tpu.vector_load %arg5[%get3A_685, %get3A_686] {strides = array<i32>} : memref<200x128xi32, #tpu.memory_space<vmem>>, vector<16xi32>,
        %shift_right_arithmetic3A_688 = arith.constant 1 : i32
        %shift_right_arithmetic3A_689 = vector.broadcast %shift_right_arithmetic3A_688 : i32 to vector<16xi32>
        %shift_right_arithmetic3A_690 = arith.shrsi %get3A_687, %shift_right_arithmetic3A_689 : vector<16xi32>
        %swap3A_691 = arith.constant 1 : i32
        %swap3A_692 = arith.index_cast %swap3A_691 : i32 to index
        %swap3A_693 = arith.constant 32 : index
        %swap3A_694 = tpu.vector_load %arg6[%swap3A_692, %swap3A_693] {strides = array<i32>} : memref<3x128xi32, #tpu.memory_space<vmem>>, vector<16xi32>,
        tpu.vector_store %arg6[%swap3A_692, %swap3A_693], %shift_right_arithmetic3A_690 {strides = array<i32>} : memref<3x128xi32, #tpu.memory_space<vmem>>, vector<16xi32>,
        %get3A_695 = arith.index_cast %add3A_664 : i32 to index
        %get3A_696 = arith.constant 48 : index
        %get3A_697 = tpu.vector_load %arg5[%get3A_695, %get3A_696] {strides = array<i32>} : memref<200x128xi32, #tpu.memory_space<vmem>>, vector<16xi32>,
        %shift_right_arithmetic3A_698 = arith.constant 1 : i32
        %shift_right_arithmetic3A_699 = vector.broadcast %shift_right_arithmetic3A_698 : i32 to vector<16xi32>
        %shift_right_arithmetic3A_700 = arith.shrsi %get3A_697, %shift_right_arithmetic3A_699 : vector<16xi32>
        %swap3A_701 = arith.constant 1 : i32
        %swap3A_702 = arith.index_cast %swap3A_701 : i32 to index
        %swap3A_703 = arith.constant 48 : index
        %swap3A_704 = tpu.vector_load %arg6[%swap3A_702, %swap3A_703] {strides = array<i32>} : memref<3x128xi32, #tpu.memory_space<vmem>>, vector<16xi32>,
        tpu.vector_store %arg6[%swap3A_702, %swap3A_703], %shift_right_arithmetic3A_700 {strides = array<i32>} : memref<3x128xi32, #tpu.memory_space<vmem>>, vector<16xi32>,
        %get3A_705 = arith.index_cast %add3A_664 : i32 to index
        %get3A_706 = arith.constant 64 : index
        %get3A_707 = tpu.vector_load %arg5[%get3A_705, %get3A_706] {strides = array<i32>} : memref<200x128xi32, #tpu.memory_space<vmem>>, vector<16xi32>,
        %shift_right_arithmetic3A_708 = arith.constant 1 : i32
        %shift_right_arithmetic3A_709 = vector.broadcast %shift_right_arithmetic3A_708 : i32 to vector<16xi32>
        %shift_right_arithmetic3A_710 = arith.shrsi %get3A_707, %shift_right_arithmetic3A_709 : vector<16xi32>
        %swap3A_711 = arith.constant 1 : i32
        %swap3A_712 = arith.index_cast %swap3A_711 : i32 to index
        %swap3A_713 = arith.constant 64 : index
        %swap3A_714 = tpu.vector_load %arg6[%swap3A_712, %swap3A_713] {strides = array<i32>} : memref<3x128xi32, #tpu.memory_space<vmem>>, vector<16xi32>,
        tpu.vector_store %arg6[%swap3A_712, %swap3A_713], %shift_right_arithmetic3A_710 {strides = array<i32>} : memref<3x128xi32, #tpu.memory_space<vmem>>, vector<16xi32>,
        %get3A_715 = arith.index_cast %add3A_664 : i32 to index
        %get3A_716 = arith.constant 80 : index
        %get3A_717 = tpu.vector_load %arg5[%get3A_715, %get3A_716] {strides = array<i32>} : memref<200x128xi32, #tpu.memory_space<vmem>>, vector<16xi32>,
        %shift_right_arithmetic3A_718 = arith.constant 1 : i32
        %shift_right_arithmetic3A_719 = vector.broadcast %shift_right_arithmetic3A_718 : i32 to vector<16xi32>
        %shift_right_arithmetic3A_720 = arith.shrsi %get3A_717, %shift_right_arithmetic3A_719 : vector<16xi32>
        %swap3A_721 = arith.constant 1 : i32
        %swap3A_722 = arith.index_cast %swap3A_721 : i32 to index
        %swap3A_723 = arith.constant 80 : index
        %swap3A_724 = tpu.vector_load %arg6[%swap3A_722, %swap3A_723] {strides = array<i32>} : memref<3x128xi32, #tpu.memory_space<vmem>>, vector<16xi32>,
        tpu.vector_store %arg6[%swap3A_722, %swap3A_723], %shift_right_arithmetic3A_720 {strides = array<i32>} : memref<3x128xi32, #tpu.memory_space<vmem>>, vector<16xi32>,
        %get3A_725 = arith.index_cast %add3A_664 : i32 to index
        %get3A_726 = arith.constant 96 : index
        %get3A_727 = tpu.vector_load %arg5[%get3A_725, %get3A_726] {strides = array<i32>} : memref<200x128xi32, #tpu.memory_space<vmem>>, vector<16xi32>,
        %shift_right_arithmetic3A_728 = arith.constant 1 : i32
        %shift_right_arithmetic3A_729 = vector.broadcast %shift_right_arithmetic3A_728 : i32 to vector<16xi32>
        %shift_right_arithmetic3A_730 = arith.shrsi %get3A_727, %shift_right_arithmetic3A_729 : vector<16xi32>
        %swap3A_731 = arith.constant 1 : i32
        %swap3A_732 = arith.index_cast %swap3A_731 : i32 to index
        %swap3A_733 = arith.constant 96 : index
        %swap3A_734 = tpu.vector_load %arg6[%swap3A_732, %swap3A_733] {strides = array<i32>} : memref<3x128xi32, #tpu.memory_space<vmem>>, vector<16xi32>,
        tpu.vector_store %arg6[%swap3A_732, %swap3A_733], %shift_right_arithmetic3A_730 {strides = array<i32>} : memref<3x128xi32, #tpu.memory_space<vmem>>, vector<16xi32>,
        %get3A_735 = arith.index_cast %add3A_664 : i32 to index
        %get3A_736 = arith.constant 112 : index
        %get3A_737 = tpu.vector_load %arg5[%get3A_735, %get3A_736] {strides = array<i32>} : memref<200x128xi32, #tpu.memory_space<vmem>>, vector<16xi32>,
        %shift_right_arithmetic3A_738 = arith.constant 1 : i32
        %shift_right_arithmetic3A_739 = vector.broadcast %shift_right_arithmetic3A_738 : i32 to vector<16xi32>
        %shift_right_arithmetic3A_740 = arith.shrsi %get3A_737, %shift_right_arithmetic3A_739 : vector<16xi32>
        %swap3A_741 = arith.constant 1 : i32
        %swap3A_742 = arith.index_cast %swap3A_741 : i32 to index
        %swap3A_743 = arith.constant 112 : index
        %swap3A_744 = tpu.vector_load %arg6[%swap3A_742, %swap3A_743] {strides = array<i32>} : memref<3x128xi32, #tpu.memory_space<vmem>>, vector<16xi32>,
        tpu.vector_store %arg6[%swap3A_742, %swap3A_743], %shift_right_arithmetic3A_740 {strides = array<i32>} : memref<3x128xi32, #tpu.memory_space<vmem>>, vector<16xi32>,
        %dma_start3A_745 = arith.constant 1 : i32
        %dma_start3A_746 = arith.constant 1 : i32
        %dma_start3A_747 = arith.constant 1 : i32
        %dma_start3A_748 = arith.constant 0 : i32
        %dma_start3A_749 = arith.constant 0 : i32
        %dma_start3A_750 = tpu.memref_slice %arg7[%dma_start3A_746, %dma_start3A_748, %dma_start3A_749] : memref<3x128x128xf32, #tpu.memory_space<vmem>> -> memref<1x128x128xf32, #tpu.memory_space<vmem>>
        %dma_start3A_751 = tpu.memref_squeeze %dma_start3A_750 : memref<1x128x128xf32, #tpu.memory_space<vmem>> -> memref<128x128xf32, #tpu.memory_space<vmem>>
        %dma_start3A_752 = arith.constant 0 : i32
        %dma_start3A_753 = tpu.memref_slice %arg6[%dma_start3A_745, %dma_start3A_752] : memref<3x128xi32, #tpu.memory_space<vmem>> -> memref<1x128xi32, #tpu.memory_space<vmem>>
        %dma_start3A_754 = tpu.memref_squeeze %dma_start3A_753 : memref<1x128xi32, #tpu.memory_space<vmem>> -> memref<128xi32, #tpu.memory_space<vmem>>
        %dma_start3A_755 = arith.constant 0 : i32
        %dma_start3A_756 = arith.constant 0 : i32
        %dma_start3A_757 = tpu.memref_slice %arg3[%dma_start3A_755, %dma_start3A_756] : memref<500000x128xf32, #tpu.memory_space<hbm>> -> memref<500000x128xf32, #tpu.memory_space<hbm>>
        %dma_start3A_758 = tpu.memref_slice %arg9[%dma_start3A_747] : memref<3x!tpu.dma_semaphore, #tpu.memory_space<semaphore_mem>> -> memref<1x!tpu.dma_semaphore, #tpu.memory_space<semaphore_mem>>
        %dma_start3A_759 = tpu.memref_squeeze %dma_start3A_758 : memref<1x!tpu.dma_semaphore, #tpu.memory_space<semaphore_mem>> -> memref<!tpu.dma_semaphore, #tpu.memory_space<semaphore_mem>>
        tpu.enqueue_indirect_dma source(%dma_start3A_757 : memref<500000x128xf32, #tpu.memory_space<hbm>>) target(%dma_start3A_751 : memref<128x128xf32, #tpu.memory_space<vmem>>) offsets(%dma_start3A_754 : memref<128xi32, #tpu.memory_space<vmem>>) semaphore(%dma_start3A_759 : memref<!tpu.dma_semaphore, #tpu.memory_space<semaphore_mem>>)
      } else {
      }
      %mul3A_605 = arith.constant 3 : i32
      %mul3A_606 = arith.muli %scan3A_493, %mul3A_605 : i32
      %add3A_607 = arith.constant 2 : i32
      %add3A_608 = arith.addi %mul3A_606, %add3A_607 : i32
      %dma_wait3A_609 = arith.constant 2 : i32
      %dma_wait3A_610 = arith.constant 2 : i32
      %dma_wait3A_611 = arith.constant 2 : i32
      %dma_wait3A_612 = arith.constant 0 : i32
      %dma_wait3A_613 = arith.constant 0 : i32
      %dma_wait3A_614 = tpu.memref_slice %arg7[%dma_wait3A_610, %dma_wait3A_612, %dma_wait3A_613] : memref<3x128x128xf32, #tpu.memory_space<vmem>> -> memref<1x128x128xf32, #tpu.memory_space<vmem>>
      %dma_wait3A_615 = tpu.memref_squeeze %dma_wait3A_614 : memref<1x128x128xf32, #tpu.memory_space<vmem>> -> memref<128x128xf32, #tpu.memory_space<vmem>>
      %dma_wait3A_616 = arith.constant 0 : i32
      %dma_wait3A_617 = tpu.memref_slice %arg6[%dma_wait3A_609, %dma_wait3A_616] : memref<3x128xi32, #tpu.memory_space<vmem>> -> memref<1x128xi32, #tpu.memory_space<vmem>>
      %dma_wait3A_618 = tpu.memref_squeeze %dma_wait3A_617 : memref<1x128xi32, #tpu.memory_space<vmem>> -> memref<128xi32, #tpu.memory_space<vmem>>
      %dma_wait3A_619 = arith.constant 0 : i32
      %dma_wait3A_620 = arith.constant 0 : i32
      %dma_wait3A_621 = tpu.memref_slice %arg3[%dma_wait3A_619, %dma_wait3A_620] : memref<500000x128xf32, #tpu.memory_space<hbm>> -> memref<500000x128xf32, #tpu.memory_space<hbm>>
      %dma_wait3A_622 = tpu.memref_slice %arg9[%dma_wait3A_611] : memref<3x!tpu.dma_semaphore, #tpu.memory_space<semaphore_mem>> -> memref<1x!tpu.dma_semaphore, #tpu.memory_space<semaphore_mem>>
      %dma_wait3A_623 = tpu.memref_squeeze %dma_wait3A_622 : memref<1x!tpu.dma_semaphore, #tpu.memory_space<semaphore_mem>> -> memref<!tpu.dma_semaphore, #tpu.memory_space<semaphore_mem>>
      tpu.wait_indirect_dma semaphore(%dma_wait3A_623 : memref<!tpu.dma_semaphore, #tpu.memory_space<semaphore_mem>>) src(%dma_wait3A_621 : memref<500000x128xf32, #tpu.memory_space<hbm>>) dst(%dma_wait3A_615 : memref<128x128xf32, #tpu.memory_space<vmem>>)
      %gt3A_624 = arith.constant 0 : i32
      %gt3A_625 = arith.cmpi sgt, %scan3A_493, %gt3A_624 : i32
      %convert_element_type3A_626 = arith.extui %gt3A_625 : i1 to i32
      %cond3A_627 = arith.constant 0 : i32
      %cond3A_628 = arith.cmpi ne, %convert_element_type3A_626, %cond3A_627 : i32
      scf.if %cond3A_628 {
        %dma_wait3A_663 = arith.constant 2 : i32
        %dma_wait3A_664 = arith.constant 0 : i32
        %dma_wait3A_665 = arith.constant 2 : i32
        %dma_wait3A_666 = arith.constant 0 : i32
        %dma_wait3A_667 = arith.constant 0 : i32
        %dma_wait3A_668 = tpu.memref_slice %arg8[%dma_wait3A_663, %dma_wait3A_666, %dma_wait3A_667] : memref<3x128x64xf32, #tpu.memory_space<vmem>> -> memref<1x128x64xf32, #tpu.memory_space<vmem>>
        %dma_wait3A_669 = tpu.memref_squeeze %dma_wait3A_668 : memref<1x128x64xf32, #tpu.memory_space<vmem>> -> memref<128x64xf32, #tpu.memory_space<vmem>>
        %dma_wait3A_670 = arith.constant 0 : i32
        %dma_wait3A_671 = tpu.memref_slice %arg4[%mul3A_2, %dma_wait3A_664, %dma_wait3A_670] : memref<4096x200x64xf32, #tpu.memory_space<hbm>> -> memref<128x1x64xf32, #tpu.memory_space<hbm>>
        %dma_wait3A_672 = tpu.memref_squeeze %dma_wait3A_671 : memref<128x1x64xf32, #tpu.memory_space<hbm>> -> memref<128x64xf32, #tpu.memory_space<hbm>>
        %dma_wait3A_673 = tpu.memref_slice %arg10[%dma_wait3A_665] : memref<3x!tpu.dma_semaphore, #tpu.memory_space<semaphore_mem>> -> memref<1x!tpu.dma_semaphore, #tpu.memory_space<semaphore_mem>>
        %dma_wait3A_674 = tpu.memref_squeeze %dma_wait3A_673 : memref<1x!tpu.dma_semaphore, #tpu.memory_space<semaphore_mem>> -> memref<!tpu.dma_semaphore, #tpu.memory_space<semaphore_mem>>
        %dma_wait3A_675 = arith.constant 0 : i32
        %dma_wait3A_676 = tpu.memref_slice %arg4[%mul3A_2, %dma_wait3A_664, %dma_wait3A_675] : memref<4096x200x64xf32, #tpu.memory_space<hbm>> -> memref<128x1x64xf32, #tpu.memory_space<hbm>>
        %dma_wait3A_677 = tpu.memref_squeeze %dma_wait3A_676 : memref<128x1x64xf32, #tpu.memory_space<hbm>> -> memref<128x64xf32, #tpu.memory_space<hbm>>
        %dma_wait3A_678 = arith.constant 0 : i32
        %dma_wait3A_679 = arith.constant 0 : i32
        %dma_wait3A_680 = tpu.memref_slice %arg8[%dma_wait3A_663, %dma_wait3A_678, %dma_wait3A_679] : memref<3x128x64xf32, #tpu.memory_space<vmem>> -> memref<1x128x64xf32, #tpu.memory_space<vmem>>
        %dma_wait3A_681 = tpu.memref_squeeze %dma_wait3A_680 : memref<1x128x64xf32, #tpu.memory_space<vmem>> -> memref<128x64xf32, #tpu.memory_space<vmem>>
        tpu.wait_dma2 semaphore(%dma_wait3A_674 : memref<!tpu.dma_semaphore, #tpu.memory_space<semaphore_mem>>) src(%dma_wait3A_681 : memref<128x64xf32, #tpu.memory_space<vmem>>) dst(%dma_wait3A_677 : memref<128x64xf32, #tpu.memory_space<hbm>>)
      } else {
      }
      %broadcast_in_dim3A_629 = vector.broadcast %add3A_608 : i32 to vector<16xi32>
      %scan3A_630 = arith.constant 0 : i32
      %scan3A_631 = arith.constant 0 : i32
      %scan3A_632 = arith.constant 128 : i32
      %scan3A_633 = arith.addi %scan3A_631, %scan3A_632 : i32
      %scan3A_634 = arith.constant 8 : i32
      %scan3A_635 = scf.for %scan3A_663 = %scan3A_631 to %scan3A_633 step %scan3A_634 iter_args(%scan3A_664 = %scan3A_630) -> (i32)  : i32 {
        %broadcast_in_dim3A_665 = vector.broadcast %scan3A_663 : i32 to vector<16xi32>
        %gather3A = tpu.vector_load_idx %arg5[%broadcast_in_dim3A_629, %broadcast_in_dim3A_665] : memref<200x128xi32, #tpu.memory_space<vmem>>[vector<16xi32>, vector<16xi32>], vector<16xi32>,
        %and3A = arith.constant 1 : i32
        %and3A_666 = vector.broadcast %and3A : i32 to vector<16xi32>
        %and3A_667 = arith.andi %gather3A, %and3A_666 : vector<16xi32>
        %eq3A = arith.constant 1 : i32
        %eq3A_668 = vector.broadcast %eq3A : i32 to vector<16xi32>
        %eq3A_669 = arith.cmpi eq, %and3A_667, %eq3A_668 : vector<16xi32>
        %get3A_670 = arith.constant 2 : i32
        %get3A_671 = arith.index_cast %get3A_670 : i32 to index
        %get3A_672 = arith.index_cast %scan3A_663 : i32 to index
        %get3A_673 = arith.constant 0 : index
        %get3A_674 = tpu.vector_load %arg7[%get3A_671, %get3A_672, %get3A_673] {strides = array<i32>} : memref<3x128x128xf32, #tpu.memory_space<vmem>>, vector<16xf32>,
        %get3A_675 = arith.constant 2 : i32
        %get3A_676 = arith.index_cast %get3A_675 : i32 to index
        %get3A_677 = arith.index_cast %scan3A_663 : i32 to index
        %get3A_678 = arith.constant 64 : index
        %get3A_679 = tpu.vector_load %arg7[%get3A_676, %get3A_677, %get3A_678] {strides = array<i32>} : memref<3x128x128xf32, #tpu.memory_space<vmem>>, vector<16xf32>,
        %select_n3A = arith.select %eq3A_669, %get3A_679, %get3A_674 : vector<16xi1>, vector<16xf32>
        %mul3A_680 = arith.constant 8.000000e+00 : f32
        %mul3A_681 = vector.broadcast %mul3A_680 : f32 to vector<16xf32>
        %mul3A_682 = arith.mulf %select_n3A, %mul3A_681 : vector<16xf32>
        %swap3A_683 = arith.constant 2 : i32
        %swap3A_684 = arith.index_cast %swap3A_683 : i32 to index
        %swap3A_685 = arith.index_cast %scan3A_663 : i32 to index
        %swap3A_686 = arith.constant 0 : index
        %swap3A_687 = tpu.vector_load %arg8[%swap3A_684, %swap3A_685, %swap3A_686] {strides = array<i32>} : memref<3x128x64xf32, #tpu.memory_space<vmem>>, vector<16xf32>,
        tpu.vector_store %arg8[%swap3A_684, %swap3A_685, %swap3A_686], %mul3A_682 {strides = array<i32>} : memref<3x128x64xf32, #tpu.memory_space<vmem>>, vector<16xf32>,
        %get3A_688 = arith.constant 2 : i32
        %get3A_689 = arith.index_cast %get3A_688 : i32 to index
        %get3A_690 = arith.index_cast %scan3A_663 : i32 to index
        %get3A_691 = arith.constant 16 : index
        %get3A_692 = tpu.vector_load %arg7[%get3A_689, %get3A_690, %get3A_691] {strides = array<i32>} : memref<3x128x128xf32, #tpu.memory_space<vmem>>, vector<16xf32>,
        %get3A_693 = arith.constant 2 : i32
        %get3A_694 = arith.index_cast %get3A_693 : i32 to index
        %get3A_695 = arith.index_cast %scan3A_663 : i32 to index
        %get3A_696 = arith.constant 80 : index
        %get3A_697 = tpu.vector_load %arg7[%get3A_694, %get3A_695, %get3A_696] {strides = array<i32>} : memref<3x128x128xf32, #tpu.memory_space<vmem>>, vector<16xf32>,
        %select_n3A_698 = arith.select %eq3A_669, %get3A_697, %get3A_692 : vector<16xi1>, vector<16xf32>
        %mul3A_699 = arith.constant 8.000000e+00 : f32
        %mul3A_700 = vector.broadcast %mul3A_699 : f32 to vector<16xf32>
        %mul3A_701 = arith.mulf %select_n3A_698, %mul3A_700 : vector<16xf32>
        %swap3A_702 = arith.constant 2 : i32
        %swap3A_703 = arith.index_cast %swap3A_702 : i32 to index
        %swap3A_704 = arith.index_cast %scan3A_663 : i32 to index
        %swap3A_705 = arith.constant 16 : index
        %swap3A_706 = tpu.vector_load %arg8[%swap3A_703, %swap3A_704, %swap3A_705] {strides = array<i32>} : memref<3x128x64xf32, #tpu.memory_space<vmem>>, vector<16xf32>,
        tpu.vector_store %arg8[%swap3A_703, %swap3A_704, %swap3A_705], %mul3A_701 {strides = array<i32>} : memref<3x128x64xf32, #tpu.memory_space<vmem>>, vector<16xf32>,
        %get3A_707 = arith.constant 2 : i32
        %get3A_708 = arith.index_cast %get3A_707 : i32 to index
        %get3A_709 = arith.index_cast %scan3A_663 : i32 to index
        %get3A_710 = arith.constant 32 : index
        %get3A_711 = tpu.vector_load %arg7[%get3A_708, %get3A_709, %get3A_710] {strides = array<i32>} : memref<3x128x128xf32, #tpu.memory_space<vmem>>, vector<16xf32>,
        %get3A_712 = arith.constant 2 : i32
        %get3A_713 = arith.index_cast %get3A_712 : i32 to index
        %get3A_714 = arith.index_cast %scan3A_663 : i32 to index
        %get3A_715 = arith.constant 96 : index
        %get3A_716 = tpu.vector_load %arg7[%get3A_713, %get3A_714, %get3A_715] {strides = array<i32>} : memref<3x128x128xf32, #tpu.memory_space<vmem>>, vector<16xf32>,
        %select_n3A_717 = arith.select %eq3A_669, %get3A_716, %get3A_711 : vector<16xi1>, vector<16xf32>
        %mul3A_718 = arith.constant 8.000000e+00 : f32
        %mul3A_719 = vector.broadcast %mul3A_718 : f32 to vector<16xf32>
        %mul3A_720 = arith.mulf %select_n3A_717, %mul3A_719 : vector<16xf32>
        %swap3A_721 = arith.constant 2 : i32
        %swap3A_722 = arith.index_cast %swap3A_721 : i32 to index
        %swap3A_723 = arith.index_cast %scan3A_663 : i32 to index
        %swap3A_724 = arith.constant 32 : index
        %swap3A_725 = tpu.vector_load %arg8[%swap3A_722, %swap3A_723, %swap3A_724] {strides = array<i32>} : memref<3x128x64xf32, #tpu.memory_space<vmem>>, vector<16xf32>,
        tpu.vector_store %arg8[%swap3A_722, %swap3A_723, %swap3A_724], %mul3A_720 {strides = array<i32>} : memref<3x128x64xf32, #tpu.memory_space<vmem>>, vector<16xf32>,
        %get3A_726 = arith.constant 2 : i32
        %get3A_727 = arith.index_cast %get3A_726 : i32 to index
        %get3A_728 = arith.index_cast %scan3A_663 : i32 to index
        %get3A_729 = arith.constant 48 : index
        %get3A_730 = tpu.vector_load %arg7[%get3A_727, %get3A_728, %get3A_729] {strides = array<i32>} : memref<3x128x128xf32, #tpu.memory_space<vmem>>, vector<16xf32>,
        %get3A_731 = arith.constant 2 : i32
        %get3A_732 = arith.index_cast %get3A_731 : i32 to index
        %get3A_733 = arith.index_cast %scan3A_663 : i32 to index
        %get3A_734 = arith.constant 112 : index
        %get3A_735 = tpu.vector_load %arg7[%get3A_732, %get3A_733, %get3A_734] {strides = array<i32>} : memref<3x128x128xf32, #tpu.memory_space<vmem>>, vector<16xf32>,
        %select_n3A_736 = arith.select %eq3A_669, %get3A_735, %get3A_730 : vector<16xi1>, vector<16xf32>
        %mul3A_737 = arith.constant 8.000000e+00 : f32
        %mul3A_738 = vector.broadcast %mul3A_737 : f32 to vector<16xf32>
        %mul3A_739 = arith.mulf %select_n3A_736, %mul3A_738 : vector<16xf32>
        %swap3A_740 = arith.constant 2 : i32
        %swap3A_741 = arith.index_cast %swap3A_740 : i32 to index
        %swap3A_742 = arith.index_cast %scan3A_663 : i32 to index
        %swap3A_743 = arith.constant 48 : index
        %swap3A_744 = tpu.vector_load %arg8[%swap3A_741, %swap3A_742, %swap3A_743] {strides = array<i32>} : memref<3x128x64xf32, #tpu.memory_space<vmem>>, vector<16xf32>,
        tpu.vector_store %arg8[%swap3A_741, %swap3A_742, %swap3A_743], %mul3A_739 {strides = array<i32>} : memref<3x128x64xf32, #tpu.memory_space<vmem>>, vector<16xf32>,
        %scan3A_745 = arith.constant 0 : i32
        %scan3A_746 = arith.constant 1 : i32
        %scan3A_747 = arith.addi %scan3A_663, %scan3A_746 : i32
        %broadcast_in_dim3A_748 = vector.broadcast %scan3A_747 : i32 to vector<16xi32>
        %gather3A_749 = tpu.vector_load_idx %arg5[%broadcast_in_dim3A_629, %broadcast_in_dim3A_748] : memref<200x128xi32, #tpu.memory_space<vmem>>[vector<16xi32>, vector<16xi32>], vector<16xi32>,
        %and3A_750 = arith.constant 1 : i32
        %and3A_751 = vector.broadcast %and3A_750 : i32 to vector<16xi32>
        %and3A_752 = arith.andi %gather3A_749, %and3A_751 : vector<16xi32>
        %eq3A_753 = arith.constant 1 : i32
        %eq3A_754 = vector.broadcast %eq3A_753 : i32 to vector<16xi32>
        %eq3A_755 = arith.cmpi eq, %and3A_752, %eq3A_754 : vector<16xi32>
        %get3A_756 = arith.constant 2 : i32
        %get3A_757 = arith.index_cast %get3A_756 : i32 to index
        %get3A_758 = arith.index_cast %scan3A_747 : i32 to index
        %get3A_759 = arith.constant 0 : index
        %get3A_760 = tpu.vector_load %arg7[%get3A_757, %get3A_758, %get3A_759] {strides = array<i32>} : memref<3x128x128xf32, #tpu.memory_space<vmem>>, vector<16xf32>,
        %get3A_761 = arith.constant 2 : i32
        %get3A_762 = arith.index_cast %get3A_761 : i32 to index
        %get3A_763 = arith.index_cast %scan3A_747 : i32 to index
        %get3A_764 = arith.constant 64 : index
        %get3A_765 = tpu.vector_load %arg7[%get3A_762, %get3A_763, %get3A_764] {strides = array<i32>} : memref<3x128x128xf32, #tpu.memory_space<vmem>>, vector<16xf32>,
        %select_n3A_766 = arith.select %eq3A_755, %get3A_765, %get3A_760 : vector<16xi1>, vector<16xf32>
        %mul3A_767 = arith.constant 8.000000e+00 : f32
        %mul3A_768 = vector.broadcast %mul3A_767 : f32 to vector<16xf32>
        %mul3A_769 = arith.mulf %select_n3A_766, %mul3A_768 : vector<16xf32>
        %swap3A_770 = arith.constant 2 : i32
        %swap3A_771 = arith.index_cast %swap3A_770 : i32 to index
        %swap3A_772 = arith.index_cast %scan3A_747 : i32 to index
        %swap3A_773 = arith.constant 0 : index
        %swap3A_774 = tpu.vector_load %arg8[%swap3A_771, %swap3A_772, %swap3A_773] {strides = array<i32>} : memref<3x128x64xf32, #tpu.memory_space<vmem>>, vector<16xf32>,
        tpu.vector_store %arg8[%swap3A_771, %swap3A_772, %swap3A_773], %mul3A_769 {strides = array<i32>} : memref<3x128x64xf32, #tpu.memory_space<vmem>>, vector<16xf32>,
        %get3A_775 = arith.constant 2 : i32
        %get3A_776 = arith.index_cast %get3A_775 : i32 to index
        %get3A_777 = arith.index_cast %scan3A_747 : i32 to index
        %get3A_778 = arith.constant 16 : index
        %get3A_779 = tpu.vector_load %arg7[%get3A_776, %get3A_777, %get3A_778] {strides = array<i32>} : memref<3x128x128xf32, #tpu.memory_space<vmem>>, vector<16xf32>,
        %get3A_780 = arith.constant 2 : i32
        %get3A_781 = arith.index_cast %get3A_780 : i32 to index
        %get3A_782 = arith.index_cast %scan3A_747 : i32 to index
        %get3A_783 = arith.constant 80 : index
        %get3A_784 = tpu.vector_load %arg7[%get3A_781, %get3A_782, %get3A_783] {strides = array<i32>} : memref<3x128x128xf32, #tpu.memory_space<vmem>>, vector<16xf32>,
        %select_n3A_785 = arith.select %eq3A_755, %get3A_784, %get3A_779 : vector<16xi1>, vector<16xf32>
        %mul3A_786 = arith.constant 8.000000e+00 : f32
        %mul3A_787 = vector.broadcast %mul3A_786 : f32 to vector<16xf32>
        %mul3A_788 = arith.mulf %select_n3A_785, %mul3A_787 : vector<16xf32>
        %swap3A_789 = arith.constant 2 : i32
        %swap3A_790 = arith.index_cast %swap3A_789 : i32 to index
        %swap3A_791 = arith.index_cast %scan3A_747 : i32 to index
        %swap3A_792 = arith.constant 16 : index
        %swap3A_793 = tpu.vector_load %arg8[%swap3A_790, %swap3A_791, %swap3A_792] {strides = array<i32>} : memref<3x128x64xf32, #tpu.memory_space<vmem>>, vector<16xf32>,
        tpu.vector_store %arg8[%swap3A_790, %swap3A_791, %swap3A_792], %mul3A_788 {strides = array<i32>} : memref<3x128x64xf32, #tpu.memory_space<vmem>>, vector<16xf32>,
        %get3A_794 = arith.constant 2 : i32
        %get3A_795 = arith.index_cast %get3A_794 : i32 to index
        %get3A_796 = arith.index_cast %scan3A_747 : i32 to index
        %get3A_797 = arith.constant 32 : index
        %get3A_798 = tpu.vector_load %arg7[%get3A_795, %get3A_796, %get3A_797] {strides = array<i32>} : memref<3x128x128xf32, #tpu.memory_space<vmem>>, vector<16xf32>,
        %get3A_799 = arith.constant 2 : i32
        %get3A_800 = arith.index_cast %get3A_799 : i32 to index
        %get3A_801 = arith.index_cast %scan3A_747 : i32 to index
        %get3A_802 = arith.constant 96 : index
        %get3A_803 = tpu.vector_load %arg7[%get3A_800, %get3A_801, %get3A_802] {strides = array<i32>} : memref<3x128x128xf32, #tpu.memory_space<vmem>>, vector<16xf32>,
        %select_n3A_804 = arith.select %eq3A_755, %get3A_803, %get3A_798 : vector<16xi1>, vector<16xf32>
        %mul3A_805 = arith.constant 8.000000e+00 : f32
        %mul3A_806 = vector.broadcast %mul3A_805 : f32 to vector<16xf32>
        %mul3A_807 = arith.mulf %select_n3A_804, %mul3A_806 : vector<16xf32>
        %swap3A_808 = arith.constant 2 : i32
        %swap3A_809 = arith.index_cast %swap3A_808 : i32 to index
        %swap3A_810 = arith.index_cast %scan3A_747 : i32 to index
        %swap3A_811 = arith.constant 32 : index
        %swap3A_812 = tpu.vector_load %arg8[%swap3A_809, %swap3A_810, %swap3A_811] {strides = array<i32>} : memref<3x128x64xf32, #tpu.memory_space<vmem>>, vector<16xf32>,
        tpu.vector_store %arg8[%swap3A_809, %swap3A_810, %swap3A_811], %mul3A_807 {strides = array<i32>} : memref<3x128x64xf32, #tpu.memory_space<vmem>>, vector<16xf32>,
        %get3A_813 = arith.constant 2 : i32
        %get3A_814 = arith.index_cast %get3A_813 : i32 to index
        %get3A_815 = arith.index_cast %scan3A_747 : i32 to index
        %get3A_816 = arith.constant 48 : index
        %get3A_817 = tpu.vector_load %arg7[%get3A_814, %get3A_815, %get3A_816] {strides = array<i32>} : memref<3x128x128xf32, #tpu.memory_space<vmem>>, vector<16xf32>,
        %get3A_818 = arith.constant 2 : i32
        %get3A_819 = arith.index_cast %get3A_818 : i32 to index
        %get3A_820 = arith.index_cast %scan3A_747 : i32 to index
        %get3A_821 = arith.constant 112 : index
        %get3A_822 = tpu.vector_load %arg7[%get3A_819, %get3A_820, %get3A_821] {strides = array<i32>} : memref<3x128x128xf32, #tpu.memory_space<vmem>>, vector<16xf32>,
        %select_n3A_823 = arith.select %eq3A_755, %get3A_822, %get3A_817 : vector<16xi1>, vector<16xf32>
        %mul3A_824 = arith.constant 8.000000e+00 : f32
        %mul3A_825 = vector.broadcast %mul3A_824 : f32 to vector<16xf32>
        %mul3A_826 = arith.mulf %select_n3A_823, %mul3A_825 : vector<16xf32>
        %swap3A_827 = arith.constant 2 : i32
        %swap3A_828 = arith.index_cast %swap3A_827 : i32 to index
        %swap3A_829 = arith.index_cast %scan3A_747 : i32 to index
        %swap3A_830 = arith.constant 48 : index
        %swap3A_831 = tpu.vector_load %arg8[%swap3A_828, %swap3A_829, %swap3A_830] {strides = array<i32>} : memref<3x128x64xf32, #tpu.memory_space<vmem>>, vector<16xf32>,
        tpu.vector_store %arg8[%swap3A_828, %swap3A_829, %swap3A_830], %mul3A_826 {strides = array<i32>} : memref<3x128x64xf32, #tpu.memory_space<vmem>>, vector<16xf32>,
        %scan3A_832 = arith.constant 0 : i32
        %scan3A_833 = arith.constant 2 : i32
        %scan3A_834 = arith.addi %scan3A_663, %scan3A_833 : i32
        %broadcast_in_dim3A_835 = vector.broadcast %scan3A_834 : i32 to vector<16xi32>
        %gather3A_836 = tpu.vector_load_idx %arg5[%broadcast_in_dim3A_629, %broadcast_in_dim3A_835] : memref<200x128xi32, #tpu.memory_space<vmem>>[vector<16xi32>, vector<16xi32>], vector<16xi32>,
        %and3A_837 = arith.constant 1 : i32
        %and3A_838 = vector.broadcast %and3A_837 : i32 to vector<16xi32>
        %and3A_839 = arith.andi %gather3A_836, %and3A_838 : vector<16xi32>
        %eq3A_840 = arith.constant 1 : i32
        %eq3A_841 = vector.broadcast %eq3A_840 : i32 to vector<16xi32>
        %eq3A_842 = arith.cmpi eq, %and3A_839, %eq3A_841 : vector<16xi32>
        %get3A_843 = arith.constant 2 : i32
        %get3A_844 = arith.index_cast %get3A_843 : i32 to index
        %get3A_845 = arith.index_cast %scan3A_834 : i32 to index
        %get3A_846 = arith.constant 0 : index
        %get3A_847 = tpu.vector_load %arg7[%get3A_844, %get3A_845, %get3A_846] {strides = array<i32>} : memref<3x128x128xf32, #tpu.memory_space<vmem>>, vector<16xf32>,
        %get3A_848 = arith.constant 2 : i32
        %get3A_849 = arith.index_cast %get3A_848 : i32 to index
        %get3A_850 = arith.index_cast %scan3A_834 : i32 to index
        %get3A_851 = arith.constant 64 : index
        %get3A_852 = tpu.vector_load %arg7[%get3A_849, %get3A_850, %get3A_851] {strides = array<i32>} : memref<3x128x128xf32, #tpu.memory_space<vmem>>, vector<16xf32>,
        %select_n3A_853 = arith.select %eq3A_842, %get3A_852, %get3A_847 : vector<16xi1>, vector<16xf32>
        %mul3A_854 = arith.constant 8.000000e+00 : f32
        %mul3A_855 = vector.broadcast %mul3A_854 : f32 to vector<16xf32>
        %mul3A_856 = arith.mulf %select_n3A_853, %mul3A_855 : vector<16xf32>
        %swap3A_857 = arith.constant 2 : i32
        %swap3A_858 = arith.index_cast %swap3A_857 : i32 to index
        %swap3A_859 = arith.index_cast %scan3A_834 : i32 to index
        %swap3A_860 = arith.constant 0 : index
        %swap3A_861 = tpu.vector_load %arg8[%swap3A_858, %swap3A_859, %swap3A_860] {strides = array<i32>} : memref<3x128x64xf32, #tpu.memory_space<vmem>>, vector<16xf32>,
        tpu.vector_store %arg8[%swap3A_858, %swap3A_859, %swap3A_860], %mul3A_856 {strides = array<i32>} : memref<3x128x64xf32, #tpu.memory_space<vmem>>, vector<16xf32>,
        %get3A_862 = arith.constant 2 : i32
        %get3A_863 = arith.index_cast %get3A_862 : i32 to index
        %get3A_864 = arith.index_cast %scan3A_834 : i32 to index
        %get3A_865 = arith.constant 16 : index
        %get3A_866 = tpu.vector_load %arg7[%get3A_863, %get3A_864, %get3A_865] {strides = array<i32>} : memref<3x128x128xf32, #tpu.memory_space<vmem>>, vector<16xf32>,
        %get3A_867 = arith.constant 2 : i32
        %get3A_868 = arith.index_cast %get3A_867 : i32 to index
        %get3A_869 = arith.index_cast %scan3A_834 : i32 to index
        %get3A_870 = arith.constant 80 : index
        %get3A_871 = tpu.vector_load %arg7[%get3A_868, %get3A_869, %get3A_870] {strides = array<i32>} : memref<3x128x128xf32, #tpu.memory_space<vmem>>, vector<16xf32>,
        %select_n3A_872 = arith.select %eq3A_842, %get3A_871, %get3A_866 : vector<16xi1>, vector<16xf32>
        %mul3A_873 = arith.constant 8.000000e+00 : f32
        %mul3A_874 = vector.broadcast %mul3A_873 : f32 to vector<16xf32>
        %mul3A_875 = arith.mulf %select_n3A_872, %mul3A_874 : vector<16xf32>
        %swap3A_876 = arith.constant 2 : i32
        %swap3A_877 = arith.index_cast %swap3A_876 : i32 to index
        %swap3A_878 = arith.index_cast %scan3A_834 : i32 to index
        %swap3A_879 = arith.constant 16 : index
        %swap3A_880 = tpu.vector_load %arg8[%swap3A_877, %swap3A_878, %swap3A_879] {strides = array<i32>} : memref<3x128x64xf32, #tpu.memory_space<vmem>>, vector<16xf32>,
        tpu.vector_store %arg8[%swap3A_877, %swap3A_878, %swap3A_879], %mul3A_875 {strides = array<i32>} : memref<3x128x64xf32, #tpu.memory_space<vmem>>, vector<16xf32>,
        %get3A_881 = arith.constant 2 : i32
        %get3A_882 = arith.index_cast %get3A_881 : i32 to index
        %get3A_883 = arith.index_cast %scan3A_834 : i32 to index
        %get3A_884 = arith.constant 32 : index
        %get3A_885 = tpu.vector_load %arg7[%get3A_882, %get3A_883, %get3A_884] {strides = array<i32>} : memref<3x128x128xf32, #tpu.memory_space<vmem>>, vector<16xf32>,
        %get3A_886 = arith.constant 2 : i32
        %get3A_887 = arith.index_cast %get3A_886 : i32 to index
        %get3A_888 = arith.index_cast %scan3A_834 : i32 to index
        %get3A_889 = arith.constant 96 : index
        %get3A_890 = tpu.vector_load %arg7[%get3A_887, %get3A_888, %get3A_889] {strides = array<i32>} : memref<3x128x128xf32, #tpu.memory_space<vmem>>, vector<16xf32>,
        %select_n3A_891 = arith.select %eq3A_842, %get3A_890, %get3A_885 : vector<16xi1>, vector<16xf32>
        %mul3A_892 = arith.constant 8.000000e+00 : f32
        %mul3A_893 = vector.broadcast %mul3A_892 : f32 to vector<16xf32>
        %mul3A_894 = arith.mulf %select_n3A_891, %mul3A_893 : vector<16xf32>
        %swap3A_895 = arith.constant 2 : i32
        %swap3A_896 = arith.index_cast %swap3A_895 : i32 to index
        %swap3A_897 = arith.index_cast %scan3A_834 : i32 to index
        %swap3A_898 = arith.constant 32 : index
        %swap3A_899 = tpu.vector_load %arg8[%swap3A_896, %swap3A_897, %swap3A_898] {strides = array<i32>} : memref<3x128x64xf32, #tpu.memory_space<vmem>>, vector<16xf32>,
        tpu.vector_store %arg8[%swap3A_896, %swap3A_897, %swap3A_898], %mul3A_894 {strides = array<i32>} : memref<3x128x64xf32, #tpu.memory_space<vmem>>, vector<16xf32>,
        %get3A_900 = arith.constant 2 : i32
        %get3A_901 = arith.index_cast %get3A_900 : i32 to index
        %get3A_902 = arith.index_cast %scan3A_834 : i32 to index
        %get3A_903 = arith.constant 48 : index
        %get3A_904 = tpu.vector_load %arg7[%get3A_901, %get3A_902, %get3A_903] {strides = array<i32>} : memref<3x128x128xf32, #tpu.memory_space<vmem>>, vector<16xf32>,
        %get3A_905 = arith.constant 2 : i32
        %get3A_906 = arith.index_cast %get3A_905 : i32 to index
        %get3A_907 = arith.index_cast %scan3A_834 : i32 to index
        %get3A_908 = arith.constant 112 : index
        %get3A_909 = tpu.vector_load %arg7[%get3A_906, %get3A_907, %get3A_908] {strides = array<i32>} : memref<3x128x128xf32, #tpu.memory_space<vmem>>, vector<16xf32>,
        %select_n3A_910 = arith.select %eq3A_842, %get3A_909, %get3A_904 : vector<16xi1>, vector<16xf32>
        %mul3A_911 = arith.constant 8.000000e+00 : f32
        %mul3A_912 = vector.broadcast %mul3A_911 : f32 to vector<16xf32>
        %mul3A_913 = arith.mulf %select_n3A_910, %mul3A_912 : vector<16xf32>
        %swap3A_914 = arith.constant 2 : i32
        %swap3A_915 = arith.index_cast %swap3A_914 : i32 to index
        %swap3A_916 = arith.index_cast %scan3A_834 : i32 to index
        %swap3A_917 = arith.constant 48 : index
        %swap3A_918 = tpu.vector_load %arg8[%swap3A_915, %swap3A_916, %swap3A_917] {strides = array<i32>} : memref<3x128x64xf32, #tpu.memory_space<vmem>>, vector<16xf32>,
        tpu.vector_store %arg8[%swap3A_915, %swap3A_916, %swap3A_917], %mul3A_913 {strides = array<i32>} : memref<3x128x64xf32, #tpu.memory_space<vmem>>, vector<16xf32>,
        %scan3A_919 = arith.constant 0 : i32
        %scan3A_920 = arith.constant 3 : i32
        %scan3A_921 = arith.addi %scan3A_663, %scan3A_920 : i32
        %broadcast_in_dim3A_922 = vector.broadcast %scan3A_921 : i32 to vector<16xi32>
        %gather3A_923 = tpu.vector_load_idx %arg5[%broadcast_in_dim3A_629, %broadcast_in_dim3A_922] : memref<200x128xi32, #tpu.memory_space<vmem>>[vector<16xi32>, vector<16xi32>], vector<16xi32>,
        %and3A_924 = arith.constant 1 : i32
        %and3A_925 = vector.broadcast %and3A_924 : i32 to vector<16xi32>
        %and3A_926 = arith.andi %gather3A_923, %and3A_925 : vector<16xi32>
        %eq3A_927 = arith.constant 1 : i32
        %eq3A_928 = vector.broadcast %eq3A_927 : i32 to vector<16xi32>
        %eq3A_929 = arith.cmpi eq, %and3A_926, %eq3A_928 : vector<16xi32>
        %get3A_930 = arith.constant 2 : i32
        %get3A_931 = arith.index_cast %get3A_930 : i32 to index
        %get3A_932 = arith.index_cast %scan3A_921 : i32 to index
        %get3A_933 = arith.constant 0 : index
        %get3A_934 = tpu.vector_load %arg7[%get3A_931, %get3A_932, %get3A_933] {strides = array<i32>} : memref<3x128x128xf32, #tpu.memory_space<vmem>>, vector<16xf32>,
        %get3A_935 = arith.constant 2 : i32
        %get3A_936 = arith.index_cast %get3A_935 : i32 to index
        %get3A_937 = arith.index_cast %scan3A_921 : i32 to index
        %get3A_938 = arith.constant 64 : index
        %get3A_939 = tpu.vector_load %arg7[%get3A_936, %get3A_937, %get3A_938] {strides = array<i32>} : memref<3x128x128xf32, #tpu.memory_space<vmem>>, vector<16xf32>,
        %select_n3A_940 = arith.select %eq3A_929, %get3A_939, %get3A_934 : vector<16xi1>, vector<16xf32>
        %mul3A_941 = arith.constant 8.000000e+00 : f32
        %mul3A_942 = vector.broadcast %mul3A_941 : f32 to vector<16xf32>
        %mul3A_943 = arith.mulf %select_n3A_940, %mul3A_942 : vector<16xf32>
        %swap3A_944 = arith.constant 2 : i32
        %swap3A_945 = arith.index_cast %swap3A_944 : i32 to index
        %swap3A_946 = arith.index_cast %scan3A_921 : i32 to index
        %swap3A_947 = arith.constant 0 : index
        %swap3A_948 = tpu.vector_load %arg8[%swap3A_945, %swap3A_946, %swap3A_947] {strides = array<i32>} : memref<3x128x64xf32, #tpu.memory_space<vmem>>, vector<16xf32>,
        tpu.vector_store %arg8[%swap3A_945, %swap3A_946, %swap3A_947], %mul3A_943 {strides = array<i32>} : memref<3x128x64xf32, #tpu.memory_space<vmem>>, vector<16xf32>,
        %get3A_949 = arith.constant 2 : i32
        %get3A_950 = arith.index_cast %get3A_949 : i32 to index
        %get3A_951 = arith.index_cast %scan3A_921 : i32 to index
        %get3A_952 = arith.constant 16 : index
        %get3A_953 = tpu.vector_load %arg7[%get3A_950, %get3A_951, %get3A_952] {strides = array<i32>} : memref<3x128x128xf32, #tpu.memory_space<vmem>>, vector<16xf32>,
        %get3A_954 = arith.constant 2 : i32
        %get3A_955 = arith.index_cast %get3A_954 : i32 to index
        %get3A_956 = arith.index_cast %scan3A_921 : i32 to index
        %get3A_957 = arith.constant 80 : index
        %get3A_958 = tpu.vector_load %arg7[%get3A_955, %get3A_956, %get3A_957] {strides = array<i32>} : memref<3x128x128xf32, #tpu.memory_space<vmem>>, vector<16xf32>,
        %select_n3A_959 = arith.select %eq3A_929, %get3A_958, %get3A_953 : vector<16xi1>, vector<16xf32>
        %mul3A_960 = arith.constant 8.000000e+00 : f32
        %mul3A_961 = vector.broadcast %mul3A_960 : f32 to vector<16xf32>
        %mul3A_962 = arith.mulf %select_n3A_959, %mul3A_961 : vector<16xf32>
        %swap3A_963 = arith.constant 2 : i32
        %swap3A_964 = arith.index_cast %swap3A_963 : i32 to index
        %swap3A_965 = arith.index_cast %scan3A_921 : i32 to index
        %swap3A_966 = arith.constant 16 : index
        %swap3A_967 = tpu.vector_load %arg8[%swap3A_964, %swap3A_965, %swap3A_966] {strides = array<i32>} : memref<3x128x64xf32, #tpu.memory_space<vmem>>, vector<16xf32>,
        tpu.vector_store %arg8[%swap3A_964, %swap3A_965, %swap3A_966], %mul3A_962 {strides = array<i32>} : memref<3x128x64xf32, #tpu.memory_space<vmem>>, vector<16xf32>,
        %get3A_968 = arith.constant 2 : i32
        %get3A_969 = arith.index_cast %get3A_968 : i32 to index
        %get3A_970 = arith.index_cast %scan3A_921 : i32 to index
        %get3A_971 = arith.constant 32 : index
        %get3A_972 = tpu.vector_load %arg7[%get3A_969, %get3A_970, %get3A_971] {strides = array<i32>} : memref<3x128x128xf32, #tpu.memory_space<vmem>>, vector<16xf32>,
        %get3A_973 = arith.constant 2 : i32
        %get3A_974 = arith.index_cast %get3A_973 : i32 to index
        %get3A_975 = arith.index_cast %scan3A_921 : i32 to index
        %get3A_976 = arith.constant 96 : index
        %get3A_977 = tpu.vector_load %arg7[%get3A_974, %get3A_975, %get3A_976] {strides = array<i32>} : memref<3x128x128xf32, #tpu.memory_space<vmem>>, vector<16xf32>,
        %select_n3A_978 = arith.select %eq3A_929, %get3A_977, %get3A_972 : vector<16xi1>, vector<16xf32>
        %mul3A_979 = arith.constant 8.000000e+00 : f32
        %mul3A_980 = vector.broadcast %mul3A_979 : f32 to vector<16xf32>
        %mul3A_981 = arith.mulf %select_n3A_978, %mul3A_980 : vector<16xf32>
        %swap3A_982 = arith.constant 2 : i32
        %swap3A_983 = arith.index_cast %swap3A_982 : i32 to index
        %swap3A_984 = arith.index_cast %scan3A_921 : i32 to index
        %swap3A_985 = arith.constant 32 : index
        %swap3A_986 = tpu.vector_load %arg8[%swap3A_983, %swap3A_984, %swap3A_985] {strides = array<i32>} : memref<3x128x64xf32, #tpu.memory_space<vmem>>, vector<16xf32>,
        tpu.vector_store %arg8[%swap3A_983, %swap3A_984, %swap3A_985], %mul3A_981 {strides = array<i32>} : memref<3x128x64xf32, #tpu.memory_space<vmem>>, vector<16xf32>,
        %get3A_987 = arith.constant 2 : i32
        %get3A_988 = arith.index_cast %get3A_987 : i32 to index
        %get3A_989 = arith.index_cast %scan3A_921 : i32 to index
        %get3A_990 = arith.constant 48 : index
        %get3A_991 = tpu.vector_load %arg7[%get3A_988, %get3A_989, %get3A_990] {strides = array<i32>} : memref<3x128x128xf32, #tpu.memory_space<vmem>>, vector<16xf32>,
        %get3A_992 = arith.constant 2 : i32
        %get3A_993 = arith.index_cast %get3A_992 : i32 to index
        %get3A_994 = arith.index_cast %scan3A_921 : i32 to index
        %get3A_995 = arith.constant 112 : index
        %get3A_996 = tpu.vector_load %arg7[%get3A_993, %get3A_994, %get3A_995] {strides = array<i32>} : memref<3x128x128xf32, #tpu.memory_space<vmem>>, vector<16xf32>,
        %select_n3A_997 = arith.select %eq3A_929, %get3A_996, %get3A_991 : vector<16xi1>, vector<16xf32>
        %mul3A_998 = arith.constant 8.000000e+00 : f32
        %mul3A_999 = vector.broadcast %mul3A_998 : f32 to vector<16xf32>
        %mul3A_1000 = arith.mulf %select_n3A_997, %mul3A_999 : vector<16xf32>
        %swap3A_1001 = arith.constant 2 : i32
        %swap3A_1002 = arith.index_cast %swap3A_1001 : i32 to index
        %swap3A_1003 = arith.index_cast %scan3A_921 : i32 to index
        %swap3A_1004 = arith.constant 48 : index
        %swap3A_1005 = tpu.vector_load %arg8[%swap3A_1002, %swap3A_1003, %swap3A_1004] {strides = array<i32>} : memref<3x128x64xf32, #tpu.memory_space<vmem>>, vector<16xf32>,
        tpu.vector_store %arg8[%swap3A_1002, %swap3A_1003, %swap3A_1004], %mul3A_1000 {strides = array<i32>} : memref<3x128x64xf32, #tpu.memory_space<vmem>>, vector<16xf32>,
        %scan3A_1006 = arith.constant 0 : i32
        %scan3A_1007 = arith.constant 4 : i32
        %scan3A_1008 = arith.addi %scan3A_663, %scan3A_1007 : i32
        %broadcast_in_dim3A_1009 = vector.broadcast %scan3A_1008 : i32 to vector<16xi32>
        %gather3A_1010 = tpu.vector_load_idx %arg5[%broadcast_in_dim3A_629, %broadcast_in_dim3A_1009] : memref<200x128xi32, #tpu.memory_space<vmem>>[vector<16xi32>, vector<16xi32>], vector<16xi32>,
        %and3A_1011 = arith.constant 1 : i32
        %and3A_1012 = vector.broadcast %and3A_1011 : i32 to vector<16xi32>
        %and3A_1013 = arith.andi %gather3A_1010, %and3A_1012 : vector<16xi32>
        %eq3A_1014 = arith.constant 1 : i32
        %eq3A_1015 = vector.broadcast %eq3A_1014 : i32 to vector<16xi32>
        %eq3A_1016 = arith.cmpi eq, %and3A_1013, %eq3A_1015 : vector<16xi32>
        %get3A_1017 = arith.constant 2 : i32
        %get3A_1018 = arith.index_cast %get3A_1017 : i32 to index
        %get3A_1019 = arith.index_cast %scan3A_1008 : i32 to index
        %get3A_1020 = arith.constant 0 : index
        %get3A_1021 = tpu.vector_load %arg7[%get3A_1018, %get3A_1019, %get3A_1020] {strides = array<i32>} : memref<3x128x128xf32, #tpu.memory_space<vmem>>, vector<16xf32>,
        %get3A_1022 = arith.constant 2 : i32
        %get3A_1023 = arith.index_cast %get3A_1022 : i32 to index
        %get3A_1024 = arith.index_cast %scan3A_1008 : i32 to index
        %get3A_1025 = arith.constant 64 : index
        %get3A_1026 = tpu.vector_load %arg7[%get3A_1023, %get3A_1024, %get3A_1025] {strides = array<i32>} : memref<3x128x128xf32, #tpu.memory_space<vmem>>, vector<16xf32>,
        %select_n3A_1027 = arith.select %eq3A_1016, %get3A_1026, %get3A_1021 : vector<16xi1>, vector<16xf32>
        %mul3A_1028 = arith.constant 8.000000e+00 : f32
        %mul3A_1029 = vector.broadcast %mul3A_1028 : f32 to vector<16xf32>
        %mul3A_1030 = arith.mulf %select_n3A_1027, %mul3A_1029 : vector<16xf32>
        %swap3A_1031 = arith.constant 2 : i32
        %swap3A_1032 = arith.index_cast %swap3A_1031 : i32 to index
        %swap3A_1033 = arith.index_cast %scan3A_1008 : i32 to index
        %swap3A_1034 = arith.constant 0 : index
        %swap3A_1035 = tpu.vector_load %arg8[%swap3A_1032, %swap3A_1033, %swap3A_1034] {strides = array<i32>} : memref<3x128x64xf32, #tpu.memory_space<vmem>>, vector<16xf32>,
        tpu.vector_store %arg8[%swap3A_1032, %swap3A_1033, %swap3A_1034], %mul3A_1030 {strides = array<i32>} : memref<3x128x64xf32, #tpu.memory_space<vmem>>, vector<16xf32>,
        %get3A_1036 = arith.constant 2 : i32
        %get3A_1037 = arith.index_cast %get3A_1036 : i32 to index
        %get3A_1038 = arith.index_cast %scan3A_1008 : i32 to index
        %get3A_1039 = arith.constant 16 : index
        %get3A_1040 = tpu.vector_load %arg7[%get3A_1037, %get3A_1038, %get3A_1039] {strides = array<i32>} : memref<3x128x128xf32, #tpu.memory_space<vmem>>, vector<16xf32>,
        %get3A_1041 = arith.constant 2 : i32
        %get3A_1042 = arith.index_cast %get3A_1041 : i32 to index
        %get3A_1043 = arith.index_cast %scan3A_1008 : i32 to index
        %get3A_1044 = arith.constant 80 : index
        %get3A_1045 = tpu.vector_load %arg7[%get3A_1042, %get3A_1043, %get3A_1044] {strides = array<i32>} : memref<3x128x128xf32, #tpu.memory_space<vmem>>, vector<16xf32>,
        %select_n3A_1046 = arith.select %eq3A_1016, %get3A_1045, %get3A_1040 : vector<16xi1>, vector<16xf32>
        %mul3A_1047 = arith.constant 8.000000e+00 : f32
        %mul3A_1048 = vector.broadcast %mul3A_1047 : f32 to vector<16xf32>
        %mul3A_1049 = arith.mulf %select_n3A_1046, %mul3A_1048 : vector<16xf32>
        %swap3A_1050 = arith.constant 2 : i32
        %swap3A_1051 = arith.index_cast %swap3A_1050 : i32 to index
        %swap3A_1052 = arith.index_cast %scan3A_1008 : i32 to index
        %swap3A_1053 = arith.constant 16 : index
        %swap3A_1054 = tpu.vector_load %arg8[%swap3A_1051, %swap3A_1052, %swap3A_1053] {strides = array<i32>} : memref<3x128x64xf32, #tpu.memory_space<vmem>>, vector<16xf32>,
        tpu.vector_store %arg8[%swap3A_1051, %swap3A_1052, %swap3A_1053], %mul3A_1049 {strides = array<i32>} : memref<3x128x64xf32, #tpu.memory_space<vmem>>, vector<16xf32>,
        %get3A_1055 = arith.constant 2 : i32
        %get3A_1056 = arith.index_cast %get3A_1055 : i32 to index
        %get3A_1057 = arith.index_cast %scan3A_1008 : i32 to index
        %get3A_1058 = arith.constant 32 : index
        %get3A_1059 = tpu.vector_load %arg7[%get3A_1056, %get3A_1057, %get3A_1058] {strides = array<i32>} : memref<3x128x128xf32, #tpu.memory_space<vmem>>, vector<16xf32>,
        %get3A_1060 = arith.constant 2 : i32
        %get3A_1061 = arith.index_cast %get3A_1060 : i32 to index
        %get3A_1062 = arith.index_cast %scan3A_1008 : i32 to index
        %get3A_1063 = arith.constant 96 : index
        %get3A_1064 = tpu.vector_load %arg7[%get3A_1061, %get3A_1062, %get3A_1063] {strides = array<i32>} : memref<3x128x128xf32, #tpu.memory_space<vmem>>, vector<16xf32>,
        %select_n3A_1065 = arith.select %eq3A_1016, %get3A_1064, %get3A_1059 : vector<16xi1>, vector<16xf32>
        %mul3A_1066 = arith.constant 8.000000e+00 : f32
        %mul3A_1067 = vector.broadcast %mul3A_1066 : f32 to vector<16xf32>
        %mul3A_1068 = arith.mulf %select_n3A_1065, %mul3A_1067 : vector<16xf32>
        %swap3A_1069 = arith.constant 2 : i32
        %swap3A_1070 = arith.index_cast %swap3A_1069 : i32 to index
        %swap3A_1071 = arith.index_cast %scan3A_1008 : i32 to index
        %swap3A_1072 = arith.constant 32 : index
        %swap3A_1073 = tpu.vector_load %arg8[%swap3A_1070, %swap3A_1071, %swap3A_1072] {strides = array<i32>} : memref<3x128x64xf32, #tpu.memory_space<vmem>>, vector<16xf32>,
        tpu.vector_store %arg8[%swap3A_1070, %swap3A_1071, %swap3A_1072], %mul3A_1068 {strides = array<i32>} : memref<3x128x64xf32, #tpu.memory_space<vmem>>, vector<16xf32>,
        %get3A_1074 = arith.constant 2 : i32
        %get3A_1075 = arith.index_cast %get3A_1074 : i32 to index
        %get3A_1076 = arith.index_cast %scan3A_1008 : i32 to index
        %get3A_1077 = arith.constant 48 : index
        %get3A_1078 = tpu.vector_load %arg7[%get3A_1075, %get3A_1076, %get3A_1077] {strides = array<i32>} : memref<3x128x128xf32, #tpu.memory_space<vmem>>, vector<16xf32>,
        %get3A_1079 = arith.constant 2 : i32
        %get3A_1080 = arith.index_cast %get3A_1079 : i32 to index
        %get3A_1081 = arith.index_cast %scan3A_1008 : i32 to index
        %get3A_1082 = arith.constant 112 : index
        %get3A_1083 = tpu.vector_load %arg7[%get3A_1080, %get3A_1081, %get3A_1082] {strides = array<i32>} : memref<3x128x128xf32, #tpu.memory_space<vmem>>, vector<16xf32>,
        %select_n3A_1084 = arith.select %eq3A_1016, %get3A_1083, %get3A_1078 : vector<16xi1>, vector<16xf32>
        %mul3A_1085 = arith.constant 8.000000e+00 : f32
        %mul3A_1086 = vector.broadcast %mul3A_1085 : f32 to vector<16xf32>
        %mul3A_1087 = arith.mulf %select_n3A_1084, %mul3A_1086 : vector<16xf32>
        %swap3A_1088 = arith.constant 2 : i32
        %swap3A_1089 = arith.index_cast %swap3A_1088 : i32 to index
        %swap3A_1090 = arith.index_cast %scan3A_1008 : i32 to index
        %swap3A_1091 = arith.constant 48 : index
        %swap3A_1092 = tpu.vector_load %arg8[%swap3A_1089, %swap3A_1090, %swap3A_1091] {strides = array<i32>} : memref<3x128x64xf32, #tpu.memory_space<vmem>>, vector<16xf32>,
        tpu.vector_store %arg8[%swap3A_1089, %swap3A_1090, %swap3A_1091], %mul3A_1087 {strides = array<i32>} : memref<3x128x64xf32, #tpu.memory_space<vmem>>, vector<16xf32>,
        %scan3A_1093 = arith.constant 0 : i32
        %scan3A_1094 = arith.constant 5 : i32
        %scan3A_1095 = arith.addi %scan3A_663, %scan3A_1094 : i32
        %broadcast_in_dim3A_1096 = vector.broadcast %scan3A_1095 : i32 to vector<16xi32>
        %gather3A_1097 = tpu.vector_load_idx %arg5[%broadcast_in_dim3A_629, %broadcast_in_dim3A_1096] : memref<200x128xi32, #tpu.memory_space<vmem>>[vector<16xi32>, vector<16xi32>], vector<16xi32>,
        %and3A_1098 = arith.constant 1 : i32
        %and3A_1099 = vector.broadcast %and3A_1098 : i32 to vector<16xi32>
        %and3A_1100 = arith.andi %gather3A_1097, %and3A_1099 : vector<16xi32>
        %eq3A_1101 = arith.constant 1 : i32
        %eq3A_1102 = vector.broadcast %eq3A_1101 : i32 to vector<16xi32>
        %eq3A_1103 = arith.cmpi eq, %and3A_1100, %eq3A_1102 : vector<16xi32>
        %get3A_1104 = arith.constant 2 : i32
        %get3A_1105 = arith.index_cast %get3A_1104 : i32 to index
        %get3A_1106 = arith.index_cast %scan3A_1095 : i32 to index
        %get3A_1107 = arith.constant 0 : index
        %get3A_1108 = tpu.vector_load %arg7[%get3A_1105, %get3A_1106, %get3A_1107] {strides = array<i32>} : memref<3x128x128xf32, #tpu.memory_space<vmem>>, vector<16xf32>,
        %get3A_1109 = arith.constant 2 : i32
        %get3A_1110 = arith.index_cast %get3A_1109 : i32 to index
        %get3A_1111 = arith.index_cast %scan3A_1095 : i32 to index
        %get3A_1112 = arith.constant 64 : index
        %get3A_1113 = tpu.vector_load %arg7[%get3A_1110, %get3A_1111, %get3A_1112] {strides = array<i32>} : memref<3x128x128xf32, #tpu.memory_space<vmem>>, vector<16xf32>,
        %select_n3A_1114 = arith.select %eq3A_1103, %get3A_1113, %get3A_1108 : vector<16xi1>, vector<16xf32>
        %mul3A_1115 = arith.constant 8.000000e+00 : f32
        %mul3A_1116 = vector.broadcast %mul3A_1115 : f32 to vector<16xf32>
        %mul3A_1117 = arith.mulf %select_n3A_1114, %mul3A_1116 : vector<16xf32>
        %swap3A_1118 = arith.constant 2 : i32
        %swap3A_1119 = arith.index_cast %swap3A_1118 : i32 to index
        %swap3A_1120 = arith.index_cast %scan3A_1095 : i32 to index
        %swap3A_1121 = arith.constant 0 : index
        %swap3A_1122 = tpu.vector_load %arg8[%swap3A_1119, %swap3A_1120, %swap3A_1121] {strides = array<i32>} : memref<3x128x64xf32, #tpu.memory_space<vmem>>, vector<16xf32>,
        tpu.vector_store %arg8[%swap3A_1119, %swap3A_1120, %swap3A_1121], %mul3A_1117 {strides = array<i32>} : memref<3x128x64xf32, #tpu.memory_space<vmem>>, vector<16xf32>,
        %get3A_1123 = arith.constant 2 : i32
        %get3A_1124 = arith.index_cast %get3A_1123 : i32 to index
        %get3A_1125 = arith.index_cast %scan3A_1095 : i32 to index
        %get3A_1126 = arith.constant 16 : index
        %get3A_1127 = tpu.vector_load %arg7[%get3A_1124, %get3A_1125, %get3A_1126] {strides = array<i32>} : memref<3x128x128xf32, #tpu.memory_space<vmem>>, vector<16xf32>,
        %get3A_1128 = arith.constant 2 : i32
        %get3A_1129 = arith.index_cast %get3A_1128 : i32 to index
        %get3A_1130 = arith.index_cast %scan3A_1095 : i32 to index
        %get3A_1131 = arith.constant 80 : index
        %get3A_1132 = tpu.vector_load %arg7[%get3A_1129, %get3A_1130, %get3A_1131] {strides = array<i32>} : memref<3x128x128xf32, #tpu.memory_space<vmem>>, vector<16xf32>,
        %select_n3A_1133 = arith.select %eq3A_1103, %get3A_1132, %get3A_1127 : vector<16xi1>, vector<16xf32>
        %mul3A_1134 = arith.constant 8.000000e+00 : f32
        %mul3A_1135 = vector.broadcast %mul3A_1134 : f32 to vector<16xf32>
        %mul3A_1136 = arith.mulf %select_n3A_1133, %mul3A_1135 : vector<16xf32>
        %swap3A_1137 = arith.constant 2 : i32
        %swap3A_1138 = arith.index_cast %swap3A_1137 : i32 to index
        %swap3A_1139 = arith.index_cast %scan3A_1095 : i32 to index
        %swap3A_1140 = arith.constant 16 : index
        %swap3A_1141 = tpu.vector_load %arg8[%swap3A_1138, %swap3A_1139, %swap3A_1140] {strides = array<i32>} : memref<3x128x64xf32, #tpu.memory_space<vmem>>, vector<16xf32>,
        tpu.vector_store %arg8[%swap3A_1138, %swap3A_1139, %swap3A_1140], %mul3A_1136 {strides = array<i32>} : memref<3x128x64xf32, #tpu.memory_space<vmem>>, vector<16xf32>,
        %get3A_1142 = arith.constant 2 : i32
        %get3A_1143 = arith.index_cast %get3A_1142 : i32 to index
        %get3A_1144 = arith.index_cast %scan3A_1095 : i32 to index
        %get3A_1145 = arith.constant 32 : index
        %get3A_1146 = tpu.vector_load %arg7[%get3A_1143, %get3A_1144, %get3A_1145] {strides = array<i32>} : memref<3x128x128xf32, #tpu.memory_space<vmem>>, vector<16xf32>,
        %get3A_1147 = arith.constant 2 : i32
        %get3A_1148 = arith.index_cast %get3A_1147 : i32 to index
        %get3A_1149 = arith.index_cast %scan3A_1095 : i32 to index
        %get3A_1150 = arith.constant 96 : index
        %get3A_1151 = tpu.vector_load %arg7[%get3A_1148, %get3A_1149, %get3A_1150] {strides = array<i32>} : memref<3x128x128xf32, #tpu.memory_space<vmem>>, vector<16xf32>,
        %select_n3A_1152 = arith.select %eq3A_1103, %get3A_1151, %get3A_1146 : vector<16xi1>, vector<16xf32>
        %mul3A_1153 = arith.constant 8.000000e+00 : f32
        %mul3A_1154 = vector.broadcast %mul3A_1153 : f32 to vector<16xf32>
        %mul3A_1155 = arith.mulf %select_n3A_1152, %mul3A_1154 : vector<16xf32>
        %swap3A_1156 = arith.constant 2 : i32
        %swap3A_1157 = arith.index_cast %swap3A_1156 : i32 to index
        %swap3A_1158 = arith.index_cast %scan3A_1095 : i32 to index
        %swap3A_1159 = arith.constant 32 : index
        %swap3A_1160 = tpu.vector_load %arg8[%swap3A_1157, %swap3A_1158, %swap3A_1159] {strides = array<i32>} : memref<3x128x64xf32, #tpu.memory_space<vmem>>, vector<16xf32>,
        tpu.vector_store %arg8[%swap3A_1157, %swap3A_1158, %swap3A_1159], %mul3A_1155 {strides = array<i32>} : memref<3x128x64xf32, #tpu.memory_space<vmem>>, vector<16xf32>,
        %get3A_1161 = arith.constant 2 : i32
        %get3A_1162 = arith.index_cast %get3A_1161 : i32 to index
        %get3A_1163 = arith.index_cast %scan3A_1095 : i32 to index
        %get3A_1164 = arith.constant 48 : index
        %get3A_1165 = tpu.vector_load %arg7[%get3A_1162, %get3A_1163, %get3A_1164] {strides = array<i32>} : memref<3x128x128xf32, #tpu.memory_space<vmem>>, vector<16xf32>,
        %get3A_1166 = arith.constant 2 : i32
        %get3A_1167 = arith.index_cast %get3A_1166 : i32 to index
        %get3A_1168 = arith.index_cast %scan3A_1095 : i32 to index
        %get3A_1169 = arith.constant 112 : index
        %get3A_1170 = tpu.vector_load %arg7[%get3A_1167, %get3A_1168, %get3A_1169] {strides = array<i32>} : memref<3x128x128xf32, #tpu.memory_space<vmem>>, vector<16xf32>,
        %select_n3A_1171 = arith.select %eq3A_1103, %get3A_1170, %get3A_1165 : vector<16xi1>, vector<16xf32>
        %mul3A_1172 = arith.constant 8.000000e+00 : f32
        %mul3A_1173 = vector.broadcast %mul3A_1172 : f32 to vector<16xf32>
        %mul3A_1174 = arith.mulf %select_n3A_1171, %mul3A_1173 : vector<16xf32>
        %swap3A_1175 = arith.constant 2 : i32
        %swap3A_1176 = arith.index_cast %swap3A_1175 : i32 to index
        %swap3A_1177 = arith.index_cast %scan3A_1095 : i32 to index
        %swap3A_1178 = arith.constant 48 : index
        %swap3A_1179 = tpu.vector_load %arg8[%swap3A_1176, %swap3A_1177, %swap3A_1178] {strides = array<i32>} : memref<3x128x64xf32, #tpu.memory_space<vmem>>, vector<16xf32>,
        tpu.vector_store %arg8[%swap3A_1176, %swap3A_1177, %swap3A_1178], %mul3A_1174 {strides = array<i32>} : memref<3x128x64xf32, #tpu.memory_space<vmem>>, vector<16xf32>,
        %scan3A_1180 = arith.constant 0 : i32
        %scan3A_1181 = arith.constant 6 : i32
        %scan3A_1182 = arith.addi %scan3A_663, %scan3A_1181 : i32
        %broadcast_in_dim3A_1183 = vector.broadcast %scan3A_1182 : i32 to vector<16xi32>
        %gather3A_1184 = tpu.vector_load_idx %arg5[%broadcast_in_dim3A_629, %broadcast_in_dim3A_1183] : memref<200x128xi32, #tpu.memory_space<vmem>>[vector<16xi32>, vector<16xi32>], vector<16xi32>,
        %and3A_1185 = arith.constant 1 : i32
        %and3A_1186 = vector.broadcast %and3A_1185 : i32 to vector<16xi32>
        %and3A_1187 = arith.andi %gather3A_1184, %and3A_1186 : vector<16xi32>
        %eq3A_1188 = arith.constant 1 : i32
        %eq3A_1189 = vector.broadcast %eq3A_1188 : i32 to vector<16xi32>
        %eq3A_1190 = arith.cmpi eq, %and3A_1187, %eq3A_1189 : vector<16xi32>
        %get3A_1191 = arith.constant 2 : i32
        %get3A_1192 = arith.index_cast %get3A_1191 : i32 to index
        %get3A_1193 = arith.index_cast %scan3A_1182 : i32 to index
        %get3A_1194 = arith.constant 0 : index
        %get3A_1195 = tpu.vector_load %arg7[%get3A_1192, %get3A_1193, %get3A_1194] {strides = array<i32>} : memref<3x128x128xf32, #tpu.memory_space<vmem>>, vector<16xf32>,
        %get3A_1196 = arith.constant 2 : i32
        %get3A_1197 = arith.index_cast %get3A_1196 : i32 to index
        %get3A_1198 = arith.index_cast %scan3A_1182 : i32 to index
        %get3A_1199 = arith.constant 64 : index
        %get3A_1200 = tpu.vector_load %arg7[%get3A_1197, %get3A_1198, %get3A_1199] {strides = array<i32>} : memref<3x128x128xf32, #tpu.memory_space<vmem>>, vector<16xf32>,
        %select_n3A_1201 = arith.select %eq3A_1190, %get3A_1200, %get3A_1195 : vector<16xi1>, vector<16xf32>
        %mul3A_1202 = arith.constant 8.000000e+00 : f32
        %mul3A_1203 = vector.broadcast %mul3A_1202 : f32 to vector<16xf32>
        %mul3A_1204 = arith.mulf %select_n3A_1201, %mul3A_1203 : vector<16xf32>
        %swap3A_1205 = arith.constant 2 : i32
        %swap3A_1206 = arith.index_cast %swap3A_1205 : i32 to index
        %swap3A_1207 = arith.index_cast %scan3A_1182 : i32 to index
        %swap3A_1208 = arith.constant 0 : index
        %swap3A_1209 = tpu.vector_load %arg8[%swap3A_1206, %swap3A_1207, %swap3A_1208] {strides = array<i32>} : memref<3x128x64xf32, #tpu.memory_space<vmem>>, vector<16xf32>,
        tpu.vector_store %arg8[%swap3A_1206, %swap3A_1207, %swap3A_1208], %mul3A_1204 {strides = array<i32>} : memref<3x128x64xf32, #tpu.memory_space<vmem>>, vector<16xf32>,
        %get3A_1210 = arith.constant 2 : i32
        %get3A_1211 = arith.index_cast %get3A_1210 : i32 to index
        %get3A_1212 = arith.index_cast %scan3A_1182 : i32 to index
        %get3A_1213 = arith.constant 16 : index
        %get3A_1214 = tpu.vector_load %arg7[%get3A_1211, %get3A_1212, %get3A_1213] {strides = array<i32>} : memref<3x128x128xf32, #tpu.memory_space<vmem>>, vector<16xf32>,
        %get3A_1215 = arith.constant 2 : i32
        %get3A_1216 = arith.index_cast %get3A_1215 : i32 to index
        %get3A_1217 = arith.index_cast %scan3A_1182 : i32 to index
        %get3A_1218 = arith.constant 80 : index
        %get3A_1219 = tpu.vector_load %arg7[%get3A_1216, %get3A_1217, %get3A_1218] {strides = array<i32>} : memref<3x128x128xf32, #tpu.memory_space<vmem>>, vector<16xf32>,
        %select_n3A_1220 = arith.select %eq3A_1190, %get3A_1219, %get3A_1214 : vector<16xi1>, vector<16xf32>
        %mul3A_1221 = arith.constant 8.000000e+00 : f32
        %mul3A_1222 = vector.broadcast %mul3A_1221 : f32 to vector<16xf32>
        %mul3A_1223 = arith.mulf %select_n3A_1220, %mul3A_1222 : vector<16xf32>
        %swap3A_1224 = arith.constant 2 : i32
        %swap3A_1225 = arith.index_cast %swap3A_1224 : i32 to index
        %swap3A_1226 = arith.index_cast %scan3A_1182 : i32 to index
        %swap3A_1227 = arith.constant 16 : index
        %swap3A_1228 = tpu.vector_load %arg8[%swap3A_1225, %swap3A_1226, %swap3A_1227] {strides = array<i32>} : memref<3x128x64xf32, #tpu.memory_space<vmem>>, vector<16xf32>,
        tpu.vector_store %arg8[%swap3A_1225, %swap3A_1226, %swap3A_1227], %mul3A_1223 {strides = array<i32>} : memref<3x128x64xf32, #tpu.memory_space<vmem>>, vector<16xf32>,
        %get3A_1229 = arith.constant 2 : i32
        %get3A_1230 = arith.index_cast %get3A_1229 : i32 to index
        %get3A_1231 = arith.index_cast %scan3A_1182 : i32 to index
        %get3A_1232 = arith.constant 32 : index
        %get3A_1233 = tpu.vector_load %arg7[%get3A_1230, %get3A_1231, %get3A_1232] {strides = array<i32>} : memref<3x128x128xf32, #tpu.memory_space<vmem>>, vector<16xf32>,
        %get3A_1234 = arith.constant 2 : i32
        %get3A_1235 = arith.index_cast %get3A_1234 : i32 to index
        %get3A_1236 = arith.index_cast %scan3A_1182 : i32 to index
        %get3A_1237 = arith.constant 96 : index
        %get3A_1238 = tpu.vector_load %arg7[%get3A_1235, %get3A_1236, %get3A_1237] {strides = array<i32>} : memref<3x128x128xf32, #tpu.memory_space<vmem>>, vector<16xf32>,
        %select_n3A_1239 = arith.select %eq3A_1190, %get3A_1238, %get3A_1233 : vector<16xi1>, vector<16xf32>
        %mul3A_1240 = arith.constant 8.000000e+00 : f32
        %mul3A_1241 = vector.broadcast %mul3A_1240 : f32 to vector<16xf32>
        %mul3A_1242 = arith.mulf %select_n3A_1239, %mul3A_1241 : vector<16xf32>
        %swap3A_1243 = arith.constant 2 : i32
        %swap3A_1244 = arith.index_cast %swap3A_1243 : i32 to index
        %swap3A_1245 = arith.index_cast %scan3A_1182 : i32 to index
        %swap3A_1246 = arith.constant 32 : index
        %swap3A_1247 = tpu.vector_load %arg8[%swap3A_1244, %swap3A_1245, %swap3A_1246] {strides = array<i32>} : memref<3x128x64xf32, #tpu.memory_space<vmem>>, vector<16xf32>,
        tpu.vector_store %arg8[%swap3A_1244, %swap3A_1245, %swap3A_1246], %mul3A_1242 {strides = array<i32>} : memref<3x128x64xf32, #tpu.memory_space<vmem>>, vector<16xf32>,
        %get3A_1248 = arith.constant 2 : i32
        %get3A_1249 = arith.index_cast %get3A_1248 : i32 to index
        %get3A_1250 = arith.index_cast %scan3A_1182 : i32 to index
        %get3A_1251 = arith.constant 48 : index
        %get3A_1252 = tpu.vector_load %arg7[%get3A_1249, %get3A_1250, %get3A_1251] {strides = array<i32>} : memref<3x128x128xf32, #tpu.memory_space<vmem>>, vector<16xf32>,
        %get3A_1253 = arith.constant 2 : i32
        %get3A_1254 = arith.index_cast %get3A_1253 : i32 to index
        %get3A_1255 = arith.index_cast %scan3A_1182 : i32 to index
        %get3A_1256 = arith.constant 112 : index
        %get3A_1257 = tpu.vector_load %arg7[%get3A_1254, %get3A_1255, %get3A_1256] {strides = array<i32>} : memref<3x128x128xf32, #tpu.memory_space<vmem>>, vector<16xf32>,
        %select_n3A_1258 = arith.select %eq3A_1190, %get3A_1257, %get3A_1252 : vector<16xi1>, vector<16xf32>
        %mul3A_1259 = arith.constant 8.000000e+00 : f32
        %mul3A_1260 = vector.broadcast %mul3A_1259 : f32 to vector<16xf32>
        %mul3A_1261 = arith.mulf %select_n3A_1258, %mul3A_1260 : vector<16xf32>
        %swap3A_1262 = arith.constant 2 : i32
        %swap3A_1263 = arith.index_cast %swap3A_1262 : i32 to index
        %swap3A_1264 = arith.index_cast %scan3A_1182 : i32 to index
        %swap3A_1265 = arith.constant 48 : index
        %swap3A_1266 = tpu.vector_load %arg8[%swap3A_1263, %swap3A_1264, %swap3A_1265] {strides = array<i32>} : memref<3x128x64xf32, #tpu.memory_space<vmem>>, vector<16xf32>,
        tpu.vector_store %arg8[%swap3A_1263, %swap3A_1264, %swap3A_1265], %mul3A_1261 {strides = array<i32>} : memref<3x128x64xf32, #tpu.memory_space<vmem>>, vector<16xf32>,
        %scan3A_1267 = arith.constant 0 : i32
        %scan3A_1268 = arith.constant 7 : i32
        %scan3A_1269 = arith.addi %scan3A_663, %scan3A_1268 : i32
        %broadcast_in_dim3A_1270 = vector.broadcast %scan3A_1269 : i32 to vector<16xi32>
        %gather3A_1271 = tpu.vector_load_idx %arg5[%broadcast_in_dim3A_629, %broadcast_in_dim3A_1270] : memref<200x128xi32, #tpu.memory_space<vmem>>[vector<16xi32>, vector<16xi32>], vector<16xi32>,
        %and3A_1272 = arith.constant 1 : i32
        %and3A_1273 = vector.broadcast %and3A_1272 : i32 to vector<16xi32>
        %and3A_1274 = arith.andi %gather3A_1271, %and3A_1273 : vector<16xi32>
        %eq3A_1275 = arith.constant 1 : i32
        %eq3A_1276 = vector.broadcast %eq3A_1275 : i32 to vector<16xi32>
        %eq3A_1277 = arith.cmpi eq, %and3A_1274, %eq3A_1276 : vector<16xi32>
        %get3A_1278 = arith.constant 2 : i32
        %get3A_1279 = arith.index_cast %get3A_1278 : i32 to index
        %get3A_1280 = arith.index_cast %scan3A_1269 : i32 to index
        %get3A_1281 = arith.constant 0 : index
        %get3A_1282 = tpu.vector_load %arg7[%get3A_1279, %get3A_1280, %get3A_1281] {strides = array<i32>} : memref<3x128x128xf32, #tpu.memory_space<vmem>>, vector<16xf32>,
        %get3A_1283 = arith.constant 2 : i32
        %get3A_1284 = arith.index_cast %get3A_1283 : i32 to index
        %get3A_1285 = arith.index_cast %scan3A_1269 : i32 to index
        %get3A_1286 = arith.constant 64 : index
        %get3A_1287 = tpu.vector_load %arg7[%get3A_1284, %get3A_1285, %get3A_1286] {strides = array<i32>} : memref<3x128x128xf32, #tpu.memory_space<vmem>>, vector<16xf32>,
        %select_n3A_1288 = arith.select %eq3A_1277, %get3A_1287, %get3A_1282 : vector<16xi1>, vector<16xf32>
        %mul3A_1289 = arith.constant 8.000000e+00 : f32
        %mul3A_1290 = vector.broadcast %mul3A_1289 : f32 to vector<16xf32>
        %mul3A_1291 = arith.mulf %select_n3A_1288, %mul3A_1290 : vector<16xf32>
        %swap3A_1292 = arith.constant 2 : i32
        %swap3A_1293 = arith.index_cast %swap3A_1292 : i32 to index
        %swap3A_1294 = arith.index_cast %scan3A_1269 : i32 to index
        %swap3A_1295 = arith.constant 0 : index
        %swap3A_1296 = tpu.vector_load %arg8[%swap3A_1293, %swap3A_1294, %swap3A_1295] {strides = array<i32>} : memref<3x128x64xf32, #tpu.memory_space<vmem>>, vector<16xf32>,
        tpu.vector_store %arg8[%swap3A_1293, %swap3A_1294, %swap3A_1295], %mul3A_1291 {strides = array<i32>} : memref<3x128x64xf32, #tpu.memory_space<vmem>>, vector<16xf32>,
        %get3A_1297 = arith.constant 2 : i32
        %get3A_1298 = arith.index_cast %get3A_1297 : i32 to index
        %get3A_1299 = arith.index_cast %scan3A_1269 : i32 to index
        %get3A_1300 = arith.constant 16 : index
        %get3A_1301 = tpu.vector_load %arg7[%get3A_1298, %get3A_1299, %get3A_1300] {strides = array<i32>} : memref<3x128x128xf32, #tpu.memory_space<vmem>>, vector<16xf32>,
        %get3A_1302 = arith.constant 2 : i32
        %get3A_1303 = arith.index_cast %get3A_1302 : i32 to index
        %get3A_1304 = arith.index_cast %scan3A_1269 : i32 to index
        %get3A_1305 = arith.constant 80 : index
        %get3A_1306 = tpu.vector_load %arg7[%get3A_1303, %get3A_1304, %get3A_1305] {strides = array<i32>} : memref<3x128x128xf32, #tpu.memory_space<vmem>>, vector<16xf32>,
        %select_n3A_1307 = arith.select %eq3A_1277, %get3A_1306, %get3A_1301 : vector<16xi1>, vector<16xf32>
        %mul3A_1308 = arith.constant 8.000000e+00 : f32
        %mul3A_1309 = vector.broadcast %mul3A_1308 : f32 to vector<16xf32>
        %mul3A_1310 = arith.mulf %select_n3A_1307, %mul3A_1309 : vector<16xf32>
        %swap3A_1311 = arith.constant 2 : i32
        %swap3A_1312 = arith.index_cast %swap3A_1311 : i32 to index
        %swap3A_1313 = arith.index_cast %scan3A_1269 : i32 to index
        %swap3A_1314 = arith.constant 16 : index
        %swap3A_1315 = tpu.vector_load %arg8[%swap3A_1312, %swap3A_1313, %swap3A_1314] {strides = array<i32>} : memref<3x128x64xf32, #tpu.memory_space<vmem>>, vector<16xf32>,
        tpu.vector_store %arg8[%swap3A_1312, %swap3A_1313, %swap3A_1314], %mul3A_1310 {strides = array<i32>} : memref<3x128x64xf32, #tpu.memory_space<vmem>>, vector<16xf32>,
        %get3A_1316 = arith.constant 2 : i32
        %get3A_1317 = arith.index_cast %get3A_1316 : i32 to index
        %get3A_1318 = arith.index_cast %scan3A_1269 : i32 to index
        %get3A_1319 = arith.constant 32 : index
        %get3A_1320 = tpu.vector_load %arg7[%get3A_1317, %get3A_1318, %get3A_1319] {strides = array<i32>} : memref<3x128x128xf32, #tpu.memory_space<vmem>>, vector<16xf32>,
        %get3A_1321 = arith.constant 2 : i32
        %get3A_1322 = arith.index_cast %get3A_1321 : i32 to index
        %get3A_1323 = arith.index_cast %scan3A_1269 : i32 to index
        %get3A_1324 = arith.constant 96 : index
        %get3A_1325 = tpu.vector_load %arg7[%get3A_1322, %get3A_1323, %get3A_1324] {strides = array<i32>} : memref<3x128x128xf32, #tpu.memory_space<vmem>>, vector<16xf32>,
        %select_n3A_1326 = arith.select %eq3A_1277, %get3A_1325, %get3A_1320 : vector<16xi1>, vector<16xf32>
        %mul3A_1327 = arith.constant 8.000000e+00 : f32
        %mul3A_1328 = vector.broadcast %mul3A_1327 : f32 to vector<16xf32>
        %mul3A_1329 = arith.mulf %select_n3A_1326, %mul3A_1328 : vector<16xf32>
        %swap3A_1330 = arith.constant 2 : i32
        %swap3A_1331 = arith.index_cast %swap3A_1330 : i32 to index
        %swap3A_1332 = arith.index_cast %scan3A_1269 : i32 to index
        %swap3A_1333 = arith.constant 32 : index
        %swap3A_1334 = tpu.vector_load %arg8[%swap3A_1331, %swap3A_1332, %swap3A_1333] {strides = array<i32>} : memref<3x128x64xf32, #tpu.memory_space<vmem>>, vector<16xf32>,
        tpu.vector_store %arg8[%swap3A_1331, %swap3A_1332, %swap3A_1333], %mul3A_1329 {strides = array<i32>} : memref<3x128x64xf32, #tpu.memory_space<vmem>>, vector<16xf32>,
        %get3A_1335 = arith.constant 2 : i32
        %get3A_1336 = arith.index_cast %get3A_1335 : i32 to index
        %get3A_1337 = arith.index_cast %scan3A_1269 : i32 to index
        %get3A_1338 = arith.constant 48 : index
        %get3A_1339 = tpu.vector_load %arg7[%get3A_1336, %get3A_1337, %get3A_1338] {strides = array<i32>} : memref<3x128x128xf32, #tpu.memory_space<vmem>>, vector<16xf32>,
        %get3A_1340 = arith.constant 2 : i32
        %get3A_1341 = arith.index_cast %get3A_1340 : i32 to index
        %get3A_1342 = arith.index_cast %scan3A_1269 : i32 to index
        %get3A_1343 = arith.constant 112 : index
        %get3A_1344 = tpu.vector_load %arg7[%get3A_1341, %get3A_1342, %get3A_1343] {strides = array<i32>} : memref<3x128x128xf32, #tpu.memory_space<vmem>>, vector<16xf32>,
        %select_n3A_1345 = arith.select %eq3A_1277, %get3A_1344, %get3A_1339 : vector<16xi1>, vector<16xf32>
        %mul3A_1346 = arith.constant 8.000000e+00 : f32
        %mul3A_1347 = vector.broadcast %mul3A_1346 : f32 to vector<16xf32>
        %mul3A_1348 = arith.mulf %select_n3A_1345, %mul3A_1347 : vector<16xf32>
        %swap3A_1349 = arith.constant 2 : i32
        %swap3A_1350 = arith.index_cast %swap3A_1349 : i32 to index
        %swap3A_1351 = arith.index_cast %scan3A_1269 : i32 to index
        %swap3A_1352 = arith.constant 48 : index
        %swap3A_1353 = tpu.vector_load %arg8[%swap3A_1350, %swap3A_1351, %swap3A_1352] {strides = array<i32>} : memref<3x128x64xf32, #tpu.memory_space<vmem>>, vector<16xf32>,
        tpu.vector_store %arg8[%swap3A_1350, %swap3A_1351, %swap3A_1352], %mul3A_1348 {strides = array<i32>} : memref<3x128x64xf32, #tpu.memory_space<vmem>>, vector<16xf32>,
        %scan3A_1354 = arith.constant 0 : i32
        scf.yield %scan3A_1354 : i32
      }
      %scan3A_636 = arith.constant 128 : i32
      %dma_start3A_637 = arith.constant 2 : i32
      %dma_start3A_638 = arith.constant 2 : i32
      %dma_start3A_639 = arith.constant 0 : i32
      %dma_start3A_640 = arith.constant 0 : i32
      %dma_start3A_641 = tpu.memref_slice %arg8[%dma_start3A_637, %dma_start3A_639, %dma_start3A_640] : memref<3x128x64xf32, #tpu.memory_space<vmem>> -> memref<1x128x64xf32, #tpu.memory_space<vmem>>
      %dma_start3A_642 = tpu.memref_squeeze %dma_start3A_641 : memref<1x128x64xf32, #tpu.memory_space<vmem>> -> memref<128x64xf32, #tpu.memory_space<vmem>>
      %dma_start3A_643 = arith.constant 0 : i32
      %dma_start3A_644 = tpu.memref_slice %arg4[%mul3A_2, %add3A_608, %dma_start3A_643] : memref<4096x200x64xf32, #tpu.memory_space<hbm>> -> memref<128x1x64xf32, #tpu.memory_space<hbm>>
      %dma_start3A_645 = tpu.memref_squeeze %dma_start3A_644 : memref<128x1x64xf32, #tpu.memory_space<hbm>> -> memref<128x64xf32, #tpu.memory_space<hbm>>
      %dma_start3A_646 = tpu.memref_slice %arg10[%dma_start3A_638] : memref<3x!tpu.dma_semaphore, #tpu.memory_space<semaphore_mem>> -> memref<1x!tpu.dma_semaphore, #tpu.memory_space<semaphore_mem>>
      %dma_start3A_647 = tpu.memref_squeeze %dma_start3A_646 : memref<1x!tpu.dma_semaphore, #tpu.memory_space<semaphore_mem>> -> memref<!tpu.dma_semaphore, #tpu.memory_space<semaphore_mem>>
      %dma_start3A_648 = arith.constant 0 : i32
      %dma_start3A_649 = tpu.memref_slice %arg4[%mul3A_2, %add3A_608, %dma_start3A_648] : memref<4096x200x64xf32, #tpu.memory_space<hbm>> -> memref<128x1x64xf32, #tpu.memory_space<hbm>>
      %dma_start3A_650 = tpu.memref_squeeze %dma_start3A_649 : memref<128x1x64xf32, #tpu.memory_space<hbm>> -> memref<128x64xf32, #tpu.memory_space<hbm>>
      %dma_start3A_651 = arith.constant 0 : i32
      %dma_start3A_652 = arith.constant 0 : i32
      %dma_start3A_653 = tpu.memref_slice %arg8[%dma_start3A_637, %dma_start3A_651, %dma_start3A_652] : memref<3x128x64xf32, #tpu.memory_space<vmem>> -> memref<1x128x64xf32, #tpu.memory_space<vmem>>
      %dma_start3A_654 = tpu.memref_squeeze %dma_start3A_653 : memref<1x128x64xf32, #tpu.memory_space<vmem>> -> memref<128x64xf32, #tpu.memory_space<vmem>>
      tpu.enqueue_dma source(%dma_start3A_654 : memref<128x64xf32, #tpu.memory_space<vmem>>) target(%dma_start3A_650 : memref<128x64xf32, #tpu.memory_space<hbm>>) target_semaphore(%dma_start3A_647 : memref<!tpu.dma_semaphore, #tpu.memory_space<semaphore_mem>>)
      %add3A_655 = arith.constant 3 : i32
      %add3A_656 = arith.addi %add3A_608, %add3A_655 : i32
      %lt3A_657 = arith.constant 200 : i32
      %lt3A_658 = arith.cmpi slt, %add3A_656, %lt3A_657 : i32
      %convert_element_type3A_659 = arith.extui %lt3A_658 : i1 to i32
      %cond3A_660 = arith.constant 0 : i32
      %cond3A_661 = arith.cmpi ne, %convert_element_type3A_659, %cond3A_660 : i32
      scf.if %cond3A_661 {
        %add3A_663 = arith.constant 3 : i32
        %add3A_664 = arith.addi %add3A_608, %add3A_663 : i32
        %get3A_665 = arith.index_cast %add3A_664 : i32 to index
        %get3A_666 = arith.constant 0 : index
        %get3A_667 = tpu.vector_load %arg5[%get3A_665, %get3A_666] {strides = array<i32>} : memref<200x128xi32, #tpu.memory_space<vmem>>, vector<16xi32>,
        %shift_right_arithmetic3A_668 = arith.constant 1 : i32
        %shift_right_arithmetic3A_669 = vector.broadcast %shift_right_arithmetic3A_668 : i32 to vector<16xi32>
        %shift_right_arithmetic3A_670 = arith.shrsi %get3A_667, %shift_right_arithmetic3A_669 : vector<16xi32>
        %swap3A_671 = arith.constant 2 : i32
        %swap3A_672 = arith.index_cast %swap3A_671 : i32 to index
        %swap3A_673 = arith.constant 0 : index
        %swap3A_674 = tpu.vector_load %arg6[%swap3A_672, %swap3A_673] {strides = array<i32>} : memref<3x128xi32, #tpu.memory_space<vmem>>, vector<16xi32>,
        tpu.vector_store %arg6[%swap3A_672, %swap3A_673], %shift_right_arithmetic3A_670 {strides = array<i32>} : memref<3x128xi32, #tpu.memory_space<vmem>>, vector<16xi32>,
        %get3A_675 = arith.index_cast %add3A_664 : i32 to index
        %get3A_676 = arith.constant 16 : index
        %get3A_677 = tpu.vector_load %arg5[%get3A_675, %get3A_676] {strides = array<i32>} : memref<200x128xi32, #tpu.memory_space<vmem>>, vector<16xi32>,
        %shift_right_arithmetic3A_678 = arith.constant 1 : i32
        %shift_right_arithmetic3A_679 = vector.broadcast %shift_right_arithmetic3A_678 : i32 to vector<16xi32>
        %shift_right_arithmetic3A_680 = arith.shrsi %get3A_677, %shift_right_arithmetic3A_679 : vector<16xi32>
        %swap3A_681 = arith.constant 2 : i32
        %swap3A_682 = arith.index_cast %swap3A_681 : i32 to index
        %swap3A_683 = arith.constant 16 : index
        %swap3A_684 = tpu.vector_load %arg6[%swap3A_682, %swap3A_683] {strides = array<i32>} : memref<3x128xi32, #tpu.memory_space<vmem>>, vector<16xi32>,
        tpu.vector_store %arg6[%swap3A_682, %swap3A_683], %shift_right_arithmetic3A_680 {strides = array<i32>} : memref<3x128xi32, #tpu.memory_space<vmem>>, vector<16xi32>,
        %get3A_685 = arith.index_cast %add3A_664 : i32 to index
        %get3A_686 = arith.constant 32 : index
        %get3A_687 = tpu.vector_load %arg5[%get3A_685, %get3A_686] {strides = array<i32>} : memref<200x128xi32, #tpu.memory_space<vmem>>, vector<16xi32>,
        %shift_right_arithmetic3A_688 = arith.constant 1 : i32
        %shift_right_arithmetic3A_689 = vector.broadcast %shift_right_arithmetic3A_688 : i32 to vector<16xi32>
        %shift_right_arithmetic3A_690 = arith.shrsi %get3A_687, %shift_right_arithmetic3A_689 : vector<16xi32>
        %swap3A_691 = arith.constant 2 : i32
        %swap3A_692 = arith.index_cast %swap3A_691 : i32 to index
        %swap3A_693 = arith.constant 32 : index
        %swap3A_694 = tpu.vector_load %arg6[%swap3A_692, %swap3A_693] {strides = array<i32>} : memref<3x128xi32, #tpu.memory_space<vmem>>, vector<16xi32>,
        tpu.vector_store %arg6[%swap3A_692, %swap3A_693], %shift_right_arithmetic3A_690 {strides = array<i32>} : memref<3x128xi32, #tpu.memory_space<vmem>>, vector<16xi32>,
        %get3A_695 = arith.index_cast %add3A_664 : i32 to index
        %get3A_696 = arith.constant 48 : index
        %get3A_697 = tpu.vector_load %arg5[%get3A_695, %get3A_696] {strides = array<i32>} : memref<200x128xi32, #tpu.memory_space<vmem>>, vector<16xi32>,
        %shift_right_arithmetic3A_698 = arith.constant 1 : i32
        %shift_right_arithmetic3A_699 = vector.broadcast %shift_right_arithmetic3A_698 : i32 to vector<16xi32>
        %shift_right_arithmetic3A_700 = arith.shrsi %get3A_697, %shift_right_arithmetic3A_699 : vector<16xi32>
        %swap3A_701 = arith.constant 2 : i32
        %swap3A_702 = arith.index_cast %swap3A_701 : i32 to index
        %swap3A_703 = arith.constant 48 : index
        %swap3A_704 = tpu.vector_load %arg6[%swap3A_702, %swap3A_703] {strides = array<i32>} : memref<3x128xi32, #tpu.memory_space<vmem>>, vector<16xi32>,
        tpu.vector_store %arg6[%swap3A_702, %swap3A_703], %shift_right_arithmetic3A_700 {strides = array<i32>} : memref<3x128xi32, #tpu.memory_space<vmem>>, vector<16xi32>,
        %get3A_705 = arith.index_cast %add3A_664 : i32 to index
        %get3A_706 = arith.constant 64 : index
        %get3A_707 = tpu.vector_load %arg5[%get3A_705, %get3A_706] {strides = array<i32>} : memref<200x128xi32, #tpu.memory_space<vmem>>, vector<16xi32>,
        %shift_right_arithmetic3A_708 = arith.constant 1 : i32
        %shift_right_arithmetic3A_709 = vector.broadcast %shift_right_arithmetic3A_708 : i32 to vector<16xi32>
        %shift_right_arithmetic3A_710 = arith.shrsi %get3A_707, %shift_right_arithmetic3A_709 : vector<16xi32>
        %swap3A_711 = arith.constant 2 : i32
        %swap3A_712 = arith.index_cast %swap3A_711 : i32 to index
        %swap3A_713 = arith.constant 64 : index
        %swap3A_714 = tpu.vector_load %arg6[%swap3A_712, %swap3A_713] {strides = array<i32>} : memref<3x128xi32, #tpu.memory_space<vmem>>, vector<16xi32>,
        tpu.vector_store %arg6[%swap3A_712, %swap3A_713], %shift_right_arithmetic3A_710 {strides = array<i32>} : memref<3x128xi32, #tpu.memory_space<vmem>>, vector<16xi32>,
        %get3A_715 = arith.index_cast %add3A_664 : i32 to index
        %get3A_716 = arith.constant 80 : index
        %get3A_717 = tpu.vector_load %arg5[%get3A_715, %get3A_716] {strides = array<i32>} : memref<200x128xi32, #tpu.memory_space<vmem>>, vector<16xi32>,
        %shift_right_arithmetic3A_718 = arith.constant 1 : i32
        %shift_right_arithmetic3A_719 = vector.broadcast %shift_right_arithmetic3A_718 : i32 to vector<16xi32>
        %shift_right_arithmetic3A_720 = arith.shrsi %get3A_717, %shift_right_arithmetic3A_719 : vector<16xi32>
        %swap3A_721 = arith.constant 2 : i32
        %swap3A_722 = arith.index_cast %swap3A_721 : i32 to index
        %swap3A_723 = arith.constant 80 : index
        %swap3A_724 = tpu.vector_load %arg6[%swap3A_722, %swap3A_723] {strides = array<i32>} : memref<3x128xi32, #tpu.memory_space<vmem>>, vector<16xi32>,
        tpu.vector_store %arg6[%swap3A_722, %swap3A_723], %shift_right_arithmetic3A_720 {strides = array<i32>} : memref<3x128xi32, #tpu.memory_space<vmem>>, vector<16xi32>,
        %get3A_725 = arith.index_cast %add3A_664 : i32 to index
        %get3A_726 = arith.constant 96 : index
        %get3A_727 = tpu.vector_load %arg5[%get3A_725, %get3A_726] {strides = array<i32>} : memref<200x128xi32, #tpu.memory_space<vmem>>, vector<16xi32>,
        %shift_right_arithmetic3A_728 = arith.constant 1 : i32
        %shift_right_arithmetic3A_729 = vector.broadcast %shift_right_arithmetic3A_728 : i32 to vector<16xi32>
        %shift_right_arithmetic3A_730 = arith.shrsi %get3A_727, %shift_right_arithmetic3A_729 : vector<16xi32>
        %swap3A_731 = arith.constant 2 : i32
        %swap3A_732 = arith.index_cast %swap3A_731 : i32 to index
        %swap3A_733 = arith.constant 96 : index
        %swap3A_734 = tpu.vector_load %arg6[%swap3A_732, %swap3A_733] {strides = array<i32>} : memref<3x128xi32, #tpu.memory_space<vmem>>, vector<16xi32>,
        tpu.vector_store %arg6[%swap3A_732, %swap3A_733], %shift_right_arithmetic3A_730 {strides = array<i32>} : memref<3x128xi32, #tpu.memory_space<vmem>>, vector<16xi32>,
        %get3A_735 = arith.index_cast %add3A_664 : i32 to index
        %get3A_736 = arith.constant 112 : index
        %get3A_737 = tpu.vector_load %arg5[%get3A_735, %get3A_736] {strides = array<i32>} : memref<200x128xi32, #tpu.memory_space<vmem>>, vector<16xi32>,
        %shift_right_arithmetic3A_738 = arith.constant 1 : i32
        %shift_right_arithmetic3A_739 = vector.broadcast %shift_right_arithmetic3A_738 : i32 to vector<16xi32>
        %shift_right_arithmetic3A_740 = arith.shrsi %get3A_737, %shift_right_arithmetic3A_739 : vector<16xi32>
        %swap3A_741 = arith.constant 2 : i32
        %swap3A_742 = arith.index_cast %swap3A_741 : i32 to index
        %swap3A_743 = arith.constant 112 : index
        %swap3A_744 = tpu.vector_load %arg6[%swap3A_742, %swap3A_743] {strides = array<i32>} : memref<3x128xi32, #tpu.memory_space<vmem>>, vector<16xi32>,
        tpu.vector_store %arg6[%swap3A_742, %swap3A_743], %shift_right_arithmetic3A_740 {strides = array<i32>} : memref<3x128xi32, #tpu.memory_space<vmem>>, vector<16xi32>,
        %dma_start3A_745 = arith.constant 2 : i32
        %dma_start3A_746 = arith.constant 2 : i32
        %dma_start3A_747 = arith.constant 2 : i32
        %dma_start3A_748 = arith.constant 0 : i32
        %dma_start3A_749 = arith.constant 0 : i32
        %dma_start3A_750 = tpu.memref_slice %arg7[%dma_start3A_746, %dma_start3A_748, %dma_start3A_749] : memref<3x128x128xf32, #tpu.memory_space<vmem>> -> memref<1x128x128xf32, #tpu.memory_space<vmem>>
        %dma_start3A_751 = tpu.memref_squeeze %dma_start3A_750 : memref<1x128x128xf32, #tpu.memory_space<vmem>> -> memref<128x128xf32, #tpu.memory_space<vmem>>
        %dma_start3A_752 = arith.constant 0 : i32
        %dma_start3A_753 = tpu.memref_slice %arg6[%dma_start3A_745, %dma_start3A_752] : memref<3x128xi32, #tpu.memory_space<vmem>> -> memref<1x128xi32, #tpu.memory_space<vmem>>
        %dma_start3A_754 = tpu.memref_squeeze %dma_start3A_753 : memref<1x128xi32, #tpu.memory_space<vmem>> -> memref<128xi32, #tpu.memory_space<vmem>>
        %dma_start3A_755 = arith.constant 0 : i32
        %dma_start3A_756 = arith.constant 0 : i32
        %dma_start3A_757 = tpu.memref_slice %arg3[%dma_start3A_755, %dma_start3A_756] : memref<500000x128xf32, #tpu.memory_space<hbm>> -> memref<500000x128xf32, #tpu.memory_space<hbm>>
        %dma_start3A_758 = tpu.memref_slice %arg9[%dma_start3A_747] : memref<3x!tpu.dma_semaphore, #tpu.memory_space<semaphore_mem>> -> memref<1x!tpu.dma_semaphore, #tpu.memory_space<semaphore_mem>>
        %dma_start3A_759 = tpu.memref_squeeze %dma_start3A_758 : memref<1x!tpu.dma_semaphore, #tpu.memory_space<semaphore_mem>> -> memref<!tpu.dma_semaphore, #tpu.memory_space<semaphore_mem>>
        tpu.enqueue_indirect_dma source(%dma_start3A_757 : memref<500000x128xf32, #tpu.memory_space<hbm>>) target(%dma_start3A_751 : memref<128x128xf32, #tpu.memory_space<vmem>>) offsets(%dma_start3A_754 : memref<128xi32, #tpu.memory_space<vmem>>) semaphore(%dma_start3A_759 : memref<!tpu.dma_semaphore, #tpu.memory_space<semaphore_mem>>)
      } else {
      }
      %scan3A_662 = arith.constant 0 : i32
      scf.yield %scan3A_662 : i32
    }
    %scan3A_313 = arith.constant 66 : i32
    %dma_wait3A = arith.constant 0 : i32
    %dma_wait3A_314 = arith.constant 0 : i32
    %dma_wait3A_315 = arith.constant 0 : i32
    %dma_wait3A_316 = arith.constant 0 : i32
    %dma_wait3A_317 = arith.constant 0 : i32
    %dma_wait3A_318 = tpu.memref_slice %arg7[%dma_wait3A_314, %dma_wait3A_316, %dma_wait3A_317] : memref<3x128x128xf32, #tpu.memory_space<vmem>> -> memref<1x128x128xf32, #tpu.memory_space<vmem>>
    %dma_wait3A_319 = tpu.memref_squeeze %dma_wait3A_318 : memref<1x128x128xf32, #tpu.memory_space<vmem>> -> memref<128x128xf32, #tpu.memory_space<vmem>>
    %dma_wait3A_320 = arith.constant 0 : i32
    %dma_wait3A_321 = tpu.memref_slice %arg6[%dma_wait3A, %dma_wait3A_320] : memref<3x128xi32, #tpu.memory_space<vmem>> -> memref<1x128xi32, #tpu.memory_space<vmem>>
    %dma_wait3A_322 = tpu.memref_squeeze %dma_wait3A_321 : memref<1x128xi32, #tpu.memory_space<vmem>> -> memref<128xi32, #tpu.memory_space<vmem>>
    %dma_wait3A_323 = arith.constant 0 : i32
    %dma_wait3A_324 = arith.constant 0 : i32
    %dma_wait3A_325 = tpu.memref_slice %arg3[%dma_wait3A_323, %dma_wait3A_324] : memref<500000x128xf32, #tpu.memory_space<hbm>> -> memref<500000x128xf32, #tpu.memory_space<hbm>>
    %dma_wait3A_326 = tpu.memref_slice %arg9[%dma_wait3A_315] : memref<3x!tpu.dma_semaphore, #tpu.memory_space<semaphore_mem>> -> memref<1x!tpu.dma_semaphore, #tpu.memory_space<semaphore_mem>>
    %dma_wait3A_327 = tpu.memref_squeeze %dma_wait3A_326 : memref<1x!tpu.dma_semaphore, #tpu.memory_space<semaphore_mem>> -> memref<!tpu.dma_semaphore, #tpu.memory_space<semaphore_mem>>
    tpu.wait_indirect_dma semaphore(%dma_wait3A_327 : memref<!tpu.dma_semaphore, #tpu.memory_space<semaphore_mem>>) src(%dma_wait3A_325 : memref<500000x128xf32, #tpu.memory_space<hbm>>) dst(%dma_wait3A_319 : memref<128x128xf32, #tpu.memory_space<vmem>>)
    %dma_wait3A_328 = arith.constant 0 : i32
    %dma_wait3A_329 = arith.constant 0 : i32
    %dma_wait3A_330 = arith.constant 0 : i32
    %dma_wait3A_331 = arith.constant 0 : i32
    %dma_wait3A_332 = arith.constant 0 : i32
    %dma_wait3A_333 = tpu.memref_slice %arg8[%dma_wait3A_328, %dma_wait3A_331, %dma_wait3A_332] : memref<3x128x64xf32, #tpu.memory_space<vmem>> -> memref<1x128x64xf32, #tpu.memory_space<vmem>>
    %dma_wait3A_334 = tpu.memref_squeeze %dma_wait3A_333 : memref<1x128x64xf32, #tpu.memory_space<vmem>> -> memref<128x64xf32, #tpu.memory_space<vmem>>
    %dma_wait3A_335 = arith.constant 0 : i32
    %dma_wait3A_336 = tpu.memref_slice %arg4[%mul3A_2, %dma_wait3A_329, %dma_wait3A_335] : memref<4096x200x64xf32, #tpu.memory_space<hbm>> -> memref<128x1x64xf32, #tpu.memory_space<hbm>>
    %dma_wait3A_337 = tpu.memref_squeeze %dma_wait3A_336 : memref<128x1x64xf32, #tpu.memory_space<hbm>> -> memref<128x64xf32, #tpu.memory_space<hbm>>
    %dma_wait3A_338 = tpu.memref_slice %arg10[%dma_wait3A_330] : memref<3x!tpu.dma_semaphore, #tpu.memory_space<semaphore_mem>> -> memref<1x!tpu.dma_semaphore, #tpu.memory_space<semaphore_mem>>
    %dma_wait3A_339 = tpu.memref_squeeze %dma_wait3A_338 : memref<1x!tpu.dma_semaphore, #tpu.memory_space<semaphore_mem>> -> memref<!tpu.dma_semaphore, #tpu.memory_space<semaphore_mem>>
    %dma_wait3A_340 = arith.constant 0 : i32
    %dma_wait3A_341 = tpu.memref_slice %arg4[%mul3A_2, %dma_wait3A_329, %dma_wait3A_340] : memref<4096x200x64xf32, #tpu.memory_space<hbm>> -> memref<128x1x64xf32, #tpu.memory_space<hbm>>
    %dma_wait3A_342 = tpu.memref_squeeze %dma_wait3A_341 : memref<128x1x64xf32, #tpu.memory_space<hbm>> -> memref<128x64xf32, #tpu.memory_space<hbm>>
    %dma_wait3A_343 = arith.constant 0 : i32
    %dma_wait3A_344 = arith.constant 0 : i32
    %dma_wait3A_345 = tpu.memref_slice %arg8[%dma_wait3A_328, %dma_wait3A_343, %dma_wait3A_344] : memref<3x128x64xf32, #tpu.memory_space<vmem>> -> memref<1x128x64xf32, #tpu.memory_space<vmem>>
    %dma_wait3A_346 = tpu.memref_squeeze %dma_wait3A_345 : memref<1x128x64xf32, #tpu.memory_space<vmem>> -> memref<128x64xf32, #tpu.memory_space<vmem>>
    tpu.wait_dma2 semaphore(%dma_wait3A_339 : memref<!tpu.dma_semaphore, #tpu.memory_space<semaphore_mem>>) src(%dma_wait3A_346 : memref<128x64xf32, #tpu.memory_space<vmem>>) dst(%dma_wait3A_342 : memref<128x64xf32, #tpu.memory_space<hbm>>)
    %broadcast_in_dim3A = arith.constant 198 : i32
    %broadcast_in_dim3A_347 = vector.broadcast %broadcast_in_dim3A : i32 to vector<16xi32>
    %scan3A_348 = arith.constant 0 : i32
    %scan3A_349 = arith.constant 0 : i32
    %scan3A_350 = arith.constant 128 : i32
    %scan3A_351 = arith.addi %scan3A_349, %scan3A_350 : i32
    %scan3A_352 = arith.constant 8 : i32
    %scan3A_353 = scf.for %scan3A_493 = %scan3A_349 to %scan3A_351 step %scan3A_352 iter_args(%scan3A_494 = %scan3A_348) -> (i32)  : i32 {
      %broadcast_in_dim3A_495 = vector.broadcast %scan3A_493 : i32 to vector<16xi32>
      %gather3A = tpu.vector_load_idx %arg5[%broadcast_in_dim3A_347, %broadcast_in_dim3A_495] : memref<200x128xi32, #tpu.memory_space<vmem>>[vector<16xi32>, vector<16xi32>], vector<16xi32>,
      %and3A = arith.constant 1 : i32
      %and3A_496 = vector.broadcast %and3A : i32 to vector<16xi32>
      %and3A_497 = arith.andi %gather3A, %and3A_496 : vector<16xi32>
      %eq3A = arith.constant 1 : i32
      %eq3A_498 = vector.broadcast %eq3A : i32 to vector<16xi32>
      %eq3A_499 = arith.cmpi eq, %and3A_497, %eq3A_498 : vector<16xi32>
      %get3A_500 = arith.constant 0 : i32
      %get3A_501 = arith.index_cast %get3A_500 : i32 to index
      %get3A_502 = arith.index_cast %scan3A_493 : i32 to index
      %get3A_503 = arith.constant 0 : index
      %get3A_504 = tpu.vector_load %arg7[%get3A_501, %get3A_502, %get3A_503] {strides = array<i32>} : memref<3x128x128xf32, #tpu.memory_space<vmem>>, vector<16xf32>,
      %get3A_505 = arith.constant 0 : i32
      %get3A_506 = arith.index_cast %get3A_505 : i32 to index
      %get3A_507 = arith.index_cast %scan3A_493 : i32 to index
      %get3A_508 = arith.constant 64 : index
      %get3A_509 = tpu.vector_load %arg7[%get3A_506, %get3A_507, %get3A_508] {strides = array<i32>} : memref<3x128x128xf32, #tpu.memory_space<vmem>>, vector<16xf32>,
      %select_n3A = arith.select %eq3A_499, %get3A_509, %get3A_504 : vector<16xi1>, vector<16xf32>
      %mul3A_510 = arith.constant 8.000000e+00 : f32
      %mul3A_511 = vector.broadcast %mul3A_510 : f32 to vector<16xf32>
      %mul3A_512 = arith.mulf %select_n3A, %mul3A_511 : vector<16xf32>
      %swap3A_513 = arith.constant 0 : i32
      %swap3A_514 = arith.index_cast %swap3A_513 : i32 to index
      %swap3A_515 = arith.index_cast %scan3A_493 : i32 to index
      %swap3A_516 = arith.constant 0 : index
      %swap3A_517 = tpu.vector_load %arg8[%swap3A_514, %swap3A_515, %swap3A_516] {strides = array<i32>} : memref<3x128x64xf32, #tpu.memory_space<vmem>>, vector<16xf32>,
      tpu.vector_store %arg8[%swap3A_514, %swap3A_515, %swap3A_516], %mul3A_512 {strides = array<i32>} : memref<3x128x64xf32, #tpu.memory_space<vmem>>, vector<16xf32>,
      %get3A_518 = arith.constant 0 : i32
      %get3A_519 = arith.index_cast %get3A_518 : i32 to index
      %get3A_520 = arith.index_cast %scan3A_493 : i32 to index
      %get3A_521 = arith.constant 16 : index
      %get3A_522 = tpu.vector_load %arg7[%get3A_519, %get3A_520, %get3A_521] {strides = array<i32>} : memref<3x128x128xf32, #tpu.memory_space<vmem>>, vector<16xf32>,
      %get3A_523 = arith.constant 0 : i32
      %get3A_524 = arith.index_cast %get3A_523 : i32 to index
      %get3A_525 = arith.index_cast %scan3A_493 : i32 to index
      %get3A_526 = arith.constant 80 : index
      %get3A_527 = tpu.vector_load %arg7[%get3A_524, %get3A_525, %get3A_526] {strides = array<i32>} : memref<3x128x128xf32, #tpu.memory_space<vmem>>, vector<16xf32>,
      %select_n3A_528 = arith.select %eq3A_499, %get3A_527, %get3A_522 : vector<16xi1>, vector<16xf32>
      %mul3A_529 = arith.constant 8.000000e+00 : f32
      %mul3A_530 = vector.broadcast %mul3A_529 : f32 to vector<16xf32>
      %mul3A_531 = arith.mulf %select_n3A_528, %mul3A_530 : vector<16xf32>
      %swap3A_532 = arith.constant 0 : i32
      %swap3A_533 = arith.index_cast %swap3A_532 : i32 to index
      %swap3A_534 = arith.index_cast %scan3A_493 : i32 to index
      %swap3A_535 = arith.constant 16 : index
      %swap3A_536 = tpu.vector_load %arg8[%swap3A_533, %swap3A_534, %swap3A_535] {strides = array<i32>} : memref<3x128x64xf32, #tpu.memory_space<vmem>>, vector<16xf32>,
      tpu.vector_store %arg8[%swap3A_533, %swap3A_534, %swap3A_535], %mul3A_531 {strides = array<i32>} : memref<3x128x64xf32, #tpu.memory_space<vmem>>, vector<16xf32>,
      %get3A_537 = arith.constant 0 : i32
      %get3A_538 = arith.index_cast %get3A_537 : i32 to index
      %get3A_539 = arith.index_cast %scan3A_493 : i32 to index
      %get3A_540 = arith.constant 32 : index
      %get3A_541 = tpu.vector_load %arg7[%get3A_538, %get3A_539, %get3A_540] {strides = array<i32>} : memref<3x128x128xf32, #tpu.memory_space<vmem>>, vector<16xf32>,
      %get3A_542 = arith.constant 0 : i32
      %get3A_543 = arith.index_cast %get3A_542 : i32 to index
      %get3A_544 = arith.index_cast %scan3A_493 : i32 to index
      %get3A_545 = arith.constant 96 : index
      %get3A_546 = tpu.vector_load %arg7[%get3A_543, %get3A_544, %get3A_545] {strides = array<i32>} : memref<3x128x128xf32, #tpu.memory_space<vmem>>, vector<16xf32>,
      %select_n3A_547 = arith.select %eq3A_499, %get3A_546, %get3A_541 : vector<16xi1>, vector<16xf32>
      %mul3A_548 = arith.constant 8.000000e+00 : f32
      %mul3A_549 = vector.broadcast %mul3A_548 : f32 to vector<16xf32>
      %mul3A_550 = arith.mulf %select_n3A_547, %mul3A_549 : vector<16xf32>
      %swap3A_551 = arith.constant 0 : i32
      %swap3A_552 = arith.index_cast %swap3A_551 : i32 to index
      %swap3A_553 = arith.index_cast %scan3A_493 : i32 to index
      %swap3A_554 = arith.constant 32 : index
      %swap3A_555 = tpu.vector_load %arg8[%swap3A_552, %swap3A_553, %swap3A_554] {strides = array<i32>} : memref<3x128x64xf32, #tpu.memory_space<vmem>>, vector<16xf32>,
      tpu.vector_store %arg8[%swap3A_552, %swap3A_553, %swap3A_554], %mul3A_550 {strides = array<i32>} : memref<3x128x64xf32, #tpu.memory_space<vmem>>, vector<16xf32>,
      %get3A_556 = arith.constant 0 : i32
      %get3A_557 = arith.index_cast %get3A_556 : i32 to index
      %get3A_558 = arith.index_cast %scan3A_493 : i32 to index
      %get3A_559 = arith.constant 48 : index
      %get3A_560 = tpu.vector_load %arg7[%get3A_557, %get3A_558, %get3A_559] {strides = array<i32>} : memref<3x128x128xf32, #tpu.memory_space<vmem>>, vector<16xf32>,
      %get3A_561 = arith.constant 0 : i32
      %get3A_562 = arith.index_cast %get3A_561 : i32 to index
      %get3A_563 = arith.index_cast %scan3A_493 : i32 to index
      %get3A_564 = arith.constant 112 : index
      %get3A_565 = tpu.vector_load %arg7[%get3A_562, %get3A_563, %get3A_564] {strides = array<i32>} : memref<3x128x128xf32, #tpu.memory_space<vmem>>, vector<16xf32>,
      %select_n3A_566 = arith.select %eq3A_499, %get3A_565, %get3A_560 : vector<16xi1>, vector<16xf32>
      %mul3A_567 = arith.constant 8.000000e+00 : f32
      %mul3A_568 = vector.broadcast %mul3A_567 : f32 to vector<16xf32>
      %mul3A_569 = arith.mulf %select_n3A_566, %mul3A_568 : vector<16xf32>
      %swap3A_570 = arith.constant 0 : i32
      %swap3A_571 = arith.index_cast %swap3A_570 : i32 to index
      %swap3A_572 = arith.index_cast %scan3A_493 : i32 to index
      %swap3A_573 = arith.constant 48 : index
      %swap3A_574 = tpu.vector_load %arg8[%swap3A_571, %swap3A_572, %swap3A_573] {strides = array<i32>} : memref<3x128x64xf32, #tpu.memory_space<vmem>>, vector<16xf32>,
      tpu.vector_store %arg8[%swap3A_571, %swap3A_572, %swap3A_573], %mul3A_569 {strides = array<i32>} : memref<3x128x64xf32, #tpu.memory_space<vmem>>, vector<16xf32>,
      %scan3A_575 = arith.constant 0 : i32
      %scan3A_576 = arith.constant 1 : i32
      %scan3A_577 = arith.addi %scan3A_493, %scan3A_576 : i32
      %broadcast_in_dim3A_578 = vector.broadcast %scan3A_577 : i32 to vector<16xi32>
      %gather3A_579 = tpu.vector_load_idx %arg5[%broadcast_in_dim3A_347, %broadcast_in_dim3A_578] : memref<200x128xi32, #tpu.memory_space<vmem>>[vector<16xi32>, vector<16xi32>], vector<16xi32>,
      %and3A_580 = arith.constant 1 : i32
      %and3A_581 = vector.broadcast %and3A_580 : i32 to vector<16xi32>
      %and3A_582 = arith.andi %gather3A_579, %and3A_581 : vector<16xi32>
      %eq3A_583 = arith.constant 1 : i32
      %eq3A_584 = vector.broadcast %eq3A_583 : i32 to vector<16xi32>
      %eq3A_585 = arith.cmpi eq, %and3A_582, %eq3A_584 : vector<16xi32>
      %get3A_586 = arith.constant 0 : i32
      %get3A_587 = arith.index_cast %get3A_586 : i32 to index
      %get3A_588 = arith.index_cast %scan3A_577 : i32 to index
      %get3A_589 = arith.constant 0 : index
      %get3A_590 = tpu.vector_load %arg7[%get3A_587, %get3A_588, %get3A_589] {strides = array<i32>} : memref<3x128x128xf32, #tpu.memory_space<vmem>>, vector<16xf32>,
      %get3A_591 = arith.constant 0 : i32
      %get3A_592 = arith.index_cast %get3A_591 : i32 to index
      %get3A_593 = arith.index_cast %scan3A_577 : i32 to index
      %get3A_594 = arith.constant 64 : index
      %get3A_595 = tpu.vector_load %arg7[%get3A_592, %get3A_593, %get3A_594] {strides = array<i32>} : memref<3x128x128xf32, #tpu.memory_space<vmem>>, vector<16xf32>,
      %select_n3A_596 = arith.select %eq3A_585, %get3A_595, %get3A_590 : vector<16xi1>, vector<16xf32>
      %mul3A_597 = arith.constant 8.000000e+00 : f32
      %mul3A_598 = vector.broadcast %mul3A_597 : f32 to vector<16xf32>
      %mul3A_599 = arith.mulf %select_n3A_596, %mul3A_598 : vector<16xf32>
      %swap3A_600 = arith.constant 0 : i32
      %swap3A_601 = arith.index_cast %swap3A_600 : i32 to index
      %swap3A_602 = arith.index_cast %scan3A_577 : i32 to index
      %swap3A_603 = arith.constant 0 : index
      %swap3A_604 = tpu.vector_load %arg8[%swap3A_601, %swap3A_602, %swap3A_603] {strides = array<i32>} : memref<3x128x64xf32, #tpu.memory_space<vmem>>, vector<16xf32>,
      tpu.vector_store %arg8[%swap3A_601, %swap3A_602, %swap3A_603], %mul3A_599 {strides = array<i32>} : memref<3x128x64xf32, #tpu.memory_space<vmem>>, vector<16xf32>,
      %get3A_605 = arith.constant 0 : i32
      %get3A_606 = arith.index_cast %get3A_605 : i32 to index
      %get3A_607 = arith.index_cast %scan3A_577 : i32 to index
      %get3A_608 = arith.constant 16 : index
      %get3A_609 = tpu.vector_load %arg7[%get3A_606, %get3A_607, %get3A_608] {strides = array<i32>} : memref<3x128x128xf32, #tpu.memory_space<vmem>>, vector<16xf32>,
      %get3A_610 = arith.constant 0 : i32
      %get3A_611 = arith.index_cast %get3A_610 : i32 to index
      %get3A_612 = arith.index_cast %scan3A_577 : i32 to index
      %get3A_613 = arith.constant 80 : index
      %get3A_614 = tpu.vector_load %arg7[%get3A_611, %get3A_612, %get3A_613] {strides = array<i32>} : memref<3x128x128xf32, #tpu.memory_space<vmem>>, vector<16xf32>,
      %select_n3A_615 = arith.select %eq3A_585, %get3A_614, %get3A_609 : vector<16xi1>, vector<16xf32>
      %mul3A_616 = arith.constant 8.000000e+00 : f32
      %mul3A_617 = vector.broadcast %mul3A_616 : f32 to vector<16xf32>
      %mul3A_618 = arith.mulf %select_n3A_615, %mul3A_617 : vector<16xf32>
      %swap3A_619 = arith.constant 0 : i32
      %swap3A_620 = arith.index_cast %swap3A_619 : i32 to index
      %swap3A_621 = arith.index_cast %scan3A_577 : i32 to index
      %swap3A_622 = arith.constant 16 : index
      %swap3A_623 = tpu.vector_load %arg8[%swap3A_620, %swap3A_621, %swap3A_622] {strides = array<i32>} : memref<3x128x64xf32, #tpu.memory_space<vmem>>, vector<16xf32>,
      tpu.vector_store %arg8[%swap3A_620, %swap3A_621, %swap3A_622], %mul3A_618 {strides = array<i32>} : memref<3x128x64xf32, #tpu.memory_space<vmem>>, vector<16xf32>,
      %get3A_624 = arith.constant 0 : i32
      %get3A_625 = arith.index_cast %get3A_624 : i32 to index
      %get3A_626 = arith.index_cast %scan3A_577 : i32 to index
      %get3A_627 = arith.constant 32 : index
      %get3A_628 = tpu.vector_load %arg7[%get3A_625, %get3A_626, %get3A_627] {strides = array<i32>} : memref<3x128x128xf32, #tpu.memory_space<vmem>>, vector<16xf32>,
      %get3A_629 = arith.constant 0 : i32
      %get3A_630 = arith.index_cast %get3A_629 : i32 to index
      %get3A_631 = arith.index_cast %scan3A_577 : i32 to index
      %get3A_632 = arith.constant 96 : index
      %get3A_633 = tpu.vector_load %arg7[%get3A_630, %get3A_631, %get3A_632] {strides = array<i32>} : memref<3x128x128xf32, #tpu.memory_space<vmem>>, vector<16xf32>,
      %select_n3A_634 = arith.select %eq3A_585, %get3A_633, %get3A_628 : vector<16xi1>, vector<16xf32>
      %mul3A_635 = arith.constant 8.000000e+00 : f32
      %mul3A_636 = vector.broadcast %mul3A_635 : f32 to vector<16xf32>
      %mul3A_637 = arith.mulf %select_n3A_634, %mul3A_636 : vector<16xf32>
      %swap3A_638 = arith.constant 0 : i32
      %swap3A_639 = arith.index_cast %swap3A_638 : i32 to index
      %swap3A_640 = arith.index_cast %scan3A_577 : i32 to index
      %swap3A_641 = arith.constant 32 : index
      %swap3A_642 = tpu.vector_load %arg8[%swap3A_639, %swap3A_640, %swap3A_641] {strides = array<i32>} : memref<3x128x64xf32, #tpu.memory_space<vmem>>, vector<16xf32>,
      tpu.vector_store %arg8[%swap3A_639, %swap3A_640, %swap3A_641], %mul3A_637 {strides = array<i32>} : memref<3x128x64xf32, #tpu.memory_space<vmem>>, vector<16xf32>,
      %get3A_643 = arith.constant 0 : i32
      %get3A_644 = arith.index_cast %get3A_643 : i32 to index
      %get3A_645 = arith.index_cast %scan3A_577 : i32 to index
      %get3A_646 = arith.constant 48 : index
      %get3A_647 = tpu.vector_load %arg7[%get3A_644, %get3A_645, %get3A_646] {strides = array<i32>} : memref<3x128x128xf32, #tpu.memory_space<vmem>>, vector<16xf32>,
      %get3A_648 = arith.constant 0 : i32
      %get3A_649 = arith.index_cast %get3A_648 : i32 to index
      %get3A_650 = arith.index_cast %scan3A_577 : i32 to index
      %get3A_651 = arith.constant 112 : index
      %get3A_652 = tpu.vector_load %arg7[%get3A_649, %get3A_650, %get3A_651] {strides = array<i32>} : memref<3x128x128xf32, #tpu.memory_space<vmem>>, vector<16xf32>,
      %select_n3A_653 = arith.select %eq3A_585, %get3A_652, %get3A_647 : vector<16xi1>, vector<16xf32>
      %mul3A_654 = arith.constant 8.000000e+00 : f32
      %mul3A_655 = vector.broadcast %mul3A_654 : f32 to vector<16xf32>
      %mul3A_656 = arith.mulf %select_n3A_653, %mul3A_655 : vector<16xf32>
      %swap3A_657 = arith.constant 0 : i32
      %swap3A_658 = arith.index_cast %swap3A_657 : i32 to index
      %swap3A_659 = arith.index_cast %scan3A_577 : i32 to index
      %swap3A_660 = arith.constant 48 : index
      %swap3A_661 = tpu.vector_load %arg8[%swap3A_658, %swap3A_659, %swap3A_660] {strides = array<i32>} : memref<3x128x64xf32, #tpu.memory_space<vmem>>, vector<16xf32>,
      tpu.vector_store %arg8[%swap3A_658, %swap3A_659, %swap3A_660], %mul3A_656 {strides = array<i32>} : memref<3x128x64xf32, #tpu.memory_space<vmem>>, vector<16xf32>,
      %scan3A_662 = arith.constant 0 : i32
      %scan3A_663 = arith.constant 2 : i32
      %scan3A_664 = arith.addi %scan3A_493, %scan3A_663 : i32
      %broadcast_in_dim3A_665 = vector.broadcast %scan3A_664 : i32 to vector<16xi32>
      %gather3A_666 = tpu.vector_load_idx %arg5[%broadcast_in_dim3A_347, %broadcast_in_dim3A_665] : memref<200x128xi32, #tpu.memory_space<vmem>>[vector<16xi32>, vector<16xi32>], vector<16xi32>,
      %and3A_667 = arith.constant 1 : i32
      %and3A_668 = vector.broadcast %and3A_667 : i32 to vector<16xi32>
      %and3A_669 = arith.andi %gather3A_666, %and3A_668 : vector<16xi32>
      %eq3A_670 = arith.constant 1 : i32
      %eq3A_671 = vector.broadcast %eq3A_670 : i32 to vector<16xi32>
      %eq3A_672 = arith.cmpi eq, %and3A_669, %eq3A_671 : vector<16xi32>
      %get3A_673 = arith.constant 0 : i32
      %get3A_674 = arith.index_cast %get3A_673 : i32 to index
      %get3A_675 = arith.index_cast %scan3A_664 : i32 to index
      %get3A_676 = arith.constant 0 : index
      %get3A_677 = tpu.vector_load %arg7[%get3A_674, %get3A_675, %get3A_676] {strides = array<i32>} : memref<3x128x128xf32, #tpu.memory_space<vmem>>, vector<16xf32>,
      %get3A_678 = arith.constant 0 : i32
      %get3A_679 = arith.index_cast %get3A_678 : i32 to index
      %get3A_680 = arith.index_cast %scan3A_664 : i32 to index
      %get3A_681 = arith.constant 64 : index
      %get3A_682 = tpu.vector_load %arg7[%get3A_679, %get3A_680, %get3A_681] {strides = array<i32>} : memref<3x128x128xf32, #tpu.memory_space<vmem>>, vector<16xf32>,
      %select_n3A_683 = arith.select %eq3A_672, %get3A_682, %get3A_677 : vector<16xi1>, vector<16xf32>
      %mul3A_684 = arith.constant 8.000000e+00 : f32
      %mul3A_685 = vector.broadcast %mul3A_684 : f32 to vector<16xf32>
      %mul3A_686 = arith.mulf %select_n3A_683, %mul3A_685 : vector<16xf32>
      %swap3A_687 = arith.constant 0 : i32
      %swap3A_688 = arith.index_cast %swap3A_687 : i32 to index
      %swap3A_689 = arith.index_cast %scan3A_664 : i32 to index
      %swap3A_690 = arith.constant 0 : index
      %swap3A_691 = tpu.vector_load %arg8[%swap3A_688, %swap3A_689, %swap3A_690] {strides = array<i32>} : memref<3x128x64xf32, #tpu.memory_space<vmem>>, vector<16xf32>,
      tpu.vector_store %arg8[%swap3A_688, %swap3A_689, %swap3A_690], %mul3A_686 {strides = array<i32>} : memref<3x128x64xf32, #tpu.memory_space<vmem>>, vector<16xf32>,
      %get3A_692 = arith.constant 0 : i32
      %get3A_693 = arith.index_cast %get3A_692 : i32 to index
      %get3A_694 = arith.index_cast %scan3A_664 : i32 to index
      %get3A_695 = arith.constant 16 : index
      %get3A_696 = tpu.vector_load %arg7[%get3A_693, %get3A_694, %get3A_695] {strides = array<i32>} : memref<3x128x128xf32, #tpu.memory_space<vmem>>, vector<16xf32>,
      %get3A_697 = arith.constant 0 : i32
      %get3A_698 = arith.index_cast %get3A_697 : i32 to index
      %get3A_699 = arith.index_cast %scan3A_664 : i32 to index
      %get3A_700 = arith.constant 80 : index
      %get3A_701 = tpu.vector_load %arg7[%get3A_698, %get3A_699, %get3A_700] {strides = array<i32>} : memref<3x128x128xf32, #tpu.memory_space<vmem>>, vector<16xf32>,
      %select_n3A_702 = arith.select %eq3A_672, %get3A_701, %get3A_696 : vector<16xi1>, vector<16xf32>
      %mul3A_703 = arith.constant 8.000000e+00 : f32
      %mul3A_704 = vector.broadcast %mul3A_703 : f32 to vector<16xf32>
      %mul3A_705 = arith.mulf %select_n3A_702, %mul3A_704 : vector<16xf32>
      %swap3A_706 = arith.constant 0 : i32
      %swap3A_707 = arith.index_cast %swap3A_706 : i32 to index
      %swap3A_708 = arith.index_cast %scan3A_664 : i32 to index
      %swap3A_709 = arith.constant 16 : index
      %swap3A_710 = tpu.vector_load %arg8[%swap3A_707, %swap3A_708, %swap3A_709] {strides = array<i32>} : memref<3x128x64xf32, #tpu.memory_space<vmem>>, vector<16xf32>,
      tpu.vector_store %arg8[%swap3A_707, %swap3A_708, %swap3A_709], %mul3A_705 {strides = array<i32>} : memref<3x128x64xf32, #tpu.memory_space<vmem>>, vector<16xf32>,
      %get3A_711 = arith.constant 0 : i32
      %get3A_712 = arith.index_cast %get3A_711 : i32 to index
      %get3A_713 = arith.index_cast %scan3A_664 : i32 to index
      %get3A_714 = arith.constant 32 : index
      %get3A_715 = tpu.vector_load %arg7[%get3A_712, %get3A_713, %get3A_714] {strides = array<i32>} : memref<3x128x128xf32, #tpu.memory_space<vmem>>, vector<16xf32>,
      %get3A_716 = arith.constant 0 : i32
      %get3A_717 = arith.index_cast %get3A_716 : i32 to index
      %get3A_718 = arith.index_cast %scan3A_664 : i32 to index
      %get3A_719 = arith.constant 96 : index
      %get3A_720 = tpu.vector_load %arg7[%get3A_717, %get3A_718, %get3A_719] {strides = array<i32>} : memref<3x128x128xf32, #tpu.memory_space<vmem>>, vector<16xf32>,
      %select_n3A_721 = arith.select %eq3A_672, %get3A_720, %get3A_715 : vector<16xi1>, vector<16xf32>
      %mul3A_722 = arith.constant 8.000000e+00 : f32
      %mul3A_723 = vector.broadcast %mul3A_722 : f32 to vector<16xf32>
      %mul3A_724 = arith.mulf %select_n3A_721, %mul3A_723 : vector<16xf32>
      %swap3A_725 = arith.constant 0 : i32
      %swap3A_726 = arith.index_cast %swap3A_725 : i32 to index
      %swap3A_727 = arith.index_cast %scan3A_664 : i32 to index
      %swap3A_728 = arith.constant 32 : index
      %swap3A_729 = tpu.vector_load %arg8[%swap3A_726, %swap3A_727, %swap3A_728] {strides = array<i32>} : memref<3x128x64xf32, #tpu.memory_space<vmem>>, vector<16xf32>,
      tpu.vector_store %arg8[%swap3A_726, %swap3A_727, %swap3A_728], %mul3A_724 {strides = array<i32>} : memref<3x128x64xf32, #tpu.memory_space<vmem>>, vector<16xf32>,
      %get3A_730 = arith.constant 0 : i32
      %get3A_731 = arith.index_cast %get3A_730 : i32 to index
      %get3A_732 = arith.index_cast %scan3A_664 : i32 to index
      %get3A_733 = arith.constant 48 : index
      %get3A_734 = tpu.vector_load %arg7[%get3A_731, %get3A_732, %get3A_733] {strides = array<i32>} : memref<3x128x128xf32, #tpu.memory_space<vmem>>, vector<16xf32>,
      %get3A_735 = arith.constant 0 : i32
      %get3A_736 = arith.index_cast %get3A_735 : i32 to index
      %get3A_737 = arith.index_cast %scan3A_664 : i32 to index
      %get3A_738 = arith.constant 112 : index
      %get3A_739 = tpu.vector_load %arg7[%get3A_736, %get3A_737, %get3A_738] {strides = array<i32>} : memref<3x128x128xf32, #tpu.memory_space<vmem>>, vector<16xf32>,
      %select_n3A_740 = arith.select %eq3A_672, %get3A_739, %get3A_734 : vector<16xi1>, vector<16xf32>
      %mul3A_741 = arith.constant 8.000000e+00 : f32
      %mul3A_742 = vector.broadcast %mul3A_741 : f32 to vector<16xf32>
      %mul3A_743 = arith.mulf %select_n3A_740, %mul3A_742 : vector<16xf32>
      %swap3A_744 = arith.constant 0 : i32
      %swap3A_745 = arith.index_cast %swap3A_744 : i32 to index
      %swap3A_746 = arith.index_cast %scan3A_664 : i32 to index
      %swap3A_747 = arith.constant 48 : index
      %swap3A_748 = tpu.vector_load %arg8[%swap3A_745, %swap3A_746, %swap3A_747] {strides = array<i32>} : memref<3x128x64xf32, #tpu.memory_space<vmem>>, vector<16xf32>,
      tpu.vector_store %arg8[%swap3A_745, %swap3A_746, %swap3A_747], %mul3A_743 {strides = array<i32>} : memref<3x128x64xf32, #tpu.memory_space<vmem>>, vector<16xf32>,
      %scan3A_749 = arith.constant 0 : i32
      %scan3A_750 = arith.constant 3 : i32
      %scan3A_751 = arith.addi %scan3A_493, %scan3A_750 : i32
      %broadcast_in_dim3A_752 = vector.broadcast %scan3A_751 : i32 to vector<16xi32>
      %gather3A_753 = tpu.vector_load_idx %arg5[%broadcast_in_dim3A_347, %broadcast_in_dim3A_752] : memref<200x128xi32, #tpu.memory_space<vmem>>[vector<16xi32>, vector<16xi32>], vector<16xi32>,
      %and3A_754 = arith.constant 1 : i32
      %and3A_755 = vector.broadcast %and3A_754 : i32 to vector<16xi32>
      %and3A_756 = arith.andi %gather3A_753, %and3A_755 : vector<16xi32>
      %eq3A_757 = arith.constant 1 : i32
      %eq3A_758 = vector.broadcast %eq3A_757 : i32 to vector<16xi32>
      %eq3A_759 = arith.cmpi eq, %and3A_756, %eq3A_758 : vector<16xi32>
      %get3A_760 = arith.constant 0 : i32
      %get3A_761 = arith.index_cast %get3A_760 : i32 to index
      %get3A_762 = arith.index_cast %scan3A_751 : i32 to index
      %get3A_763 = arith.constant 0 : index
      %get3A_764 = tpu.vector_load %arg7[%get3A_761, %get3A_762, %get3A_763] {strides = array<i32>} : memref<3x128x128xf32, #tpu.memory_space<vmem>>, vector<16xf32>,
      %get3A_765 = arith.constant 0 : i32
      %get3A_766 = arith.index_cast %get3A_765 : i32 to index
      %get3A_767 = arith.index_cast %scan3A_751 : i32 to index
      %get3A_768 = arith.constant 64 : index
      %get3A_769 = tpu.vector_load %arg7[%get3A_766, %get3A_767, %get3A_768] {strides = array<i32>} : memref<3x128x128xf32, #tpu.memory_space<vmem>>, vector<16xf32>,
      %select_n3A_770 = arith.select %eq3A_759, %get3A_769, %get3A_764 : vector<16xi1>, vector<16xf32>
      %mul3A_771 = arith.constant 8.000000e+00 : f32
      %mul3A_772 = vector.broadcast %mul3A_771 : f32 to vector<16xf32>
      %mul3A_773 = arith.mulf %select_n3A_770, %mul3A_772 : vector<16xf32>
      %swap3A_774 = arith.constant 0 : i32
      %swap3A_775 = arith.index_cast %swap3A_774 : i32 to index
      %swap3A_776 = arith.index_cast %scan3A_751 : i32 to index
      %swap3A_777 = arith.constant 0 : index
      %swap3A_778 = tpu.vector_load %arg8[%swap3A_775, %swap3A_776, %swap3A_777] {strides = array<i32>} : memref<3x128x64xf32, #tpu.memory_space<vmem>>, vector<16xf32>,
      tpu.vector_store %arg8[%swap3A_775, %swap3A_776, %swap3A_777], %mul3A_773 {strides = array<i32>} : memref<3x128x64xf32, #tpu.memory_space<vmem>>, vector<16xf32>,
      %get3A_779 = arith.constant 0 : i32
      %get3A_780 = arith.index_cast %get3A_779 : i32 to index
      %get3A_781 = arith.index_cast %scan3A_751 : i32 to index
      %get3A_782 = arith.constant 16 : index
      %get3A_783 = tpu.vector_load %arg7[%get3A_780, %get3A_781, %get3A_782] {strides = array<i32>} : memref<3x128x128xf32, #tpu.memory_space<vmem>>, vector<16xf32>,
      %get3A_784 = arith.constant 0 : i32
      %get3A_785 = arith.index_cast %get3A_784 : i32 to index
      %get3A_786 = arith.index_cast %scan3A_751 : i32 to index
      %get3A_787 = arith.constant 80 : index
      %get3A_788 = tpu.vector_load %arg7[%get3A_785, %get3A_786, %get3A_787] {strides = array<i32>} : memref<3x128x128xf32, #tpu.memory_space<vmem>>, vector<16xf32>,
      %select_n3A_789 = arith.select %eq3A_759, %get3A_788, %get3A_783 : vector<16xi1>, vector<16xf32>
      %mul3A_790 = arith.constant 8.000000e+00 : f32
      %mul3A_791 = vector.broadcast %mul3A_790 : f32 to vector<16xf32>
      %mul3A_792 = arith.mulf %select_n3A_789, %mul3A_791 : vector<16xf32>
      %swap3A_793 = arith.constant 0 : i32
      %swap3A_794 = arith.index_cast %swap3A_793 : i32 to index
      %swap3A_795 = arith.index_cast %scan3A_751 : i32 to index
      %swap3A_796 = arith.constant 16 : index
      %swap3A_797 = tpu.vector_load %arg8[%swap3A_794, %swap3A_795, %swap3A_796] {strides = array<i32>} : memref<3x128x64xf32, #tpu.memory_space<vmem>>, vector<16xf32>,
      tpu.vector_store %arg8[%swap3A_794, %swap3A_795, %swap3A_796], %mul3A_792 {strides = array<i32>} : memref<3x128x64xf32, #tpu.memory_space<vmem>>, vector<16xf32>,
      %get3A_798 = arith.constant 0 : i32
      %get3A_799 = arith.index_cast %get3A_798 : i32 to index
      %get3A_800 = arith.index_cast %scan3A_751 : i32 to index
      %get3A_801 = arith.constant 32 : index
      %get3A_802 = tpu.vector_load %arg7[%get3A_799, %get3A_800, %get3A_801] {strides = array<i32>} : memref<3x128x128xf32, #tpu.memory_space<vmem>>, vector<16xf32>,
      %get3A_803 = arith.constant 0 : i32
      %get3A_804 = arith.index_cast %get3A_803 : i32 to index
      %get3A_805 = arith.index_cast %scan3A_751 : i32 to index
      %get3A_806 = arith.constant 96 : index
      %get3A_807 = tpu.vector_load %arg7[%get3A_804, %get3A_805, %get3A_806] {strides = array<i32>} : memref<3x128x128xf32, #tpu.memory_space<vmem>>, vector<16xf32>,
      %select_n3A_808 = arith.select %eq3A_759, %get3A_807, %get3A_802 : vector<16xi1>, vector<16xf32>
      %mul3A_809 = arith.constant 8.000000e+00 : f32
      %mul3A_810 = vector.broadcast %mul3A_809 : f32 to vector<16xf32>
      %mul3A_811 = arith.mulf %select_n3A_808, %mul3A_810 : vector<16xf32>
      %swap3A_812 = arith.constant 0 : i32
      %swap3A_813 = arith.index_cast %swap3A_812 : i32 to index
      %swap3A_814 = arith.index_cast %scan3A_751 : i32 to index
      %swap3A_815 = arith.constant 32 : index
      %swap3A_816 = tpu.vector_load %arg8[%swap3A_813, %swap3A_814, %swap3A_815] {strides = array<i32>} : memref<3x128x64xf32, #tpu.memory_space<vmem>>, vector<16xf32>,
      tpu.vector_store %arg8[%swap3A_813, %swap3A_814, %swap3A_815], %mul3A_811 {strides = array<i32>} : memref<3x128x64xf32, #tpu.memory_space<vmem>>, vector<16xf32>,
      %get3A_817 = arith.constant 0 : i32
      %get3A_818 = arith.index_cast %get3A_817 : i32 to index
      %get3A_819 = arith.index_cast %scan3A_751 : i32 to index
      %get3A_820 = arith.constant 48 : index
      %get3A_821 = tpu.vector_load %arg7[%get3A_818, %get3A_819, %get3A_820] {strides = array<i32>} : memref<3x128x128xf32, #tpu.memory_space<vmem>>, vector<16xf32>,
      %get3A_822 = arith.constant 0 : i32
      %get3A_823 = arith.index_cast %get3A_822 : i32 to index
      %get3A_824 = arith.index_cast %scan3A_751 : i32 to index
      %get3A_825 = arith.constant 112 : index
      %get3A_826 = tpu.vector_load %arg7[%get3A_823, %get3A_824, %get3A_825] {strides = array<i32>} : memref<3x128x128xf32, #tpu.memory_space<vmem>>, vector<16xf32>,
      %select_n3A_827 = arith.select %eq3A_759, %get3A_826, %get3A_821 : vector<16xi1>, vector<16xf32>
      %mul3A_828 = arith.constant 8.000000e+00 : f32
      %mul3A_829 = vector.broadcast %mul3A_828 : f32 to vector<16xf32>
      %mul3A_830 = arith.mulf %select_n3A_827, %mul3A_829 : vector<16xf32>
      %swap3A_831 = arith.constant 0 : i32
      %swap3A_832 = arith.index_cast %swap3A_831 : i32 to index
      %swap3A_833 = arith.index_cast %scan3A_751 : i32 to index
      %swap3A_834 = arith.constant 48 : index
      %swap3A_835 = tpu.vector_load %arg8[%swap3A_832, %swap3A_833, %swap3A_834] {strides = array<i32>} : memref<3x128x64xf32, #tpu.memory_space<vmem>>, vector<16xf32>,
      tpu.vector_store %arg8[%swap3A_832, %swap3A_833, %swap3A_834], %mul3A_830 {strides = array<i32>} : memref<3x128x64xf32, #tpu.memory_space<vmem>>, vector<16xf32>,
      %scan3A_836 = arith.constant 0 : i32
      %scan3A_837 = arith.constant 4 : i32
      %scan3A_838 = arith.addi %scan3A_493, %scan3A_837 : i32
      %broadcast_in_dim3A_839 = vector.broadcast %scan3A_838 : i32 to vector<16xi32>
      %gather3A_840 = tpu.vector_load_idx %arg5[%broadcast_in_dim3A_347, %broadcast_in_dim3A_839] : memref<200x128xi32, #tpu.memory_space<vmem>>[vector<16xi32>, vector<16xi32>], vector<16xi32>,
      %and3A_841 = arith.constant 1 : i32
      %and3A_842 = vector.broadcast %and3A_841 : i32 to vector<16xi32>
      %and3A_843 = arith.andi %gather3A_840, %and3A_842 : vector<16xi32>
      %eq3A_844 = arith.constant 1 : i32
      %eq3A_845 = vector.broadcast %eq3A_844 : i32 to vector<16xi32>
      %eq3A_846 = arith.cmpi eq, %and3A_843, %eq3A_845 : vector<16xi32>
      %get3A_847 = arith.constant 0 : i32
      %get3A_848 = arith.index_cast %get3A_847 : i32 to index
      %get3A_849 = arith.index_cast %scan3A_838 : i32 to index
      %get3A_850 = arith.constant 0 : index
      %get3A_851 = tpu.vector_load %arg7[%get3A_848, %get3A_849, %get3A_850] {strides = array<i32>} : memref<3x128x128xf32, #tpu.memory_space<vmem>>, vector<16xf32>,
      %get3A_852 = arith.constant 0 : i32
      %get3A_853 = arith.index_cast %get3A_852 : i32 to index
      %get3A_854 = arith.index_cast %scan3A_838 : i32 to index
      %get3A_855 = arith.constant 64 : index
      %get3A_856 = tpu.vector_load %arg7[%get3A_853, %get3A_854, %get3A_855] {strides = array<i32>} : memref<3x128x128xf32, #tpu.memory_space<vmem>>, vector<16xf32>,
      %select_n3A_857 = arith.select %eq3A_846, %get3A_856, %get3A_851 : vector<16xi1>, vector<16xf32>
      %mul3A_858 = arith.constant 8.000000e+00 : f32
      %mul3A_859 = vector.broadcast %mul3A_858 : f32 to vector<16xf32>
      %mul3A_860 = arith.mulf %select_n3A_857, %mul3A_859 : vector<16xf32>
      %swap3A_861 = arith.constant 0 : i32
      %swap3A_862 = arith.index_cast %swap3A_861 : i32 to index
      %swap3A_863 = arith.index_cast %scan3A_838 : i32 to index
      %swap3A_864 = arith.constant 0 : index
      %swap3A_865 = tpu.vector_load %arg8[%swap3A_862, %swap3A_863, %swap3A_864] {strides = array<i32>} : memref<3x128x64xf32, #tpu.memory_space<vmem>>, vector<16xf32>,
      tpu.vector_store %arg8[%swap3A_862, %swap3A_863, %swap3A_864], %mul3A_860 {strides = array<i32>} : memref<3x128x64xf32, #tpu.memory_space<vmem>>, vector<16xf32>,
      %get3A_866 = arith.constant 0 : i32
      %get3A_867 = arith.index_cast %get3A_866 : i32 to index
      %get3A_868 = arith.index_cast %scan3A_838 : i32 to index
      %get3A_869 = arith.constant 16 : index
      %get3A_870 = tpu.vector_load %arg7[%get3A_867, %get3A_868, %get3A_869] {strides = array<i32>} : memref<3x128x128xf32, #tpu.memory_space<vmem>>, vector<16xf32>,
      %get3A_871 = arith.constant 0 : i32
      %get3A_872 = arith.index_cast %get3A_871 : i32 to index
      %get3A_873 = arith.index_cast %scan3A_838 : i32 to index
      %get3A_874 = arith.constant 80 : index
      %get3A_875 = tpu.vector_load %arg7[%get3A_872, %get3A_873, %get3A_874] {strides = array<i32>} : memref<3x128x128xf32, #tpu.memory_space<vmem>>, vector<16xf32>,
      %select_n3A_876 = arith.select %eq3A_846, %get3A_875, %get3A_870 : vector<16xi1>, vector<16xf32>
      %mul3A_877 = arith.constant 8.000000e+00 : f32
      %mul3A_878 = vector.broadcast %mul3A_877 : f32 to vector<16xf32>
      %mul3A_879 = arith.mulf %select_n3A_876, %mul3A_878 : vector<16xf32>
      %swap3A_880 = arith.constant 0 : i32
      %swap3A_881 = arith.index_cast %swap3A_880 : i32 to index
      %swap3A_882 = arith.index_cast %scan3A_838 : i32 to index
      %swap3A_883 = arith.constant 16 : index
      %swap3A_884 = tpu.vector_load %arg8[%swap3A_881, %swap3A_882, %swap3A_883] {strides = array<i32>} : memref<3x128x64xf32, #tpu.memory_space<vmem>>, vector<16xf32>,
      tpu.vector_store %arg8[%swap3A_881, %swap3A_882, %swap3A_883], %mul3A_879 {strides = array<i32>} : memref<3x128x64xf32, #tpu.memory_space<vmem>>, vector<16xf32>,
      %get3A_885 = arith.constant 0 : i32
      %get3A_886 = arith.index_cast %get3A_885 : i32 to index
      %get3A_887 = arith.index_cast %scan3A_838 : i32 to index
      %get3A_888 = arith.constant 32 : index
      %get3A_889 = tpu.vector_load %arg7[%get3A_886, %get3A_887, %get3A_888] {strides = array<i32>} : memref<3x128x128xf32, #tpu.memory_space<vmem>>, vector<16xf32>,
      %get3A_890 = arith.constant 0 : i32
      %get3A_891 = arith.index_cast %get3A_890 : i32 to index
      %get3A_892 = arith.index_cast %scan3A_838 : i32 to index
      %get3A_893 = arith.constant 96 : index
      %get3A_894 = tpu.vector_load %arg7[%get3A_891, %get3A_892, %get3A_893] {strides = array<i32>} : memref<3x128x128xf32, #tpu.memory_space<vmem>>, vector<16xf32>,
      %select_n3A_895 = arith.select %eq3A_846, %get3A_894, %get3A_889 : vector<16xi1>, vector<16xf32>
      %mul3A_896 = arith.constant 8.000000e+00 : f32
      %mul3A_897 = vector.broadcast %mul3A_896 : f32 to vector<16xf32>
      %mul3A_898 = arith.mulf %select_n3A_895, %mul3A_897 : vector<16xf32>
      %swap3A_899 = arith.constant 0 : i32
      %swap3A_900 = arith.index_cast %swap3A_899 : i32 to index
      %swap3A_901 = arith.index_cast %scan3A_838 : i32 to index
      %swap3A_902 = arith.constant 32 : index
      %swap3A_903 = tpu.vector_load %arg8[%swap3A_900, %swap3A_901, %swap3A_902] {strides = array<i32>} : memref<3x128x64xf32, #tpu.memory_space<vmem>>, vector<16xf32>,
      tpu.vector_store %arg8[%swap3A_900, %swap3A_901, %swap3A_902], %mul3A_898 {strides = array<i32>} : memref<3x128x64xf32, #tpu.memory_space<vmem>>, vector<16xf32>,
      %get3A_904 = arith.constant 0 : i32
      %get3A_905 = arith.index_cast %get3A_904 : i32 to index
      %get3A_906 = arith.index_cast %scan3A_838 : i32 to index
      %get3A_907 = arith.constant 48 : index
      %get3A_908 = tpu.vector_load %arg7[%get3A_905, %get3A_906, %get3A_907] {strides = array<i32>} : memref<3x128x128xf32, #tpu.memory_space<vmem>>, vector<16xf32>,
      %get3A_909 = arith.constant 0 : i32
      %get3A_910 = arith.index_cast %get3A_909 : i32 to index
      %get3A_911 = arith.index_cast %scan3A_838 : i32 to index
      %get3A_912 = arith.constant 112 : index
      %get3A_913 = tpu.vector_load %arg7[%get3A_910, %get3A_911, %get3A_912] {strides = array<i32>} : memref<3x128x128xf32, #tpu.memory_space<vmem>>, vector<16xf32>,
      %select_n3A_914 = arith.select %eq3A_846, %get3A_913, %get3A_908 : vector<16xi1>, vector<16xf32>
      %mul3A_915 = arith.constant 8.000000e+00 : f32
      %mul3A_916 = vector.broadcast %mul3A_915 : f32 to vector<16xf32>
      %mul3A_917 = arith.mulf %select_n3A_914, %mul3A_916 : vector<16xf32>
      %swap3A_918 = arith.constant 0 : i32
      %swap3A_919 = arith.index_cast %swap3A_918 : i32 to index
      %swap3A_920 = arith.index_cast %scan3A_838 : i32 to index
      %swap3A_921 = arith.constant 48 : index
      %swap3A_922 = tpu.vector_load %arg8[%swap3A_919, %swap3A_920, %swap3A_921] {strides = array<i32>} : memref<3x128x64xf32, #tpu.memory_space<vmem>>, vector<16xf32>,
      tpu.vector_store %arg8[%swap3A_919, %swap3A_920, %swap3A_921], %mul3A_917 {strides = array<i32>} : memref<3x128x64xf32, #tpu.memory_space<vmem>>, vector<16xf32>,
      %scan3A_923 = arith.constant 0 : i32
      %scan3A_924 = arith.constant 5 : i32
      %scan3A_925 = arith.addi %scan3A_493, %scan3A_924 : i32
      %broadcast_in_dim3A_926 = vector.broadcast %scan3A_925 : i32 to vector<16xi32>
      %gather3A_927 = tpu.vector_load_idx %arg5[%broadcast_in_dim3A_347, %broadcast_in_dim3A_926] : memref<200x128xi32, #tpu.memory_space<vmem>>[vector<16xi32>, vector<16xi32>], vector<16xi32>,
      %and3A_928 = arith.constant 1 : i32
      %and3A_929 = vector.broadcast %and3A_928 : i32 to vector<16xi32>
      %and3A_930 = arith.andi %gather3A_927, %and3A_929 : vector<16xi32>
      %eq3A_931 = arith.constant 1 : i32
      %eq3A_932 = vector.broadcast %eq3A_931 : i32 to vector<16xi32>
      %eq3A_933 = arith.cmpi eq, %and3A_930, %eq3A_932 : vector<16xi32>
      %get3A_934 = arith.constant 0 : i32
      %get3A_935 = arith.index_cast %get3A_934 : i32 to index
      %get3A_936 = arith.index_cast %scan3A_925 : i32 to index
      %get3A_937 = arith.constant 0 : index
      %get3A_938 = tpu.vector_load %arg7[%get3A_935, %get3A_936, %get3A_937] {strides = array<i32>} : memref<3x128x128xf32, #tpu.memory_space<vmem>>, vector<16xf32>,
      %get3A_939 = arith.constant 0 : i32
      %get3A_940 = arith.index_cast %get3A_939 : i32 to index
      %get3A_941 = arith.index_cast %scan3A_925 : i32 to index
      %get3A_942 = arith.constant 64 : index
      %get3A_943 = tpu.vector_load %arg7[%get3A_940, %get3A_941, %get3A_942] {strides = array<i32>} : memref<3x128x128xf32, #tpu.memory_space<vmem>>, vector<16xf32>,
      %select_n3A_944 = arith.select %eq3A_933, %get3A_943, %get3A_938 : vector<16xi1>, vector<16xf32>
      %mul3A_945 = arith.constant 8.000000e+00 : f32
      %mul3A_946 = vector.broadcast %mul3A_945 : f32 to vector<16xf32>
      %mul3A_947 = arith.mulf %select_n3A_944, %mul3A_946 : vector<16xf32>
      %swap3A_948 = arith.constant 0 : i32
      %swap3A_949 = arith.index_cast %swap3A_948 : i32 to index
      %swap3A_950 = arith.index_cast %scan3A_925 : i32 to index
      %swap3A_951 = arith.constant 0 : index
      %swap3A_952 = tpu.vector_load %arg8[%swap3A_949, %swap3A_950, %swap3A_951] {strides = array<i32>} : memref<3x128x64xf32, #tpu.memory_space<vmem>>, vector<16xf32>,
      tpu.vector_store %arg8[%swap3A_949, %swap3A_950, %swap3A_951], %mul3A_947 {strides = array<i32>} : memref<3x128x64xf32, #tpu.memory_space<vmem>>, vector<16xf32>,
      %get3A_953 = arith.constant 0 : i32
      %get3A_954 = arith.index_cast %get3A_953 : i32 to index
      %get3A_955 = arith.index_cast %scan3A_925 : i32 to index
      %get3A_956 = arith.constant 16 : index
      %get3A_957 = tpu.vector_load %arg7[%get3A_954, %get3A_955, %get3A_956] {strides = array<i32>} : memref<3x128x128xf32, #tpu.memory_space<vmem>>, vector<16xf32>,
      %get3A_958 = arith.constant 0 : i32
      %get3A_959 = arith.index_cast %get3A_958 : i32 to index
      %get3A_960 = arith.index_cast %scan3A_925 : i32 to index
      %get3A_961 = arith.constant 80 : index
      %get3A_962 = tpu.vector_load %arg7[%get3A_959, %get3A_960, %get3A_961] {strides = array<i32>} : memref<3x128x128xf32, #tpu.memory_space<vmem>>, vector<16xf32>,
      %select_n3A_963 = arith.select %eq3A_933, %get3A_962, %get3A_957 : vector<16xi1>, vector<16xf32>
      %mul3A_964 = arith.constant 8.000000e+00 : f32
      %mul3A_965 = vector.broadcast %mul3A_964 : f32 to vector<16xf32>
      %mul3A_966 = arith.mulf %select_n3A_963, %mul3A_965 : vector<16xf32>
      %swap3A_967 = arith.constant 0 : i32
      %swap3A_968 = arith.index_cast %swap3A_967 : i32 to index
      %swap3A_969 = arith.index_cast %scan3A_925 : i32 to index
      %swap3A_970 = arith.constant 16 : index
      %swap3A_971 = tpu.vector_load %arg8[%swap3A_968, %swap3A_969, %swap3A_970] {strides = array<i32>} : memref<3x128x64xf32, #tpu.memory_space<vmem>>, vector<16xf32>,
      tpu.vector_store %arg8[%swap3A_968, %swap3A_969, %swap3A_970], %mul3A_966 {strides = array<i32>} : memref<3x128x64xf32, #tpu.memory_space<vmem>>, vector<16xf32>,
      %get3A_972 = arith.constant 0 : i32
      %get3A_973 = arith.index_cast %get3A_972 : i32 to index
      %get3A_974 = arith.index_cast %scan3A_925 : i32 to index
      %get3A_975 = arith.constant 32 : index
      %get3A_976 = tpu.vector_load %arg7[%get3A_973, %get3A_974, %get3A_975] {strides = array<i32>} : memref<3x128x128xf32, #tpu.memory_space<vmem>>, vector<16xf32>,
      %get3A_977 = arith.constant 0 : i32
      %get3A_978 = arith.index_cast %get3A_977 : i32 to index
      %get3A_979 = arith.index_cast %scan3A_925 : i32 to index
      %get3A_980 = arith.constant 96 : index
      %get3A_981 = tpu.vector_load %arg7[%get3A_978, %get3A_979, %get3A_980] {strides = array<i32>} : memref<3x128x128xf32, #tpu.memory_space<vmem>>, vector<16xf32>,
      %select_n3A_982 = arith.select %eq3A_933, %get3A_981, %get3A_976 : vector<16xi1>, vector<16xf32>
      %mul3A_983 = arith.constant 8.000000e+00 : f32
      %mul3A_984 = vector.broadcast %mul3A_983 : f32 to vector<16xf32>
      %mul3A_985 = arith.mulf %select_n3A_982, %mul3A_984 : vector<16xf32>
      %swap3A_986 = arith.constant 0 : i32
      %swap3A_987 = arith.index_cast %swap3A_986 : i32 to index
      %swap3A_988 = arith.index_cast %scan3A_925 : i32 to index
      %swap3A_989 = arith.constant 32 : index
      %swap3A_990 = tpu.vector_load %arg8[%swap3A_987, %swap3A_988, %swap3A_989] {strides = array<i32>} : memref<3x128x64xf32, #tpu.memory_space<vmem>>, vector<16xf32>,
      tpu.vector_store %arg8[%swap3A_987, %swap3A_988, %swap3A_989], %mul3A_985 {strides = array<i32>} : memref<3x128x64xf32, #tpu.memory_space<vmem>>, vector<16xf32>,
      %get3A_991 = arith.constant 0 : i32
      %get3A_992 = arith.index_cast %get3A_991 : i32 to index
      %get3A_993 = arith.index_cast %scan3A_925 : i32 to index
      %get3A_994 = arith.constant 48 : index
      %get3A_995 = tpu.vector_load %arg7[%get3A_992, %get3A_993, %get3A_994] {strides = array<i32>} : memref<3x128x128xf32, #tpu.memory_space<vmem>>, vector<16xf32>,
      %get3A_996 = arith.constant 0 : i32
      %get3A_997 = arith.index_cast %get3A_996 : i32 to index
      %get3A_998 = arith.index_cast %scan3A_925 : i32 to index
      %get3A_999 = arith.constant 112 : index
      %get3A_1000 = tpu.vector_load %arg7[%get3A_997, %get3A_998, %get3A_999] {strides = array<i32>} : memref<3x128x128xf32, #tpu.memory_space<vmem>>, vector<16xf32>,
      %select_n3A_1001 = arith.select %eq3A_933, %get3A_1000, %get3A_995 : vector<16xi1>, vector<16xf32>
      %mul3A_1002 = arith.constant 8.000000e+00 : f32
      %mul3A_1003 = vector.broadcast %mul3A_1002 : f32 to vector<16xf32>
      %mul3A_1004 = arith.mulf %select_n3A_1001, %mul3A_1003 : vector<16xf32>
      %swap3A_1005 = arith.constant 0 : i32
      %swap3A_1006 = arith.index_cast %swap3A_1005 : i32 to index
      %swap3A_1007 = arith.index_cast %scan3A_925 : i32 to index
      %swap3A_1008 = arith.constant 48 : index
      %swap3A_1009 = tpu.vector_load %arg8[%swap3A_1006, %swap3A_1007, %swap3A_1008] {strides = array<i32>} : memref<3x128x64xf32, #tpu.memory_space<vmem>>, vector<16xf32>,
      tpu.vector_store %arg8[%swap3A_1006, %swap3A_1007, %swap3A_1008], %mul3A_1004 {strides = array<i32>} : memref<3x128x64xf32, #tpu.memory_space<vmem>>, vector<16xf32>,
      %scan3A_1010 = arith.constant 0 : i32
      %scan3A_1011 = arith.constant 6 : i32
      %scan3A_1012 = arith.addi %scan3A_493, %scan3A_1011 : i32
      %broadcast_in_dim3A_1013 = vector.broadcast %scan3A_1012 : i32 to vector<16xi32>
      %gather3A_1014 = tpu.vector_load_idx %arg5[%broadcast_in_dim3A_347, %broadcast_in_dim3A_1013] : memref<200x128xi32, #tpu.memory_space<vmem>>[vector<16xi32>, vector<16xi32>], vector<16xi32>,
      %and3A_1015 = arith.constant 1 : i32
      %and3A_1016 = vector.broadcast %and3A_1015 : i32 to vector<16xi32>
      %and3A_1017 = arith.andi %gather3A_1014, %and3A_1016 : vector<16xi32>
      %eq3A_1018 = arith.constant 1 : i32
      %eq3A_1019 = vector.broadcast %eq3A_1018 : i32 to vector<16xi32>
      %eq3A_1020 = arith.cmpi eq, %and3A_1017, %eq3A_1019 : vector<16xi32>
      %get3A_1021 = arith.constant 0 : i32
      %get3A_1022 = arith.index_cast %get3A_1021 : i32 to index
      %get3A_1023 = arith.index_cast %scan3A_1012 : i32 to index
      %get3A_1024 = arith.constant 0 : index
      %get3A_1025 = tpu.vector_load %arg7[%get3A_1022, %get3A_1023, %get3A_1024] {strides = array<i32>} : memref<3x128x128xf32, #tpu.memory_space<vmem>>, vector<16xf32>,
      %get3A_1026 = arith.constant 0 : i32
      %get3A_1027 = arith.index_cast %get3A_1026 : i32 to index
      %get3A_1028 = arith.index_cast %scan3A_1012 : i32 to index
      %get3A_1029 = arith.constant 64 : index
      %get3A_1030 = tpu.vector_load %arg7[%get3A_1027, %get3A_1028, %get3A_1029] {strides = array<i32>} : memref<3x128x128xf32, #tpu.memory_space<vmem>>, vector<16xf32>,
      %select_n3A_1031 = arith.select %eq3A_1020, %get3A_1030, %get3A_1025 : vector<16xi1>, vector<16xf32>
      %mul3A_1032 = arith.constant 8.000000e+00 : f32
      %mul3A_1033 = vector.broadcast %mul3A_1032 : f32 to vector<16xf32>
      %mul3A_1034 = arith.mulf %select_n3A_1031, %mul3A_1033 : vector<16xf32>
      %swap3A_1035 = arith.constant 0 : i32
      %swap3A_1036 = arith.index_cast %swap3A_1035 : i32 to index
      %swap3A_1037 = arith.index_cast %scan3A_1012 : i32 to index
      %swap3A_1038 = arith.constant 0 : index
      %swap3A_1039 = tpu.vector_load %arg8[%swap3A_1036, %swap3A_1037, %swap3A_1038] {strides = array<i32>} : memref<3x128x64xf32, #tpu.memory_space<vmem>>, vector<16xf32>,
      tpu.vector_store %arg8[%swap3A_1036, %swap3A_1037, %swap3A_1038], %mul3A_1034 {strides = array<i32>} : memref<3x128x64xf32, #tpu.memory_space<vmem>>, vector<16xf32>,
      %get3A_1040 = arith.constant 0 : i32
      %get3A_1041 = arith.index_cast %get3A_1040 : i32 to index
      %get3A_1042 = arith.index_cast %scan3A_1012 : i32 to index
      %get3A_1043 = arith.constant 16 : index
      %get3A_1044 = tpu.vector_load %arg7[%get3A_1041, %get3A_1042, %get3A_1043] {strides = array<i32>} : memref<3x128x128xf32, #tpu.memory_space<vmem>>, vector<16xf32>,
      %get3A_1045 = arith.constant 0 : i32
      %get3A_1046 = arith.index_cast %get3A_1045 : i32 to index
      %get3A_1047 = arith.index_cast %scan3A_1012 : i32 to index
      %get3A_1048 = arith.constant 80 : index
      %get3A_1049 = tpu.vector_load %arg7[%get3A_1046, %get3A_1047, %get3A_1048] {strides = array<i32>} : memref<3x128x128xf32, #tpu.memory_space<vmem>>, vector<16xf32>,
      %select_n3A_1050 = arith.select %eq3A_1020, %get3A_1049, %get3A_1044 : vector<16xi1>, vector<16xf32>
      %mul3A_1051 = arith.constant 8.000000e+00 : f32
      %mul3A_1052 = vector.broadcast %mul3A_1051 : f32 to vector<16xf32>
      %mul3A_1053 = arith.mulf %select_n3A_1050, %mul3A_1052 : vector<16xf32>
      %swap3A_1054 = arith.constant 0 : i32
      %swap3A_1055 = arith.index_cast %swap3A_1054 : i32 to index
      %swap3A_1056 = arith.index_cast %scan3A_1012 : i32 to index
      %swap3A_1057 = arith.constant 16 : index
      %swap3A_1058 = tpu.vector_load %arg8[%swap3A_1055, %swap3A_1056, %swap3A_1057] {strides = array<i32>} : memref<3x128x64xf32, #tpu.memory_space<vmem>>, vector<16xf32>,
      tpu.vector_store %arg8[%swap3A_1055, %swap3A_1056, %swap3A_1057], %mul3A_1053 {strides = array<i32>} : memref<3x128x64xf32, #tpu.memory_space<vmem>>, vector<16xf32>,
      %get3A_1059 = arith.constant 0 : i32
      %get3A_1060 = arith.index_cast %get3A_1059 : i32 to index
      %get3A_1061 = arith.index_cast %scan3A_1012 : i32 to index
      %get3A_1062 = arith.constant 32 : index
      %get3A_1063 = tpu.vector_load %arg7[%get3A_1060, %get3A_1061, %get3A_1062] {strides = array<i32>} : memref<3x128x128xf32, #tpu.memory_space<vmem>>, vector<16xf32>,
      %get3A_1064 = arith.constant 0 : i32
      %get3A_1065 = arith.index_cast %get3A_1064 : i32 to index
      %get3A_1066 = arith.index_cast %scan3A_1012 : i32 to index
      %get3A_1067 = arith.constant 96 : index
      %get3A_1068 = tpu.vector_load %arg7[%get3A_1065, %get3A_1066, %get3A_1067] {strides = array<i32>} : memref<3x128x128xf32, #tpu.memory_space<vmem>>, vector<16xf32>,
      %select_n3A_1069 = arith.select %eq3A_1020, %get3A_1068, %get3A_1063 : vector<16xi1>, vector<16xf32>
      %mul3A_1070 = arith.constant 8.000000e+00 : f32
      %mul3A_1071 = vector.broadcast %mul3A_1070 : f32 to vector<16xf32>
      %mul3A_1072 = arith.mulf %select_n3A_1069, %mul3A_1071 : vector<16xf32>
      %swap3A_1073 = arith.constant 0 : i32
      %swap3A_1074 = arith.index_cast %swap3A_1073 : i32 to index
      %swap3A_1075 = arith.index_cast %scan3A_1012 : i32 to index
      %swap3A_1076 = arith.constant 32 : index
      %swap3A_1077 = tpu.vector_load %arg8[%swap3A_1074, %swap3A_1075, %swap3A_1076] {strides = array<i32>} : memref<3x128x64xf32, #tpu.memory_space<vmem>>, vector<16xf32>,
      tpu.vector_store %arg8[%swap3A_1074, %swap3A_1075, %swap3A_1076], %mul3A_1072 {strides = array<i32>} : memref<3x128x64xf32, #tpu.memory_space<vmem>>, vector<16xf32>,
      %get3A_1078 = arith.constant 0 : i32
      %get3A_1079 = arith.index_cast %get3A_1078 : i32 to index
      %get3A_1080 = arith.index_cast %scan3A_1012 : i32 to index
      %get3A_1081 = arith.constant 48 : index
      %get3A_1082 = tpu.vector_load %arg7[%get3A_1079, %get3A_1080, %get3A_1081] {strides = array<i32>} : memref<3x128x128xf32, #tpu.memory_space<vmem>>, vector<16xf32>,
      %get3A_1083 = arith.constant 0 : i32
      %get3A_1084 = arith.index_cast %get3A_1083 : i32 to index
      %get3A_1085 = arith.index_cast %scan3A_1012 : i32 to index
      %get3A_1086 = arith.constant 112 : index
      %get3A_1087 = tpu.vector_load %arg7[%get3A_1084, %get3A_1085, %get3A_1086] {strides = array<i32>} : memref<3x128x128xf32, #tpu.memory_space<vmem>>, vector<16xf32>,
      %select_n3A_1088 = arith.select %eq3A_1020, %get3A_1087, %get3A_1082 : vector<16xi1>, vector<16xf32>
      %mul3A_1089 = arith.constant 8.000000e+00 : f32
      %mul3A_1090 = vector.broadcast %mul3A_1089 : f32 to vector<16xf32>
      %mul3A_1091 = arith.mulf %select_n3A_1088, %mul3A_1090 : vector<16xf32>
      %swap3A_1092 = arith.constant 0 : i32
      %swap3A_1093 = arith.index_cast %swap3A_1092 : i32 to index
      %swap3A_1094 = arith.index_cast %scan3A_1012 : i32 to index
      %swap3A_1095 = arith.constant 48 : index
      %swap3A_1096 = tpu.vector_load %arg8[%swap3A_1093, %swap3A_1094, %swap3A_1095] {strides = array<i32>} : memref<3x128x64xf32, #tpu.memory_space<vmem>>, vector<16xf32>,
      tpu.vector_store %arg8[%swap3A_1093, %swap3A_1094, %swap3A_1095], %mul3A_1091 {strides = array<i32>} : memref<3x128x64xf32, #tpu.memory_space<vmem>>, vector<16xf32>,
      %scan3A_1097 = arith.constant 0 : i32
      %scan3A_1098 = arith.constant 7 : i32
      %scan3A_1099 = arith.addi %scan3A_493, %scan3A_1098 : i32
      %broadcast_in_dim3A_1100 = vector.broadcast %scan3A_1099 : i32 to vector<16xi32>
      %gather3A_1101 = tpu.vector_load_idx %arg5[%broadcast_in_dim3A_347, %broadcast_in_dim3A_1100] : memref<200x128xi32, #tpu.memory_space<vmem>>[vector<16xi32>, vector<16xi32>], vector<16xi32>,
      %and3A_1102 = arith.constant 1 : i32
      %and3A_1103 = vector.broadcast %and3A_1102 : i32 to vector<16xi32>
      %and3A_1104 = arith.andi %gather3A_1101, %and3A_1103 : vector<16xi32>
      %eq3A_1105 = arith.constant 1 : i32
      %eq3A_1106 = vector.broadcast %eq3A_1105 : i32 to vector<16xi32>
      %eq3A_1107 = arith.cmpi eq, %and3A_1104, %eq3A_1106 : vector<16xi32>
      %get3A_1108 = arith.constant 0 : i32
      %get3A_1109 = arith.index_cast %get3A_1108 : i32 to index
      %get3A_1110 = arith.index_cast %scan3A_1099 : i32 to index
      %get3A_1111 = arith.constant 0 : index
      %get3A_1112 = tpu.vector_load %arg7[%get3A_1109, %get3A_1110, %get3A_1111] {strides = array<i32>} : memref<3x128x128xf32, #tpu.memory_space<vmem>>, vector<16xf32>,
      %get3A_1113 = arith.constant 0 : i32
      %get3A_1114 = arith.index_cast %get3A_1113 : i32 to index
      %get3A_1115 = arith.index_cast %scan3A_1099 : i32 to index
      %get3A_1116 = arith.constant 64 : index
      %get3A_1117 = tpu.vector_load %arg7[%get3A_1114, %get3A_1115, %get3A_1116] {strides = array<i32>} : memref<3x128x128xf32, #tpu.memory_space<vmem>>, vector<16xf32>,
      %select_n3A_1118 = arith.select %eq3A_1107, %get3A_1117, %get3A_1112 : vector<16xi1>, vector<16xf32>
      %mul3A_1119 = arith.constant 8.000000e+00 : f32
      %mul3A_1120 = vector.broadcast %mul3A_1119 : f32 to vector<16xf32>
      %mul3A_1121 = arith.mulf %select_n3A_1118, %mul3A_1120 : vector<16xf32>
      %swap3A_1122 = arith.constant 0 : i32
      %swap3A_1123 = arith.index_cast %swap3A_1122 : i32 to index
      %swap3A_1124 = arith.index_cast %scan3A_1099 : i32 to index
      %swap3A_1125 = arith.constant 0 : index
      %swap3A_1126 = tpu.vector_load %arg8[%swap3A_1123, %swap3A_1124, %swap3A_1125] {strides = array<i32>} : memref<3x128x64xf32, #tpu.memory_space<vmem>>, vector<16xf32>,
      tpu.vector_store %arg8[%swap3A_1123, %swap3A_1124, %swap3A_1125], %mul3A_1121 {strides = array<i32>} : memref<3x128x64xf32, #tpu.memory_space<vmem>>, vector<16xf32>,
      %get3A_1127 = arith.constant 0 : i32
      %get3A_1128 = arith.index_cast %get3A_1127 : i32 to index
      %get3A_1129 = arith.index_cast %scan3A_1099 : i32 to index
      %get3A_1130 = arith.constant 16 : index
      %get3A_1131 = tpu.vector_load %arg7[%get3A_1128, %get3A_1129, %get3A_1130] {strides = array<i32>} : memref<3x128x128xf32, #tpu.memory_space<vmem>>, vector<16xf32>,
      %get3A_1132 = arith.constant 0 : i32
      %get3A_1133 = arith.index_cast %get3A_1132 : i32 to index
      %get3A_1134 = arith.index_cast %scan3A_1099 : i32 to index
      %get3A_1135 = arith.constant 80 : index
      %get3A_1136 = tpu.vector_load %arg7[%get3A_1133, %get3A_1134, %get3A_1135] {strides = array<i32>} : memref<3x128x128xf32, #tpu.memory_space<vmem>>, vector<16xf32>,
      %select_n3A_1137 = arith.select %eq3A_1107, %get3A_1136, %get3A_1131 : vector<16xi1>, vector<16xf32>
      %mul3A_1138 = arith.constant 8.000000e+00 : f32
      %mul3A_1139 = vector.broadcast %mul3A_1138 : f32 to vector<16xf32>
      %mul3A_1140 = arith.mulf %select_n3A_1137, %mul3A_1139 : vector<16xf32>
      %swap3A_1141 = arith.constant 0 : i32
      %swap3A_1142 = arith.index_cast %swap3A_1141 : i32 to index
      %swap3A_1143 = arith.index_cast %scan3A_1099 : i32 to index
      %swap3A_1144 = arith.constant 16 : index
      %swap3A_1145 = tpu.vector_load %arg8[%swap3A_1142, %swap3A_1143, %swap3A_1144] {strides = array<i32>} : memref<3x128x64xf32, #tpu.memory_space<vmem>>, vector<16xf32>,
      tpu.vector_store %arg8[%swap3A_1142, %swap3A_1143, %swap3A_1144], %mul3A_1140 {strides = array<i32>} : memref<3x128x64xf32, #tpu.memory_space<vmem>>, vector<16xf32>,
      %get3A_1146 = arith.constant 0 : i32
      %get3A_1147 = arith.index_cast %get3A_1146 : i32 to index
      %get3A_1148 = arith.index_cast %scan3A_1099 : i32 to index
      %get3A_1149 = arith.constant 32 : index
      %get3A_1150 = tpu.vector_load %arg7[%get3A_1147, %get3A_1148, %get3A_1149] {strides = array<i32>} : memref<3x128x128xf32, #tpu.memory_space<vmem>>, vector<16xf32>,
      %get3A_1151 = arith.constant 0 : i32
      %get3A_1152 = arith.index_cast %get3A_1151 : i32 to index
      %get3A_1153 = arith.index_cast %scan3A_1099 : i32 to index
      %get3A_1154 = arith.constant 96 : index
      %get3A_1155 = tpu.vector_load %arg7[%get3A_1152, %get3A_1153, %get3A_1154] {strides = array<i32>} : memref<3x128x128xf32, #tpu.memory_space<vmem>>, vector<16xf32>,
      %select_n3A_1156 = arith.select %eq3A_1107, %get3A_1155, %get3A_1150 : vector<16xi1>, vector<16xf32>
      %mul3A_1157 = arith.constant 8.000000e+00 : f32
      %mul3A_1158 = vector.broadcast %mul3A_1157 : f32 to vector<16xf32>
      %mul3A_1159 = arith.mulf %select_n3A_1156, %mul3A_1158 : vector<16xf32>
      %swap3A_1160 = arith.constant 0 : i32
      %swap3A_1161 = arith.index_cast %swap3A_1160 : i32 to index
      %swap3A_1162 = arith.index_cast %scan3A_1099 : i32 to index
      %swap3A_1163 = arith.constant 32 : index
      %swap3A_1164 = tpu.vector_load %arg8[%swap3A_1161, %swap3A_1162, %swap3A_1163] {strides = array<i32>} : memref<3x128x64xf32, #tpu.memory_space<vmem>>, vector<16xf32>,
      tpu.vector_store %arg8[%swap3A_1161, %swap3A_1162, %swap3A_1163], %mul3A_1159 {strides = array<i32>} : memref<3x128x64xf32, #tpu.memory_space<vmem>>, vector<16xf32>,
      %get3A_1165 = arith.constant 0 : i32
      %get3A_1166 = arith.index_cast %get3A_1165 : i32 to index
      %get3A_1167 = arith.index_cast %scan3A_1099 : i32 to index
      %get3A_1168 = arith.constant 48 : index
      %get3A_1169 = tpu.vector_load %arg7[%get3A_1166, %get3A_1167, %get3A_1168] {strides = array<i32>} : memref<3x128x128xf32, #tpu.memory_space<vmem>>, vector<16xf32>,
      %get3A_1170 = arith.constant 0 : i32
      %get3A_1171 = arith.index_cast %get3A_1170 : i32 to index
      %get3A_1172 = arith.index_cast %scan3A_1099 : i32 to index
      %get3A_1173 = arith.constant 112 : index
      %get3A_1174 = tpu.vector_load %arg7[%get3A_1171, %get3A_1172, %get3A_1173] {strides = array<i32>} : memref<3x128x128xf32, #tpu.memory_space<vmem>>, vector<16xf32>,
      %select_n3A_1175 = arith.select %eq3A_1107, %get3A_1174, %get3A_1169 : vector<16xi1>, vector<16xf32>
      %mul3A_1176 = arith.constant 8.000000e+00 : f32
      %mul3A_1177 = vector.broadcast %mul3A_1176 : f32 to vector<16xf32>
      %mul3A_1178 = arith.mulf %select_n3A_1175, %mul3A_1177 : vector<16xf32>
      %swap3A_1179 = arith.constant 0 : i32
      %swap3A_1180 = arith.index_cast %swap3A_1179 : i32 to index
      %swap3A_1181 = arith.index_cast %scan3A_1099 : i32 to index
      %swap3A_1182 = arith.constant 48 : index
      %swap3A_1183 = tpu.vector_load %arg8[%swap3A_1180, %swap3A_1181, %swap3A_1182] {strides = array<i32>} : memref<3x128x64xf32, #tpu.memory_space<vmem>>, vector<16xf32>,
      tpu.vector_store %arg8[%swap3A_1180, %swap3A_1181, %swap3A_1182], %mul3A_1178 {strides = array<i32>} : memref<3x128x64xf32, #tpu.memory_space<vmem>>, vector<16xf32>,
      %scan3A_1184 = arith.constant 0 : i32
      scf.yield %scan3A_1184 : i32
    }
    %scan3A_354 = arith.constant 128 : i32
    %dma_start3A_355 = arith.constant 0 : i32
    %dma_start3A_356 = arith.constant 198 : i32
    %dma_start3A_357 = arith.constant 0 : i32
    %dma_start3A_358 = arith.constant 0 : i32
    %dma_start3A_359 = arith.constant 0 : i32
    %dma_start3A_360 = tpu.memref_slice %arg8[%dma_start3A_355, %dma_start3A_358, %dma_start3A_359] : memref<3x128x64xf32, #tpu.memory_space<vmem>> -> memref<1x128x64xf32, #tpu.memory_space<vmem>>
    %dma_start3A_361 = tpu.memref_squeeze %dma_start3A_360 : memref<1x128x64xf32, #tpu.memory_space<vmem>> -> memref<128x64xf32, #tpu.memory_space<vmem>>
    %dma_start3A_362 = arith.constant 0 : i32
    %dma_start3A_363 = tpu.memref_slice %arg4[%mul3A_2, %dma_start3A_356, %dma_start3A_362] : memref<4096x200x64xf32, #tpu.memory_space<hbm>> -> memref<128x1x64xf32, #tpu.memory_space<hbm>>
    %dma_start3A_364 = tpu.memref_squeeze %dma_start3A_363 : memref<128x1x64xf32, #tpu.memory_space<hbm>> -> memref<128x64xf32, #tpu.memory_space<hbm>>
    %dma_start3A_365 = tpu.memref_slice %arg10[%dma_start3A_357] : memref<3x!tpu.dma_semaphore, #tpu.memory_space<semaphore_mem>> -> memref<1x!tpu.dma_semaphore, #tpu.memory_space<semaphore_mem>>
    %dma_start3A_366 = tpu.memref_squeeze %dma_start3A_365 : memref<1x!tpu.dma_semaphore, #tpu.memory_space<semaphore_mem>> -> memref<!tpu.dma_semaphore, #tpu.memory_space<semaphore_mem>>
    %dma_start3A_367 = arith.constant 0 : i32
    %dma_start3A_368 = tpu.memref_slice %arg4[%mul3A_2, %dma_start3A_356, %dma_start3A_367] : memref<4096x200x64xf32, #tpu.memory_space<hbm>> -> memref<128x1x64xf32, #tpu.memory_space<hbm>>
    %dma_start3A_369 = tpu.memref_squeeze %dma_start3A_368 : memref<128x1x64xf32, #tpu.memory_space<hbm>> -> memref<128x64xf32, #tpu.memory_space<hbm>>
    %dma_start3A_370 = arith.constant 0 : i32
    %dma_start3A_371 = arith.constant 0 : i32
    %dma_start3A_372 = tpu.memref_slice %arg8[%dma_start3A_355, %dma_start3A_370, %dma_start3A_371] : memref<3x128x64xf32, #tpu.memory_space<vmem>> -> memref<1x128x64xf32, #tpu.memory_space<vmem>>
    %dma_start3A_373 = tpu.memref_squeeze %dma_start3A_372 : memref<1x128x64xf32, #tpu.memory_space<vmem>> -> memref<128x64xf32, #tpu.memory_space<vmem>>
    tpu.enqueue_dma source(%dma_start3A_373 : memref<128x64xf32, #tpu.memory_space<vmem>>) target(%dma_start3A_369 : memref<128x64xf32, #tpu.memory_space<hbm>>) target_semaphore(%dma_start3A_366 : memref<!tpu.dma_semaphore, #tpu.memory_space<semaphore_mem>>)
    %dma_wait3A_374 = arith.constant 1 : i32
    %dma_wait3A_375 = arith.constant 1 : i32
    %dma_wait3A_376 = arith.constant 1 : i32
    %dma_wait3A_377 = arith.constant 0 : i32
    %dma_wait3A_378 = arith.constant 0 : i32
    %dma_wait3A_379 = tpu.memref_slice %arg7[%dma_wait3A_375, %dma_wait3A_377, %dma_wait3A_378] : memref<3x128x128xf32, #tpu.memory_space<vmem>> -> memref<1x128x128xf32, #tpu.memory_space<vmem>>
    %dma_wait3A_380 = tpu.memref_squeeze %dma_wait3A_379 : memref<1x128x128xf32, #tpu.memory_space<vmem>> -> memref<128x128xf32, #tpu.memory_space<vmem>>
    %dma_wait3A_381 = arith.constant 0 : i32
    %dma_wait3A_382 = tpu.memref_slice %arg6[%dma_wait3A_374, %dma_wait3A_381] : memref<3x128xi32, #tpu.memory_space<vmem>> -> memref<1x128xi32, #tpu.memory_space<vmem>>
    %dma_wait3A_383 = tpu.memref_squeeze %dma_wait3A_382 : memref<1x128xi32, #tpu.memory_space<vmem>> -> memref<128xi32, #tpu.memory_space<vmem>>
    %dma_wait3A_384 = arith.constant 0 : i32
    %dma_wait3A_385 = arith.constant 0 : i32
    %dma_wait3A_386 = tpu.memref_slice %arg3[%dma_wait3A_384, %dma_wait3A_385] : memref<500000x128xf32, #tpu.memory_space<hbm>> -> memref<500000x128xf32, #tpu.memory_space<hbm>>
    %dma_wait3A_387 = tpu.memref_slice %arg9[%dma_wait3A_376] : memref<3x!tpu.dma_semaphore, #tpu.memory_space<semaphore_mem>> -> memref<1x!tpu.dma_semaphore, #tpu.memory_space<semaphore_mem>>
    %dma_wait3A_388 = tpu.memref_squeeze %dma_wait3A_387 : memref<1x!tpu.dma_semaphore, #tpu.memory_space<semaphore_mem>> -> memref<!tpu.dma_semaphore, #tpu.memory_space<semaphore_mem>>
    tpu.wait_indirect_dma semaphore(%dma_wait3A_388 : memref<!tpu.dma_semaphore, #tpu.memory_space<semaphore_mem>>) src(%dma_wait3A_386 : memref<500000x128xf32, #tpu.memory_space<hbm>>) dst(%dma_wait3A_380 : memref<128x128xf32, #tpu.memory_space<vmem>>)
    %dma_wait3A_389 = arith.constant 1 : i32
    %dma_wait3A_390 = arith.constant 0 : i32
    %dma_wait3A_391 = arith.constant 1 : i32
    %dma_wait3A_392 = arith.constant 0 : i32
    %dma_wait3A_393 = arith.constant 0 : i32
    %dma_wait3A_394 = tpu.memref_slice %arg8[%dma_wait3A_389, %dma_wait3A_392, %dma_wait3A_393] : memref<3x128x64xf32, #tpu.memory_space<vmem>> -> memref<1x128x64xf32, #tpu.memory_space<vmem>>
    %dma_wait3A_395 = tpu.memref_squeeze %dma_wait3A_394 : memref<1x128x64xf32, #tpu.memory_space<vmem>> -> memref<128x64xf32, #tpu.memory_space<vmem>>
    %dma_wait3A_396 = arith.constant 0 : i32
    %dma_wait3A_397 = tpu.memref_slice %arg4[%mul3A_2, %dma_wait3A_390, %dma_wait3A_396] : memref<4096x200x64xf32, #tpu.memory_space<hbm>> -> memref<128x1x64xf32, #tpu.memory_space<hbm>>
    %dma_wait3A_398 = tpu.memref_squeeze %dma_wait3A_397 : memref<128x1x64xf32, #tpu.memory_space<hbm>> -> memref<128x64xf32, #tpu.memory_space<hbm>>
    %dma_wait3A_399 = tpu.memref_slice %arg10[%dma_wait3A_391] : memref<3x!tpu.dma_semaphore, #tpu.memory_space<semaphore_mem>> -> memref<1x!tpu.dma_semaphore, #tpu.memory_space<semaphore_mem>>
    %dma_wait3A_400 = tpu.memref_squeeze %dma_wait3A_399 : memref<1x!tpu.dma_semaphore, #tpu.memory_space<semaphore_mem>> -> memref<!tpu.dma_semaphore, #tpu.memory_space<semaphore_mem>>
    %dma_wait3A_401 = arith.constant 0 : i32
    %dma_wait3A_402 = tpu.memref_slice %arg4[%mul3A_2, %dma_wait3A_390, %dma_wait3A_401] : memref<4096x200x64xf32, #tpu.memory_space<hbm>> -> memref<128x1x64xf32, #tpu.memory_space<hbm>>
    %dma_wait3A_403 = tpu.memref_squeeze %dma_wait3A_402 : memref<128x1x64xf32, #tpu.memory_space<hbm>> -> memref<128x64xf32, #tpu.memory_space<hbm>>
    %dma_wait3A_404 = arith.constant 0 : i32
    %dma_wait3A_405 = arith.constant 0 : i32
    %dma_wait3A_406 = tpu.memref_slice %arg8[%dma_wait3A_389, %dma_wait3A_404, %dma_wait3A_405] : memref<3x128x64xf32, #tpu.memory_space<vmem>> -> memref<1x128x64xf32, #tpu.memory_space<vmem>>
    %dma_wait3A_407 = tpu.memref_squeeze %dma_wait3A_406 : memref<1x128x64xf32, #tpu.memory_space<vmem>> -> memref<128x64xf32, #tpu.memory_space<vmem>>
    tpu.wait_dma2 semaphore(%dma_wait3A_400 : memref<!tpu.dma_semaphore, #tpu.memory_space<semaphore_mem>>) src(%dma_wait3A_407 : memref<128x64xf32, #tpu.memory_space<vmem>>) dst(%dma_wait3A_403 : memref<128x64xf32, #tpu.memory_space<hbm>>)
    %broadcast_in_dim3A_408 = arith.constant 199 : i32
    %broadcast_in_dim3A_409 = vector.broadcast %broadcast_in_dim3A_408 : i32 to vector<16xi32>
    %scan3A_410 = arith.constant 0 : i32
    %scan3A_411 = arith.constant 0 : i32
    %scan3A_412 = arith.constant 128 : i32
    %scan3A_413 = arith.addi %scan3A_411, %scan3A_412 : i32
    %scan3A_414 = arith.constant 8 : i32
    %scan3A_415 = scf.for %scan3A_493 = %scan3A_411 to %scan3A_413 step %scan3A_414 iter_args(%scan3A_494 = %scan3A_410) -> (i32)  : i32 {
      %broadcast_in_dim3A_495 = vector.broadcast %scan3A_493 : i32 to vector<16xi32>
      %gather3A = tpu.vector_load_idx %arg5[%broadcast_in_dim3A_409, %broadcast_in_dim3A_495] : memref<200x128xi32, #tpu.memory_space<vmem>>[vector<16xi32>, vector<16xi32>], vector<16xi32>,
      %and3A = arith.constant 1 : i32
      %and3A_496 = vector.broadcast %and3A : i32 to vector<16xi32>
      %and3A_497 = arith.andi %gather3A, %and3A_496 : vector<16xi32>
      %eq3A = arith.constant 1 : i32
      %eq3A_498 = vector.broadcast %eq3A : i32 to vector<16xi32>
      %eq3A_499 = arith.cmpi eq, %and3A_497, %eq3A_498 : vector<16xi32>
      %get3A_500 = arith.constant 1 : i32
      %get3A_501 = arith.index_cast %get3A_500 : i32 to index
      %get3A_502 = arith.index_cast %scan3A_493 : i32 to index
      %get3A_503 = arith.constant 0 : index
      %get3A_504 = tpu.vector_load %arg7[%get3A_501, %get3A_502, %get3A_503] {strides = array<i32>} : memref<3x128x128xf32, #tpu.memory_space<vmem>>, vector<16xf32>,
      %get3A_505 = arith.constant 1 : i32
      %get3A_506 = arith.index_cast %get3A_505 : i32 to index
      %get3A_507 = arith.index_cast %scan3A_493 : i32 to index
      %get3A_508 = arith.constant 64 : index
      %get3A_509 = tpu.vector_load %arg7[%get3A_506, %get3A_507, %get3A_508] {strides = array<i32>} : memref<3x128x128xf32, #tpu.memory_space<vmem>>, vector<16xf32>,
      %select_n3A = arith.select %eq3A_499, %get3A_509, %get3A_504 : vector<16xi1>, vector<16xf32>
      %mul3A_510 = arith.constant 8.000000e+00 : f32
      %mul3A_511 = vector.broadcast %mul3A_510 : f32 to vector<16xf32>
      %mul3A_512 = arith.mulf %select_n3A, %mul3A_511 : vector<16xf32>
      %swap3A_513 = arith.constant 1 : i32
      %swap3A_514 = arith.index_cast %swap3A_513 : i32 to index
      %swap3A_515 = arith.index_cast %scan3A_493 : i32 to index
      %swap3A_516 = arith.constant 0 : index
      %swap3A_517 = tpu.vector_load %arg8[%swap3A_514, %swap3A_515, %swap3A_516] {strides = array<i32>} : memref<3x128x64xf32, #tpu.memory_space<vmem>>, vector<16xf32>,
      tpu.vector_store %arg8[%swap3A_514, %swap3A_515, %swap3A_516], %mul3A_512 {strides = array<i32>} : memref<3x128x64xf32, #tpu.memory_space<vmem>>, vector<16xf32>,
      %get3A_518 = arith.constant 1 : i32
      %get3A_519 = arith.index_cast %get3A_518 : i32 to index
      %get3A_520 = arith.index_cast %scan3A_493 : i32 to index
      %get3A_521 = arith.constant 16 : index
      %get3A_522 = tpu.vector_load %arg7[%get3A_519, %get3A_520, %get3A_521] {strides = array<i32>} : memref<3x128x128xf32, #tpu.memory_space<vmem>>, vector<16xf32>,
      %get3A_523 = arith.constant 1 : i32
      %get3A_524 = arith.index_cast %get3A_523 : i32 to index
      %get3A_525 = arith.index_cast %scan3A_493 : i32 to index
      %get3A_526 = arith.constant 80 : index
      %get3A_527 = tpu.vector_load %arg7[%get3A_524, %get3A_525, %get3A_526] {strides = array<i32>} : memref<3x128x128xf32, #tpu.memory_space<vmem>>, vector<16xf32>,
      %select_n3A_528 = arith.select %eq3A_499, %get3A_527, %get3A_522 : vector<16xi1>, vector<16xf32>
      %mul3A_529 = arith.constant 8.000000e+00 : f32
      %mul3A_530 = vector.broadcast %mul3A_529 : f32 to vector<16xf32>
      %mul3A_531 = arith.mulf %select_n3A_528, %mul3A_530 : vector<16xf32>
      %swap3A_532 = arith.constant 1 : i32
      %swap3A_533 = arith.index_cast %swap3A_532 : i32 to index
      %swap3A_534 = arith.index_cast %scan3A_493 : i32 to index
      %swap3A_535 = arith.constant 16 : index
      %swap3A_536 = tpu.vector_load %arg8[%swap3A_533, %swap3A_534, %swap3A_535] {strides = array<i32>} : memref<3x128x64xf32, #tpu.memory_space<vmem>>, vector<16xf32>,
      tpu.vector_store %arg8[%swap3A_533, %swap3A_534, %swap3A_535], %mul3A_531 {strides = array<i32>} : memref<3x128x64xf32, #tpu.memory_space<vmem>>, vector<16xf32>,
      %get3A_537 = arith.constant 1 : i32
      %get3A_538 = arith.index_cast %get3A_537 : i32 to index
      %get3A_539 = arith.index_cast %scan3A_493 : i32 to index
      %get3A_540 = arith.constant 32 : index
      %get3A_541 = tpu.vector_load %arg7[%get3A_538, %get3A_539, %get3A_540] {strides = array<i32>} : memref<3x128x128xf32, #tpu.memory_space<vmem>>, vector<16xf32>,
      %get3A_542 = arith.constant 1 : i32
      %get3A_543 = arith.index_cast %get3A_542 : i32 to index
      %get3A_544 = arith.index_cast %scan3A_493 : i32 to index
      %get3A_545 = arith.constant 96 : index
      %get3A_546 = tpu.vector_load %arg7[%get3A_543, %get3A_544, %get3A_545] {strides = array<i32>} : memref<3x128x128xf32, #tpu.memory_space<vmem>>, vector<16xf32>,
      %select_n3A_547 = arith.select %eq3A_499, %get3A_546, %get3A_541 : vector<16xi1>, vector<16xf32>
      %mul3A_548 = arith.constant 8.000000e+00 : f32
      %mul3A_549 = vector.broadcast %mul3A_548 : f32 to vector<16xf32>
      %mul3A_550 = arith.mulf %select_n3A_547, %mul3A_549 : vector<16xf32>
      %swap3A_551 = arith.constant 1 : i32
      %swap3A_552 = arith.index_cast %swap3A_551 : i32 to index
      %swap3A_553 = arith.index_cast %scan3A_493 : i32 to index
      %swap3A_554 = arith.constant 32 : index
      %swap3A_555 = tpu.vector_load %arg8[%swap3A_552, %swap3A_553, %swap3A_554] {strides = array<i32>} : memref<3x128x64xf32, #tpu.memory_space<vmem>>, vector<16xf32>,
      tpu.vector_store %arg8[%swap3A_552, %swap3A_553, %swap3A_554], %mul3A_550 {strides = array<i32>} : memref<3x128x64xf32, #tpu.memory_space<vmem>>, vector<16xf32>,
      %get3A_556 = arith.constant 1 : i32
      %get3A_557 = arith.index_cast %get3A_556 : i32 to index
      %get3A_558 = arith.index_cast %scan3A_493 : i32 to index
      %get3A_559 = arith.constant 48 : index
      %get3A_560 = tpu.vector_load %arg7[%get3A_557, %get3A_558, %get3A_559] {strides = array<i32>} : memref<3x128x128xf32, #tpu.memory_space<vmem>>, vector<16xf32>,
      %get3A_561 = arith.constant 1 : i32
      %get3A_562 = arith.index_cast %get3A_561 : i32 to index
      %get3A_563 = arith.index_cast %scan3A_493 : i32 to index
      %get3A_564 = arith.constant 112 : index
      %get3A_565 = tpu.vector_load %arg7[%get3A_562, %get3A_563, %get3A_564] {strides = array<i32>} : memref<3x128x128xf32, #tpu.memory_space<vmem>>, vector<16xf32>,
      %select_n3A_566 = arith.select %eq3A_499, %get3A_565, %get3A_560 : vector<16xi1>, vector<16xf32>
      %mul3A_567 = arith.constant 8.000000e+00 : f32
      %mul3A_568 = vector.broadcast %mul3A_567 : f32 to vector<16xf32>
      %mul3A_569 = arith.mulf %select_n3A_566, %mul3A_568 : vector<16xf32>
      %swap3A_570 = arith.constant 1 : i32
      %swap3A_571 = arith.index_cast %swap3A_570 : i32 to index
      %swap3A_572 = arith.index_cast %scan3A_493 : i32 to index
      %swap3A_573 = arith.constant 48 : index
      %swap3A_574 = tpu.vector_load %arg8[%swap3A_571, %swap3A_572, %swap3A_573] {strides = array<i32>} : memref<3x128x64xf32, #tpu.memory_space<vmem>>, vector<16xf32>,
      tpu.vector_store %arg8[%swap3A_571, %swap3A_572, %swap3A_573], %mul3A_569 {strides = array<i32>} : memref<3x128x64xf32, #tpu.memory_space<vmem>>, vector<16xf32>,
      %scan3A_575 = arith.constant 0 : i32
      %scan3A_576 = arith.constant 1 : i32
      %scan3A_577 = arith.addi %scan3A_493, %scan3A_576 : i32
      %broadcast_in_dim3A_578 = vector.broadcast %scan3A_577 : i32 to vector<16xi32>
      %gather3A_579 = tpu.vector_load_idx %arg5[%broadcast_in_dim3A_409, %broadcast_in_dim3A_578] : memref<200x128xi32, #tpu.memory_space<vmem>>[vector<16xi32>, vector<16xi32>], vector<16xi32>,
      %and3A_580 = arith.constant 1 : i32
      %and3A_581 = vector.broadcast %and3A_580 : i32 to vector<16xi32>
      %and3A_582 = arith.andi %gather3A_579, %and3A_581 : vector<16xi32>
      %eq3A_583 = arith.constant 1 : i32
      %eq3A_584 = vector.broadcast %eq3A_583 : i32 to vector<16xi32>
      %eq3A_585 = arith.cmpi eq, %and3A_582, %eq3A_584 : vector<16xi32>
      %get3A_586 = arith.constant 1 : i32
      %get3A_587 = arith.index_cast %get3A_586 : i32 to index
      %get3A_588 = arith.index_cast %scan3A_577 : i32 to index
      %get3A_589 = arith.constant 0 : index
      %get3A_590 = tpu.vector_load %arg7[%get3A_587, %get3A_588, %get3A_589] {strides = array<i32>} : memref<3x128x128xf32, #tpu.memory_space<vmem>>, vector<16xf32>,
      %get3A_591 = arith.constant 1 : i32
      %get3A_592 = arith.index_cast %get3A_591 : i32 to index
      %get3A_593 = arith.index_cast %scan3A_577 : i32 to index
      %get3A_594 = arith.constant 64 : index
      %get3A_595 = tpu.vector_load %arg7[%get3A_592, %get3A_593, %get3A_594] {strides = array<i32>} : memref<3x128x128xf32, #tpu.memory_space<vmem>>, vector<16xf32>,
      %select_n3A_596 = arith.select %eq3A_585, %get3A_595, %get3A_590 : vector<16xi1>, vector<16xf32>
      %mul3A_597 = arith.constant 8.000000e+00 : f32
      %mul3A_598 = vector.broadcast %mul3A_597 : f32 to vector<16xf32>
      %mul3A_599 = arith.mulf %select_n3A_596, %mul3A_598 : vector<16xf32>
      %swap3A_600 = arith.constant 1 : i32
      %swap3A_601 = arith.index_cast %swap3A_600 : i32 to index
      %swap3A_602 = arith.index_cast %scan3A_577 : i32 to index
      %swap3A_603 = arith.constant 0 : index
      %swap3A_604 = tpu.vector_load %arg8[%swap3A_601, %swap3A_602, %swap3A_603] {strides = array<i32>} : memref<3x128x64xf32, #tpu.memory_space<vmem>>, vector<16xf32>,
      tpu.vector_store %arg8[%swap3A_601, %swap3A_602, %swap3A_603], %mul3A_599 {strides = array<i32>} : memref<3x128x64xf32, #tpu.memory_space<vmem>>, vector<16xf32>,
      %get3A_605 = arith.constant 1 : i32
      %get3A_606 = arith.index_cast %get3A_605 : i32 to index
      %get3A_607 = arith.index_cast %scan3A_577 : i32 to index
      %get3A_608 = arith.constant 16 : index
      %get3A_609 = tpu.vector_load %arg7[%get3A_606, %get3A_607, %get3A_608] {strides = array<i32>} : memref<3x128x128xf32, #tpu.memory_space<vmem>>, vector<16xf32>,
      %get3A_610 = arith.constant 1 : i32
      %get3A_611 = arith.index_cast %get3A_610 : i32 to index
      %get3A_612 = arith.index_cast %scan3A_577 : i32 to index
      %get3A_613 = arith.constant 80 : index
      %get3A_614 = tpu.vector_load %arg7[%get3A_611, %get3A_612, %get3A_613] {strides = array<i32>} : memref<3x128x128xf32, #tpu.memory_space<vmem>>, vector<16xf32>,
      %select_n3A_615 = arith.select %eq3A_585, %get3A_614, %get3A_609 : vector<16xi1>, vector<16xf32>
      %mul3A_616 = arith.constant 8.000000e+00 : f32
      %mul3A_617 = vector.broadcast %mul3A_616 : f32 to vector<16xf32>
      %mul3A_618 = arith.mulf %select_n3A_615, %mul3A_617 : vector<16xf32>
      %swap3A_619 = arith.constant 1 : i32
      %swap3A_620 = arith.index_cast %swap3A_619 : i32 to index
      %swap3A_621 = arith.index_cast %scan3A_577 : i32 to index
      %swap3A_622 = arith.constant 16 : index
      %swap3A_623 = tpu.vector_load %arg8[%swap3A_620, %swap3A_621, %swap3A_622] {strides = array<i32>} : memref<3x128x64xf32, #tpu.memory_space<vmem>>, vector<16xf32>,
      tpu.vector_store %arg8[%swap3A_620, %swap3A_621, %swap3A_622], %mul3A_618 {strides = array<i32>} : memref<3x128x64xf32, #tpu.memory_space<vmem>>, vector<16xf32>,
      %get3A_624 = arith.constant 1 : i32
      %get3A_625 = arith.index_cast %get3A_624 : i32 to index
      %get3A_626 = arith.index_cast %scan3A_577 : i32 to index
      %get3A_627 = arith.constant 32 : index
      %get3A_628 = tpu.vector_load %arg7[%get3A_625, %get3A_626, %get3A_627] {strides = array<i32>} : memref<3x128x128xf32, #tpu.memory_space<vmem>>, vector<16xf32>,
      %get3A_629 = arith.constant 1 : i32
      %get3A_630 = arith.index_cast %get3A_629 : i32 to index
      %get3A_631 = arith.index_cast %scan3A_577 : i32 to index
      %get3A_632 = arith.constant 96 : index
      %get3A_633 = tpu.vector_load %arg7[%get3A_630, %get3A_631, %get3A_632] {strides = array<i32>} : memref<3x128x128xf32, #tpu.memory_space<vmem>>, vector<16xf32>,
      %select_n3A_634 = arith.select %eq3A_585, %get3A_633, %get3A_628 : vector<16xi1>, vector<16xf32>
      %mul3A_635 = arith.constant 8.000000e+00 : f32
      %mul3A_636 = vector.broadcast %mul3A_635 : f32 to vector<16xf32>
      %mul3A_637 = arith.mulf %select_n3A_634, %mul3A_636 : vector<16xf32>
      %swap3A_638 = arith.constant 1 : i32
      %swap3A_639 = arith.index_cast %swap3A_638 : i32 to index
      %swap3A_640 = arith.index_cast %scan3A_577 : i32 to index
      %swap3A_641 = arith.constant 32 : index
      %swap3A_642 = tpu.vector_load %arg8[%swap3A_639, %swap3A_640, %swap3A_641] {strides = array<i32>} : memref<3x128x64xf32, #tpu.memory_space<vmem>>, vector<16xf32>,
      tpu.vector_store %arg8[%swap3A_639, %swap3A_640, %swap3A_641], %mul3A_637 {strides = array<i32>} : memref<3x128x64xf32, #tpu.memory_space<vmem>>, vector<16xf32>,
      %get3A_643 = arith.constant 1 : i32
      %get3A_644 = arith.index_cast %get3A_643 : i32 to index
      %get3A_645 = arith.index_cast %scan3A_577 : i32 to index
      %get3A_646 = arith.constant 48 : index
      %get3A_647 = tpu.vector_load %arg7[%get3A_644, %get3A_645, %get3A_646] {strides = array<i32>} : memref<3x128x128xf32, #tpu.memory_space<vmem>>, vector<16xf32>,
      %get3A_648 = arith.constant 1 : i32
      %get3A_649 = arith.index_cast %get3A_648 : i32 to index
      %get3A_650 = arith.index_cast %scan3A_577 : i32 to index
      %get3A_651 = arith.constant 112 : index
      %get3A_652 = tpu.vector_load %arg7[%get3A_649, %get3A_650, %get3A_651] {strides = array<i32>} : memref<3x128x128xf32, #tpu.memory_space<vmem>>, vector<16xf32>,
      %select_n3A_653 = arith.select %eq3A_585, %get3A_652, %get3A_647 : vector<16xi1>, vector<16xf32>
      %mul3A_654 = arith.constant 8.000000e+00 : f32
      %mul3A_655 = vector.broadcast %mul3A_654 : f32 to vector<16xf32>
      %mul3A_656 = arith.mulf %select_n3A_653, %mul3A_655 : vector<16xf32>
      %swap3A_657 = arith.constant 1 : i32
      %swap3A_658 = arith.index_cast %swap3A_657 : i32 to index
      %swap3A_659 = arith.index_cast %scan3A_577 : i32 to index
      %swap3A_660 = arith.constant 48 : index
      %swap3A_661 = tpu.vector_load %arg8[%swap3A_658, %swap3A_659, %swap3A_660] {strides = array<i32>} : memref<3x128x64xf32, #tpu.memory_space<vmem>>, vector<16xf32>,
      tpu.vector_store %arg8[%swap3A_658, %swap3A_659, %swap3A_660], %mul3A_656 {strides = array<i32>} : memref<3x128x64xf32, #tpu.memory_space<vmem>>, vector<16xf32>,
      %scan3A_662 = arith.constant 0 : i32
      %scan3A_663 = arith.constant 2 : i32
      %scan3A_664 = arith.addi %scan3A_493, %scan3A_663 : i32
      %broadcast_in_dim3A_665 = vector.broadcast %scan3A_664 : i32 to vector<16xi32>
      %gather3A_666 = tpu.vector_load_idx %arg5[%broadcast_in_dim3A_409, %broadcast_in_dim3A_665] : memref<200x128xi32, #tpu.memory_space<vmem>>[vector<16xi32>, vector<16xi32>], vector<16xi32>,
      %and3A_667 = arith.constant 1 : i32
      %and3A_668 = vector.broadcast %and3A_667 : i32 to vector<16xi32>
      %and3A_669 = arith.andi %gather3A_666, %and3A_668 : vector<16xi32>
      %eq3A_670 = arith.constant 1 : i32
      %eq3A_671 = vector.broadcast %eq3A_670 : i32 to vector<16xi32>
      %eq3A_672 = arith.cmpi eq, %and3A_669, %eq3A_671 : vector<16xi32>
      %get3A_673 = arith.constant 1 : i32
      %get3A_674 = arith.index_cast %get3A_673 : i32 to index
      %get3A_675 = arith.index_cast %scan3A_664 : i32 to index
      %get3A_676 = arith.constant 0 : index
      %get3A_677 = tpu.vector_load %arg7[%get3A_674, %get3A_675, %get3A_676] {strides = array<i32>} : memref<3x128x128xf32, #tpu.memory_space<vmem>>, vector<16xf32>,
      %get3A_678 = arith.constant 1 : i32
      %get3A_679 = arith.index_cast %get3A_678 : i32 to index
      %get3A_680 = arith.index_cast %scan3A_664 : i32 to index
      %get3A_681 = arith.constant 64 : index
      %get3A_682 = tpu.vector_load %arg7[%get3A_679, %get3A_680, %get3A_681] {strides = array<i32>} : memref<3x128x128xf32, #tpu.memory_space<vmem>>, vector<16xf32>,
      %select_n3A_683 = arith.select %eq3A_672, %get3A_682, %get3A_677 : vector<16xi1>, vector<16xf32>
      %mul3A_684 = arith.constant 8.000000e+00 : f32
      %mul3A_685 = vector.broadcast %mul3A_684 : f32 to vector<16xf32>
      %mul3A_686 = arith.mulf %select_n3A_683, %mul3A_685 : vector<16xf32>
      %swap3A_687 = arith.constant 1 : i32
      %swap3A_688 = arith.index_cast %swap3A_687 : i32 to index
      %swap3A_689 = arith.index_cast %scan3A_664 : i32 to index
      %swap3A_690 = arith.constant 0 : index
      %swap3A_691 = tpu.vector_load %arg8[%swap3A_688, %swap3A_689, %swap3A_690] {strides = array<i32>} : memref<3x128x64xf32, #tpu.memory_space<vmem>>, vector<16xf32>,
      tpu.vector_store %arg8[%swap3A_688, %swap3A_689, %swap3A_690], %mul3A_686 {strides = array<i32>} : memref<3x128x64xf32, #tpu.memory_space<vmem>>, vector<16xf32>,
      %get3A_692 = arith.constant 1 : i32
      %get3A_693 = arith.index_cast %get3A_692 : i32 to index
      %get3A_694 = arith.index_cast %scan3A_664 : i32 to index
      %get3A_695 = arith.constant 16 : index
      %get3A_696 = tpu.vector_load %arg7[%get3A_693, %get3A_694, %get3A_695] {strides = array<i32>} : memref<3x128x128xf32, #tpu.memory_space<vmem>>, vector<16xf32>,
      %get3A_697 = arith.constant 1 : i32
      %get3A_698 = arith.index_cast %get3A_697 : i32 to index
      %get3A_699 = arith.index_cast %scan3A_664 : i32 to index
      %get3A_700 = arith.constant 80 : index
      %get3A_701 = tpu.vector_load %arg7[%get3A_698, %get3A_699, %get3A_700] {strides = array<i32>} : memref<3x128x128xf32, #tpu.memory_space<vmem>>, vector<16xf32>,
      %select_n3A_702 = arith.select %eq3A_672, %get3A_701, %get3A_696 : vector<16xi1>, vector<16xf32>
      %mul3A_703 = arith.constant 8.000000e+00 : f32
      %mul3A_704 = vector.broadcast %mul3A_703 : f32 to vector<16xf32>
      %mul3A_705 = arith.mulf %select_n3A_702, %mul3A_704 : vector<16xf32>
      %swap3A_706 = arith.constant 1 : i32
      %swap3A_707 = arith.index_cast %swap3A_706 : i32 to index
      %swap3A_708 = arith.index_cast %scan3A_664 : i32 to index
      %swap3A_709 = arith.constant 16 : index
      %swap3A_710 = tpu.vector_load %arg8[%swap3A_707, %swap3A_708, %swap3A_709] {strides = array<i32>} : memref<3x128x64xf32, #tpu.memory_space<vmem>>, vector<16xf32>,
      tpu.vector_store %arg8[%swap3A_707, %swap3A_708, %swap3A_709], %mul3A_705 {strides = array<i32>} : memref<3x128x64xf32, #tpu.memory_space<vmem>>, vector<16xf32>,
      %get3A_711 = arith.constant 1 : i32
      %get3A_712 = arith.index_cast %get3A_711 : i32 to index
      %get3A_713 = arith.index_cast %scan3A_664 : i32 to index
      %get3A_714 = arith.constant 32 : index
      %get3A_715 = tpu.vector_load %arg7[%get3A_712, %get3A_713, %get3A_714] {strides = array<i32>} : memref<3x128x128xf32, #tpu.memory_space<vmem>>, vector<16xf32>,
      %get3A_716 = arith.constant 1 : i32
      %get3A_717 = arith.index_cast %get3A_716 : i32 to index
      %get3A_718 = arith.index_cast %scan3A_664 : i32 to index
      %get3A_719 = arith.constant 96 : index
      %get3A_720 = tpu.vector_load %arg7[%get3A_717, %get3A_718, %get3A_719] {strides = array<i32>} : memref<3x128x128xf32, #tpu.memory_space<vmem>>, vector<16xf32>,
      %select_n3A_721 = arith.select %eq3A_672, %get3A_720, %get3A_715 : vector<16xi1>, vector<16xf32>
      %mul3A_722 = arith.constant 8.000000e+00 : f32
      %mul3A_723 = vector.broadcast %mul3A_722 : f32 to vector<16xf32>
      %mul3A_724 = arith.mulf %select_n3A_721, %mul3A_723 : vector<16xf32>
      %swap3A_725 = arith.constant 1 : i32
      %swap3A_726 = arith.index_cast %swap3A_725 : i32 to index
      %swap3A_727 = arith.index_cast %scan3A_664 : i32 to index
      %swap3A_728 = arith.constant 32 : index
      %swap3A_729 = tpu.vector_load %arg8[%swap3A_726, %swap3A_727, %swap3A_728] {strides = array<i32>} : memref<3x128x64xf32, #tpu.memory_space<vmem>>, vector<16xf32>,
      tpu.vector_store %arg8[%swap3A_726, %swap3A_727, %swap3A_728], %mul3A_724 {strides = array<i32>} : memref<3x128x64xf32, #tpu.memory_space<vmem>>, vector<16xf32>,
      %get3A_730 = arith.constant 1 : i32
      %get3A_731 = arith.index_cast %get3A_730 : i32 to index
      %get3A_732 = arith.index_cast %scan3A_664 : i32 to index
      %get3A_733 = arith.constant 48 : index
      %get3A_734 = tpu.vector_load %arg7[%get3A_731, %get3A_732, %get3A_733] {strides = array<i32>} : memref<3x128x128xf32, #tpu.memory_space<vmem>>, vector<16xf32>,
      %get3A_735 = arith.constant 1 : i32
      %get3A_736 = arith.index_cast %get3A_735 : i32 to index
      %get3A_737 = arith.index_cast %scan3A_664 : i32 to index
      %get3A_738 = arith.constant 112 : index
      %get3A_739 = tpu.vector_load %arg7[%get3A_736, %get3A_737, %get3A_738] {strides = array<i32>} : memref<3x128x128xf32, #tpu.memory_space<vmem>>, vector<16xf32>,
      %select_n3A_740 = arith.select %eq3A_672, %get3A_739, %get3A_734 : vector<16xi1>, vector<16xf32>
      %mul3A_741 = arith.constant 8.000000e+00 : f32
      %mul3A_742 = vector.broadcast %mul3A_741 : f32 to vector<16xf32>
      %mul3A_743 = arith.mulf %select_n3A_740, %mul3A_742 : vector<16xf32>
      %swap3A_744 = arith.constant 1 : i32
      %swap3A_745 = arith.index_cast %swap3A_744 : i32 to index
      %swap3A_746 = arith.index_cast %scan3A_664 : i32 to index
      %swap3A_747 = arith.constant 48 : index
      %swap3A_748 = tpu.vector_load %arg8[%swap3A_745, %swap3A_746, %swap3A_747] {strides = array<i32>} : memref<3x128x64xf32, #tpu.memory_space<vmem>>, vector<16xf32>,
      tpu.vector_store %arg8[%swap3A_745, %swap3A_746, %swap3A_747], %mul3A_743 {strides = array<i32>} : memref<3x128x64xf32, #tpu.memory_space<vmem>>, vector<16xf32>,
      %scan3A_749 = arith.constant 0 : i32
      %scan3A_750 = arith.constant 3 : i32
      %scan3A_751 = arith.addi %scan3A_493, %scan3A_750 : i32
      %broadcast_in_dim3A_752 = vector.broadcast %scan3A_751 : i32 to vector<16xi32>
      %gather3A_753 = tpu.vector_load_idx %arg5[%broadcast_in_dim3A_409, %broadcast_in_dim3A_752] : memref<200x128xi32, #tpu.memory_space<vmem>>[vector<16xi32>, vector<16xi32>], vector<16xi32>,
      %and3A_754 = arith.constant 1 : i32
      %and3A_755 = vector.broadcast %and3A_754 : i32 to vector<16xi32>
      %and3A_756 = arith.andi %gather3A_753, %and3A_755 : vector<16xi32>
      %eq3A_757 = arith.constant 1 : i32
      %eq3A_758 = vector.broadcast %eq3A_757 : i32 to vector<16xi32>
      %eq3A_759 = arith.cmpi eq, %and3A_756, %eq3A_758 : vector<16xi32>
      %get3A_760 = arith.constant 1 : i32
      %get3A_761 = arith.index_cast %get3A_760 : i32 to index
      %get3A_762 = arith.index_cast %scan3A_751 : i32 to index
      %get3A_763 = arith.constant 0 : index
      %get3A_764 = tpu.vector_load %arg7[%get3A_761, %get3A_762, %get3A_763] {strides = array<i32>} : memref<3x128x128xf32, #tpu.memory_space<vmem>>, vector<16xf32>,
      %get3A_765 = arith.constant 1 : i32
      %get3A_766 = arith.index_cast %get3A_765 : i32 to index
      %get3A_767 = arith.index_cast %scan3A_751 : i32 to index
      %get3A_768 = arith.constant 64 : index
      %get3A_769 = tpu.vector_load %arg7[%get3A_766, %get3A_767, %get3A_768] {strides = array<i32>} : memref<3x128x128xf32, #tpu.memory_space<vmem>>, vector<16xf32>,
      %select_n3A_770 = arith.select %eq3A_759, %get3A_769, %get3A_764 : vector<16xi1>, vector<16xf32>
      %mul3A_771 = arith.constant 8.000000e+00 : f32
      %mul3A_772 = vector.broadcast %mul3A_771 : f32 to vector<16xf32>
      %mul3A_773 = arith.mulf %select_n3A_770, %mul3A_772 : vector<16xf32>
      %swap3A_774 = arith.constant 1 : i32
      %swap3A_775 = arith.index_cast %swap3A_774 : i32 to index
      %swap3A_776 = arith.index_cast %scan3A_751 : i32 to index
      %swap3A_777 = arith.constant 0 : index
      %swap3A_778 = tpu.vector_load %arg8[%swap3A_775, %swap3A_776, %swap3A_777] {strides = array<i32>} : memref<3x128x64xf32, #tpu.memory_space<vmem>>, vector<16xf32>,
      tpu.vector_store %arg8[%swap3A_775, %swap3A_776, %swap3A_777], %mul3A_773 {strides = array<i32>} : memref<3x128x64xf32, #tpu.memory_space<vmem>>, vector<16xf32>,
      %get3A_779 = arith.constant 1 : i32
      %get3A_780 = arith.index_cast %get3A_779 : i32 to index
      %get3A_781 = arith.index_cast %scan3A_751 : i32 to index
      %get3A_782 = arith.constant 16 : index
      %get3A_783 = tpu.vector_load %arg7[%get3A_780, %get3A_781, %get3A_782] {strides = array<i32>} : memref<3x128x128xf32, #tpu.memory_space<vmem>>, vector<16xf32>,
      %get3A_784 = arith.constant 1 : i32
      %get3A_785 = arith.index_cast %get3A_784 : i32 to index
      %get3A_786 = arith.index_cast %scan3A_751 : i32 to index
      %get3A_787 = arith.constant 80 : index
      %get3A_788 = tpu.vector_load %arg7[%get3A_785, %get3A_786, %get3A_787] {strides = array<i32>} : memref<3x128x128xf32, #tpu.memory_space<vmem>>, vector<16xf32>,
      %select_n3A_789 = arith.select %eq3A_759, %get3A_788, %get3A_783 : vector<16xi1>, vector<16xf32>
      %mul3A_790 = arith.constant 8.000000e+00 : f32
      %mul3A_791 = vector.broadcast %mul3A_790 : f32 to vector<16xf32>
      %mul3A_792 = arith.mulf %select_n3A_789, %mul3A_791 : vector<16xf32>
      %swap3A_793 = arith.constant 1 : i32
      %swap3A_794 = arith.index_cast %swap3A_793 : i32 to index
      %swap3A_795 = arith.index_cast %scan3A_751 : i32 to index
      %swap3A_796 = arith.constant 16 : index
      %swap3A_797 = tpu.vector_load %arg8[%swap3A_794, %swap3A_795, %swap3A_796] {strides = array<i32>} : memref<3x128x64xf32, #tpu.memory_space<vmem>>, vector<16xf32>,
      tpu.vector_store %arg8[%swap3A_794, %swap3A_795, %swap3A_796], %mul3A_792 {strides = array<i32>} : memref<3x128x64xf32, #tpu.memory_space<vmem>>, vector<16xf32>,
      %get3A_798 = arith.constant 1 : i32
      %get3A_799 = arith.index_cast %get3A_798 : i32 to index
      %get3A_800 = arith.index_cast %scan3A_751 : i32 to index
      %get3A_801 = arith.constant 32 : index
      %get3A_802 = tpu.vector_load %arg7[%get3A_799, %get3A_800, %get3A_801] {strides = array<i32>} : memref<3x128x128xf32, #tpu.memory_space<vmem>>, vector<16xf32>,
      %get3A_803 = arith.constant 1 : i32
      %get3A_804 = arith.index_cast %get3A_803 : i32 to index
      %get3A_805 = arith.index_cast %scan3A_751 : i32 to index
      %get3A_806 = arith.constant 96 : index
      %get3A_807 = tpu.vector_load %arg7[%get3A_804, %get3A_805, %get3A_806] {strides = array<i32>} : memref<3x128x128xf32, #tpu.memory_space<vmem>>, vector<16xf32>,
      %select_n3A_808 = arith.select %eq3A_759, %get3A_807, %get3A_802 : vector<16xi1>, vector<16xf32>
      %mul3A_809 = arith.constant 8.000000e+00 : f32
      %mul3A_810 = vector.broadcast %mul3A_809 : f32 to vector<16xf32>
      %mul3A_811 = arith.mulf %select_n3A_808, %mul3A_810 : vector<16xf32>
      %swap3A_812 = arith.constant 1 : i32
      %swap3A_813 = arith.index_cast %swap3A_812 : i32 to index
      %swap3A_814 = arith.index_cast %scan3A_751 : i32 to index
      %swap3A_815 = arith.constant 32 : index
      %swap3A_816 = tpu.vector_load %arg8[%swap3A_813, %swap3A_814, %swap3A_815] {strides = array<i32>} : memref<3x128x64xf32, #tpu.memory_space<vmem>>, vector<16xf32>,
      tpu.vector_store %arg8[%swap3A_813, %swap3A_814, %swap3A_815], %mul3A_811 {strides = array<i32>} : memref<3x128x64xf32, #tpu.memory_space<vmem>>, vector<16xf32>,
      %get3A_817 = arith.constant 1 : i32
      %get3A_818 = arith.index_cast %get3A_817 : i32 to index
      %get3A_819 = arith.index_cast %scan3A_751 : i32 to index
      %get3A_820 = arith.constant 48 : index
      %get3A_821 = tpu.vector_load %arg7[%get3A_818, %get3A_819, %get3A_820] {strides = array<i32>} : memref<3x128x128xf32, #tpu.memory_space<vmem>>, vector<16xf32>,
      %get3A_822 = arith.constant 1 : i32
      %get3A_823 = arith.index_cast %get3A_822 : i32 to index
      %get3A_824 = arith.index_cast %scan3A_751 : i32 to index
      %get3A_825 = arith.constant 112 : index
      %get3A_826 = tpu.vector_load %arg7[%get3A_823, %get3A_824, %get3A_825] {strides = array<i32>} : memref<3x128x128xf32, #tpu.memory_space<vmem>>, vector<16xf32>,
      %select_n3A_827 = arith.select %eq3A_759, %get3A_826, %get3A_821 : vector<16xi1>, vector<16xf32>
      %mul3A_828 = arith.constant 8.000000e+00 : f32
      %mul3A_829 = vector.broadcast %mul3A_828 : f32 to vector<16xf32>
      %mul3A_830 = arith.mulf %select_n3A_827, %mul3A_829 : vector<16xf32>
      %swap3A_831 = arith.constant 1 : i32
      %swap3A_832 = arith.index_cast %swap3A_831 : i32 to index
      %swap3A_833 = arith.index_cast %scan3A_751 : i32 to index
      %swap3A_834 = arith.constant 48 : index
      %swap3A_835 = tpu.vector_load %arg8[%swap3A_832, %swap3A_833, %swap3A_834] {strides = array<i32>} : memref<3x128x64xf32, #tpu.memory_space<vmem>>, vector<16xf32>,
      tpu.vector_store %arg8[%swap3A_832, %swap3A_833, %swap3A_834], %mul3A_830 {strides = array<i32>} : memref<3x128x64xf32, #tpu.memory_space<vmem>>, vector<16xf32>,
      %scan3A_836 = arith.constant 0 : i32
      %scan3A_837 = arith.constant 4 : i32
      %scan3A_838 = arith.addi %scan3A_493, %scan3A_837 : i32
      %broadcast_in_dim3A_839 = vector.broadcast %scan3A_838 : i32 to vector<16xi32>
      %gather3A_840 = tpu.vector_load_idx %arg5[%broadcast_in_dim3A_409, %broadcast_in_dim3A_839] : memref<200x128xi32, #tpu.memory_space<vmem>>[vector<16xi32>, vector<16xi32>], vector<16xi32>,
      %and3A_841 = arith.constant 1 : i32
      %and3A_842 = vector.broadcast %and3A_841 : i32 to vector<16xi32>
      %and3A_843 = arith.andi %gather3A_840, %and3A_842 : vector<16xi32>
      %eq3A_844 = arith.constant 1 : i32
      %eq3A_845 = vector.broadcast %eq3A_844 : i32 to vector<16xi32>
      %eq3A_846 = arith.cmpi eq, %and3A_843, %eq3A_845 : vector<16xi32>
      %get3A_847 = arith.constant 1 : i32
      %get3A_848 = arith.index_cast %get3A_847 : i32 to index
      %get3A_849 = arith.index_cast %scan3A_838 : i32 to index
      %get3A_850 = arith.constant 0 : index
      %get3A_851 = tpu.vector_load %arg7[%get3A_848, %get3A_849, %get3A_850] {strides = array<i32>} : memref<3x128x128xf32, #tpu.memory_space<vmem>>, vector<16xf32>,
      %get3A_852 = arith.constant 1 : i32
      %get3A_853 = arith.index_cast %get3A_852 : i32 to index
      %get3A_854 = arith.index_cast %scan3A_838 : i32 to index
      %get3A_855 = arith.constant 64 : index
      %get3A_856 = tpu.vector_load %arg7[%get3A_853, %get3A_854, %get3A_855] {strides = array<i32>} : memref<3x128x128xf32, #tpu.memory_space<vmem>>, vector<16xf32>,
      %select_n3A_857 = arith.select %eq3A_846, %get3A_856, %get3A_851 : vector<16xi1>, vector<16xf32>
      %mul3A_858 = arith.constant 8.000000e+00 : f32
      %mul3A_859 = vector.broadcast %mul3A_858 : f32 to vector<16xf32>
      %mul3A_860 = arith.mulf %select_n3A_857, %mul3A_859 : vector<16xf32>
      %swap3A_861 = arith.constant 1 : i32
      %swap3A_862 = arith.index_cast %swap3A_861 : i32 to index
      %swap3A_863 = arith.index_cast %scan3A_838 : i32 to index
      %swap3A_864 = arith.constant 0 : index
      %swap3A_865 = tpu.vector_load %arg8[%swap3A_862, %swap3A_863, %swap3A_864] {strides = array<i32>} : memref<3x128x64xf32, #tpu.memory_space<vmem>>, vector<16xf32>,
      tpu.vector_store %arg8[%swap3A_862, %swap3A_863, %swap3A_864], %mul3A_860 {strides = array<i32>} : memref<3x128x64xf32, #tpu.memory_space<vmem>>, vector<16xf32>,
      %get3A_866 = arith.constant 1 : i32
      %get3A_867 = arith.index_cast %get3A_866 : i32 to index
      %get3A_868 = arith.index_cast %scan3A_838 : i32 to index
      %get3A_869 = arith.constant 16 : index
      %get3A_870 = tpu.vector_load %arg7[%get3A_867, %get3A_868, %get3A_869] {strides = array<i32>} : memref<3x128x128xf32, #tpu.memory_space<vmem>>, vector<16xf32>,
      %get3A_871 = arith.constant 1 : i32
      %get3A_872 = arith.index_cast %get3A_871 : i32 to index
      %get3A_873 = arith.index_cast %scan3A_838 : i32 to index
      %get3A_874 = arith.constant 80 : index
      %get3A_875 = tpu.vector_load %arg7[%get3A_872, %get3A_873, %get3A_874] {strides = array<i32>} : memref<3x128x128xf32, #tpu.memory_space<vmem>>, vector<16xf32>,
      %select_n3A_876 = arith.select %eq3A_846, %get3A_875, %get3A_870 : vector<16xi1>, vector<16xf32>
      %mul3A_877 = arith.constant 8.000000e+00 : f32
      %mul3A_878 = vector.broadcast %mul3A_877 : f32 to vector<16xf32>
      %mul3A_879 = arith.mulf %select_n3A_876, %mul3A_878 : vector<16xf32>
      %swap3A_880 = arith.constant 1 : i32
      %swap3A_881 = arith.index_cast %swap3A_880 : i32 to index
      %swap3A_882 = arith.index_cast %scan3A_838 : i32 to index
      %swap3A_883 = arith.constant 16 : index
      %swap3A_884 = tpu.vector_load %arg8[%swap3A_881, %swap3A_882, %swap3A_883] {strides = array<i32>} : memref<3x128x64xf32, #tpu.memory_space<vmem>>, vector<16xf32>,
      tpu.vector_store %arg8[%swap3A_881, %swap3A_882, %swap3A_883], %mul3A_879 {strides = array<i32>} : memref<3x128x64xf32, #tpu.memory_space<vmem>>, vector<16xf32>,
      %get3A_885 = arith.constant 1 : i32
      %get3A_886 = arith.index_cast %get3A_885 : i32 to index
      %get3A_887 = arith.index_cast %scan3A_838 : i32 to index
      %get3A_888 = arith.constant 32 : index
      %get3A_889 = tpu.vector_load %arg7[%get3A_886, %get3A_887, %get3A_888] {strides = array<i32>} : memref<3x128x128xf32, #tpu.memory_space<vmem>>, vector<16xf32>,
      %get3A_890 = arith.constant 1 : i32
      %get3A_891 = arith.index_cast %get3A_890 : i32 to index
      %get3A_892 = arith.index_cast %scan3A_838 : i32 to index
      %get3A_893 = arith.constant 96 : index
      %get3A_894 = tpu.vector_load %arg7[%get3A_891, %get3A_892, %get3A_893] {strides = array<i32>} : memref<3x128x128xf32, #tpu.memory_space<vmem>>, vector<16xf32>,
      %select_n3A_895 = arith.select %eq3A_846, %get3A_894, %get3A_889 : vector<16xi1>, vector<16xf32>
      %mul3A_896 = arith.constant 8.000000e+00 : f32
      %mul3A_897 = vector.broadcast %mul3A_896 : f32 to vector<16xf32>
      %mul3A_898 = arith.mulf %select_n3A_895, %mul3A_897 : vector<16xf32>
      %swap3A_899 = arith.constant 1 : i32
      %swap3A_900 = arith.index_cast %swap3A_899 : i32 to index
      %swap3A_901 = arith.index_cast %scan3A_838 : i32 to index
      %swap3A_902 = arith.constant 32 : index
      %swap3A_903 = tpu.vector_load %arg8[%swap3A_900, %swap3A_901, %swap3A_902] {strides = array<i32>} : memref<3x128x64xf32, #tpu.memory_space<vmem>>, vector<16xf32>,
      tpu.vector_store %arg8[%swap3A_900, %swap3A_901, %swap3A_902], %mul3A_898 {strides = array<i32>} : memref<3x128x64xf32, #tpu.memory_space<vmem>>, vector<16xf32>,
      %get3A_904 = arith.constant 1 : i32
      %get3A_905 = arith.index_cast %get3A_904 : i32 to index
      %get3A_906 = arith.index_cast %scan3A_838 : i32 to index
      %get3A_907 = arith.constant 48 : index
      %get3A_908 = tpu.vector_load %arg7[%get3A_905, %get3A_906, %get3A_907] {strides = array<i32>} : memref<3x128x128xf32, #tpu.memory_space<vmem>>, vector<16xf32>,
      %get3A_909 = arith.constant 1 : i32
      %get3A_910 = arith.index_cast %get3A_909 : i32 to index
      %get3A_911 = arith.index_cast %scan3A_838 : i32 to index
      %get3A_912 = arith.constant 112 : index
      %get3A_913 = tpu.vector_load %arg7[%get3A_910, %get3A_911, %get3A_912] {strides = array<i32>} : memref<3x128x128xf32, #tpu.memory_space<vmem>>, vector<16xf32>,
      %select_n3A_914 = arith.select %eq3A_846, %get3A_913, %get3A_908 : vector<16xi1>, vector<16xf32>
      %mul3A_915 = arith.constant 8.000000e+00 : f32
      %mul3A_916 = vector.broadcast %mul3A_915 : f32 to vector<16xf32>
      %mul3A_917 = arith.mulf %select_n3A_914, %mul3A_916 : vector<16xf32>
      %swap3A_918 = arith.constant 1 : i32
      %swap3A_919 = arith.index_cast %swap3A_918 : i32 to index
      %swap3A_920 = arith.index_cast %scan3A_838 : i32 to index
      %swap3A_921 = arith.constant 48 : index
      %swap3A_922 = tpu.vector_load %arg8[%swap3A_919, %swap3A_920, %swap3A_921] {strides = array<i32>} : memref<3x128x64xf32, #tpu.memory_space<vmem>>, vector<16xf32>,
      tpu.vector_store %arg8[%swap3A_919, %swap3A_920, %swap3A_921], %mul3A_917 {strides = array<i32>} : memref<3x128x64xf32, #tpu.memory_space<vmem>>, vector<16xf32>,
      %scan3A_923 = arith.constant 0 : i32
      %scan3A_924 = arith.constant 5 : i32
      %scan3A_925 = arith.addi %scan3A_493, %scan3A_924 : i32
      %broadcast_in_dim3A_926 = vector.broadcast %scan3A_925 : i32 to vector<16xi32>
      %gather3A_927 = tpu.vector_load_idx %arg5[%broadcast_in_dim3A_409, %broadcast_in_dim3A_926] : memref<200x128xi32, #tpu.memory_space<vmem>>[vector<16xi32>, vector<16xi32>], vector<16xi32>,
      %and3A_928 = arith.constant 1 : i32
      %and3A_929 = vector.broadcast %and3A_928 : i32 to vector<16xi32>
      %and3A_930 = arith.andi %gather3A_927, %and3A_929 : vector<16xi32>
      %eq3A_931 = arith.constant 1 : i32
      %eq3A_932 = vector.broadcast %eq3A_931 : i32 to vector<16xi32>
      %eq3A_933 = arith.cmpi eq, %and3A_930, %eq3A_932 : vector<16xi32>
      %get3A_934 = arith.constant 1 : i32
      %get3A_935 = arith.index_cast %get3A_934 : i32 to index
      %get3A_936 = arith.index_cast %scan3A_925 : i32 to index
      %get3A_937 = arith.constant 0 : index
      %get3A_938 = tpu.vector_load %arg7[%get3A_935, %get3A_936, %get3A_937] {strides = array<i32>} : memref<3x128x128xf32, #tpu.memory_space<vmem>>, vector<16xf32>,
      %get3A_939 = arith.constant 1 : i32
      %get3A_940 = arith.index_cast %get3A_939 : i32 to index
      %get3A_941 = arith.index_cast %scan3A_925 : i32 to index
      %get3A_942 = arith.constant 64 : index
      %get3A_943 = tpu.vector_load %arg7[%get3A_940, %get3A_941, %get3A_942] {strides = array<i32>} : memref<3x128x128xf32, #tpu.memory_space<vmem>>, vector<16xf32>,
      %select_n3A_944 = arith.select %eq3A_933, %get3A_943, %get3A_938 : vector<16xi1>, vector<16xf32>
      %mul3A_945 = arith.constant 8.000000e+00 : f32
      %mul3A_946 = vector.broadcast %mul3A_945 : f32 to vector<16xf32>
      %mul3A_947 = arith.mulf %select_n3A_944, %mul3A_946 : vector<16xf32>
      %swap3A_948 = arith.constant 1 : i32
      %swap3A_949 = arith.index_cast %swap3A_948 : i32 to index
      %swap3A_950 = arith.index_cast %scan3A_925 : i32 to index
      %swap3A_951 = arith.constant 0 : index
      %swap3A_952 = tpu.vector_load %arg8[%swap3A_949, %swap3A_950, %swap3A_951] {strides = array<i32>} : memref<3x128x64xf32, #tpu.memory_space<vmem>>, vector<16xf32>,
      tpu.vector_store %arg8[%swap3A_949, %swap3A_950, %swap3A_951], %mul3A_947 {strides = array<i32>} : memref<3x128x64xf32, #tpu.memory_space<vmem>>, vector<16xf32>,
      %get3A_953 = arith.constant 1 : i32
      %get3A_954 = arith.index_cast %get3A_953 : i32 to index
      %get3A_955 = arith.index_cast %scan3A_925 : i32 to index
      %get3A_956 = arith.constant 16 : index
      %get3A_957 = tpu.vector_load %arg7[%get3A_954, %get3A_955, %get3A_956] {strides = array<i32>} : memref<3x128x128xf32, #tpu.memory_space<vmem>>, vector<16xf32>,
      %get3A_958 = arith.constant 1 : i32
      %get3A_959 = arith.index_cast %get3A_958 : i32 to index
      %get3A_960 = arith.index_cast %scan3A_925 : i32 to index
      %get3A_961 = arith.constant 80 : index
      %get3A_962 = tpu.vector_load %arg7[%get3A_959, %get3A_960, %get3A_961] {strides = array<i32>} : memref<3x128x128xf32, #tpu.memory_space<vmem>>, vector<16xf32>,
      %select_n3A_963 = arith.select %eq3A_933, %get3A_962, %get3A_957 : vector<16xi1>, vector<16xf32>
      %mul3A_964 = arith.constant 8.000000e+00 : f32
      %mul3A_965 = vector.broadcast %mul3A_964 : f32 to vector<16xf32>
      %mul3A_966 = arith.mulf %select_n3A_963, %mul3A_965 : vector<16xf32>
      %swap3A_967 = arith.constant 1 : i32
      %swap3A_968 = arith.index_cast %swap3A_967 : i32 to index
      %swap3A_969 = arith.index_cast %scan3A_925 : i32 to index
      %swap3A_970 = arith.constant 16 : index
      %swap3A_971 = tpu.vector_load %arg8[%swap3A_968, %swap3A_969, %swap3A_970] {strides = array<i32>} : memref<3x128x64xf32, #tpu.memory_space<vmem>>, vector<16xf32>,
      tpu.vector_store %arg8[%swap3A_968, %swap3A_969, %swap3A_970], %mul3A_966 {strides = array<i32>} : memref<3x128x64xf32, #tpu.memory_space<vmem>>, vector<16xf32>,
      %get3A_972 = arith.constant 1 : i32
      %get3A_973 = arith.index_cast %get3A_972 : i32 to index
      %get3A_974 = arith.index_cast %scan3A_925 : i32 to index
      %get3A_975 = arith.constant 32 : index
      %get3A_976 = tpu.vector_load %arg7[%get3A_973, %get3A_974, %get3A_975] {strides = array<i32>} : memref<3x128x128xf32, #tpu.memory_space<vmem>>, vector<16xf32>,
      %get3A_977 = arith.constant 1 : i32
      %get3A_978 = arith.index_cast %get3A_977 : i32 to index
      %get3A_979 = arith.index_cast %scan3A_925 : i32 to index
      %get3A_980 = arith.constant 96 : index
      %get3A_981 = tpu.vector_load %arg7[%get3A_978, %get3A_979, %get3A_980] {strides = array<i32>} : memref<3x128x128xf32, #tpu.memory_space<vmem>>, vector<16xf32>,
      %select_n3A_982 = arith.select %eq3A_933, %get3A_981, %get3A_976 : vector<16xi1>, vector<16xf32>
      %mul3A_983 = arith.constant 8.000000e+00 : f32
      %mul3A_984 = vector.broadcast %mul3A_983 : f32 to vector<16xf32>
      %mul3A_985 = arith.mulf %select_n3A_982, %mul3A_984 : vector<16xf32>
      %swap3A_986 = arith.constant 1 : i32
      %swap3A_987 = arith.index_cast %swap3A_986 : i32 to index
      %swap3A_988 = arith.index_cast %scan3A_925 : i32 to index
      %swap3A_989 = arith.constant 32 : index
      %swap3A_990 = tpu.vector_load %arg8[%swap3A_987, %swap3A_988, %swap3A_989] {strides = array<i32>} : memref<3x128x64xf32, #tpu.memory_space<vmem>>, vector<16xf32>,
      tpu.vector_store %arg8[%swap3A_987, %swap3A_988, %swap3A_989], %mul3A_985 {strides = array<i32>} : memref<3x128x64xf32, #tpu.memory_space<vmem>>, vector<16xf32>,
      %get3A_991 = arith.constant 1 : i32
      %get3A_992 = arith.index_cast %get3A_991 : i32 to index
      %get3A_993 = arith.index_cast %scan3A_925 : i32 to index
      %get3A_994 = arith.constant 48 : index
      %get3A_995 = tpu.vector_load %arg7[%get3A_992, %get3A_993, %get3A_994] {strides = array<i32>} : memref<3x128x128xf32, #tpu.memory_space<vmem>>, vector<16xf32>,
      %get3A_996 = arith.constant 1 : i32
      %get3A_997 = arith.index_cast %get3A_996 : i32 to index
      %get3A_998 = arith.index_cast %scan3A_925 : i32 to index
      %get3A_999 = arith.constant 112 : index
      %get3A_1000 = tpu.vector_load %arg7[%get3A_997, %get3A_998, %get3A_999] {strides = array<i32>} : memref<3x128x128xf32, #tpu.memory_space<vmem>>, vector<16xf32>,
      %select_n3A_1001 = arith.select %eq3A_933, %get3A_1000, %get3A_995 : vector<16xi1>, vector<16xf32>
      %mul3A_1002 = arith.constant 8.000000e+00 : f32
      %mul3A_1003 = vector.broadcast %mul3A_1002 : f32 to vector<16xf32>
      %mul3A_1004 = arith.mulf %select_n3A_1001, %mul3A_1003 : vector<16xf32>
      %swap3A_1005 = arith.constant 1 : i32
      %swap3A_1006 = arith.index_cast %swap3A_1005 : i32 to index
      %swap3A_1007 = arith.index_cast %scan3A_925 : i32 to index
      %swap3A_1008 = arith.constant 48 : index
      %swap3A_1009 = tpu.vector_load %arg8[%swap3A_1006, %swap3A_1007, %swap3A_1008] {strides = array<i32>} : memref<3x128x64xf32, #tpu.memory_space<vmem>>, vector<16xf32>,
      tpu.vector_store %arg8[%swap3A_1006, %swap3A_1007, %swap3A_1008], %mul3A_1004 {strides = array<i32>} : memref<3x128x64xf32, #tpu.memory_space<vmem>>, vector<16xf32>,
      %scan3A_1010 = arith.constant 0 : i32
      %scan3A_1011 = arith.constant 6 : i32
      %scan3A_1012 = arith.addi %scan3A_493, %scan3A_1011 : i32
      %broadcast_in_dim3A_1013 = vector.broadcast %scan3A_1012 : i32 to vector<16xi32>
      %gather3A_1014 = tpu.vector_load_idx %arg5[%broadcast_in_dim3A_409, %broadcast_in_dim3A_1013] : memref<200x128xi32, #tpu.memory_space<vmem>>[vector<16xi32>, vector<16xi32>], vector<16xi32>,
      %and3A_1015 = arith.constant 1 : i32
      %and3A_1016 = vector.broadcast %and3A_1015 : i32 to vector<16xi32>
      %and3A_1017 = arith.andi %gather3A_1014, %and3A_1016 : vector<16xi32>
      %eq3A_1018 = arith.constant 1 : i32
      %eq3A_1019 = vector.broadcast %eq3A_1018 : i32 to vector<16xi32>
      %eq3A_1020 = arith.cmpi eq, %and3A_1017, %eq3A_1019 : vector<16xi32>
      %get3A_1021 = arith.constant 1 : i32
      %get3A_1022 = arith.index_cast %get3A_1021 : i32 to index
      %get3A_1023 = arith.index_cast %scan3A_1012 : i32 to index
      %get3A_1024 = arith.constant 0 : index
      %get3A_1025 = tpu.vector_load %arg7[%get3A_1022, %get3A_1023, %get3A_1024] {strides = array<i32>} : memref<3x128x128xf32, #tpu.memory_space<vmem>>, vector<16xf32>,
      %get3A_1026 = arith.constant 1 : i32
      %get3A_1027 = arith.index_cast %get3A_1026 : i32 to index
      %get3A_1028 = arith.index_cast %scan3A_1012 : i32 to index
      %get3A_1029 = arith.constant 64 : index
      %get3A_1030 = tpu.vector_load %arg7[%get3A_1027, %get3A_1028, %get3A_1029] {strides = array<i32>} : memref<3x128x128xf32, #tpu.memory_space<vmem>>, vector<16xf32>,
      %select_n3A_1031 = arith.select %eq3A_1020, %get3A_1030, %get3A_1025 : vector<16xi1>, vector<16xf32>
      %mul3A_1032 = arith.constant 8.000000e+00 : f32
      %mul3A_1033 = vector.broadcast %mul3A_1032 : f32 to vector<16xf32>
      %mul3A_1034 = arith.mulf %select_n3A_1031, %mul3A_1033 : vector<16xf32>
      %swap3A_1035 = arith.constant 1 : i32
      %swap3A_1036 = arith.index_cast %swap3A_1035 : i32 to index
      %swap3A_1037 = arith.index_cast %scan3A_1012 : i32 to index
      %swap3A_1038 = arith.constant 0 : index
      %swap3A_1039 = tpu.vector_load %arg8[%swap3A_1036, %swap3A_1037, %swap3A_1038] {strides = array<i32>} : memref<3x128x64xf32, #tpu.memory_space<vmem>>, vector<16xf32>,
      tpu.vector_store %arg8[%swap3A_1036, %swap3A_1037, %swap3A_1038], %mul3A_1034 {strides = array<i32>} : memref<3x128x64xf32, #tpu.memory_space<vmem>>, vector<16xf32>,
      %get3A_1040 = arith.constant 1 : i32
      %get3A_1041 = arith.index_cast %get3A_1040 : i32 to index
      %get3A_1042 = arith.index_cast %scan3A_1012 : i32 to index
      %get3A_1043 = arith.constant 16 : index
      %get3A_1044 = tpu.vector_load %arg7[%get3A_1041, %get3A_1042, %get3A_1043] {strides = array<i32>} : memref<3x128x128xf32, #tpu.memory_space<vmem>>, vector<16xf32>,
      %get3A_1045 = arith.constant 1 : i32
      %get3A_1046 = arith.index_cast %get3A_1045 : i32 to index
      %get3A_1047 = arith.index_cast %scan3A_1012 : i32 to index
      %get3A_1048 = arith.constant 80 : index
      %get3A_1049 = tpu.vector_load %arg7[%get3A_1046, %get3A_1047, %get3A_1048] {strides = array<i32>} : memref<3x128x128xf32, #tpu.memory_space<vmem>>, vector<16xf32>,
      %select_n3A_1050 = arith.select %eq3A_1020, %get3A_1049, %get3A_1044 : vector<16xi1>, vector<16xf32>
      %mul3A_1051 = arith.constant 8.000000e+00 : f32
      %mul3A_1052 = vector.broadcast %mul3A_1051 : f32 to vector<16xf32>
      %mul3A_1053 = arith.mulf %select_n3A_1050, %mul3A_1052 : vector<16xf32>
      %swap3A_1054 = arith.constant 1 : i32
      %swap3A_1055 = arith.index_cast %swap3A_1054 : i32 to index
      %swap3A_1056 = arith.index_cast %scan3A_1012 : i32 to index
      %swap3A_1057 = arith.constant 16 : index
      %swap3A_1058 = tpu.vector_load %arg8[%swap3A_1055, %swap3A_1056, %swap3A_1057] {strides = array<i32>} : memref<3x128x64xf32, #tpu.memory_space<vmem>>, vector<16xf32>,
      tpu.vector_store %arg8[%swap3A_1055, %swap3A_1056, %swap3A_1057], %mul3A_1053 {strides = array<i32>} : memref<3x128x64xf32, #tpu.memory_space<vmem>>, vector<16xf32>,
      %get3A_1059 = arith.constant 1 : i32
      %get3A_1060 = arith.index_cast %get3A_1059 : i32 to index
      %get3A_1061 = arith.index_cast %scan3A_1012 : i32 to index
      %get3A_1062 = arith.constant 32 : index
      %get3A_1063 = tpu.vector_load %arg7[%get3A_1060, %get3A_1061, %get3A_1062] {strides = array<i32>} : memref<3x128x128xf32, #tpu.memory_space<vmem>>, vector<16xf32>,
      %get3A_1064 = arith.constant 1 : i32
      %get3A_1065 = arith.index_cast %get3A_1064 : i32 to index
      %get3A_1066 = arith.index_cast %scan3A_1012 : i32 to index
      %get3A_1067 = arith.constant 96 : index
      %get3A_1068 = tpu.vector_load %arg7[%get3A_1065, %get3A_1066, %get3A_1067] {strides = array<i32>} : memref<3x128x128xf32, #tpu.memory_space<vmem>>, vector<16xf32>,
      %select_n3A_1069 = arith.select %eq3A_1020, %get3A_1068, %get3A_1063 : vector<16xi1>, vector<16xf32>
      %mul3A_1070 = arith.constant 8.000000e+00 : f32
      %mul3A_1071 = vector.broadcast %mul3A_1070 : f32 to vector<16xf32>
      %mul3A_1072 = arith.mulf %select_n3A_1069, %mul3A_1071 : vector<16xf32>
      %swap3A_1073 = arith.constant 1 : i32
      %swap3A_1074 = arith.index_cast %swap3A_1073 : i32 to index
      %swap3A_1075 = arith.index_cast %scan3A_1012 : i32 to index
      %swap3A_1076 = arith.constant 32 : index
      %swap3A_1077 = tpu.vector_load %arg8[%swap3A_1074, %swap3A_1075, %swap3A_1076] {strides = array<i32>} : memref<3x128x64xf32, #tpu.memory_space<vmem>>, vector<16xf32>,
      tpu.vector_store %arg8[%swap3A_1074, %swap3A_1075, %swap3A_1076], %mul3A_1072 {strides = array<i32>} : memref<3x128x64xf32, #tpu.memory_space<vmem>>, vector<16xf32>,
      %get3A_1078 = arith.constant 1 : i32
      %get3A_1079 = arith.index_cast %get3A_1078 : i32 to index
      %get3A_1080 = arith.index_cast %scan3A_1012 : i32 to index
      %get3A_1081 = arith.constant 48 : index
      %get3A_1082 = tpu.vector_load %arg7[%get3A_1079, %get3A_1080, %get3A_1081] {strides = array<i32>} : memref<3x128x128xf32, #tpu.memory_space<vmem>>, vector<16xf32>,
      %get3A_1083 = arith.constant 1 : i32
      %get3A_1084 = arith.index_cast %get3A_1083 : i32 to index
      %get3A_1085 = arith.index_cast %scan3A_1012 : i32 to index
      %get3A_1086 = arith.constant 112 : index
      %get3A_1087 = tpu.vector_load %arg7[%get3A_1084, %get3A_1085, %get3A_1086] {strides = array<i32>} : memref<3x128x128xf32, #tpu.memory_space<vmem>>, vector<16xf32>,
      %select_n3A_1088 = arith.select %eq3A_1020, %get3A_1087, %get3A_1082 : vector<16xi1>, vector<16xf32>
      %mul3A_1089 = arith.constant 8.000000e+00 : f32
      %mul3A_1090 = vector.broadcast %mul3A_1089 : f32 to vector<16xf32>
      %mul3A_1091 = arith.mulf %select_n3A_1088, %mul3A_1090 : vector<16xf32>
      %swap3A_1092 = arith.constant 1 : i32
      %swap3A_1093 = arith.index_cast %swap3A_1092 : i32 to index
      %swap3A_1094 = arith.index_cast %scan3A_1012 : i32 to index
      %swap3A_1095 = arith.constant 48 : index
      %swap3A_1096 = tpu.vector_load %arg8[%swap3A_1093, %swap3A_1094, %swap3A_1095] {strides = array<i32>} : memref<3x128x64xf32, #tpu.memory_space<vmem>>, vector<16xf32>,
      tpu.vector_store %arg8[%swap3A_1093, %swap3A_1094, %swap3A_1095], %mul3A_1091 {strides = array<i32>} : memref<3x128x64xf32, #tpu.memory_space<vmem>>, vector<16xf32>,
      %scan3A_1097 = arith.constant 0 : i32
      %scan3A_1098 = arith.constant 7 : i32
      %scan3A_1099 = arith.addi %scan3A_493, %scan3A_1098 : i32
      %broadcast_in_dim3A_1100 = vector.broadcast %scan3A_1099 : i32 to vector<16xi32>
      %gather3A_1101 = tpu.vector_load_idx %arg5[%broadcast_in_dim3A_409, %broadcast_in_dim3A_1100] : memref<200x128xi32, #tpu.memory_space<vmem>>[vector<16xi32>, vector<16xi32>], vector<16xi32>,
      %and3A_1102 = arith.constant 1 : i32
      %and3A_1103 = vector.broadcast %and3A_1102 : i32 to vector<16xi32>
      %and3A_1104 = arith.andi %gather3A_1101, %and3A_1103 : vector<16xi32>
      %eq3A_1105 = arith.constant 1 : i32
      %eq3A_1106 = vector.broadcast %eq3A_1105 : i32 to vector<16xi32>
      %eq3A_1107 = arith.cmpi eq, %and3A_1104, %eq3A_1106 : vector<16xi32>
      %get3A_1108 = arith.constant 1 : i32
      %get3A_1109 = arith.index_cast %get3A_1108 : i32 to index
      %get3A_1110 = arith.index_cast %scan3A_1099 : i32 to index
      %get3A_1111 = arith.constant 0 : index
      %get3A_1112 = tpu.vector_load %arg7[%get3A_1109, %get3A_1110, %get3A_1111] {strides = array<i32>} : memref<3x128x128xf32, #tpu.memory_space<vmem>>, vector<16xf32>,
      %get3A_1113 = arith.constant 1 : i32
      %get3A_1114 = arith.index_cast %get3A_1113 : i32 to index
      %get3A_1115 = arith.index_cast %scan3A_1099 : i32 to index
      %get3A_1116 = arith.constant 64 : index
      %get3A_1117 = tpu.vector_load %arg7[%get3A_1114, %get3A_1115, %get3A_1116] {strides = array<i32>} : memref<3x128x128xf32, #tpu.memory_space<vmem>>, vector<16xf32>,
      %select_n3A_1118 = arith.select %eq3A_1107, %get3A_1117, %get3A_1112 : vector<16xi1>, vector<16xf32>
      %mul3A_1119 = arith.constant 8.000000e+00 : f32
      %mul3A_1120 = vector.broadcast %mul3A_1119 : f32 to vector<16xf32>
      %mul3A_1121 = arith.mulf %select_n3A_1118, %mul3A_1120 : vector<16xf32>
      %swap3A_1122 = arith.constant 1 : i32
      %swap3A_1123 = arith.index_cast %swap3A_1122 : i32 to index
      %swap3A_1124 = arith.index_cast %scan3A_1099 : i32 to index
      %swap3A_1125 = arith.constant 0 : index
      %swap3A_1126 = tpu.vector_load %arg8[%swap3A_1123, %swap3A_1124, %swap3A_1125] {strides = array<i32>} : memref<3x128x64xf32, #tpu.memory_space<vmem>>, vector<16xf32>,
      tpu.vector_store %arg8[%swap3A_1123, %swap3A_1124, %swap3A_1125], %mul3A_1121 {strides = array<i32>} : memref<3x128x64xf32, #tpu.memory_space<vmem>>, vector<16xf32>,
      %get3A_1127 = arith.constant 1 : i32
      %get3A_1128 = arith.index_cast %get3A_1127 : i32 to index
      %get3A_1129 = arith.index_cast %scan3A_1099 : i32 to index
      %get3A_1130 = arith.constant 16 : index
      %get3A_1131 = tpu.vector_load %arg7[%get3A_1128, %get3A_1129, %get3A_1130] {strides = array<i32>} : memref<3x128x128xf32, #tpu.memory_space<vmem>>, vector<16xf32>,
      %get3A_1132 = arith.constant 1 : i32
      %get3A_1133 = arith.index_cast %get3A_1132 : i32 to index
      %get3A_1134 = arith.index_cast %scan3A_1099 : i32 to index
      %get3A_1135 = arith.constant 80 : index
      %get3A_1136 = tpu.vector_load %arg7[%get3A_1133, %get3A_1134, %get3A_1135] {strides = array<i32>} : memref<3x128x128xf32, #tpu.memory_space<vmem>>, vector<16xf32>,
      %select_n3A_1137 = arith.select %eq3A_1107, %get3A_1136, %get3A_1131 : vector<16xi1>, vector<16xf32>
      %mul3A_1138 = arith.constant 8.000000e+00 : f32
      %mul3A_1139 = vector.broadcast %mul3A_1138 : f32 to vector<16xf32>
      %mul3A_1140 = arith.mulf %select_n3A_1137, %mul3A_1139 : vector<16xf32>
      %swap3A_1141 = arith.constant 1 : i32
      %swap3A_1142 = arith.index_cast %swap3A_1141 : i32 to index
      %swap3A_1143 = arith.index_cast %scan3A_1099 : i32 to index
      %swap3A_1144 = arith.constant 16 : index
      %swap3A_1145 = tpu.vector_load %arg8[%swap3A_1142, %swap3A_1143, %swap3A_1144] {strides = array<i32>} : memref<3x128x64xf32, #tpu.memory_space<vmem>>, vector<16xf32>,
      tpu.vector_store %arg8[%swap3A_1142, %swap3A_1143, %swap3A_1144], %mul3A_1140 {strides = array<i32>} : memref<3x128x64xf32, #tpu.memory_space<vmem>>, vector<16xf32>,
      %get3A_1146 = arith.constant 1 : i32
      %get3A_1147 = arith.index_cast %get3A_1146 : i32 to index
      %get3A_1148 = arith.index_cast %scan3A_1099 : i32 to index
      %get3A_1149 = arith.constant 32 : index
      %get3A_1150 = tpu.vector_load %arg7[%get3A_1147, %get3A_1148, %get3A_1149] {strides = array<i32>} : memref<3x128x128xf32, #tpu.memory_space<vmem>>, vector<16xf32>,
      %get3A_1151 = arith.constant 1 : i32
      %get3A_1152 = arith.index_cast %get3A_1151 : i32 to index
      %get3A_1153 = arith.index_cast %scan3A_1099 : i32 to index
      %get3A_1154 = arith.constant 96 : index
      %get3A_1155 = tpu.vector_load %arg7[%get3A_1152, %get3A_1153, %get3A_1154] {strides = array<i32>} : memref<3x128x128xf32, #tpu.memory_space<vmem>>, vector<16xf32>,
      %select_n3A_1156 = arith.select %eq3A_1107, %get3A_1155, %get3A_1150 : vector<16xi1>, vector<16xf32>
      %mul3A_1157 = arith.constant 8.000000e+00 : f32
      %mul3A_1158 = vector.broadcast %mul3A_1157 : f32 to vector<16xf32>
      %mul3A_1159 = arith.mulf %select_n3A_1156, %mul3A_1158 : vector<16xf32>
      %swap3A_1160 = arith.constant 1 : i32
      %swap3A_1161 = arith.index_cast %swap3A_1160 : i32 to index
      %swap3A_1162 = arith.index_cast %scan3A_1099 : i32 to index
      %swap3A_1163 = arith.constant 32 : index
      %swap3A_1164 = tpu.vector_load %arg8[%swap3A_1161, %swap3A_1162, %swap3A_1163] {strides = array<i32>} : memref<3x128x64xf32, #tpu.memory_space<vmem>>, vector<16xf32>,
      tpu.vector_store %arg8[%swap3A_1161, %swap3A_1162, %swap3A_1163], %mul3A_1159 {strides = array<i32>} : memref<3x128x64xf32, #tpu.memory_space<vmem>>, vector<16xf32>,
      %get3A_1165 = arith.constant 1 : i32
      %get3A_1166 = arith.index_cast %get3A_1165 : i32 to index
      %get3A_1167 = arith.index_cast %scan3A_1099 : i32 to index
      %get3A_1168 = arith.constant 48 : index
      %get3A_1169 = tpu.vector_load %arg7[%get3A_1166, %get3A_1167, %get3A_1168] {strides = array<i32>} : memref<3x128x128xf32, #tpu.memory_space<vmem>>, vector<16xf32>,
      %get3A_1170 = arith.constant 1 : i32
      %get3A_1171 = arith.index_cast %get3A_1170 : i32 to index
      %get3A_1172 = arith.index_cast %scan3A_1099 : i32 to index
      %get3A_1173 = arith.constant 112 : index
      %get3A_1174 = tpu.vector_load %arg7[%get3A_1171, %get3A_1172, %get3A_1173] {strides = array<i32>} : memref<3x128x128xf32, #tpu.memory_space<vmem>>, vector<16xf32>,
      %select_n3A_1175 = arith.select %eq3A_1107, %get3A_1174, %get3A_1169 : vector<16xi1>, vector<16xf32>
      %mul3A_1176 = arith.constant 8.000000e+00 : f32
      %mul3A_1177 = vector.broadcast %mul3A_1176 : f32 to vector<16xf32>
      %mul3A_1178 = arith.mulf %select_n3A_1175, %mul3A_1177 : vector<16xf32>
      %swap3A_1179 = arith.constant 1 : i32
      %swap3A_1180 = arith.index_cast %swap3A_1179 : i32 to index
      %swap3A_1181 = arith.index_cast %scan3A_1099 : i32 to index
      %swap3A_1182 = arith.constant 48 : index
      %swap3A_1183 = tpu.vector_load %arg8[%swap3A_1180, %swap3A_1181, %swap3A_1182] {strides = array<i32>} : memref<3x128x64xf32, #tpu.memory_space<vmem>>, vector<16xf32>,
      tpu.vector_store %arg8[%swap3A_1180, %swap3A_1181, %swap3A_1182], %mul3A_1178 {strides = array<i32>} : memref<3x128x64xf32, #tpu.memory_space<vmem>>, vector<16xf32>,
      %scan3A_1184 = arith.constant 0 : i32
      scf.yield %scan3A_1184 : i32
    }
    %scan3A_416 = arith.constant 128 : i32
    %dma_start3A_417 = arith.constant 1 : i32
    %dma_start3A_418 = arith.constant 199 : i32
    %dma_start3A_419 = arith.constant 1 : i32
    %dma_start3A_420 = arith.constant 0 : i32
    %dma_start3A_421 = arith.constant 0 : i32
    %dma_start3A_422 = tpu.memref_slice %arg8[%dma_start3A_417, %dma_start3A_420, %dma_start3A_421] : memref<3x128x64xf32, #tpu.memory_space<vmem>> -> memref<1x128x64xf32, #tpu.memory_space<vmem>>
    %dma_start3A_423 = tpu.memref_squeeze %dma_start3A_422 : memref<1x128x64xf32, #tpu.memory_space<vmem>> -> memref<128x64xf32, #tpu.memory_space<vmem>>
    %dma_start3A_424 = arith.constant 0 : i32
    %dma_start3A_425 = tpu.memref_slice %arg4[%mul3A_2, %dma_start3A_418, %dma_start3A_424] : memref<4096x200x64xf32, #tpu.memory_space<hbm>> -> memref<128x1x64xf32, #tpu.memory_space<hbm>>
    %dma_start3A_426 = tpu.memref_squeeze %dma_start3A_425 : memref<128x1x64xf32, #tpu.memory_space<hbm>> -> memref<128x64xf32, #tpu.memory_space<hbm>>
    %dma_start3A_427 = tpu.memref_slice %arg10[%dma_start3A_419] : memref<3x!tpu.dma_semaphore, #tpu.memory_space<semaphore_mem>> -> memref<1x!tpu.dma_semaphore, #tpu.memory_space<semaphore_mem>>
    %dma_start3A_428 = tpu.memref_squeeze %dma_start3A_427 : memref<1x!tpu.dma_semaphore, #tpu.memory_space<semaphore_mem>> -> memref<!tpu.dma_semaphore, #tpu.memory_space<semaphore_mem>>
    %dma_start3A_429 = arith.constant 0 : i32
    %dma_start3A_430 = tpu.memref_slice %arg4[%mul3A_2, %dma_start3A_418, %dma_start3A_429] : memref<4096x200x64xf32, #tpu.memory_space<hbm>> -> memref<128x1x64xf32, #tpu.memory_space<hbm>>
    %dma_start3A_431 = tpu.memref_squeeze %dma_start3A_430 : memref<128x1x64xf32, #tpu.memory_space<hbm>> -> memref<128x64xf32, #tpu.memory_space<hbm>>
    %dma_start3A_432 = arith.constant 0 : i32
    %dma_start3A_433 = arith.constant 0 : i32
    %dma_start3A_434 = tpu.memref_slice %arg8[%dma_start3A_417, %dma_start3A_432, %dma_start3A_433] : memref<3x128x64xf32, #tpu.memory_space<vmem>> -> memref<1x128x64xf32, #tpu.memory_space<vmem>>
    %dma_start3A_435 = tpu.memref_squeeze %dma_start3A_434 : memref<1x128x64xf32, #tpu.memory_space<vmem>> -> memref<128x64xf32, #tpu.memory_space<vmem>>
    tpu.enqueue_dma source(%dma_start3A_435 : memref<128x64xf32, #tpu.memory_space<vmem>>) target(%dma_start3A_431 : memref<128x64xf32, #tpu.memory_space<hbm>>) target_semaphore(%dma_start3A_428 : memref<!tpu.dma_semaphore, #tpu.memory_space<semaphore_mem>>)
    %dma_wait3A_436 = arith.constant 0 : i32
    %dma_wait3A_437 = arith.constant 0 : i32
    %dma_wait3A_438 = arith.constant 0 : i32
    %dma_wait3A_439 = arith.constant 0 : i32
    %dma_wait3A_440 = arith.constant 0 : i32
    %dma_wait3A_441 = tpu.memref_slice %arg8[%dma_wait3A_436, %dma_wait3A_439, %dma_wait3A_440] : memref<3x128x64xf32, #tpu.memory_space<vmem>> -> memref<1x128x64xf32, #tpu.memory_space<vmem>>
    %dma_wait3A_442 = tpu.memref_squeeze %dma_wait3A_441 : memref<1x128x64xf32, #tpu.memory_space<vmem>> -> memref<128x64xf32, #tpu.memory_space<vmem>>
    %dma_wait3A_443 = arith.constant 0 : i32
    %dma_wait3A_444 = tpu.memref_slice %arg4[%mul3A_2, %dma_wait3A_437, %dma_wait3A_443] : memref<4096x200x64xf32, #tpu.memory_space<hbm>> -> memref<128x1x64xf32, #tpu.memory_space<hbm>>
    %dma_wait3A_445 = tpu.memref_squeeze %dma_wait3A_444 : memref<128x1x64xf32, #tpu.memory_space<hbm>> -> memref<128x64xf32, #tpu.memory_space<hbm>>
    %dma_wait3A_446 = tpu.memref_slice %arg10[%dma_wait3A_438] : memref<3x!tpu.dma_semaphore, #tpu.memory_space<semaphore_mem>> -> memref<1x!tpu.dma_semaphore, #tpu.memory_space<semaphore_mem>>
    %dma_wait3A_447 = tpu.memref_squeeze %dma_wait3A_446 : memref<1x!tpu.dma_semaphore, #tpu.memory_space<semaphore_mem>> -> memref<!tpu.dma_semaphore, #tpu.memory_space<semaphore_mem>>
    %dma_wait3A_448 = arith.constant 0 : i32
    %dma_wait3A_449 = tpu.memref_slice %arg4[%mul3A_2, %dma_wait3A_437, %dma_wait3A_448] : memref<4096x200x64xf32, #tpu.memory_space<hbm>> -> memref<128x1x64xf32, #tpu.memory_space<hbm>>
    %dma_wait3A_450 = tpu.memref_squeeze %dma_wait3A_449 : memref<128x1x64xf32, #tpu.memory_space<hbm>> -> memref<128x64xf32, #tpu.memory_space<hbm>>
    %dma_wait3A_451 = arith.constant 0 : i32
    %dma_wait3A_452 = arith.constant 0 : i32
    %dma_wait3A_453 = tpu.memref_slice %arg8[%dma_wait3A_436, %dma_wait3A_451, %dma_wait3A_452] : memref<3x128x64xf32, #tpu.memory_space<vmem>> -> memref<1x128x64xf32, #tpu.memory_space<vmem>>
    %dma_wait3A_454 = tpu.memref_squeeze %dma_wait3A_453 : memref<1x128x64xf32, #tpu.memory_space<vmem>> -> memref<128x64xf32, #tpu.memory_space<vmem>>
    tpu.wait_dma2 semaphore(%dma_wait3A_447 : memref<!tpu.dma_semaphore, #tpu.memory_space<semaphore_mem>>) src(%dma_wait3A_454 : memref<128x64xf32, #tpu.memory_space<vmem>>) dst(%dma_wait3A_450 : memref<128x64xf32, #tpu.memory_space<hbm>>)
    %dma_wait3A_455 = arith.constant 1 : i32
    %dma_wait3A_456 = arith.constant 0 : i32
    %dma_wait3A_457 = arith.constant 1 : i32
    %dma_wait3A_458 = arith.constant 0 : i32
    %dma_wait3A_459 = arith.constant 0 : i32
    %dma_wait3A_460 = tpu.memref_slice %arg8[%dma_wait3A_455, %dma_wait3A_458, %dma_wait3A_459] : memref<3x128x64xf32, #tpu.memory_space<vmem>> -> memref<1x128x64xf32, #tpu.memory_space<vmem>>
    %dma_wait3A_461 = tpu.memref_squeeze %dma_wait3A_460 : memref<1x128x64xf32, #tpu.memory_space<vmem>> -> memref<128x64xf32, #tpu.memory_space<vmem>>
    %dma_wait3A_462 = arith.constant 0 : i32
    %dma_wait3A_463 = tpu.memref_slice %arg4[%mul3A_2, %dma_wait3A_456, %dma_wait3A_462] : memref<4096x200x64xf32, #tpu.memory_space<hbm>> -> memref<128x1x64xf32, #tpu.memory_space<hbm>>
    %dma_wait3A_464 = tpu.memref_squeeze %dma_wait3A_463 : memref<128x1x64xf32, #tpu.memory_space<hbm>> -> memref<128x64xf32, #tpu.memory_space<hbm>>
    %dma_wait3A_465 = tpu.memref_slice %arg10[%dma_wait3A_457] : memref<3x!tpu.dma_semaphore, #tpu.memory_space<semaphore_mem>> -> memref<1x!tpu.dma_semaphore, #tpu.memory_space<semaphore_mem>>
    %dma_wait3A_466 = tpu.memref_squeeze %dma_wait3A_465 : memref<1x!tpu.dma_semaphore, #tpu.memory_space<semaphore_mem>> -> memref<!tpu.dma_semaphore, #tpu.memory_space<semaphore_mem>>
    %dma_wait3A_467 = arith.constant 0 : i32
    %dma_wait3A_468 = tpu.memref_slice %arg4[%mul3A_2, %dma_wait3A_456, %dma_wait3A_467] : memref<4096x200x64xf32, #tpu.memory_space<hbm>> -> memref<128x1x64xf32, #tpu.memory_space<hbm>>
    %dma_wait3A_469 = tpu.memref_squeeze %dma_wait3A_468 : memref<128x1x64xf32, #tpu.memory_space<hbm>> -> memref<128x64xf32, #tpu.memory_space<hbm>>
    %dma_wait3A_470 = arith.constant 0 : i32
    %dma_wait3A_471 = arith.constant 0 : i32
    %dma_wait3A_472 = tpu.memref_slice %arg8[%dma_wait3A_455, %dma_wait3A_470, %dma_wait3A_471] : memref<3x128x64xf32, #tpu.memory_space<vmem>> -> memref<1x128x64xf32, #tpu.memory_space<vmem>>
    %dma_wait3A_473 = tpu.memref_squeeze %dma_wait3A_472 : memref<1x128x64xf32, #tpu.memory_space<vmem>> -> memref<128x64xf32, #tpu.memory_space<vmem>>
    tpu.wait_dma2 semaphore(%dma_wait3A_466 : memref<!tpu.dma_semaphore, #tpu.memory_space<semaphore_mem>>) src(%dma_wait3A_473 : memref<128x64xf32, #tpu.memory_space<vmem>>) dst(%dma_wait3A_469 : memref<128x64xf32, #tpu.memory_space<hbm>>)
    %dma_wait3A_474 = arith.constant 2 : i32
    %dma_wait3A_475 = arith.constant 0 : i32
    %dma_wait3A_476 = arith.constant 2 : i32
    %dma_wait3A_477 = arith.constant 0 : i32
    %dma_wait3A_478 = arith.constant 0 : i32
    %dma_wait3A_479 = tpu.memref_slice %arg8[%dma_wait3A_474, %dma_wait3A_477, %dma_wait3A_478] : memref<3x128x64xf32, #tpu.memory_space<vmem>> -> memref<1x128x64xf32, #tpu.memory_space<vmem>>
    %dma_wait3A_480 = tpu.memref_squeeze %dma_wait3A_479 : memref<1x128x64xf32, #tpu.memory_space<vmem>> -> memref<128x64xf32, #tpu.memory_space<vmem>>
    %dma_wait3A_481 = arith.constant 0 : i32
    %dma_wait3A_482 = tpu.memref_slice %arg4[%mul3A_2, %dma_wait3A_475, %dma_wait3A_481] : memref<4096x200x64xf32, #tpu.memory_space<hbm>> -> memref<128x1x64xf32, #tpu.memory_space<hbm>>
    %dma_wait3A_483 = tpu.memref_squeeze %dma_wait3A_482 : memref<128x1x64xf32, #tpu.memory_space<hbm>> -> memref<128x64xf32, #tpu.memory_space<hbm>>
    %dma_wait3A_484 = tpu.memref_slice %arg10[%dma_wait3A_476] : memref<3x!tpu.dma_semaphore, #tpu.memory_space<semaphore_mem>> -> memref<1x!tpu.dma_semaphore, #tpu.memory_space<semaphore_mem>>
    %dma_wait3A_485 = tpu.memref_squeeze %dma_wait3A_484 : memref<1x!tpu.dma_semaphore, #tpu.memory_space<semaphore_mem>> -> memref<!tpu.dma_semaphore, #tpu.memory_space<semaphore_mem>>
    %dma_wait3A_486 = arith.constant 0 : i32
    %dma_wait3A_487 = tpu.memref_slice %arg4[%mul3A_2, %dma_wait3A_475, %dma_wait3A_486] : memref<4096x200x64xf32, #tpu.memory_space<hbm>> -> memref<128x1x64xf32, #tpu.memory_space<hbm>>
    %dma_wait3A_488 = tpu.memref_squeeze %dma_wait3A_487 : memref<128x1x64xf32, #tpu.memory_space<hbm>> -> memref<128x64xf32, #tpu.memory_space<hbm>>
    %dma_wait3A_489 = arith.constant 0 : i32
    %dma_wait3A_490 = arith.constant 0 : i32
    %dma_wait3A_491 = tpu.memref_slice %arg8[%dma_wait3A_474, %dma_wait3A_489, %dma_wait3A_490] : memref<3x128x64xf32, #tpu.memory_space<vmem>> -> memref<1x128x64xf32, #tpu.memory_space<vmem>>
    %dma_wait3A_492 = tpu.memref_squeeze %dma_wait3A_491 : memref<1x128x64xf32, #tpu.memory_space<vmem>> -> memref<128x64xf32, #tpu.memory_space<vmem>>
    tpu.wait_dma2 semaphore(%dma_wait3A_485 : memref<!tpu.dma_semaphore, #tpu.memory_space<semaphore_mem>>) src(%dma_wait3A_492 : memref<128x64xf32, #tpu.memory_space<vmem>>) dst(%dma_wait3A_488 : memref<128x64xf32, #tpu.memory_space<hbm>>)
    return
  }
}

</mosaic_0001>

<sc_bundles>
// kernel: kernel.3.cloned.1.call-start
scs
__scs_entry_jumppad:
0x0: {  	(pc) =	sbr.rel $0x88, $3  }
0x1: {  	(tag) =	ssettag $0x0;
	lr =	simm.s32 $0x1  }
0x2: {  	[smem:$0x3F9F] =	sst lr;
	_ =	strace $0xD0000000  }
0x3: {  	_ = 	snop  }
0x4: {  	_ = 	snop  }
0x5: {  	_ = 	snop  }
0x6: {  	_ = 	snop  }
0x7: {  	_ = 	snop  }
__scs_overlays_trampoline_lowered:
0x8: {  	[smem:$0x3FAE] =	sst s0  }
0x9: {  	[smem:$0x3FAF] =	sst s1  }
0xa: {  	[smem:$0x3FB0] =	sst s2  }
0xb: {  	[smem:$0x3FB1] =	sst s3  }
0xc: {  	[smem:$0x3FB2] =	sst s4  }
0xd: {  	[smem:$0x3FB3] =	sst s5  }
0xe: {  	[smem:$0x3FB4] =	sst s6  }
0xf: {  	[smem:$0x3FB5] =	sst s7  }
0x10: {  	[smem:$0x3FB6] =	sst s8  }
0x11: {  	[smem:$0x3FB7] =	sst s9;
	s0 =	simm.s32 @!p0 $0x0  }
0x12: {  	s1 =	sld [smem:$0x3F9D];
	s0 =	simm.s32 @p0 $0x1  }
0x13: {  	[smem:$0x3FB8] =	sst s0;
	s0 =	simm.s32 @!p1 $0x0  }
0x14: {  	s2 =	sld [smem:$0x3F9C];
	s0 =	simm.s32 @p1 $0x1  }
0x15: {  	[smem:$0x3FB9] =	sst s0;
	s0 =	simm.s32 @!p2 $0x0  }
0x16: {  	s3 =	sld [smem:$0x3FDB];
	s0 =	simm.s32 @p2 $0x1  }
0x17: {  	s4 =	simm.s32 $0x1BF5;
	[smem:$0x3FBB] =	sst s0  }
0x18: {  	s0 =	sld [smem:$0x3F9E];
	_ =	swait.ge [sflag:s4], $0x0  }
0x19: {  	s7 =	sld [smem:$0x3F9F]  }
0x1a: {  	s8 =	sadd.s32 $0xFFFFE003, lr  }
0x1b: {  	s9 =	sadd.s32 $0xFFFFFEF7, lr;
	s5 =	simm.s32 $0xFFFFFFFF;
	p2 =	slt.u32 s8, $0xFFFFF086  }
0x1c: {  	p1 =	slt.u32 s9, $0xF7A;
	s5 =	simm.s32 @!p2 $0x0  }
0x1d: {  	s5 =	simm.s32 @p1 $0x1;
	p0 =	seq.s32 s7, s2  }
0x1e: {  	s7 =	smul.u32 @!p0 $0xF7A, s2;
	p2 =	seq.s32 @!p0 s5, $0x0  }
0x1f: {  	s9 =	smul.u32 $0xF7A, s1;
	s8 =	simm.s32 @!p0 $0x1BF5;
	p2 =	por !p2, p0  }
0x20: {  	[sflag:s8] =	ssyncset.s32 @!p0 $0xFFFFF086;
	s6 =	sadd.s32 @!p0 s3, s7;
	s7 =	simm.s32 @!p0 $0x108  }
0x21: {  	s3 =	sadd.s32 s3, s9;
	s6 =	sadd.s32 @!p0 $0x88, s6;
	s7 =	simm.s32 @p2 $0x1082  }
0x22: {  	[simem:s7], [sflag:s8] =	dma.local @!p0 [hbm:s6], $0xF7A  }
0x23: {  	s9 =	sor.u32 $0xD0000000, s2;
	s6 =	simm.s32 $0x108;
	_ =	swait.ge @!p0 [sflag:s8], $0x0  }
0x24: {  	s3 =	sadd.s32 $0x88, s3;
	s6 =	simm.s32 @!p1 $0x1082;
	[sflag:s4] =	ssyncset.s32 $0xFFFFF086  }
0x25: {  	[simem:s6], [sflag:s4] =	dma.local [hbm:s3], $0xF7A  }
0x26: {  	[smem:$0x3F9F] =	sst s1;
	(tag) =	ssettag s2;
	_ =	strace s9  }
0x27: {  	s1 =	sld [smem:$0x3FAF]  }
0x28: {  	s2 =	sld [smem:$0x3FB0]  }
0x29: {  	s4 =	sld [smem:$0x3FB2]  }
0x2a: {  	p0 =	seq.s32 s5, $0x0;
	s5 =	sld [smem:$0x3FB3]  }
0x2b: {  	s6 =	sld [smem:$0x3FB4]  }
0x2c: {  	s7 =	sld [smem:$0x3FB5]  }
0x2d: {  	s3 =	simm.s32 $0x108;
	s8 =	sld [smem:$0x3FB6]  }
0x2e: {  	s3 =	simm.s32 @!p0 $0x1082;
	s9 =	sld [smem:$0x3FB7]  }
0x2f: {  	lr =	sadd.s32 s0, s3;
	s0 =	sld [smem:$0x3FAE]  }
0x30: {  	s3 =	sld [smem:$0x3FB1]  }
0x31: {  	[smem:$0x3FBA] =	sst s10  }
0x32: {  	s10 =	sld [smem:$0x3FB8];
	_ =	sdelay $0x3  }
0x33: {  	p0 =	seq.s32 s10, $0x1;
	s10 =	sld [smem:$0x3FBA];
	_ =	sdelay $0x3  }
0x34: {  	[smem:$0x3FBA] =	sst s10  }
0x35: {  	s10 =	sld [smem:$0x3FB9];
	_ =	sdelay $0x3  }
0x36: {  	p1 =	seq.s32 s10, $0x1;
	s10 =	sld [smem:$0x3FBA];
	_ =	sdelay $0x3  }
0x37: {  	[smem:$0x3FBA] =	sst s10  }
0x38: {  	s10 =	sld [smem:$0x3FBB]  }
0x39: {  	_ = 	snop;
	(pc) =	sbr.ind lr, $3  }
0x3a: {  	_ = 	snop  }
0x3b: {  	_ = 	snop  }
0x3c: {  	p2 =	seq.s32 s10, $0x1;
	s10 =	sld [smem:$0x3FBA]  }
0x3d: {  	_ =	shalt  }
0x3e: {  	_ =	shalt  }
0x3f: {  	_ =	shalt  }
0x40: {  	_ =	shalt  }
0x41: {  	_ =	shalt  }
0x42: {  	_ =	shalt  }
0x43: {  	_ =	shalt  }
0x44: {  	_ =	shalt  }
0x45: {  	_ =	shalt  }
0x46: {  	_ =	shalt  }
0x47: {  	_ =	shalt  }
0x48: {  	_ =	shalt  }
0x49: {  	_ =	shalt  }
0x4a: {  	_ =	shalt  }
0x4b: {  	_ =	shalt  }
0x4c: {  	_ =	shalt  }
0x4d: {  	_ =	shalt  }
0x4e: {  	_ =	shalt  }
0x4f: {  	_ =	shalt  }
0x50: {  	_ =	shalt  }
0x51: {  	_ =	shalt  }
0x52: {  	_ =	shalt  }
0x53: {  	_ =	shalt  }
0x54: {  	_ =	shalt  }
0x55: {  	_ =	shalt  }
0x56: {  	_ =	shalt  }
0x57: {  	_ =	shalt  }
0x58: {  	_ =	shalt  }
0x59: {  	_ =	shalt  }
0x5a: {  	_ =	shalt  }
0x5b: {  	_ =	shalt  }
0x5c: {  	_ =	shalt  }
0x5d: {  	_ =	shalt  }
0x5e: {  	_ =	shalt  }
0x5f: {  	_ =	shalt  }
0x60: {  	_ =	shalt  }
0x61: {  	_ =	shalt  }
0x62: {  	_ =	shalt  }
0x63: {  	_ =	shalt  }
0x64: {  	_ =	shalt  }
0x65: {  	_ =	shalt  }
0x66: {  	_ =	shalt  }
0x67: {  	_ =	shalt  }
0x68: {  	_ =	shalt  }
0x69: {  	_ =	shalt  }
0x6a: {  	_ =	shalt  }
0x6b: {  	_ =	shalt  }
0x6c: {  	_ =	shalt  }
0x6d: {  	_ =	shalt  }
0x6e: {  	_ =	shalt  }
0x6f: {  	_ =	shalt  }
0x70: {  	_ =	shalt  }
0x71: {  	_ =	shalt  }
0x72: {  	_ =	shalt  }
0x73: {  	_ =	shalt  }
0x74: {  	_ =	shalt  }
0x75: {  	_ =	shalt  }
0x76: {  	_ =	shalt  }
0x77: {  	_ =	shalt  }
0x78: {  	_ =	shalt  }
0x79: {  	_ =	shalt  }
0x7a: {  	_ =	shalt  }
0x7b: {  	_ =	shalt  }
0x7c: {  	_ =	shalt  }
0x7d: {  	_ =	shalt  }
0x7e: {  	_ =	shalt  }
0x7f: {  	_ =	shalt  }
0x80: {  	_ =	shalt  }
0x81: {  	_ =	shalt  }
0x82: {  	_ =	shalt  }
0x83: {  	_ =	shalt  }
0x84: {  	_ =	shalt  }
0x85: {  	_ =	shalt  }
0x86: {  	_ =	shalt  }
0x87: {  	_ =	shalt  }
.Lfunc_end0:
.L_simem_size_0:
called_computation_lowered:
.L_overlay_start_0:
0x88: {  	s2 =	sld [smem:$0x3FD9]  }
0x89: {  	s3 =	sld [smem:$0x3FFE];
	_ =	sdelay $0x1  }
0x8a: {  	s1 =	srdreg.scid  }
0x8b: {  	s0 =	sand.u32 $0x1, s1  }
0x8c: {  	s17 =	sshll.u32 s0, $0xA;
	s2 =	sadd.s32 s3, s2  }
0x8d: {  	s2 =	sadd.s32 s2, s17  }
0x8e: {  	[smem:$0x3FC6] =	sst s2  }
0x8f: {  	_ = 	snop  }
0x90: {  	s2 =	sld [smem:$0x3FC9];
	(tm) =	ssettm $0x1  }
0x91: {  	s18 =	sld [smem:$0x3FFB];
	_ =	sdelay $0x3  }
0x92: {  	_ =	strace s18  }
0x93: {  	s3 =	sld [smem:$0x3FFC];
	_ =	sdelay $0x3  }
0x94: {  	_ =	strace s3  }
0x95: {  	s3 =	sld [smem:$0x3FFD];
	_ =	sdelay $0x3  }
0x96: {  	_ =	strace s3  }
0x97: {  	_ =	strace $0x8FFFFFFF  }
0x98: {  	s19 =	sld [smem:$0x3FDB];
	_ =	sdelay $0x1  }
0x99: {  	s4 =	simm.s32 $_scs_section_size  }
0x9a: {  	s5 =	simm.s32 $_size__tile_overlayer_lowered;
	s6 =	simm.s32 $_tile_overlayer_lowered  }
0x9b: {  	s22 =	simm.s32 $0x1BFF;
	s21 =	sshll.u32 s6, $0x1;
	s3 =	sadd.s32 s4, s19  }
0x9c: {  	s7 =	simm.s32 $0x0;
	s20 =	sshll.u32 s5, $0x1;
	s5 =	sadd.s32 s21, s3  }
0x9d: {  	[timem:s7], [sflag:s22] =	dma.local [hbm:s5], s20  }
0x9e: {  	_ =	swait.ge [sflag:s22], s20  }
0x9f: {  	s4 =	ssub.s32 $0x0, s20;
	[sflag:s22] =	ssyncset.done $0x0  }
0xa0: {  	[sflag:s22] =	ssyncadd.s32 s4;
	_ =	sdelay $0x1  }
0xa1: {  	s23 =	simm.s32 $0x1B8B  }
0xa2: {  	_ =	swait.ge [sflag:s23], $0x1  }
0xa3: {  	[sflag:s23] =	ssyncset.done $0x0  }
0xa4: {  	s25 =	simm.s32 $0x1B8E;
	s24 =	sld [smem:$0x3FFE];
	[sflag:s23] =	ssyncadd.s32 $0xFFFFFFFF  }
0xa5: {  	s26 =	simm.s32 $execute0_lowered;
	[smem:$0x3FD2] =	sst s25  }
0xa6: {  	s5 =	sshll.u32 s26, $0x1;
	_ =	strace $0x80000046;
	[dreg:$0x1] =	wrdreg $0xFFFFFFFF  }
0xa7: {  	s28 =	simm.s32 $_size_execute0_lowered;
	s3 =	sadd.s32 s3, s5;
	[dreg:$0x0] =	wrdreg $0x0  }
0xa8: {  	s5 =	sshll.u32 s28, $0x1;
	[dreg:$0x2] =	wrdreg s3  }
0xa9: {  	[dreg:$0x3] =	wrdreg s5  }
0xaa: {  	[dreg:$0x4] =	wrdreg $0xC0  }
0xab: {  	_ =	task [dreg:s7], $0x5FFFF  }
0xac: {  	[dreg:$0x1] =	wrdreg $0xFFFFFFFF  }
0xad: {  	[dreg:$0x0] =	wrdreg $0x60  }
0xae: {  	[dreg:$0x2] =	wrdreg s2  }
0xaf: {  	[dreg:$0x3] =	wrdreg s24  }
0xb0: {  	[dreg:$0x4] =	wrdreg $0x9  }
0xb1: {  	_ =	task.clear_ibuf [dreg:s7], $0x5FFFF;
	_ =	strace $0x90000046  }
0xb2: {  	s29 =	simm.s32 $0x9;
	_ =	strace $0x80000048  }
0xb3: {  	_ =	swait.ge [sflag:s29], $0x1  }
0xb4: {  	[sflag:s29] =	ssyncadd.s32 $0xFFFFFFFF  }
0xb5: {  	_ =	strace $0x90000048  }
0xb6: {  	_ =	sfence  }
0xb7: {  	s30 =	sld [smem:$0x0];
	_ =	sdelay $0x2  }
0xb8: {  	s31 =	sshll.u32 s1, $0xD;
	s1 =	sshrl.u32 s1, $0x2  }
0xb9: {  	s3 =	sand.u32 $0x4000, s31;
	s1 =	sadd.s32 s1, s30  }
0xba: {  	s0 =	sor.u32 s3, s0;
	s1 =	sshll.u32 s1, $0x11  }
0xbb: {  	s0 =	sor.u32 s1, s0  }
0xbc: {  	s0 =	sadd.s32 $0x8F2B, s0  }
0xbd: {  	[sflag:s0] =	ssyncadd.remote.s32 $0x1  }
0xbe: {  	_ =	sfence.sel $0xFFFF  }
0xbf: {  	[dreg:$0x0] =	wrdreg $0xFFFFFFFF;
	(pc) =	sbr.abs _section_cstart, $3  }
0xc0: {  	[dreg:$0x1] =	wrdreg $0xFFFFFFFF  }
0xc1: {  	_ =	task.clear_ibuf [dreg:s7], $0x2FFFF;
	_ =	strace $0x9FFFFFFF  }
0xc2: {  	(tm) =	ssettm $0x7FFFFFFF  }
0xc3: {  	_ =	shalt  }
tec
execute0_lowered:
.L_overlay_start_1:
0x0: {  	(tag) =	ssettag $0x1  }
0x1: {  	s0 =	rddreg [dreg:$0x0]  }
0x2: {  	s1 =	rddreg [dreg:$0x1]  }
0x3: {  	s2 =	simm.s32 $0x0;
	s3 =	srdreg.scid;
	s5 =	stileid.u32  }
0x4: {  	s13 =	simm.s32 $0x80;
	s14 =	simm.s32 $0x6400;
	s15 =	simm.s32 $0x6600  }
0x5: {  	s16 =	simm.s32 $0x6480;
	s17 =	simm.s32 $0xA600;
	s18 =	simm.s32 $0x6500  }
0x6: {  	s19 =	simm.s32 $0xE600;
	s20 =	simm.s32 $0x1;
	s21 =	simm.s32 $0x12600  }
0x7: {  	s22 =	simm.s32 $0x2;
	s28 =	simm.s32 $0x5;
	s29 =	simm.s32 $0x6  }
0x8: {  	s30 =	simm.s32 $0x0;
	[smem:$0x7FF] =	sst s2;
	s4 =	sand.u32 $0x1, s3  }
0x9: {  	s23 =	sshll.u32 s5, $0x1;
	s3 =	sadd.s32 $0xF42800, s1;
	_ =	strace $0x80000047  }
0xa: {  	s5 =	sor.u32 s4, s23;
	s6 =	ssub.s32 $0x2, s4;
	s4 =	sadd.s32 $0x400, s1  }
0xb: {  	s7 =	smul.u32 $0x64000, s5;
	s24 =	sshrl.u32 s6, $0x1;
	s8 =	sshll.u32 s5, $0x7  }
0xc: {  	s23 =	simm.s32 $0x16600;
	s1 =	ssub.s32 s6, s24;
	s0 =	sadd.s32 s0, s8  }
0xd: {  	[dreg:$0x3] =	wrdreg s0;
	s25 =	sadd.s32 s7, s4;
	s31 =	smax.u32 s1, $0x1  }
0xe: {  	s6 =	smul.u32 $0x320000, s5;
	s26 =	sadd.s32 $0xC60, s25;
	[dreg:$0x6] =	wrdreg s31  }
0xf: {  	s24 =	simm.s32 $0x3;
	s0 =	sadd.s32 $0xC70, s25;
	[dreg:$0x4] =	wrdreg s26  }
0x10: {  	s25 =	simm.s32 $0x1A600;
	[dreg:$0x5] =	wrdreg s0;
	s26 =	simm.s32 $0x4  }
.LBB2_1:
0x11: {  	s0 =	rddreg [dreg:$0x3]  }
0x12: {  	s1 =	simm.s32 $0x400;
	s5 =	simm.s32 $0x8000;
	s12 =	simm.s32 $0x7  }
0x13: {  	[tilespmem:s2], [sflag:$0x7] =	stream.strided.gather [hbm4b:s0+s1], $0x6400, s5, s1, $0x38;
	[tilespmem:$0x1E600] =	vst v63  }
0x14: {  	_ =	swait.ge [sflag:s12], $0x6400  }
0x15: {  	[sflag:s12] =	ssyncset.done $0x0  }
0x16: {  	[sflag:s12] =	ssyncadd.s32 $0xFFFF9C00  }
0x17: {  	v0 =	vld [tilespmem:$0x0]  }
0x18: {  	v1 =	vld [tilespmem:$0x10]  }
0x19: {  	v2 =	vld [tilespmem:$0x20]  }
0x1a: {  	v3 =	vld [tilespmem:$0x30]  }
0x1b: {  	v4 =	vld [tilespmem:$0x40]  }
0x1c: {  	v5 =	vld [tilespmem:$0x50];
	v0 =	vshra.s32 v0, $0x1  }
0x1d: {  	v26 =	vld [tilespmem:$0x60];
	v25 =	vshra.s32 v1, $0x1;
	[tilespmem:$0x6400] =	vst v0  }
0x1e: {  	v28 =	vld [tilespmem:$0x70];
	v27 =	vshra.s32 v2, $0x1;
	[tilespmem:$0x6410] =	vst v25  }
0x1f: {  	v29 =	vshra.s32 v3, $0x1;
	[tilespmem:$0x6420] =	vst v27  }
0x20: {  	v30 =	vshra.s32 v4, $0x1;
	[tilespmem:$0x6430] =	vst v29  }
0x21: {  	v31 =	vshra.s32 v5, $0x1;
	[tilespmem:$0x6440] =	vst v30  }
0x22: {  	v32 =	vshra.s32 v26, $0x1;
	[tilespmem:$0x6450] =	vst v31  }
0x23: {  	v33 =	vshra.s32 v28, $0x1;
	[tilespmem:$0x6460] =	vst v32  }
0x24: {  	[tilespmem:$0x6470] =	vst v33  }
0x25: {  	[tilespmem:s15], [sflag:$0x1] =	stream.indirect.gather [hbm4b:s3+s13], $0x80, s14, s13, $0xb8;
	[tilespmem:$0x1E600] =	vst v63  }
0x26: {  	v34 =	vld [tilespmem:$0x80]  }
0x27: {  	v35 =	vld [tilespmem:$0x90]  }
0x28: {  	v36 =	vld [tilespmem:$0xA0]  }
0x29: {  	v37 =	vld [tilespmem:$0xB0]  }
0x2a: {  	v38 =	vld [tilespmem:$0xC0]  }
0x2b: {  	v39 =	vld [tilespmem:$0xD0];
	v0 =	vshra.s32 v34, $0x1  }
0x2c: {  	v41 =	vld [tilespmem:$0xE0];
	v40 =	vshra.s32 v35, $0x1;
	[tilespmem:$0x6480] =	vst v0  }
0x2d: {  	v43 =	vld [tilespmem:$0xF0];
	v42 =	vshra.s32 v36, $0x1;
	[tilespmem:$0x6490] =	vst v40  }
0x2e: {  	v44 =	vshra.s32 v37, $0x1;
	[tilespmem:$0x64A0] =	vst v42  }
0x2f: {  	v45 =	vshra.s32 v38, $0x1;
	[tilespmem:$0x64B0] =	vst v44  }
0x30: {  	v46 =	vshra.s32 v39, $0x1;
	[tilespmem:$0x64C0] =	vst v45  }
0x31: {  	v47 =	vshra.s32 v41, $0x1;
	[tilespmem:$0x64D0] =	vst v46  }
0x32: {  	v48 =	vshra.s32 v43, $0x1;
	[tilespmem:$0x64E0] =	vst v47  }
0x33: {  	[tilespmem:$0x64F0] =	vst v48  }
0x34: {  	[tilespmem:s17], [sflag:$0x2] =	stream.indirect.gather [hbm4b:s3+s13], $0x80, s16, s13, $0xb8;
	[tilespmem:$0x1E600] =	vst v63  }
0x35: {  	v49 =	vld [tilespmem:$0x100]  }
0x36: {  	v50 =	vld [tilespmem:$0x110]  }
0x37: {  	v51 =	vld [tilespmem:$0x120]  }
0x38: {  	v52 =	vld [tilespmem:$0x130]  }
0x39: {  	v53 =	vld [tilespmem:$0x140]  }
0x3a: {  	v54 =	vld [tilespmem:$0x150];
	v0 =	vshra.s32 v49, $0x1  }
0x3b: {  	v56 =	vld [tilespmem:$0x160];
	v55 =	vshra.s32 v50, $0x1;
	[tilespmem:$0x6500] =	vst v0  }
0x3c: {  	v58 =	vld [tilespmem:$0x170];
	v57 =	vshra.s32 v51, $0x1;
	[tilespmem:$0x6510] =	vst v55  }
0x3d: {  	v59 =	vshra.s32 v52, $0x1;
	[tilespmem:$0x6520] =	vst v57  }
0x3e: {  	v60 =	vshra.s32 v53, $0x1;
	[tilespmem:$0x6530] =	vst v59  }
0x3f: {  	v61 =	vshra.s32 v54, $0x1;
	[tilespmem:$0x6540] =	vst v60  }
0x40: {  	v62 =	vshra.s32 v56, $0x1;
	[tilespmem:$0x6550] =	vst v61  }
0x41: {  	v63 =	vshra.s32 v58, $0x1;
	[tilespmem:$0x6560] =	vst v62  }
0x42: {  	s31 =	simm.s32 $0x0;
	[tilespmem:$0x6570] =	vst v63  }
0x43: {  	[tilespmem:s19], [sflag:$0x3] =	stream.indirect.gather [hbm4b:s3+s13], $0x80, s18, s13, $0xb8;
	[tilespmem:$0x1E600] =	vst v63  }
.LBB2_2:
0x44: {  	_ =	swait.ge [sflag:s20], $0x4000  }
0x45: {  	p0 =	seq.s32 s31, $0x0;
	[sflag:s20] =	ssyncset.done $0x0  }
0x46: {  	s1 =	smul.u32 $0x3, s31;
	s0 =	simm.s32 @!p0 $0x4;
	[sflag:s20] =	ssyncadd.s32 $0xFFFFC000  }
0x47: {  	_ =	swait.ge @!p0 [sflag:s0], $0x4000  }
0x48: {  	s5 =	simm.s32 $0x12800;
	s12 =	sshll.u32 s1, $0x7;
	[sflag:s0] =	ssyncset.done @!p0 $0x0  }
0x49: {  	s7 =	simm.s32 $0x6800;
	v0 =	vmov s12;
	[sflag:s0] =	ssyncadd.s32 @!p0 $0xFFFFC000;
	s0 =	simm.s32 $0x0  }
.LBB2_3:
0x4a: {  	v1 =	vmov s0  }
0x4b: {  	v1 =	vand.u32 $0x78, v1  }
0x4c: {  	v1 =	vor.u32 v0, v1  }
0x4d: {  	v1 =	vbroadcast v1, $0x0;
	_ =	sdelay $0x5  }
0x4e: {  	v1 =	vld.idx.msk [tilespmem:v1+s2+$0x0], $0xffff  }
0x4f: {  	v2 =	vld [tilespmem:s7+$0xFFFFFE00]  }
0x50: {  	v3 =	vld [tilespmem:s7+$0xFFFFFE40];
	_ =	sdelay $0x2  }
0x51: {  	v1 =	vand.u32 $0x1, v1  }
0x52: {  	vm0 =	veq.s32 v1, $0x0  }
0x53: {  	v1 =	vsel vm0, v2, v3  }
0x54: {  	v1 =	vmul.f32 $8.000000000e+00, v1;
	_ =	sdelay $0x1  }
0x55: {  	[tilespmem:s5+$0xFFFFFE00] =	vst v1  }
0x56: {  	v1 =	vld [tilespmem:s7+$0xFFFFFE10]  }
0x57: {  	v2 =	vld [tilespmem:s7+$0xFFFFFE50];
	_ =	sdelay $0x4  }
0x58: {  	v1 =	vsel vm0, v1, v2  }
0x59: {  	v1 =	vmul.f32 $8.000000000e+00, v1;
	_ =	sdelay $0x1  }
0x5a: {  	[tilespmem:s5+$0xFFFFFE10] =	vst v1  }
0x5b: {  	v1 =	vld [tilespmem:s7+$0xFFFFFE20]  }
0x5c: {  	v2 =	vld [tilespmem:s7+$0xFFFFFE60];
	_ =	sdelay $0x4  }
0x5d: {  	v1 =	vsel vm0, v1, v2  }
0x5e: {  	v1 =	vmul.f32 $8.000000000e+00, v1;
	_ =	sdelay $0x1  }
0x5f: {  	[tilespmem:s5+$0xFFFFFE20] =	vst v1  }
0x60: {  	s8 =	sadd.s32 $0x1, s0;
	v1 =	vld [tilespmem:s7+$0xFFFFFE30]  }
0x61: {  	v3 =	vmov s8;
	v2 =	vld [tilespmem:s7+$0xFFFFFE70]  }
0x62: {  	v3 =	vand.u32 $0x79, v3  }
0x63: {  	v3 =	vor.u32 v0, v3  }
0x64: {  	v3 =	vbroadcast v3, $0x0;
	_ =	sdelay $0x1  }
0x65: {  	v1 =	vsel vm0, v1, v2  }
0x66: {  	v1 =	vmul.f32 $8.000000000e+00, v1;
	_ =	sdelay $0x1  }
0x67: {  	[tilespmem:s5+$0xFFFFFE30] =	vst v1  }
0x68: {  	v1 =	vld.idx.msk [tilespmem:v3+s2+$0x0], $0xffff  }
0x69: {  	v2 =	vld [tilespmem:s7+$0xFFFFFE80]  }
0x6a: {  	v3 =	vld [tilespmem:s7+$0xFFFFFEC0];
	_ =	sdelay $0x2  }
0x6b: {  	v1 =	vand.u32 $0x1, v1  }
0x6c: {  	vm9 =	veq.s32 v1, $0x0  }
0x6d: {  	v1 =	vsel vm9, v2, v3  }
0x6e: {  	v1 =	vmul.f32 $8.000000000e+00, v1;
	_ =	sdelay $0x1  }
0x6f: {  	[tilespmem:s5+$0xFFFFFE80] =	vst v1  }
0x70: {  	v1 =	vld [tilespmem:s7+$0xFFFFFE90]  }
0x71: {  	v2 =	vld [tilespmem:s7+$0xFFFFFED0];
	_ =	sdelay $0x4  }
0x72: {  	v1 =	vsel vm9, v1, v2  }
0x73: {  	v1 =	vmul.f32 $8.000000000e+00, v1;
	_ =	sdelay $0x1  }
0x74: {  	[tilespmem:s5+$0xFFFFFE90] =	vst v1  }
0x75: {  	v1 =	vld [tilespmem:s7+$0xFFFFFEA0]  }
0x76: {  	v2 =	vld [tilespmem:s7+$0xFFFFFEE0];
	_ =	sdelay $0x4  }
0x77: {  	v1 =	vsel vm9, v1, v2  }
0x78: {  	v1 =	vmul.f32 $8.000000000e+00, v1;
	_ =	sdelay $0x1  }
0x79: {  	[tilespmem:s5+$0xFFFFFEA0] =	vst v1  }
0x7a: {  	s11 =	sadd.s32 $0x2, s0;
	v1 =	vld [tilespmem:s7+$0xFFFFFEB0]  }
0x7b: {  	v3 =	vmov s11;
	v2 =	vld [tilespmem:s7+$0xFFFFFEF0]  }
0x7c: {  	v3 =	vand.u32 $0x7A, v3  }
0x7d: {  	v3 =	vor.u32 v0, v3  }
0x7e: {  	v3 =	vbroadcast v3, $0x0;
	_ =	sdelay $0x1  }
0x7f: {  	v1 =	vsel vm9, v1, v2  }
0x80: {  	v1 =	vmul.f32 $8.000000000e+00, v1;
	_ =	sdelay $0x1  }
0x81: {  	[tilespmem:s5+$0xFFFFFEB0] =	vst v1  }
0x82: {  	v1 =	vld.idx.msk [tilespmem:v3+s2+$0x0], $0xffff  }
0x83: {  	v2 =	vld [tilespmem:s7+$0xFFFFFF00]  }
0x84: {  	v3 =	vld [tilespmem:s7+$0xFFFFFF40];
	_ =	sdelay $0x2  }
0x85: {  	v1 =	vand.u32 $0x1, v1  }
0x86: {  	vm10 =	veq.s32 v1, $0x0  }
0x87: {  	v1 =	vsel vm10, v2, v3  }
0x88: {  	v1 =	vmul.f32 $8.000000000e+00, v1;
	_ =	sdelay $0x1  }
0x89: {  	[tilespmem:s5+$0xFFFFFF00] =	vst v1  }
0x8a: {  	v1 =	vld [tilespmem:s7+$0xFFFFFF10]  }
0x8b: {  	v2 =	vld [tilespmem:s7+$0xFFFFFF50];
	_ =	sdelay $0x4  }
0x8c: {  	v1 =	vsel vm10, v1, v2  }
0x8d: {  	v1 =	vmul.f32 $8.000000000e+00, v1;
	_ =	sdelay $0x1  }
0x8e: {  	[tilespmem:s5+$0xFFFFFF10] =	vst v1  }
0x8f: {  	v1 =	vld [tilespmem:s7+$0xFFFFFF20]  }
0x90: {  	v2 =	vld [tilespmem:s7+$0xFFFFFF60];
	_ =	sdelay $0x4  }
0x91: {  	v1 =	vsel vm10, v1, v2  }
0x92: {  	v1 =	vmul.f32 $8.000000000e+00, v1;
	_ =	sdelay $0x1  }
0x93: {  	[tilespmem:s5+$0xFFFFFF20] =	vst v1  }
0x94: {  	s12 =	sadd.s32 $0x3, s0;
	v1 =	vld [tilespmem:s7+$0xFFFFFF30]  }
0x95: {  	v3 =	vmov s12;
	v2 =	vld [tilespmem:s7+$0xFFFFFF70]  }
0x96: {  	v3 =	vand.u32 $0x7B, v3  }
0x97: {  	v3 =	vor.u32 v0, v3  }
0x98: {  	v3 =	vbroadcast v3, $0x0;
	_ =	sdelay $0x1  }
0x99: {  	v1 =	vsel vm10, v1, v2  }
0x9a: {  	v1 =	vmul.f32 $8.000000000e+00, v1;
	_ =	sdelay $0x1  }
0x9b: {  	[tilespmem:s5+$0xFFFFFF30] =	vst v1  }
0x9c: {  	v1 =	vld.idx.msk [tilespmem:v3+s2+$0x0], $0xffff  }
0x9d: {  	v2 =	vld [tilespmem:s7+$0xFFFFFF80]  }
0x9e: {  	v3 =	vld [tilespmem:s7+$0xFFFFFFC0];
	_ =	sdelay $0x2  }
0x9f: {  	v1 =	vand.u32 $0x1, v1  }
0xa0: {  	vm11 =	veq.s32 v1, $0x0  }
0xa1: {  	v1 =	vsel vm11, v2, v3  }
0xa2: {  	v1 =	vmul.f32 $8.000000000e+00, v1;
	_ =	sdelay $0x1  }
0xa3: {  	[tilespmem:s5+$0xFFFFFF80] =	vst v1  }
0xa4: {  	v1 =	vld [tilespmem:s7+$0xFFFFFF90]  }
0xa5: {  	v2 =	vld [tilespmem:s7+$0xFFFFFFD0];
	_ =	sdelay $0x4  }
0xa6: {  	v1 =	vsel vm11, v1, v2  }
0xa7: {  	v1 =	vmul.f32 $8.000000000e+00, v1;
	_ =	sdelay $0x1  }
0xa8: {  	[tilespmem:s5+$0xFFFFFF90] =	vst v1  }
0xa9: {  	v1 =	vld [tilespmem:s7+$0xFFFFFFA0]  }
0xaa: {  	v2 =	vld [tilespmem:s7+$0xFFFFFFE0];
	_ =	sdelay $0x4  }
0xab: {  	v1 =	vsel vm11, v1, v2  }
0xac: {  	v1 =	vmul.f32 $8.000000000e+00, v1;
	_ =	sdelay $0x1  }
0xad: {  	[tilespmem:s5+$0xFFFFFFA0] =	vst v1  }
0xae: {  	s9 =	sadd.s32 $0x4, s0;
	v1 =	vld [tilespmem:s7+$0xFFFFFFB0]  }
0xaf: {  	v3 =	vmov s9;
	v2 =	vld [tilespmem:s7+$0xFFFFFFF0]  }
0xb0: {  	v3 =	vand.u32 $0x7C, v3  }
0xb1: {  	v3 =	vor.u32 v0, v3  }
0xb2: {  	v3 =	vbroadcast v3, $0x0;
	_ =	sdelay $0x1  }
0xb3: {  	v1 =	vsel vm11, v1, v2  }
0xb4: {  	v1 =	vmul.f32 $8.000000000e+00, v1;
	_ =	sdelay $0x1  }
0xb5: {  	[tilespmem:s5+$0xFFFFFFB0] =	vst v1  }
0xb6: {  	v1 =	vld.idx.msk [tilespmem:v3+s2+$0x0], $0xffff  }
0xb7: {  	v2 =	vld [tilespmem:s7+$0x0]  }
0xb8: {  	v3 =	vld [tilespmem:s7+$0x40];
	_ =	sdelay $0x2  }
0xb9: {  	v1 =	vand.u32 $0x1, v1  }
0xba: {  	vm12 =	veq.s32 v1, $0x0  }
0xbb: {  	v1 =	vsel vm12, v2, v3  }
0xbc: {  	v1 =	vmul.f32 $8.000000000e+00, v1;
	_ =	sdelay $0x1  }
0xbd: {  	[tilespmem:s5+$0x0] =	vst v1  }
0xbe: {  	v1 =	vld [tilespmem:s7+$0x10]  }
0xbf: {  	v2 =	vld [tilespmem:s7+$0x50];
	_ =	sdelay $0x4  }
0xc0: {  	v1 =	vsel vm12, v1, v2  }
0xc1: {  	v1 =	vmul.f32 $8.000000000e+00, v1;
	_ =	sdelay $0x1  }
0xc2: {  	[tilespmem:s5+$0x10] =	vst v1  }
0xc3: {  	v1 =	vld [tilespmem:s7+$0x20]  }
0xc4: {  	v2 =	vld [tilespmem:s7+$0x60];
	_ =	sdelay $0x4  }
0xc5: {  	v1 =	vsel vm12, v1, v2  }
0xc6: {  	v1 =	vmul.f32 $8.000000000e+00, v1;
	_ =	sdelay $0x1  }
0xc7: {  	[tilespmem:s5+$0x20] =	vst v1  }
0xc8: {  	s10 =	sadd.s32 $0x5, s0;
	v1 =	vld [tilespmem:s7+$0x30]  }
0xc9: {  	v3 =	vmov s10;
	v2 =	vld [tilespmem:s7+$0x70]  }
0xca: {  	v3 =	vand.u32 $0x7D, v3  }
0xcb: {  	v3 =	vor.u32 v0, v3  }
0xcc: {  	v3 =	vbroadcast v3, $0x0;
	_ =	sdelay $0x1  }
0xcd: {  	v1 =	vsel vm12, v1, v2  }
0xce: {  	v1 =	vmul.f32 $8.000000000e+00, v1;
	_ =	sdelay $0x1  }
0xcf: {  	[tilespmem:s5+$0x30] =	vst v1  }
0xd0: {  	v1 =	vld.idx.msk [tilespmem:v3+s2+$0x0], $0xffff  }
0xd1: {  	v2 =	vld [tilespmem:s7+$0x80]  }
0xd2: {  	v3 =	vld [tilespmem:s7+$0xC0];
	_ =	sdelay $0x2  }
0xd3: {  	v1 =	vand.u32 $0x1, v1  }
0xd4: {  	vm13 =	veq.s32 v1, $0x0  }
0xd5: {  	v1 =	vsel vm13, v2, v3  }
0xd6: {  	v1 =	vmul.f32 $8.000000000e+00, v1;
	_ =	sdelay $0x1  }
0xd7: {  	[tilespmem:s5+$0x80] =	vst v1  }
0xd8: {  	v1 =	vld [tilespmem:s7+$0x90]  }
0xd9: {  	v2 =	vld [tilespmem:s7+$0xD0];
	_ =	sdelay $0x4  }
0xda: {  	v1 =	vsel vm13, v1, v2  }
0xdb: {  	v1 =	vmul.f32 $8.000000000e+00, v1;
	_ =	sdelay $0x1  }
0xdc: {  	[tilespmem:s5+$0x90] =	vst v1  }
0xdd: {  	v1 =	vld [tilespmem:s7+$0xA0]  }
0xde: {  	v2 =	vld [tilespmem:s7+$0xE0];
	_ =	sdelay $0x4  }
0xdf: {  	v1 =	vsel vm13, v1, v2  }
0xe0: {  	v1 =	vmul.f32 $8.000000000e+00, v1;
	_ =	sdelay $0x1  }
0xe1: {  	[tilespmem:s5+$0xA0] =	vst v1  }
0xe2: {  	s11 =	sadd.s32 $0x6, s0;
	v1 =	vld [tilespmem:s7+$0xB0]  }
0xe3: {  	v3 =	vmov s11;
	v2 =	vld [tilespmem:s7+$0xF0]  }
0xe4: {  	v3 =	vand.u32 $0x7E, v3  }
0xe5: {  	v3 =	vor.u32 v0, v3  }
0xe6: {  	v3 =	vbroadcast v3, $0x0;
	_ =	sdelay $0x1  }
0xe7: {  	v1 =	vsel vm13, v1, v2  }
0xe8: {  	v1 =	vmul.f32 $8.000000000e+00, v1;
	_ =	sdelay $0x1  }
0xe9: {  	[tilespmem:s5+$0xB0] =	vst v1  }
0xea: {  	v1 =	vld.idx.msk [tilespmem:v3+s2+$0x0], $0xffff  }
0xeb: {  	v2 =	vld [tilespmem:s7+$0x100]  }
0xec: {  	v3 =	vld [tilespmem:s7+$0x140];
	_ =	sdelay $0x2  }
0xed: {  	v1 =	vand.u32 $0x1, v1  }
0xee: {  	vm14 =	veq.s32 v1, $0x0  }
0xef: {  	v1 =	vsel vm14, v2, v3  }
0xf0: {  	v1 =	vmul.f32 $8.000000000e+00, v1;
	_ =	sdelay $0x1  }
0xf1: {  	[tilespmem:s5+$0x100] =	vst v1  }
0xf2: {  	v1 =	vld [tilespmem:s7+$0x110]  }
0xf3: {  	v2 =	vld [tilespmem:s7+$0x150];
	_ =	sdelay $0x4  }
0xf4: {  	v1 =	vsel vm14, v1, v2  }
0xf5: {  	v1 =	vmul.f32 $8.000000000e+00, v1;
	_ =	sdelay $0x1  }
0xf6: {  	[tilespmem:s5+$0x110] =	vst v1  }
0xf7: {  	v1 =	vld [tilespmem:s7+$0x120]  }
0xf8: {  	v2 =	vld [tilespmem:s7+$0x160];
	_ =	sdelay $0x4  }
0xf9: {  	v1 =	vsel vm14, v1, v2  }
0xfa: {  	v1 =	vmul.f32 $8.000000000e+00, v1;
	_ =	sdelay $0x1  }
0xfb: {  	[tilespmem:s5+$0x120] =	vst v1  }
0xfc: {  	s12 =	sadd.s32 $0x7, s0;
	v1 =	vld [tilespmem:s7+$0x130]  }
0xfd: {  	v3 =	vmov s12;
	v2 =	vld [tilespmem:s7+$0x170]  }
0xfe: {  	v3 =	vand.u32 $0x7F, v3  }
0xff: {  	v3 =	vor.u32 v0, v3  }
0x100: {  	v3 =	vbroadcast v3, $0x0;
	_ =	sdelay $0x1  }
0x101: {  	v1 =	vsel vm14, v1, v2  }
0x102: {  	v1 =	vmul.f32 $8.000000000e+00, v1;
	_ =	sdelay $0x1  }
0x103: {  	[tilespmem:s5+$0x130] =	vst v1  }
0x104: {  	v1 =	vld.idx.msk [tilespmem:v3+s2+$0x0], $0xffff  }
0x105: {  	v2 =	vld [tilespmem:s7+$0x180]  }
0x106: {  	v3 =	vld [tilespmem:s7+$0x1C0];
	_ =	sdelay $0x2  }
0x107: {  	v1 =	vand.u32 $0x1, v1  }
0x108: {  	vm15 =	veq.s32 v1, $0x0  }
0x109: {  	v1 =	vsel vm15, v2, v3  }
0x10a: {  	v1 =	vmul.f32 $8.000000000e+00, v1;
	_ =	sdelay $0x1  }
0x10b: {  	[tilespmem:s5+$0x180] =	vst v1  }
0x10c: {  	v1 =	vld [tilespmem:s7+$0x190]  }
0x10d: {  	v2 =	vld [tilespmem:s7+$0x1D0];
	_ =	sdelay $0x4  }
0x10e: {  	v1 =	vsel vm15, v1, v2  }
0x10f: {  	v1 =	vmul.f32 $8.000000000e+00, v1;
	_ =	sdelay $0x1  }
0x110: {  	[tilespmem:s5+$0x190] =	vst v1  }
0x111: {  	v1 =	vld [tilespmem:s7+$0x1A0]  }
0x112: {  	v2 =	vld [tilespmem:s7+$0x1E0];
	_ =	sdelay $0x4  }
0x113: {  	v1 =	vsel vm15, v1, v2  }
0x114: {  	v1 =	vmul.f32 $8.000000000e+00, v1;
	_ =	sdelay $0x1  }
0x115: {  	[tilespmem:s5+$0x1A0] =	vst v1  }
0x116: {  	v1 =	vld [tilespmem:s7+$0x1B0]  }
0x117: {  	v2 =	vld [tilespmem:s7+$0x1F0];
	_ =	sdelay $0x2  }
0x118: {  	p1 =	slt.u32 s0, $0x78  }
.Ltmp0:
0x119: {  	_ = 	snop;
	(pc) =	sbr.rel @p1 .LBB2_3-.Ltmp0, $3  }
0x11a: {  	v1 =	vsel vm15, v1, v2  }
0x11b: {  	v1 =	vmul.f32 $8.000000000e+00, v1;
	_ =	sdelay $0x1  }
0x11c: {  	s0 =	sadd.s32 $0x8, s0;
	s7 =	sadd.s32 $0x400, s7;
	[tilespmem:s5+$0x1B0] =	vst v1;
	s5 =	sadd.s32 $0x400, s5  }
0x11d: {  	s0 =	smul.u32 $0x180, s31;
	_ =	sdelay $0x1  }
0x11e: {  	s5 =	sor.u32 s6, s0  }
0x11f: {  	s5 =	sshrl.u32 s5, $0x3  }
0x120: {  	s5 =	sadd.s32 s4, s5  }
0x121: {  	[hbm4b:s5+s13] =	stream.strided.scatter [tilespmem:s21], [sflag:$0x4], $0x4000, s14, s13, $0x38;
	[tilespmem:$0x1E600] =	vst v63  }
0x122: {  	v0 =	vld [tilespmem:s0+$0x180];
	_ =	sdelay $0x4  }
0x123: {  	v0 =	vshra.s32 v0, $0x1  }
0x124: {  	[tilespmem:$0x6400] =	vst v0  }
0x125: {  	v0 =	vld [tilespmem:s0+$0x190];
	_ =	sdelay $0x4  }
0x126: {  	v0 =	vshra.s32 v0, $0x1  }
0x127: {  	[tilespmem:$0x6410] =	vst v0  }
0x128: {  	v0 =	vld [tilespmem:s0+$0x1A0];
	_ =	sdelay $0x4  }
0x129: {  	v0 =	vshra.s32 v0, $0x1  }
0x12a: {  	[tilespmem:$0x6420] =	vst v0  }
0x12b: {  	v0 =	vld [tilespmem:s0+$0x1B0];
	_ =	sdelay $0x4  }
0x12c: {  	v0 =	vshra.s32 v0, $0x1  }
0x12d: {  	[tilespmem:$0x6430] =	vst v0  }
0x12e: {  	v0 =	vld [tilespmem:s0+$0x1C0];
	_ =	sdelay $0x4  }
0x12f: {  	v0 =	vshra.s32 v0, $0x1  }
0x130: {  	[tilespmem:$0x6440] =	vst v0  }
0x131: {  	v0 =	vld [tilespmem:s0+$0x1D0];
	_ =	sdelay $0x4  }
0x132: {  	v0 =	vshra.s32 v0, $0x1  }
0x133: {  	[tilespmem:$0x6450] =	vst v0  }
0x134: {  	v0 =	vld [tilespmem:s0+$0x1E0];
	_ =	sdelay $0x4  }
0x135: {  	v0 =	vshra.s32 v0, $0x1  }
0x136: {  	[tilespmem:$0x6460] =	vst v0  }
0x137: {  	v0 =	vld [tilespmem:s0+$0x1F0];
	_ =	sdelay $0x4  }
0x138: {  	s7 =	sadd.s32 $0x1, s1;
	v0 =	vshra.s32 v0, $0x1  }
0x139: {  	s10 =	sshll.u32 s7, $0x7;
	s5 =	simm.s32 $0x0;
	[tilespmem:$0x6470] =	vst v0  }
0x13a: {  	v1 =	vmov s5;
	[tilespmem:s15], [sflag:$0x1] =	stream.indirect.gather [hbm4b:s3+s13], $0x80, s14, s13, $0xb8;
	[tilespmem:$0x1E600] =	vst v63  }
0x13b: {  	v1 =	vand.u32 $0x78, v1;
	v0 =	vmov s10;
	_ =	swait.ge [sflag:s22], $0x4000  }
0x13c: {  	v1 =	vor.u32 v0, v1;
	[sflag:s22] =	ssyncset.done $0x0  }
0x13d: {  	s8 =	simm.s32 @!p0 $0x5;
	v1 =	vbroadcast v1, $0x0;
	[sflag:s22] =	ssyncadd.s32 $0xFFFFC000  }
0x13e: {  	_ =	swait.ge @!p0 [sflag:s8], $0x4000  }
0x13f: {  	[sflag:s8] =	ssyncset.done @!p0 $0x0  }
0x140: {  	s11 =	simm.s32 $0x0;
	[sflag:s8] =	ssyncadd.s32 @!p0 $0xFFFFC000  }
0x141: {  	v2 =	vld [tilespmem:s11+$0xA620]  }
0x142: {  	v3 =	vld [tilespmem:s11+$0xA650]  }
0x143: {  	v1 =	vld.idx.msk [tilespmem:v1+s2+$0x0], $0xffff  }
0x144: {  	v4 =	vld [tilespmem:s11+$0xA610]  }
0x145: {  	v6 =	vld [tilespmem:s11+$0xA670]  }
0x146: {  	v9 =	vld [tilespmem:s11+$0xA660]  }
0x147: {  	v7 =	vld [tilespmem:s11+$0xA630]  }
0x148: {  	s12 =	simm.s32 $0x1;
	v5 =	vld [tilespmem:s11+$0xA640];
	v1 =	vand.u32 $0x1, v1  }
0x149: {  	v8 =	vld [tilespmem:s11+$0xA600];
	vm0 =	veq.s32 v1, $0x0;
	v1 =	vmov s12  }
0x14a: {  	v1 =	vand.u32 $0x79, v1  }
0x14b: {  	v2 =	vsel vm0, v2, v9;
	v1 =	vor.u32 v0, v1  }
0x14c: {  	v6 =	vsel vm0, v7, v6;
	v2 =	vmul.f32 $8.000000000e+00, v2;
	v1 =	vbroadcast v1, $0x0  }
0x14d: {  	v3 =	vsel vm0, v4, v3;
	v6 =	vmul.f32 $8.000000000e+00, v6  }
0x14e: {  	v3 =	vmul.f32 $8.000000000e+00, v3;
	[tilespmem:s11+$0x16620] =	vst v2;
	v2 =	vsel vm0, v8, v5  }
0x14f: {  	[tilespmem:s11+$0x16630] =	vst v6;
	v2 =	vmul.f32 $8.000000000e+00, v2  }
0x150: {  	v10 =	vld [tilespmem:s11+$0xA6F0];
	[tilespmem:s11+$0x16610] =	vst v3  }
0x151: {  	v11 =	vld [tilespmem:s11+$0xA6E0];
	[tilespmem:s11+$0x16600] =	vst v2  }
0x152: {  	v1 =	vld.idx.msk [tilespmem:v1+s2+$0x0], $0xffff  }
0x153: {  	v12 =	vld [tilespmem:s11+$0xA6A0]  }
0x154: {  	v13 =	vld [tilespmem:s11+$0xA6D0]  }
0x155: {  	v3 =	vld [tilespmem:s11+$0xA6B0]  }
0x156: {  	v15 =	vld [tilespmem:s11+$0xA680]  }
0x157: {  	s8 =	simm.s32 $0x2;
	v5 =	vld [tilespmem:s11+$0xA6C0];
	v1 =	vand.u32 $0x1, v1  }
0x158: {  	v7 =	vld [tilespmem:s11+$0xA690];
	vm0 =	veq.s32 v1, $0x0;
	v1 =	vmov s8  }
0x159: {  	v1 =	vand.u32 $0x7A, v1  }
0x15a: {  	v3 =	vsel vm0, v3, v10;
	v1 =	vor.u32 v0, v1  }
0x15b: {  	v11 =	vsel vm0, v12, v11;
	v3 =	vmul.f32 $8.000000000e+00, v3;
	v1 =	vbroadcast v1, $0x0  }
0x15c: {  	v5 =	vsel vm0, v15, v5;
	v11 =	vmul.f32 $8.000000000e+00, v11  }
0x15d: {  	v5 =	vmul.f32 $8.000000000e+00, v5;
	[tilespmem:s11+$0x166B0] =	vst v3;
	v3 =	vsel vm0, v7, v13  }
0x15e: {  	v14 =	vld [tilespmem:s11+$0xA770];
	[tilespmem:s11+$0x166A0] =	vst v11;
	v3 =	vmul.f32 $8.000000000e+00, v3  }
0x15f: {  	v57 =	vld [tilespmem:s11+$0xA760];
	[tilespmem:s11+$0x16680] =	vst v5  }
0x160: {  	v58 =	vld [tilespmem:s11+$0xA740];
	[tilespmem:s11+$0x16690] =	vst v3  }
0x161: {  	v1 =	vld.idx.msk [tilespmem:v1+s2+$0x0], $0xffff  }
0x162: {  	v4 =	vld [tilespmem:s11+$0xA710]  }
0x163: {  	v3 =	vld [tilespmem:s11+$0xA750]  }
0x164: {  	v2 =	vld [tilespmem:s11+$0xA700]  }
0x165: {  	s9 =	simm.s32 $0x3;
	v6 =	vld [tilespmem:s11+$0xA730]  }
0x166: {  	v62 =	vld [tilespmem:s11+$0xA720];
	v5 =	vmov s9;
	v1 =	vand.u32 $0x1, v1  }
0x167: {  	v5 =	vand.u32 $0x7B, v5;
	vm0 =	veq.s32 v1, $0x0  }
0x168: {  	v1 =	vor.u32 v0, v5;
	v3 =	vsel vm0, v4, v3  }
0x169: {  	v1 =	vbroadcast v1, $0x0;
	v2 =	vsel vm0, v2, v58;
	v3 =	vmul.f32 $8.000000000e+00, v3  }
0x16a: {  	v4 =	vsel vm0, v6, v14;
	v2 =	vmul.f32 $8.000000000e+00, v2  }
0x16b: {  	v5 =	vsel vm0, v62, v57;
	v4 =	vmul.f32 $8.000000000e+00, v4;
	[tilespmem:s11+$0x16710] =	vst v3  }
0x16c: {  	v3 =	vmul.f32 $8.000000000e+00, v5;
	[tilespmem:s11+$0x16700] =	vst v2  }
0x16d: {  	v17 =	vld [tilespmem:s11+$0xA7D0];
	[tilespmem:s11+$0x16730] =	vst v4  }
0x16e: {  	v59 =	vld [tilespmem:s11+$0xA790];
	[tilespmem:s11+$0x16720] =	vst v3  }
0x16f: {  	v1 =	vld.idx.msk [tilespmem:v1+s2+$0x0], $0xffff  }
0x170: {  	v60 =	vld [tilespmem:s11+$0xA7C0]  }
0x171: {  	v61 =	vld [tilespmem:s11+$0xA7B0]  }
0x172: {  	v2 =	vld [tilespmem:s11+$0xA7F0]  }
0x173: {  	v7 =	vld [tilespmem:s11+$0xA780]  }
0x174: {  	v16 =	vld [tilespmem:s11+$0xA7E0];
	s12 =	simm.s32 $0x4;
	v1 =	vand.u32 $0x1, v1  }
0x175: {  	v3 =	vld [tilespmem:s11+$0xA7A0];
	vm0 =	veq.s32 v1, $0x0;
	v1 =	vmov s12  }
0x176: {  	v1 =	vand.u32 $0x7C, v1  }
0x177: {  	v4 =	vsel vm0, v59, v17;
	v2 =	vsel vm0, v61, v2;
	v1 =	vor.u32 v0, v1  }
0x178: {  	v5 =	vsel vm0, v7, v60;
	v4 =	vmul.f32 $8.000000000e+00, v4;
	v7 =	vbroadcast v1, $0x0  }
0x179: {  	v2 =	vmul.f32 $8.000000000e+00, v2  }
0x17a: {  	v3 =	vsel vm0, v3, v16;
	v1 =	vmul.f32 $8.000000000e+00, v5;
	[tilespmem:s11+$0x16790] =	vst v4  }
0x17b: {  	[tilespmem:s11+$0x167B0] =	vst v2;
	v2 =	vmul.f32 $8.000000000e+00, v3  }
0x17c: {  	v63 =	vld [tilespmem:s11+$0xA830];
	[tilespmem:s11+$0x16780] =	vst v1  }
0x17d: {  	v6 =	vld [tilespmem:s11+$0xA870];
	[tilespmem:s11+$0x167A0] =	vst v2  }
0x17e: {  	v3 =	vld.idx.msk [tilespmem:v7+s2+$0x0], $0xffff  }
0x17f: {  	v5 =	vld [tilespmem:s11+$0xA840]  }
0x180: {  	v4 =	vld [tilespmem:s11+$0xA800]  }
0x181: {  	v2 =	vld [tilespmem:s11+$0xA850]  }
0x182: {  	v7 =	vld [tilespmem:s11+$0xA810]  }
0x183: {  	v1 =	vld [tilespmem:s11+$0xA860];
	v3 =	vand.u32 $0x1, v3  }
0x184: {  	vm0 =	veq.s32 v3, $0x0;
	v3 =	vld [tilespmem:s11+$0xA820];
	_ =	sdelay $0x2  }
0x185: {  	s7 =	simm.s32 $0x0;
	s8 =	simm.s32 $0x8;
	s9 =	simm.s32 $0x5;
	v5 =	vsel vm0, v4, v5;
	v4 =	vsel vm0, v7, v2;
	v2 =	vsel vm0, v63, v6  }
.LBB2_5:
0x186: {  	p1 =	slt.u32 s8, $0x78  }
0x187: {  	v5 =	vmul.f32 $8.000000000e+00, v5;
	v1 =	vsel vm0, v3, v1;
	v3 =	vmov s9;
	v6 =	vld [tilespmem:s11+$0xA8F0];
	s5 =	sadd.s32 $0x1000, s5;
	s9 =	smov.u32 s8;
	s8 =	sadd.s32 $0x8, s8  }
0x188: {  	v4 =	vmul.f32 $8.000000000e+00, v4;
	v2 =	vmul.f32 $8.000000000e+00, v2;
	v3 =	vand.u32 $0x7D, v3;
	v7 =	vld [tilespmem:s11+$0xA8E0]  }
0x189: {  	v1 =	vmul.f32 $8.000000000e+00, v1;
	[tilespmem:s11+$0x16800] =	vst v5;
	v3 =	vor.u32 v0, v3;
	v5 =	vld [tilespmem:s11+$0xA8A0]  }
0x18a: {  	[tilespmem:s11+$0x16810] =	vst v4;
	v3 =	vbroadcast v3, $0x0  }
0x18b: {  	[tilespmem:s11+$0x16820] =	vst v1  }
0x18c: {  	v1 =	vld [tilespmem:s11+$0xA890]  }
0x18d: {  	v4 =	vld [tilespmem:s11+$0xA8C0]  }
0x18e: {  	[tilespmem:s11+$0x16830] =	vst v2;
	v2 =	vld [tilespmem:s11+$0xA880]  }
0x18f: {  	v8 =	vld [tilespmem:s11+$0xA8B0]  }
0x190: {  	v3 =	vld.idx.msk [tilespmem:v3+s2+$0x0], $0xffff;
	_ =	sdelay $0x2  }
0x191: {  	v9 =	vld [tilespmem:s11+$0xA8D0];
	_ =	sdelay $0x1  }
0x192: {  	s12 =	sadd.s32 $0x6, s7  }
0x193: {  	v10 =	vmov s12;
	v3 =	vand.u32 $0x1, v3  }
0x194: {  	vm0 =	veq.s32 v3, $0x0;
	v3 =	vand.u32 $0x7E, v10  }
0x195: {  	v2 =	vsel vm0, v2, v4;
	v4 =	vsel vm0, v5, v7;
	v1 =	vsel vm0, v1, v9  }
0x196: {  	v5 =	vsel vm0, v8, v6;
	v2 =	vmul.f32 $8.000000000e+00, v2;
	v1 =	vmul.f32 $8.000000000e+00, v1  }
0x197: {  	v3 =	vor.u32 v0, v3;
	v5 =	vmul.f32 $8.000000000e+00, v5  }
0x198: {  	[tilespmem:s11+$0x16880] =	vst v2;
	v2 =	vbroadcast v3, $0x0;
	v3 =	vld [tilespmem:s11+$0xA970]  }
0x199: {  	[tilespmem:s11+$0x16890] =	vst v1;
	v1 =	vmul.f32 $8.000000000e+00, v4;
	v4 =	vld [tilespmem:s11+$0xA960]  }
0x19a: {  	[tilespmem:s11+$0x168B0] =	vst v5;
	v5 =	vld [tilespmem:s11+$0xA920]  }
0x19b: {  	[tilespmem:s11+$0x168A0] =	vst v1;
	v1 =	vld [tilespmem:s11+$0xA950];
	_ =	sdelay $0x1  }
0x19c: {  	v6 =	vld [tilespmem:s11+$0xA910]  }
0x19d: {  	v7 =	vmov s9;
	v2 =	vld.idx.msk [tilespmem:v2+s2+$0x0], $0xffff  }
0x19e: {  	v7 =	vand.u32 $0x78, v7;
	v8 =	vld [tilespmem:s11+$0xA900]  }
0x19f: {  	v7 =	vor.u32 v0, v7;
	v9 =	vld [tilespmem:s11+$0xA930]  }
0x1a0: {  	v7 =	vbroadcast v7, $0x0;
	v10 =	vld [tilespmem:s11+$0xA940];
	_ =	sdelay $0x1  }
0x1a1: {  	s12 =	sadd.s32 $0x7, s7;
	s7 =	smov.u32 s9  }
0x1a2: {  	v11 =	vmov s12;
	v2 =	vand.u32 $0x1, v2  }
0x1a3: {  	vm0 =	veq.s32 v2, $0x0;
	v2 =	vand.u32 $0x7F, v11  }
0x1a4: {  	v1 =	vsel vm0, v6, v1;
	v2 =	vor.u32 v0, v2;
	v8 =	vsel vm0, v8, v10;
	v6 =	vld [tilespmem:s11+$0xA9F0]  }
0x1a5: {  	v4 =	vsel vm0, v5, v4;
	v1 =	vmul.f32 $8.000000000e+00, v1;
	v2 =	vbroadcast v2, $0x0;
	v5 =	vld [tilespmem:s11+$0xA9B0]  }
0x1a6: {  	v3 =	vsel vm0, v9, v3;
	v4 =	vmul.f32 $8.000000000e+00, v4;
	v8 =	vmul.f32 $8.000000000e+00, v8;
	v9 =	vld [tilespmem:s11+$0xA9E0]  }
0x1a7: {  	s9 =	sshra.s32 s5, $0x2;
	[tilespmem:s11+$0x16910] =	vst v1;
	v1 =	vmul.f32 $8.000000000e+00, v3;
	v3 =	vld [tilespmem:s11+$0xA9A0]  }
0x1a8: {  	[tilespmem:s11+$0x16900] =	vst v8;
	v8 =	vld [tilespmem:s11+$0xA9D0]  }
0x1a9: {  	[tilespmem:s11+$0x16930] =	vst v1;
	v1 =	vld [tilespmem:s11+$0xA990]  }
0x1aa: {  	[tilespmem:s11+$0x16920] =	vst v4;
	v4 =	vld [tilespmem:s11+$0xA9C0]  }
0x1ab: {  	v2 =	vld.idx.msk [tilespmem:v2+s2+$0x0], $0xffff  }
0x1ac: {  	v10 =	vld [tilespmem:s9+$0xA620]  }
0x1ad: {  	v11 =	vld [tilespmem:s9+$0xA650]  }
0x1ae: {  	s12 =	sadd.s32 $0x1, s7;
	v12 =	vld [tilespmem:s11+$0xA980]  }
0x1af: {  	v14 =	vmov s12;
	v13 =	vld [tilespmem:s9+$0xA610]  }
0x1b0: {  	v14 =	vand.u32 $0x79, v14;
	v15 =	vld [tilespmem:s9+$0xA640]  }
0x1b1: {  	v14 =	vor.u32 v0, v14;
	v2 =	vand.u32 $0x1, v2;
	v16 =	vld [tilespmem:s9+$0xA670]  }
0x1b2: {  	v14 =	vbroadcast v14, $0x0;
	vm0 =	veq.s32 v2, $0x0;
	v17 =	vld [tilespmem:s9+$0xA630]  }
0x1b3: {  	v1 =	vsel vm0, v1, v8;
	v3 =	vsel vm0, v3, v9;
	v2 =	vld [tilespmem:s9+$0xA600];
	v4 =	vsel vm0, v12, v4  }
0x1b4: {  	v5 =	vsel vm0, v5, v6;
	v1 =	vmul.f32 $8.000000000e+00, v1;
	v8 =	vld [tilespmem:s9+$0xA6F0];
	v4 =	vmul.f32 $8.000000000e+00, v4  }
0x1b5: {  	v3 =	vmul.f32 $8.000000000e+00, v3;
	v5 =	vmul.f32 $8.000000000e+00, v5;
	v6 =	vld [tilespmem:s9+$0xA6E0]  }
0x1b6: {  	v9 =	vld [tilespmem:s9+$0xA6A0];
	[tilespmem:s11+$0x16980] =	vst v4  }
0x1b7: {  	v4 =	vld [tilespmem:s9+$0xA6D0];
	[tilespmem:s11+$0x169B0] =	vst v5  }
0x1b8: {  	[tilespmem:s11+$0x169A0] =	vst v3  }
0x1b9: {  	[tilespmem:s11+$0x16990] =	vst v1;
	s11 =	smov.u32 s9;
	_ =	sdelay $0x2  }
0x1ba: {  	v1 =	vld.idx.msk [tilespmem:v7+s2+$0x0], $0xffff  }
0x1bb: {  	s9 =	sadd.s32 $0x2, s7;
	v3 =	vld [tilespmem:s11+$0xA660]  }
0x1bc: {  	v5 =	vmov s9  }
0x1bd: {  	v5 =	vand.u32 $0x7A, v5;
	_ =	sdelay $0x2  }
0x1be: {  	v5 =	vor.u32 v0, v5;
	v1 =	vand.u32 $0x1, v1  }
0x1bf: {  	vm0 =	veq.s32 v1, $0x0;
	v1 =	vbroadcast v5, $0x0;
	v5 =	vld [tilespmem:s11+$0xA770]  }
0x1c0: {  	v2 =	vsel vm0, v2, v15;
	v7 =	vsel vm0, v13, v11;
	v3 =	vsel vm0, v10, v3;
	v10 =	vld [tilespmem:s11+$0xA760]  }
0x1c1: {  	v11 =	vsel vm0, v17, v16;
	v7 =	vmul.f32 $8.000000000e+00, v7;
	v3 =	vmul.f32 $8.000000000e+00, v3  }
0x1c2: {  	v2 =	vmul.f32 $8.000000000e+00, v2;
	v11 =	vmul.f32 $8.000000000e+00, v11;
	v12 =	vld [tilespmem:s11+$0xA690]  }
0x1c3: {  	[tilespmem:s11+$0x16620] =	vst v3;
	v3 =	vld [tilespmem:s11+$0xA6C0]  }
0x1c4: {  	[tilespmem:s11+$0x16630] =	vst v11;
	v11 =	vld [tilespmem:s11+$0xA710]  }
0x1c5: {  	[tilespmem:s11+$0x16600] =	vst v2  }
0x1c6: {  	[tilespmem:s11+$0x16610] =	vst v7;
	v2 =	vld [tilespmem:s11+$0xA700]  }
0x1c7: {  	v7 =	vld [tilespmem:s11+$0xA730]  }
0x1c8: {  	v13 =	vld [tilespmem:s11+$0xA740];
	_ =	sdelay $0x1  }
0x1c9: {  	v14 =	vld.idx.msk [tilespmem:v14+s2+$0x0], $0xffff;
	_ =	sdelay $0x1  }
0x1ca: {  	v15 =	vld [tilespmem:s11+$0xA6B0]  }
0x1cb: {  	s9 =	sadd.s32 $0x3, s7;
	v16 =	vld [tilespmem:s11+$0xA680];
	_ =	sdelay $0x1  }
0x1cc: {  	v17 =	vmov s9;
	v18 =	vld [tilespmem:s11+$0xA7E0]  }
0x1cd: {  	v17 =	vand.u32 $0x7B, v17;
	v14 =	vand.u32 $0x1, v14  }
0x1ce: {  	vm0 =	veq.s32 v14, $0x0;
	v14 =	vor.u32 v0, v17;
	v17 =	vld [tilespmem:s11+$0xA7D0]  }
0x1cf: {  	v8 =	vsel vm0, v15, v8;
	v14 =	vbroadcast v14, $0x0;
	v3 =	vsel vm0, v16, v3  }
0x1d0: {  	v6 =	vsel vm0, v9, v6;
	v8 =	vmul.f32 $8.000000000e+00, v8;
	v3 =	vmul.f32 $8.000000000e+00, v3;
	v9 =	vld [tilespmem:s11+$0xA790]  }
0x1d1: {  	v4 =	vsel vm0, v12, v4;
	v6 =	vmul.f32 $8.000000000e+00, v6;
	v12 =	vld [tilespmem:s11+$0xA7C0]  }
0x1d2: {  	v4 =	vmul.f32 $8.000000000e+00, v4;
	[tilespmem:s11+$0x166B0] =	vst v8;
	v8 =	vld [tilespmem:s11+$0xA780]  }
0x1d3: {  	[tilespmem:s11+$0x166A0] =	vst v6;
	v6 =	vld [tilespmem:s11+$0xA7B0]  }
0x1d4: {  	[tilespmem:s11+$0x16690] =	vst v4  }
0x1d5: {  	[tilespmem:s11+$0x16680] =	vst v3  }
0x1d6: {  	v1 =	vld.idx.msk [tilespmem:v1+s2+$0x0], $0xffff  }
0x1d7: {  	v3 =	vld [tilespmem:s11+$0xA750];
	_ =	sdelay $0x2  }
0x1d8: {  	v4 =	vld [tilespmem:s11+$0xA720];
	_ =	sdelay $0x1  }
0x1d9: {  	v1 =	vand.u32 $0x1, v1  }
0x1da: {  	vm0 =	veq.s32 v1, $0x0  }
0x1db: {  	v1 =	vsel vm0, v2, v13;
	v2 =	vsel vm0, v11, v3;
	v3 =	vsel vm0, v7, v5  }
0x1dc: {  	v1 =	vmul.f32 $8.000000000e+00, v1;
	v2 =	vmul.f32 $8.000000000e+00, v2;
	v4 =	vsel vm0, v4, v10;
	v7 =	vld [tilespmem:s11+$0xA870]  }
0x1dd: {  	v3 =	vmul.f32 $8.000000000e+00, v3;
	v4 =	vmul.f32 $8.000000000e+00, v4  }
0x1de: {  	[tilespmem:s11+$0x16710] =	vst v2  }
0x1df: {  	[tilespmem:s11+$0x16700] =	vst v1  }
0x1e0: {  	[tilespmem:s11+$0x16730] =	vst v3  }
0x1e1: {  	[tilespmem:s11+$0x16720] =	vst v4  }
0x1e2: {  	v1 =	vld.idx.msk [tilespmem:v14+s2+$0x0], $0xffff  }
0x1e3: {  	v2 =	vld [tilespmem:s11+$0xA7A0]  }
0x1e4: {  	v10 =	vld [tilespmem:s11+$0xA830]  }
0x1e5: {  	s9 =	sadd.s32 $0x4, s7;
	v3 =	vld [tilespmem:s11+$0xA7F0]  }
0x1e6: {  	v4 =	vmov s9  }
0x1e7: {  	v4 =	vand.u32 $0x7C, v4  }
0x1e8: {  	v4 =	vor.u32 v0, v4;
	v1 =	vand.u32 $0x1, v1  }
0x1e9: {  	vm0 =	veq.s32 v1, $0x0  }
0x1ea: {  	v4 =	vbroadcast v4, $0x0;
	v1 =	vsel vm0, v9, v17;
	v3 =	vsel vm0, v6, v3  }
0x1eb: {  	v5 =	vsel vm0, v8, v12;
	v2 =	vsel vm0, v2, v18;
	v1 =	vmul.f32 $8.000000000e+00, v1  }
0x1ec: {  	v2 =	vmul.f32 $8.000000000e+00, v2;
	v3 =	vmul.f32 $8.000000000e+00, v3  }
0x1ed: {  	v5 =	vmul.f32 $8.000000000e+00, v5;
	[tilespmem:s11+$0x16790] =	vst v1  }
0x1ee: {  	[tilespmem:s11+$0x167B0] =	vst v3  }
0x1ef: {  	[tilespmem:s11+$0x16780] =	vst v5;
	v1 =	vld [tilespmem:s11+$0xA860]  }
0x1f0: {  	[tilespmem:s11+$0x167A0] =	vst v2;
	v2 =	vld [tilespmem:s11+$0xA850]  }
0x1f1: {  	v4 =	vld.idx.msk [tilespmem:v4+s2+$0x0], $0xffff  }
0x1f2: {  	v5 =	vld [tilespmem:s11+$0xA800]  }
0x1f3: {  	v6 =	vld [tilespmem:s11+$0xA810]  }
0x1f4: {  	v8 =	vld [tilespmem:s11+$0xA840]  }
.Ltmp1:
0x1f5: {  	v3 =	vld [tilespmem:s11+$0xA820];
	(pc) =	sbr.rel @p1 .LBB2_5-.Ltmp1, $4  }
0x1f6: {  	_ = 	snop  }
0x1f7: {  	v4 =	vand.u32 $0x1, v4  }
0x1f8: {  	vm0 =	veq.s32 v4, $0x0  }
0x1f9: {  	s9 =	sadd.s32 $0x5, s7;
	v4 =	vsel vm0, v6, v2;
	v2 =	vsel vm0, v10, v7;
	v5 =	vsel vm0, v5, v8  }
0x1fa: {  	v6 =	vmov s9  }
0x1fb: {  	v6 =	vand.u32 $0x7D, v6  }
0x1fc: {  	v1 =	vsel vm0, v3, v1;
	v3 =	vmul.f32 $8.000000000e+00, v4;
	v4 =	vor.u32 v0, v6  }
0x1fd: {  	v5 =	vmul.f32 $8.000000000e+00, v5;
	v4 =	vbroadcast v4, $0x0  }
0x1fe: {  	v1 =	vmul.f32 $8.000000000e+00, v1  }
0x1ff: {  	[tilespmem:s11+$0x16800] =	vst v5  }
0x200: {  	[tilespmem:s11+$0x16820] =	vst v1;
	v1 =	vmul.f32 $8.000000000e+00, v2  }
0x201: {  	[tilespmem:s11+$0x16810] =	vst v3  }
0x202: {  	v7 =	vld [tilespmem:s11+$0xA8F0];
	[tilespmem:s11+$0x16830] =	vst v1  }
0x203: {  	v1 =	vld.idx.msk [tilespmem:v4+s2+$0x0], $0xffff  }
0x204: {  	v3 =	vld [tilespmem:s11+$0xA8C0]  }
0x205: {  	v4 =	vld [tilespmem:s11+$0xA880]  }
0x206: {  	v6 =	vld [tilespmem:s11+$0xA8D0]  }
0x207: {  	v2 =	vld [tilespmem:s11+$0xA890]  }
0x208: {  	v8 =	vld [tilespmem:s11+$0xA8E0];
	v1 =	vand.u32 $0x1, v1  }
0x209: {  	v9 =	vld [tilespmem:s11+$0xA8B0];
	s5 =	sadd.s32 $0x6, s7;
	vm0 =	veq.s32 v1, $0x0  }
0x20a: {  	v5 =	vld [tilespmem:s11+$0xA8A0];
	v1 =	vsel vm0, v4, v3;
	v3 =	vmov s5  }
0x20b: {  	v3 =	vand.u32 $0x7E, v3  }
0x20c: {  	v2 =	vsel vm0, v2, v6;
	v1 =	vmul.f32 $8.000000000e+00, v1;
	v3 =	vor.u32 v0, v3  }
0x20d: {  	v2 =	vmul.f32 $8.000000000e+00, v2;
	v3 =	vbroadcast v3, $0x0  }
0x20e: {  	[tilespmem:s11+$0x16880] =	vst v1;
	v1 =	vsel vm0, v9, v7  }
0x20f: {  	[tilespmem:s11+$0x16890] =	vst v2;
	v2 =	vsel vm0, v5, v8;
	v1 =	vmul.f32 $8.000000000e+00, v1  }
0x210: {  	v2 =	vmul.f32 $8.000000000e+00, v2  }
0x211: {  	[tilespmem:s11+$0x168B0] =	vst v1  }
0x212: {  	v51 =	vld [tilespmem:s11+$0xA940];
	[tilespmem:s11+$0x168A0] =	vst v2  }
0x213: {  	v2 =	vld.idx.msk [tilespmem:v3+s2+$0x0], $0xffff  }
0x214: {  	v6 =	vld [tilespmem:s11+$0xA910]  }
0x215: {  	v3 =	vld [tilespmem:s11+$0xA950]  }
0x216: {  	v52 =	vld [tilespmem:s11+$0xA930]  }
0x217: {  	v5 =	vld [tilespmem:s11+$0xA960]  }
0x218: {  	v1 =	vld [tilespmem:s11+$0xA920];
	v2 =	vand.u32 $0x1, v2  }
0x219: {  	s12 =	sadd.s32 $0x7, s7;
	v7 =	vld [tilespmem:s11+$0xA900];
	vm0 =	veq.s32 v2, $0x0  }
0x21a: {  	v4 =	vld [tilespmem:s11+$0xA970];
	v2 =	vsel vm0, v6, v3;
	v6 =	vmov s12  }
0x21b: {  	v6 =	vand.u32 $0x7F, v6  }
0x21c: {  	v0 =	vor.u32 v0, v6  }
0x21d: {  	v1 =	vsel vm0, v1, v5;
	v2 =	vmul.f32 $8.000000000e+00, v2;
	v0 =	vbroadcast v0, $0x0  }
0x21e: {  	v7 =	vsel vm0, v7, v51;
	v1 =	vmul.f32 $8.000000000e+00, v1  }
0x21f: {  	v6 =	vmul.f32 $8.000000000e+00, v7;
	[tilespmem:s11+$0x16910] =	vst v2;
	v2 =	vsel vm0, v52, v4  }
0x220: {  	v10 =	vld [tilespmem:s11+$0xA9B0];
	[tilespmem:s11+$0x16920] =	vst v1;
	v2 =	vmul.f32 $8.000000000e+00, v2  }
0x221: {  	v53 =	vld [tilespmem:s11+$0xA9E0];
	[tilespmem:s11+$0x16900] =	vst v6  }
0x222: {  	v3 =	vld [tilespmem:s11+$0xA9F0];
	[tilespmem:s11+$0x16930] =	vst v2  }
0x223: {  	v0 =	vld.idx.msk [tilespmem:v0+s2+$0x0], $0xffff  }
0x224: {  	v1 =	vld [tilespmem:s11+$0xA9C0]  }
0x225: {  	v6 =	vld [tilespmem:s11+$0xA980]  }
0x226: {  	v5 =	vld [tilespmem:s11+$0xA9D0]  }
0x227: {  	v4 =	vld [tilespmem:s11+$0xA9A0]  }
0x228: {  	v2 =	vld [tilespmem:s11+$0xA990];
	v0 =	vand.u32 $0x1, v0  }
0x229: {  	vm0 =	veq.s32 v0, $0x0  }
0x22a: {  	v0 =	vsel vm0, v6, v1  }
0x22b: {  	v1 =	vsel vm0, v10, v3;
	v0 =	vmul.f32 $8.000000000e+00, v0  }
0x22c: {  	v3 =	vsel vm0, v4, v53;
	v1 =	vmul.f32 $8.000000000e+00, v1  }
0x22d: {  	v2 =	vsel vm0, v2, v5;
	v3 =	vmul.f32 $8.000000000e+00, v3;
	[tilespmem:s11+$0x16980] =	vst v0  }
0x22e: {  	s7 =	sadd.s32 s6, s10;
	v0 =	vmul.f32 $8.000000000e+00, v2;
	[tilespmem:s11+$0x169B0] =	vst v1  }
0x22f: {  	s5 =	sshrl.u32 s7, $0x3;
	[tilespmem:s11+$0x169A0] =	vst v3  }
0x230: {  	s5 =	sadd.s32 s4, s5;
	[tilespmem:s11+$0x16990] =	vst v0  }
0x231: {  	[hbm4b:s5+s13] =	stream.strided.scatter [tilespmem:s23], [sflag:$0x5], $0x4000, s14, s13, $0x38;
	[tilespmem:$0x1E600] =	vst v63  }
0x232: {  	v0 =	vld [tilespmem:s0+$0x200];
	_ =	sdelay $0x4  }
0x233: {  	v0 =	vshra.s32 v0, $0x1  }
0x234: {  	[tilespmem:$0x6480] =	vst v0  }
0x235: {  	v0 =	vld [tilespmem:s0+$0x210];
	_ =	sdelay $0x4  }
0x236: {  	v0 =	vshra.s32 v0, $0x1  }
0x237: {  	[tilespmem:$0x6490] =	vst v0  }
0x238: {  	v0 =	vld [tilespmem:s0+$0x220];
	_ =	sdelay $0x4  }
0x239: {  	v0 =	vshra.s32 v0, $0x1  }
0x23a: {  	[tilespmem:$0x64A0] =	vst v0  }
0x23b: {  	v0 =	vld [tilespmem:s0+$0x230];
	_ =	sdelay $0x4  }
0x23c: {  	v0 =	vshra.s32 v0, $0x1  }
0x23d: {  	[tilespmem:$0x64B0] =	vst v0  }
0x23e: {  	v0 =	vld [tilespmem:s0+$0x240];
	_ =	sdelay $0x4  }
0x23f: {  	v0 =	vshra.s32 v0, $0x1  }
0x240: {  	[tilespmem:$0x64C0] =	vst v0  }
0x241: {  	v0 =	vld [tilespmem:s0+$0x250];
	_ =	sdelay $0x4  }
0x242: {  	v0 =	vshra.s32 v0, $0x1  }
0x243: {  	[tilespmem:$0x64D0] =	vst v0  }
0x244: {  	v0 =	vld [tilespmem:s0+$0x260];
	_ =	sdelay $0x4  }
0x245: {  	v0 =	vshra.s32 v0, $0x1  }
0x246: {  	[tilespmem:$0x64E0] =	vst v0  }
0x247: {  	v0 =	vld [tilespmem:s0+$0x270];
	_ =	sdelay $0x4  }
0x248: {  	s1 =	sadd.s32 $0x2, s1;
	v0 =	vshra.s32 v0, $0x1  }
0x249: {  	s1 =	sshll.u32 s1, $0x7;
	s5 =	simm.s32 $0x0;
	[tilespmem:$0x64F0] =	vst v0  }
0x24a: {  	v1 =	vmov s5;
	[tilespmem:s17], [sflag:$0x2] =	stream.indirect.gather [hbm4b:s3+s13], $0x80, s16, s13, $0xb8;
	[tilespmem:$0x1E600] =	vst v63  }
0x24b: {  	v1 =	vand.u32 $0x78, v1;
	v0 =	vmov s1;
	_ =	swait.ge [sflag:s24], $0x4000  }
0x24c: {  	v1 =	vor.u32 v0, v1;
	[sflag:s24] =	ssyncset.done $0x0  }
0x24d: {  	s7 =	simm.s32 @!p0 $0x6;
	v1 =	vbroadcast v1, $0x0;
	[sflag:s24] =	ssyncadd.s32 $0xFFFFC000  }
0x24e: {  	_ =	swait.ge @!p0 [sflag:s7], $0x4000  }
0x24f: {  	[sflag:s7] =	ssyncset.done @!p0 $0x0  }
0x250: {  	s10 =	simm.s32 $0x0;
	[sflag:s7] =	ssyncadd.s32 @!p0 $0xFFFFC000  }
0x251: {  	v2 =	vld [tilespmem:s10+$0xE620]  }
0x252: {  	v3 =	vld [tilespmem:s10+$0xE650]  }
0x253: {  	v1 =	vld.idx.msk [tilespmem:v1+s2+$0x0], $0xffff  }
0x254: {  	v4 =	vld [tilespmem:s10+$0xE610]  }
0x255: {  	v6 =	vld [tilespmem:s10+$0xE670]  }
0x256: {  	v55 =	vld [tilespmem:s10+$0xE660]  }
0x257: {  	v7 =	vld [tilespmem:s10+$0xE630]  }
0x258: {  	s8 =	simm.s32 $0x1;
	v5 =	vld [tilespmem:s10+$0xE640];
	v1 =	vand.u32 $0x1, v1  }
0x259: {  	v54 =	vld [tilespmem:s10+$0xE600];
	vm0 =	veq.s32 v1, $0x0;
	v1 =	vmov s8  }
0x25a: {  	v1 =	vand.u32 $0x79, v1  }
0x25b: {  	v2 =	vsel vm0, v2, v55;
	v1 =	vor.u32 v0, v1  }
0x25c: {  	v6 =	vsel vm0, v7, v6;
	v2 =	vmul.f32 $8.000000000e+00, v2;
	v1 =	vbroadcast v1, $0x0  }
0x25d: {  	v3 =	vsel vm0, v4, v3;
	v6 =	vmul.f32 $8.000000000e+00, v6  }
0x25e: {  	v3 =	vmul.f32 $8.000000000e+00, v3;
	[tilespmem:s10+$0x1A620] =	vst v2;
	v2 =	vsel vm0, v54, v5  }
0x25f: {  	[tilespmem:s10+$0x1A630] =	vst v6;
	v2 =	vmul.f32 $8.000000000e+00, v2  }
0x260: {  	v56 =	vld [tilespmem:s10+$0xE6F0];
	[tilespmem:s10+$0x1A610] =	vst v3  }
0x261: {  	v11 =	vld [tilespmem:s10+$0xE6E0];
	[tilespmem:s10+$0x1A600] =	vst v2  }
0x262: {  	v1 =	vld.idx.msk [tilespmem:v1+s2+$0x0], $0xffff  }
0x263: {  	v12 =	vld [tilespmem:s10+$0xE6A0]  }
0x264: {  	v13 =	vld [tilespmem:s10+$0xE6D0]  }
0x265: {  	v3 =	vld [tilespmem:s10+$0xE6B0]  }
0x266: {  	v15 =	vld [tilespmem:s10+$0xE680]  }
0x267: {  	s9 =	simm.s32 $0x2;
	v5 =	vld [tilespmem:s10+$0xE6C0];
	v1 =	vand.u32 $0x1, v1  }
0x268: {  	v7 =	vld [tilespmem:s10+$0xE690];
	vm0 =	veq.s32 v1, $0x0;
	v1 =	vmov s9  }
0x269: {  	v1 =	vand.u32 $0x7A, v1  }
0x26a: {  	v3 =	vsel vm0, v3, v56;
	v1 =	vor.u32 v0, v1  }
0x26b: {  	v11 =	vsel vm0, v12, v11;
	v3 =	vmul.f32 $8.000000000e+00, v3;
	v1 =	vbroadcast v1, $0x0  }
0x26c: {  	v5 =	vsel vm0, v15, v5;
	v11 =	vmul.f32 $8.000000000e+00, v11  }
0x26d: {  	v5 =	vmul.f32 $8.000000000e+00, v5;
	[tilespmem:s10+$0x1A6B0] =	vst v3;
	v3 =	vsel vm0, v7, v13  }
0x26e: {  	v14 =	vld [tilespmem:s10+$0xE770];
	[tilespmem:s10+$0x1A6A0] =	vst v11;
	v3 =	vmul.f32 $8.000000000e+00, v3  }
0x26f: {  	v57 =	vld [tilespmem:s10+$0xE760];
	[tilespmem:s10+$0x1A680] =	vst v5  }
0x270: {  	v58 =	vld [tilespmem:s10+$0xE740];
	[tilespmem:s10+$0x1A690] =	vst v3  }
0x271: {  	v1 =	vld.idx.msk [tilespmem:v1+s2+$0x0], $0xffff  }
0x272: {  	v4 =	vld [tilespmem:s10+$0xE710]  }
0x273: {  	v3 =	vld [tilespmem:s10+$0xE750]  }
0x274: {  	v2 =	vld [tilespmem:s10+$0xE700]  }
0x275: {  	s11 =	simm.s32 $0x3;
	v6 =	vld [tilespmem:s10+$0xE730]  }
0x276: {  	v62 =	vld [tilespmem:s10+$0xE720];
	v5 =	vmov s11;
	v1 =	vand.u32 $0x1, v1  }
0x277: {  	v5 =	vand.u32 $0x7B, v5;
	vm0 =	veq.s32 v1, $0x0  }
0x278: {  	v1 =	vor.u32 v0, v5;
	v3 =	vsel vm0, v4, v3  }
0x279: {  	v1 =	vbroadcast v1, $0x0;
	v2 =	vsel vm0, v2, v58;
	v3 =	vmul.f32 $8.000000000e+00, v3  }
0x27a: {  	v4 =	vsel vm0, v6, v14;
	v2 =	vmul.f32 $8.000000000e+00, v2  }
0x27b: {  	v5 =	vsel vm0, v62, v57;
	v4 =	vmul.f32 $8.000000000e+00, v4;
	[tilespmem:s10+$0x1A710] =	vst v3  }
0x27c: {  	v3 =	vmul.f32 $8.000000000e+00, v5;
	[tilespmem:s10+$0x1A700] =	vst v2  }
0x27d: {  	v17 =	vld [tilespmem:s10+$0xE7D0];
	[tilespmem:s10+$0x1A730] =	vst v4  }
0x27e: {  	v59 =	vld [tilespmem:s10+$0xE790];
	[tilespmem:s10+$0x1A720] =	vst v3  }
0x27f: {  	v1 =	vld.idx.msk [tilespmem:v1+s2+$0x0], $0xffff  }
0x280: {  	v60 =	vld [tilespmem:s10+$0xE7C0]  }
0x281: {  	v61 =	vld [tilespmem:s10+$0xE7B0]  }
0x282: {  	v2 =	vld [tilespmem:s10+$0xE7F0]  }
0x283: {  	v7 =	vld [tilespmem:s10+$0xE780]  }
0x284: {  	s12 =	simm.s32 $0x4;
	v16 =	vld [tilespmem:s10+$0xE7E0];
	v1 =	vand.u32 $0x1, v1  }
0x285: {  	v3 =	vld [tilespmem:s10+$0xE7A0];
	vm0 =	veq.s32 v1, $0x0;
	v1 =	vmov s12  }
0x286: {  	v1 =	vand.u32 $0x7C, v1  }
0x287: {  	v4 =	vsel vm0, v59, v17;
	v2 =	vsel vm0, v61, v2;
	v1 =	vor.u32 v0, v1  }
0x288: {  	v5 =	vsel vm0, v7, v60;
	v4 =	vmul.f32 $8.000000000e+00, v4;
	v7 =	vbroadcast v1, $0x0  }
0x289: {  	v2 =	vmul.f32 $8.000000000e+00, v2  }
0x28a: {  	v3 =	vsel vm0, v3, v16;
	v1 =	vmul.f32 $8.000000000e+00, v5;
	[tilespmem:s10+$0x1A790] =	vst v4  }
0x28b: {  	[tilespmem:s10+$0x1A7B0] =	vst v2;
	v2 =	vmul.f32 $8.000000000e+00, v3  }
0x28c: {  	v63 =	vld [tilespmem:s10+$0xE830];
	[tilespmem:s10+$0x1A780] =	vst v1  }
0x28d: {  	v6 =	vld [tilespmem:s10+$0xE870];
	[tilespmem:s10+$0x1A7A0] =	vst v2  }
0x28e: {  	v3 =	vld.idx.msk [tilespmem:v7+s2+$0x0], $0xffff  }
0x28f: {  	v5 =	vld [tilespmem:s10+$0xE840]  }
0x290: {  	v4 =	vld [tilespmem:s10+$0xE800]  }
0x291: {  	v2 =	vld [tilespmem:s10+$0xE850]  }
0x292: {  	v7 =	vld [tilespmem:s10+$0xE810]  }
0x293: {  	v1 =	vld [tilespmem:s10+$0xE860];
	v3 =	vand.u32 $0x1, v3  }
0x294: {  	vm0 =	veq.s32 v3, $0x0;
	v3 =	vld [tilespmem:s10+$0xE820];
	_ =	sdelay $0x2  }
0x295: {  	s7 =	simm.s32 $0x0;
	s8 =	simm.s32 $0x8;
	s9 =	simm.s32 $0x5;
	v5 =	vsel vm0, v4, v5;
	v4 =	vsel vm0, v7, v2;
	v2 =	vsel vm0, v63, v6  }
.LBB2_7:
0x296: {  	p0 =	slt.u32 s8, $0x78  }
0x297: {  	v5 =	vmul.f32 $8.000000000e+00, v5;
	v1 =	vsel vm0, v3, v1;
	v3 =	vmov s9;
	v6 =	vld [tilespmem:s10+$0xE8F0];
	s5 =	sadd.s32 $0x1000, s5;
	s9 =	smov.u32 s8;
	s8 =	sadd.s32 $0x8, s8  }
0x298: {  	v4 =	vmul.f32 $8.000000000e+00, v4;
	v2 =	vmul.f32 $8.000000000e+00, v2;
	v3 =	vand.u32 $0x7D, v3;
	v7 =	vld [tilespmem:s10+$0xE8E0]  }
0x299: {  	v1 =	vmul.f32 $8.000000000e+00, v1;
	[tilespmem:s10+$0x1A800] =	vst v5;
	v3 =	vor.u32 v0, v3;
	v5 =	vld [tilespmem:s10+$0xE8A0]  }
0x29a: {  	[tilespmem:s10+$0x1A810] =	vst v4;
	v3 =	vbroadcast v3, $0x0  }
0x29b: {  	[tilespmem:s10+$0x1A820] =	vst v1  }
0x29c: {  	v1 =	vld [tilespmem:s10+$0xE890]  }
0x29d: {  	v4 =	vld [tilespmem:s10+$0xE8C0]  }
0x29e: {  	[tilespmem:s10+$0x1A830] =	vst v2;
	v2 =	vld [tilespmem:s10+$0xE880]  }
0x29f: {  	v8 =	vld [tilespmem:s10+$0xE8B0]  }
0x2a0: {  	v3 =	vld.idx.msk [tilespmem:v3+s2+$0x0], $0xffff;
	_ =	sdelay $0x2  }
0x2a1: {  	v9 =	vld [tilespmem:s10+$0xE8D0];
	_ =	sdelay $0x1  }
0x2a2: {  	s11 =	sadd.s32 $0x6, s7  }
0x2a3: {  	v10 =	vmov s11;
	v3 =	vand.u32 $0x1, v3  }
0x2a4: {  	vm0 =	veq.s32 v3, $0x0;
	v3 =	vand.u32 $0x7E, v10  }
0x2a5: {  	v2 =	vsel vm0, v2, v4;
	v4 =	vsel vm0, v5, v7;
	v1 =	vsel vm0, v1, v9  }
0x2a6: {  	v5 =	vsel vm0, v8, v6;
	v2 =	vmul.f32 $8.000000000e+00, v2;
	v1 =	vmul.f32 $8.000000000e+00, v1  }
0x2a7: {  	v3 =	vor.u32 v0, v3;
	v5 =	vmul.f32 $8.000000000e+00, v5  }
0x2a8: {  	[tilespmem:s10+$0x1A880] =	vst v2;
	v2 =	vbroadcast v3, $0x0;
	v3 =	vld [tilespmem:s10+$0xE970]  }
0x2a9: {  	[tilespmem:s10+$0x1A890] =	vst v1;
	v1 =	vmul.f32 $8.000000000e+00, v4;
	v4 =	vld [tilespmem:s10+$0xE960]  }
0x2aa: {  	[tilespmem:s10+$0x1A8B0] =	vst v5;
	v5 =	vld [tilespmem:s10+$0xE920]  }
0x2ab: {  	[tilespmem:s10+$0x1A8A0] =	vst v1;
	v1 =	vld [tilespmem:s10+$0xE950];
	_ =	sdelay $0x1  }
0x2ac: {  	v6 =	vld [tilespmem:s10+$0xE910]  }
0x2ad: {  	v7 =	vmov s9;
	v2 =	vld.idx.msk [tilespmem:v2+s2+$0x0], $0xffff  }
0x2ae: {  	v7 =	vand.u32 $0x78, v7;
	v8 =	vld [tilespmem:s10+$0xE900]  }
0x2af: {  	v7 =	vor.u32 v0, v7;
	v9 =	vld [tilespmem:s10+$0xE930]  }
0x2b0: {  	v7 =	vbroadcast v7, $0x0;
	v10 =	vld [tilespmem:s10+$0xE940];
	_ =	sdelay $0x1  }
0x2b1: {  	s11 =	sadd.s32 $0x7, s7;
	s7 =	smov.u32 s9  }
0x2b2: {  	v11 =	vmov s11;
	v2 =	vand.u32 $0x1, v2  }
0x2b3: {  	vm0 =	veq.s32 v2, $0x0;
	v2 =	vand.u32 $0x7F, v11  }
0x2b4: {  	v1 =	vsel vm0, v6, v1;
	v2 =	vor.u32 v0, v2;
	v8 =	vsel vm0, v8, v10;
	v6 =	vld [tilespmem:s10+$0xE9F0]  }
0x2b5: {  	v4 =	vsel vm0, v5, v4;
	v1 =	vmul.f32 $8.000000000e+00, v1;
	v2 =	vbroadcast v2, $0x0;
	v5 =	vld [tilespmem:s10+$0xE9B0]  }
0x2b6: {  	v3 =	vsel vm0, v9, v3;
	v4 =	vmul.f32 $8.000000000e+00, v4;
	v8 =	vmul.f32 $8.000000000e+00, v8;
	v9 =	vld [tilespmem:s10+$0xE9E0]  }
0x2b7: {  	s9 =	sshra.s32 s5, $0x2;
	[tilespmem:s10+$0x1A910] =	vst v1;
	v1 =	vmul.f32 $8.000000000e+00, v3;
	v3 =	vld [tilespmem:s10+$0xE9A0]  }
0x2b8: {  	[tilespmem:s10+$0x1A900] =	vst v8;
	v8 =	vld [tilespmem:s10+$0xE9D0]  }
0x2b9: {  	[tilespmem:s10+$0x1A930] =	vst v1;
	v1 =	vld [tilespmem:s10+$0xE990]  }
0x2ba: {  	[tilespmem:s10+$0x1A920] =	vst v4;
	v4 =	vld [tilespmem:s10+$0xE9C0]  }
0x2bb: {  	v2 =	vld.idx.msk [tilespmem:v2+s2+$0x0], $0xffff  }
0x2bc: {  	v10 =	vld [tilespmem:s9+$0xE620]  }
0x2bd: {  	v11 =	vld [tilespmem:s9+$0xE650]  }
0x2be: {  	s11 =	sadd.s32 $0x1, s7;
	v12 =	vld [tilespmem:s10+$0xE980]  }
0x2bf: {  	v14 =	vmov s11;
	v13 =	vld [tilespmem:s9+$0xE610]  }
0x2c0: {  	v14 =	vand.u32 $0x79, v14;
	v15 =	vld [tilespmem:s9+$0xE640]  }
0x2c1: {  	v14 =	vor.u32 v0, v14;
	v2 =	vand.u32 $0x1, v2;
	v16 =	vld [tilespmem:s9+$0xE670]  }
0x2c2: {  	v14 =	vbroadcast v14, $0x0;
	vm0 =	veq.s32 v2, $0x0;
	v17 =	vld [tilespmem:s9+$0xE630]  }
0x2c3: {  	v1 =	vsel vm0, v1, v8;
	v3 =	vsel vm0, v3, v9;
	v2 =	vld [tilespmem:s9+$0xE600];
	v4 =	vsel vm0, v12, v4  }
0x2c4: {  	v5 =	vsel vm0, v5, v6;
	v1 =	vmul.f32 $8.000000000e+00, v1;
	v8 =	vld [tilespmem:s9+$0xE6F0];
	v4 =	vmul.f32 $8.000000000e+00, v4  }
0x2c5: {  	v3 =	vmul.f32 $8.000000000e+00, v3;
	v5 =	vmul.f32 $8.000000000e+00, v5;
	v6 =	vld [tilespmem:s9+$0xE6E0]  }
0x2c6: {  	v9 =	vld [tilespmem:s9+$0xE6A0];
	[tilespmem:s10+$0x1A980] =	vst v4  }
0x2c7: {  	v4 =	vld [tilespmem:s9+$0xE6D0];
	[tilespmem:s10+$0x1A9B0] =	vst v5  }
0x2c8: {  	[tilespmem:s10+$0x1A9A0] =	vst v3  }
0x2c9: {  	[tilespmem:s10+$0x1A990] =	vst v1;
	s10 =	smov.u32 s9;
	_ =	sdelay $0x2  }
0x2ca: {  	v1 =	vld.idx.msk [tilespmem:v7+s2+$0x0], $0xffff  }
0x2cb: {  	s9 =	sadd.s32 $0x2, s7;
	v3 =	vld [tilespmem:s10+$0xE660]  }
0x2cc: {  	v5 =	vmov s9  }
0x2cd: {  	v5 =	vand.u32 $0x7A, v5;
	_ =	sdelay $0x2  }
0x2ce: {  	v5 =	vor.u32 v0, v5;
	v1 =	vand.u32 $0x1, v1  }
0x2cf: {  	vm0 =	veq.s32 v1, $0x0;
	v1 =	vbroadcast v5, $0x0;
	v5 =	vld [tilespmem:s10+$0xE770]  }
0x2d0: {  	v2 =	vsel vm0, v2, v15;
	v7 =	vsel vm0, v13, v11;
	v3 =	vsel vm0, v10, v3;
	v10 =	vld [tilespmem:s10+$0xE760]  }
0x2d1: {  	v11 =	vsel vm0, v17, v16;
	v7 =	vmul.f32 $8.000000000e+00, v7;
	v3 =	vmul.f32 $8.000000000e+00, v3  }
0x2d2: {  	v2 =	vmul.f32 $8.000000000e+00, v2;
	v11 =	vmul.f32 $8.000000000e+00, v11;
	v12 =	vld [tilespmem:s10+$0xE690]  }
0x2d3: {  	[tilespmem:s10+$0x1A620] =	vst v3;
	v3 =	vld [tilespmem:s10+$0xE6C0]  }
0x2d4: {  	[tilespmem:s10+$0x1A630] =	vst v11;
	v11 =	vld [tilespmem:s10+$0xE710]  }
0x2d5: {  	[tilespmem:s10+$0x1A600] =	vst v2  }
0x2d6: {  	[tilespmem:s10+$0x1A610] =	vst v7;
	v2 =	vld [tilespmem:s10+$0xE700]  }
0x2d7: {  	v7 =	vld [tilespmem:s10+$0xE730]  }
0x2d8: {  	v13 =	vld [tilespmem:s10+$0xE740];
	_ =	sdelay $0x1  }
0x2d9: {  	v14 =	vld.idx.msk [tilespmem:v14+s2+$0x0], $0xffff;
	_ =	sdelay $0x1  }
0x2da: {  	v15 =	vld [tilespmem:s10+$0xE6B0]  }
0x2db: {  	s9 =	sadd.s32 $0x3, s7;
	v16 =	vld [tilespmem:s10+$0xE680];
	_ =	sdelay $0x1  }
0x2dc: {  	v17 =	vmov s9;
	v18 =	vld [tilespmem:s10+$0xE7E0]  }
0x2dd: {  	v17 =	vand.u32 $0x7B, v17;
	v14 =	vand.u32 $0x1, v14  }
0x2de: {  	vm0 =	veq.s32 v14, $0x0;
	v14 =	vor.u32 v0, v17;
	v17 =	vld [tilespmem:s10+$0xE7D0]  }
0x2df: {  	v8 =	vsel vm0, v15, v8;
	v14 =	vbroadcast v14, $0x0;
	v3 =	vsel vm0, v16, v3  }
0x2e0: {  	v6 =	vsel vm0, v9, v6;
	v8 =	vmul.f32 $8.000000000e+00, v8;
	v3 =	vmul.f32 $8.000000000e+00, v3;
	v9 =	vld [tilespmem:s10+$0xE790]  }
0x2e1: {  	v4 =	vsel vm0, v12, v4;
	v6 =	vmul.f32 $8.000000000e+00, v6;
	v12 =	vld [tilespmem:s10+$0xE7C0]  }
0x2e2: {  	v4 =	vmul.f32 $8.000000000e+00, v4;
	[tilespmem:s10+$0x1A6B0] =	vst v8;
	v8 =	vld [tilespmem:s10+$0xE780]  }
0x2e3: {  	[tilespmem:s10+$0x1A6A0] =	vst v6;
	v6 =	vld [tilespmem:s10+$0xE7B0]  }
0x2e4: {  	[tilespmem:s10+$0x1A690] =	vst v4  }
0x2e5: {  	[tilespmem:s10+$0x1A680] =	vst v3  }
0x2e6: {  	v1 =	vld.idx.msk [tilespmem:v1+s2+$0x0], $0xffff  }
0x2e7: {  	v3 =	vld [tilespmem:s10+$0xE750];
	_ =	sdelay $0x2  }
0x2e8: {  	v4 =	vld [tilespmem:s10+$0xE720];
	_ =	sdelay $0x1  }
0x2e9: {  	v1 =	vand.u32 $0x1, v1  }
0x2ea: {  	vm0 =	veq.s32 v1, $0x0  }
0x2eb: {  	v1 =	vsel vm0, v2, v13;
	v2 =	vsel vm0, v11, v3;
	v3 =	vsel vm0, v7, v5  }
0x2ec: {  	v1 =	vmul.f32 $8.000000000e+00, v1;
	v2 =	vmul.f32 $8.000000000e+00, v2;
	v4 =	vsel vm0, v4, v10;
	v7 =	vld [tilespmem:s10+$0xE870]  }
0x2ed: {  	v3 =	vmul.f32 $8.000000000e+00, v3;
	v4 =	vmul.f32 $8.000000000e+00, v4  }
0x2ee: {  	[tilespmem:s10+$0x1A710] =	vst v2  }
0x2ef: {  	[tilespmem:s10+$0x1A700] =	vst v1  }
0x2f0: {  	[tilespmem:s10+$0x1A730] =	vst v3  }
0x2f1: {  	[tilespmem:s10+$0x1A720] =	vst v4  }
0x2f2: {  	v1 =	vld.idx.msk [tilespmem:v14+s2+$0x0], $0xffff  }
0x2f3: {  	v2 =	vld [tilespmem:s10+$0xE7A0]  }
0x2f4: {  	v10 =	vld [tilespmem:s10+$0xE830]  }
0x2f5: {  	s9 =	sadd.s32 $0x4, s7;
	v3 =	vld [tilespmem:s10+$0xE7F0]  }
0x2f6: {  	v4 =	vmov s9  }
0x2f7: {  	v4 =	vand.u32 $0x7C, v4  }
0x2f8: {  	v4 =	vor.u32 v0, v4;
	v1 =	vand.u32 $0x1, v1  }
0x2f9: {  	vm0 =	veq.s32 v1, $0x0  }
0x2fa: {  	v4 =	vbroadcast v4, $0x0;
	v1 =	vsel vm0, v9, v17;
	v3 =	vsel vm0, v6, v3  }
0x2fb: {  	v5 =	vsel vm0, v8, v12;
	v2 =	vsel vm0, v2, v18;
	v1 =	vmul.f32 $8.000000000e+00, v1  }
0x2fc: {  	v2 =	vmul.f32 $8.000000000e+00, v2;
	v3 =	vmul.f32 $8.000000000e+00, v3  }
0x2fd: {  	v5 =	vmul.f32 $8.000000000e+00, v5;
	[tilespmem:s10+$0x1A790] =	vst v1  }
0x2fe: {  	[tilespmem:s10+$0x1A7B0] =	vst v3  }
0x2ff: {  	[tilespmem:s10+$0x1A780] =	vst v5;
	v1 =	vld [tilespmem:s10+$0xE860]  }
0x300: {  	[tilespmem:s10+$0x1A7A0] =	vst v2;
	v2 =	vld [tilespmem:s10+$0xE850]  }
0x301: {  	v4 =	vld.idx.msk [tilespmem:v4+s2+$0x0], $0xffff  }
0x302: {  	v5 =	vld [tilespmem:s10+$0xE800]  }
0x303: {  	v6 =	vld [tilespmem:s10+$0xE810]  }
0x304: {  	v8 =	vld [tilespmem:s10+$0xE840]  }
.Ltmp2:
0x305: {  	v3 =	vld [tilespmem:s10+$0xE820];
	(pc) =	sbr.rel @p0 .LBB2_7-.Ltmp2, $4  }
0x306: {  	_ = 	snop  }
0x307: {  	v4 =	vand.u32 $0x1, v4  }
0x308: {  	vm0 =	veq.s32 v4, $0x0  }
0x309: {  	s9 =	sadd.s32 $0x5, s7;
	v4 =	vsel vm0, v6, v2;
	v2 =	vsel vm0, v10, v7;
	v5 =	vsel vm0, v5, v8  }
0x30a: {  	v6 =	vmov s9  }
0x30b: {  	v6 =	vand.u32 $0x7D, v6  }
0x30c: {  	v5 =	vmul.f32 $8.000000000e+00, v5;
	v32 =	vor.u32 v0, v6  }
0x30d: {  	v31 =	vmul.f32 $8.000000000e+00, v4;
	v4 =	vbroadcast v32, $0x0;
	_ =	sdelay $0x1  }
0x30e: {  	v1 =	vsel vm0, v3, v1;
	v34 =	vmul.f32 $8.000000000e+00, v2;
	[tilespmem:s10+$0x1A800] =	vst v5  }
0x30f: {  	v7 =	vld [tilespmem:s10+$0xE8F0];
	v1 =	vmul.f32 $8.000000000e+00, v1;
	[tilespmem:s10+$0x1A810] =	vst v31  }
0x310: {  	v8 =	vld [tilespmem:s10+$0xE8E0];
	[tilespmem:s10+$0x1A830] =	vst v34  }
0x311: {  	v35 =	vld [tilespmem:s10+$0xE890];
	[tilespmem:s10+$0x1A820] =	vst v1  }
0x312: {  	v1 =	vld.idx.msk [tilespmem:v4+s2+$0x0], $0xffff  }
0x313: {  	v36 =	vld [tilespmem:s10+$0xE8C0]  }
0x314: {  	v37 =	vld [tilespmem:s10+$0xE880]  }
0x315: {  	v38 =	vld [tilespmem:s10+$0xE8D0]  }
0x316: {  	v9 =	vld [tilespmem:s10+$0xE8B0];
	s5 =	sadd.s32 $0x6, s7  }
0x317: {  	v33 =	vld [tilespmem:s10+$0xE8A0];
	v39 =	vmov s5;
	v1 =	vand.u32 $0x1, v1  }
0x318: {  	v3 =	vand.u32 $0x7E, v39;
	vm13 =	veq.s32 v1, $0x0  }
0x319: {  	v3 =	vor.u32 v0, v3;
	v1 =	vsel vm13, v37, v36  }
0x31a: {  	v3 =	vbroadcast v3, $0x0;
	v2 =	vsel vm13, v35, v38;
	v1 =	vmul.f32 $8.000000000e+00, v1  }
0x31b: {  	v40 =	vsel vm13, v9, v7;
	v2 =	vmul.f32 $8.000000000e+00, v2  }
0x31c: {  	v42 =	vsel vm13, v33, v8;
	[tilespmem:s10+$0x1A880] =	vst v1;
	v1 =	vmul.f32 $8.000000000e+00, v40  }
0x31d: {  	v41 =	vld [tilespmem:s10+$0xE970];
	[tilespmem:s10+$0x1A890] =	vst v2;
	v2 =	vmul.f32 $8.000000000e+00, v42  }
0x31e: {  	v43 =	vld [tilespmem:s10+$0xE960];
	[tilespmem:s10+$0x1A8B0] =	vst v1  }
0x31f: {  	v45 =	vld [tilespmem:s10+$0xE950];
	[tilespmem:s10+$0x1A8A0] =	vst v2  }
0x320: {  	v2 =	vld.idx.msk [tilespmem:v3+s2+$0x0], $0xffff  }
0x321: {  	v46 =	vld [tilespmem:s10+$0xE910]  }
0x322: {  	v47 =	vld [tilespmem:s10+$0xE900]  }
0x323: {  	v48 =	vld [tilespmem:s10+$0xE940]  }
0x324: {  	v44 =	vld [tilespmem:s10+$0xE920];
	s12 =	sadd.s32 $0x7, s7  }
0x325: {  	v49 =	vld [tilespmem:s10+$0xE930];
	v51 =	vmov s12;
	v2 =	vand.u32 $0x1, v2  }
0x326: {  	v6 =	vand.u32 $0x7F, v51;
	vm14 =	veq.s32 v2, $0x0  }
0x327: {  	v53 =	vor.u32 v0, v6;
	v2 =	vsel vm14, v46, v45  }
0x328: {  	v0 =	vbroadcast v53, $0x0;
	v7 =	vsel vm14, v47, v48;
	v2 =	vmul.f32 $8.000000000e+00, v2  }
0x329: {  	v1 =	vsel vm14, v44, v43;
	v54 =	vmul.f32 $8.000000000e+00, v7  }
0x32a: {  	v55 =	vsel vm14, v49, v41;
	v1 =	vmul.f32 $8.000000000e+00, v1;
	[tilespmem:s10+$0x1A910] =	vst v2  }
0x32b: {  	v50 =	vld [tilespmem:s10+$0xE9F0];
	v2 =	vmul.f32 $8.000000000e+00, v55;
	[tilespmem:s10+$0x1A900] =	vst v54  }
0x32c: {  	v10 =	vld [tilespmem:s10+$0xE9B0];
	[tilespmem:s10+$0x1A920] =	vst v1  }
0x32d: {  	v52 =	vld [tilespmem:s10+$0xE9E0];
	[tilespmem:s10+$0x1A930] =	vst v2  }
0x32e: {  	v0 =	vld.idx.msk [tilespmem:v0+s2+$0x0], $0xffff  }
0x32f: {  	v59 =	vld [tilespmem:s10+$0xE9C0]  }
0x330: {  	v60 =	vld [tilespmem:s10+$0xE980]  }
0x331: {  	v56 =	vld [tilespmem:s10+$0xE9A0]  }
0x332: {  	v57 =	vld [tilespmem:s10+$0xE9D0]  }
0x333: {  	v58 =	vld [tilespmem:s10+$0xE990];
	v0 =	vand.u32 $0x1, v0  }
0x334: {  	vm15 =	veq.s32 v0, $0x0  }
0x335: {  	v0 =	vsel vm15, v60, v59  }
0x336: {  	v61 =	vsel vm15, v10, v50;
	v0 =	vmul.f32 $8.000000000e+00, v0  }
0x337: {  	p0 =	seq.s32 s31, $0x41;
	v62 =	vsel vm15, v56, v52;
	v1 =	vmul.f32 $8.000000000e+00, v61  }
.Ltmp3:
0x338: {  	v2 =	vsel vm15, v58, v57;
	v3 =	vmul.f32 $8.000000000e+00, v62;
	[tilespmem:s10+$0x1A980] =	vst v0;
	(pc) =	sbr.rel @p0 .LBB2_10-.Ltmp3, $4  }
0x339: {  	s1 =	sadd.s32 s6, s1;
	v63 =	vmul.f32 $8.000000000e+00, v2;
	[tilespmem:s10+$0x1A9B0] =	vst v1  }
0x33a: {  	s1 =	sshrl.u32 s1, $0x3;
	[tilespmem:s10+$0x1A9A0] =	vst v3  }
0x33b: {  	s1 =	sadd.s32 s4, s1;
	[tilespmem:s10+$0x1A990] =	vst v63  }
0x33c: {  	[hbm4b:s1+s13] =	stream.strided.scatter [tilespmem:s25], [sflag:$0x6], $0x4000, s14, s13, $0x38;
	[tilespmem:$0x1E600] =	vst v63  }
0x33d: {  	v0 =	vld [tilespmem:s0+$0x280];
	_ =	sdelay $0x4  }
0x33e: {  	v0 =	vshra.s32 v0, $0x1  }
0x33f: {  	[tilespmem:$0x6500] =	vst v0  }
0x340: {  	v0 =	vld [tilespmem:s0+$0x290];
	_ =	sdelay $0x4  }
0x341: {  	v0 =	vshra.s32 v0, $0x1  }
0x342: {  	[tilespmem:$0x6510] =	vst v0  }
0x343: {  	v0 =	vld [tilespmem:s0+$0x2A0];
	_ =	sdelay $0x4  }
0x344: {  	v0 =	vshra.s32 v0, $0x1  }
0x345: {  	[tilespmem:$0x6520] =	vst v0  }
0x346: {  	v0 =	vld [tilespmem:s0+$0x2B0];
	_ =	sdelay $0x4  }
0x347: {  	v0 =	vshra.s32 v0, $0x1  }
0x348: {  	[tilespmem:$0x6530] =	vst v0  }
0x349: {  	v0 =	vld [tilespmem:s0+$0x2C0];
	_ =	sdelay $0x4  }
0x34a: {  	v0 =	vshra.s32 v0, $0x1  }
0x34b: {  	[tilespmem:$0x6540] =	vst v0  }
0x34c: {  	v0 =	vld [tilespmem:s0+$0x2D0];
	_ =	sdelay $0x4  }
0x34d: {  	v0 =	vshra.s32 v0, $0x1  }
0x34e: {  	[tilespmem:$0x6550] =	vst v0  }
0x34f: {  	v0 =	vld [tilespmem:s0+$0x2E0];
	_ =	sdelay $0x4  }
0x350: {  	v0 =	vshra.s32 v0, $0x1  }
0x351: {  	[tilespmem:$0x6560] =	vst v0  }
0x352: {  	v0 =	vld [tilespmem:s0+$0x2F0];
	_ =	sdelay $0x2  }
.Ltmp4:
0x353: {  	_ = 	snop;
	(pc) =	sbr.rel .LBB2_2-.Ltmp4, $4  }
0x354: {  	_ = 	snop  }
0x355: {  	v0 =	vshra.s32 v0, $0x1  }
0x356: {  	s31 =	sadd.s32 $0x1, s31;
	[tilespmem:$0x6570] =	vst v0  }
0x357: {  	[tilespmem:s19], [sflag:$0x3] =	stream.indirect.gather [hbm4b:s3+s13], $0x80, s18, s13, $0xb8;
	[tilespmem:$0x1E600] =	vst v63  }
.LBB2_10:
0x358: {  	_ =	swait.ge [sflag:s20], $0x4000  }
0x359: {  	[sflag:s20] =	ssyncset.done $0x0  }
0x35a: {  	[sflag:s20] =	ssyncadd.s32 $0xFFFFC000  }
0x35b: {  	_ =	swait.ge [sflag:s26], $0x4000  }
0x35c: {  	s0 =	simm.s32 $0x0;
	[sflag:s26] =	ssyncset.done $0x0  }
0x35d: {  	s1 =	simm.s32 $0x12800;
	s5 =	simm.s32 $0x6800;
	[sflag:s26] =	ssyncadd.s32 $0xFFFFC000  }
.LBB2_11:
0x35e: {  	v0 =	vmov s0  }
0x35f: {  	v0 =	vand.u32 $0x78, v0  }
0x360: {  	v0 =	vor.u32 $0x6300, v0  }
0x361: {  	v0 =	vbroadcast v0, $0x0;
	_ =	sdelay $0x5  }
0x362: {  	v0 =	vld.idx.msk [tilespmem:v0+s2+$0x0], $0xffff  }
0x363: {  	v1 =	vld [tilespmem:s5+$0xFFFFFE00]  }
0x364: {  	v2 =	vld [tilespmem:s5+$0xFFFFFE40];
	_ =	sdelay $0x2  }
0x365: {  	v0 =	vand.u32 $0x1, v0  }
0x366: {  	vm0 =	veq.s32 v0, $0x0  }
0x367: {  	v0 =	vsel vm0, v1, v2  }
0x368: {  	v0 =	vmul.f32 $8.000000000e+00, v0;
	_ =	sdelay $0x1  }
0x369: {  	[tilespmem:s1+$0xFFFFFE00] =	vst v0  }
0x36a: {  	v0 =	vld [tilespmem:s5+$0xFFFFFE10]  }
0x36b: {  	v19 =	vld [tilespmem:s5+$0xFFFFFE50];
	_ =	sdelay $0x4  }
0x36c: {  	v0 =	vsel vm0, v0, v19  }
0x36d: {  	v0 =	vmul.f32 $8.000000000e+00, v0;
	_ =	sdelay $0x1  }
0x36e: {  	[tilespmem:s1+$0xFFFFFE10] =	vst v0  }
0x36f: {  	v0 =	vld [tilespmem:s5+$0xFFFFFE20]  }
0x370: {  	v20 =	vld [tilespmem:s5+$0xFFFFFE60];
	_ =	sdelay $0x4  }
0x371: {  	v0 =	vsel vm0, v0, v20  }
0x372: {  	v0 =	vmul.f32 $8.000000000e+00, v0;
	_ =	sdelay $0x1  }
0x373: {  	[tilespmem:s1+$0xFFFFFE20] =	vst v0  }
0x374: {  	s7 =	sadd.s32 $0x1, s0;
	v0 =	vld [tilespmem:s5+$0xFFFFFE30]  }
0x375: {  	v22 =	vmov s7;
	v21 =	vld [tilespmem:s5+$0xFFFFFE70]  }
0x376: {  	v2 =	vand.u32 $0x79, v22  }
0x377: {  	v2 =	vor.u32 $0x6300, v2  }
0x378: {  	v2 =	vbroadcast v2, $0x0;
	_ =	sdelay $0x1  }
0x379: {  	v0 =	vsel vm0, v0, v21  }
0x37a: {  	v0 =	vmul.f32 $8.000000000e+00, v0;
	_ =	sdelay $0x1  }
0x37b: {  	[tilespmem:s1+$0xFFFFFE30] =	vst v0  }
0x37c: {  	v0 =	vld.idx.msk [tilespmem:v2+s2+$0x0], $0xffff  }
0x37d: {  	v23 =	vld [tilespmem:s5+$0xFFFFFE80]  }
0x37e: {  	v24 =	vld [tilespmem:s5+$0xFFFFFEC0];
	_ =	sdelay $0x2  }
0x37f: {  	v0 =	vand.u32 $0x1, v0  }
0x380: {  	vm9 =	veq.s32 v0, $0x0  }
0x381: {  	v0 =	vsel vm9, v23, v24  }
0x382: {  	v0 =	vmul.f32 $8.000000000e+00, v0;
	_ =	sdelay $0x1  }
0x383: {  	[tilespmem:s1+$0xFFFFFE80] =	vst v0  }
0x384: {  	v0 =	vld [tilespmem:s5+$0xFFFFFE90]  }
0x385: {  	v25 =	vld [tilespmem:s5+$0xFFFFFED0];
	_ =	sdelay $0x4  }
0x386: {  	v0 =	vsel vm9, v0, v25  }
0x387: {  	v0 =	vmul.f32 $8.000000000e+00, v0;
	_ =	sdelay $0x1  }
0x388: {  	[tilespmem:s1+$0xFFFFFE90] =	vst v0  }
0x389: {  	v0 =	vld [tilespmem:s5+$0xFFFFFEA0]  }
0x38a: {  	v26 =	vld [tilespmem:s5+$0xFFFFFEE0];
	_ =	sdelay $0x4  }
0x38b: {  	v0 =	vsel vm9, v0, v26  }
0x38c: {  	v0 =	vmul.f32 $8.000000000e+00, v0;
	_ =	sdelay $0x1  }
0x38d: {  	[tilespmem:s1+$0xFFFFFEA0] =	vst v0  }
0x38e: {  	s8 =	sadd.s32 $0x2, s0;
	v0 =	vld [tilespmem:s5+$0xFFFFFEB0]  }
0x38f: {  	v28 =	vmov s8;
	v27 =	vld [tilespmem:s5+$0xFFFFFEF0]  }
0x390: {  	v2 =	vand.u32 $0x7A, v28  }
0x391: {  	v2 =	vor.u32 $0x6300, v2  }
0x392: {  	v2 =	vbroadcast v2, $0x0;
	_ =	sdelay $0x1  }
0x393: {  	v0 =	vsel vm9, v0, v27  }
0x394: {  	v0 =	vmul.f32 $8.000000000e+00, v0;
	_ =	sdelay $0x1  }
0x395: {  	[tilespmem:s1+$0xFFFFFEB0] =	vst v0  }
0x396: {  	v0 =	vld.idx.msk [tilespmem:v2+s2+$0x0], $0xffff  }
0x397: {  	v29 =	vld [tilespmem:s5+$0xFFFFFF00]  }
0x398: {  	v30 =	vld [tilespmem:s5+$0xFFFFFF40];
	_ =	sdelay $0x2  }
0x399: {  	v0 =	vand.u32 $0x1, v0  }
0x39a: {  	vm10 =	veq.s32 v0, $0x0  }
0x39b: {  	v0 =	vsel vm10, v29, v30  }
0x39c: {  	v0 =	vmul.f32 $8.000000000e+00, v0;
	_ =	sdelay $0x1  }
0x39d: {  	[tilespmem:s1+$0xFFFFFF00] =	vst v0  }
0x39e: {  	v0 =	vld [tilespmem:s5+$0xFFFFFF10]  }
0x39f: {  	v31 =	vld [tilespmem:s5+$0xFFFFFF50];
	_ =	sdelay $0x4  }
0x3a0: {  	v0 =	vsel vm10, v0, v31  }
0x3a1: {  	v0 =	vmul.f32 $8.000000000e+00, v0;
	_ =	sdelay $0x1  }
0x3a2: {  	[tilespmem:s1+$0xFFFFFF10] =	vst v0  }
0x3a3: {  	v0 =	vld [tilespmem:s5+$0xFFFFFF20]  }
0x3a4: {  	v32 =	vld [tilespmem:s5+$0xFFFFFF60];
	_ =	sdelay $0x4  }
0x3a5: {  	v0 =	vsel vm10, v0, v32  }
0x3a6: {  	v0 =	vmul.f32 $8.000000000e+00, v0;
	_ =	sdelay $0x1  }
0x3a7: {  	[tilespmem:s1+$0xFFFFFF20] =	vst v0  }
0x3a8: {  	s9 =	sadd.s32 $0x3, s0;
	v0 =	vld [tilespmem:s5+$0xFFFFFF30]  }
0x3a9: {  	v34 =	vmov s9;
	v33 =	vld [tilespmem:s5+$0xFFFFFF70]  }
0x3aa: {  	v2 =	vand.u32 $0x7B, v34  }
0x3ab: {  	v2 =	vor.u32 $0x6300, v2  }
0x3ac: {  	v2 =	vbroadcast v2, $0x0;
	_ =	sdelay $0x1  }
0x3ad: {  	v0 =	vsel vm10, v0, v33  }
0x3ae: {  	v0 =	vmul.f32 $8.000000000e+00, v0;
	_ =	sdelay $0x1  }
0x3af: {  	[tilespmem:s1+$0xFFFFFF30] =	vst v0  }
0x3b0: {  	v0 =	vld.idx.msk [tilespmem:v2+s2+$0x0], $0xffff  }
0x3b1: {  	v35 =	vld [tilespmem:s5+$0xFFFFFF80]  }
0x3b2: {  	v36 =	vld [tilespmem:s5+$0xFFFFFFC0];
	_ =	sdelay $0x2  }
0x3b3: {  	v0 =	vand.u32 $0x1, v0  }
0x3b4: {  	vm11 =	veq.s32 v0, $0x0  }
0x3b5: {  	v0 =	vsel vm11, v35, v36  }
0x3b6: {  	v0 =	vmul.f32 $8.000000000e+00, v0;
	_ =	sdelay $0x1  }
0x3b7: {  	[tilespmem:s1+$0xFFFFFF80] =	vst v0  }
0x3b8: {  	v0 =	vld [tilespmem:s5+$0xFFFFFF90]  }
0x3b9: {  	v37 =	vld [tilespmem:s5+$0xFFFFFFD0];
	_ =	sdelay $0x4  }
0x3ba: {  	v0 =	vsel vm11, v0, v37  }
0x3bb: {  	v0 =	vmul.f32 $8.000000000e+00, v0;
	_ =	sdelay $0x1  }
0x3bc: {  	[tilespmem:s1+$0xFFFFFF90] =	vst v0  }
0x3bd: {  	v0 =	vld [tilespmem:s5+$0xFFFFFFA0]  }
0x3be: {  	v38 =	vld [tilespmem:s5+$0xFFFFFFE0];
	_ =	sdelay $0x4  }
0x3bf: {  	v0 =	vsel vm11, v0, v38  }
0x3c0: {  	v0 =	vmul.f32 $8.000000000e+00, v0;
	_ =	sdelay $0x1  }
0x3c1: {  	[tilespmem:s1+$0xFFFFFFA0] =	vst v0  }
0x3c2: {  	s10 =	sadd.s32 $0x4, s0;
	v0 =	vld [tilespmem:s5+$0xFFFFFFB0]  }
0x3c3: {  	v40 =	vmov s10;
	v39 =	vld [tilespmem:s5+$0xFFFFFFF0]  }
0x3c4: {  	v2 =	vand.u32 $0x7C, v40  }
0x3c5: {  	v2 =	vor.u32 $0x6300, v2  }
0x3c6: {  	v2 =	vbroadcast v2, $0x0;
	_ =	sdelay $0x1  }
0x3c7: {  	v0 =	vsel vm11, v0, v39  }
0x3c8: {  	v0 =	vmul.f32 $8.000000000e+00, v0;
	_ =	sdelay $0x1  }
0x3c9: {  	[tilespmem:s1+$0xFFFFFFB0] =	vst v0  }
0x3ca: {  	v0 =	vld.idx.msk [tilespmem:v2+s2+$0x0], $0xffff  }
0x3cb: {  	v41 =	vld [tilespmem:s5+$0x0]  }
0x3cc: {  	v42 =	vld [tilespmem:s5+$0x40];
	_ =	sdelay $0x2  }
0x3cd: {  	v0 =	vand.u32 $0x1, v0  }
0x3ce: {  	vm12 =	veq.s32 v0, $0x0  }
0x3cf: {  	v0 =	vsel vm12, v41, v42  }
0x3d0: {  	v0 =	vmul.f32 $8.000000000e+00, v0;
	_ =	sdelay $0x1  }
0x3d1: {  	[tilespmem:s1+$0x0] =	vst v0  }
0x3d2: {  	v0 =	vld [tilespmem:s5+$0x10]  }
0x3d3: {  	v43 =	vld [tilespmem:s5+$0x50];
	_ =	sdelay $0x4  }
0x3d4: {  	v0 =	vsel vm12, v0, v43  }
0x3d5: {  	v0 =	vmul.f32 $8.000000000e+00, v0;
	_ =	sdelay $0x1  }
0x3d6: {  	[tilespmem:s1+$0x10] =	vst v0  }
0x3d7: {  	v0 =	vld [tilespmem:s5+$0x20]  }
0x3d8: {  	v44 =	vld [tilespmem:s5+$0x60];
	_ =	sdelay $0x4  }
0x3d9: {  	v0 =	vsel vm12, v0, v44  }
0x3da: {  	v0 =	vmul.f32 $8.000000000e+00, v0;
	_ =	sdelay $0x1  }
0x3db: {  	[tilespmem:s1+$0x20] =	vst v0  }
0x3dc: {  	s11 =	sadd.s32 $0x5, s0;
	v0 =	vld [tilespmem:s5+$0x30]  }
0x3dd: {  	v46 =	vmov s11;
	v45 =	vld [tilespmem:s5+$0x70]  }
0x3de: {  	v2 =	vand.u32 $0x7D, v46  }
0x3df: {  	v2 =	vor.u32 $0x6300, v2  }
0x3e0: {  	v2 =	vbroadcast v2, $0x0;
	_ =	sdelay $0x1  }
0x3e1: {  	v0 =	vsel vm12, v0, v45  }
0x3e2: {  	v0 =	vmul.f32 $8.000000000e+00, v0;
	_ =	sdelay $0x1  }
0x3e3: {  	[tilespmem:s1+$0x30] =	vst v0  }
0x3e4: {  	v0 =	vld.idx.msk [tilespmem:v2+s2+$0x0], $0xffff  }
0x3e5: {  	v47 =	vld [tilespmem:s5+$0x80]  }
0x3e6: {  	v48 =	vld [tilespmem:s5+$0xC0];
	_ =	sdelay $0x2  }
0x3e7: {  	v0 =	vand.u32 $0x1, v0  }
0x3e8: {  	vm13 =	veq.s32 v0, $0x0  }
0x3e9: {  	v0 =	vsel vm13, v47, v48  }
0x3ea: {  	v0 =	vmul.f32 $8.000000000e+00, v0;
	_ =	sdelay $0x1  }
0x3eb: {  	[tilespmem:s1+$0x80] =	vst v0  }
0x3ec: {  	v0 =	vld [tilespmem:s5+$0x90]  }
0x3ed: {  	v49 =	vld [tilespmem:s5+$0xD0];
	_ =	sdelay $0x4  }
0x3ee: {  	v0 =	vsel vm13, v0, v49  }
0x3ef: {  	v0 =	vmul.f32 $8.000000000e+00, v0;
	_ =	sdelay $0x1  }
0x3f0: {  	[tilespmem:s1+$0x90] =	vst v0  }
0x3f1: {  	v0 =	vld [tilespmem:s5+$0xA0]  }
0x3f2: {  	v50 =	vld [tilespmem:s5+$0xE0];
	_ =	sdelay $0x4  }
0x3f3: {  	v0 =	vsel vm13, v0, v50  }
0x3f4: {  	v0 =	vmul.f32 $8.000000000e+00, v0;
	_ =	sdelay $0x1  }
0x3f5: {  	[tilespmem:s1+$0xA0] =	vst v0  }
0x3f6: {  	s12 =	sadd.s32 $0x6, s0;
	v0 =	vld [tilespmem:s5+$0xB0]  }
0x3f7: {  	v52 =	vmov s12;
	v51 =	vld [tilespmem:s5+$0xF0]  }
0x3f8: {  	v2 =	vand.u32 $0x7E, v52  }
0x3f9: {  	v2 =	vor.u32 $0x6300, v2  }
0x3fa: {  	v2 =	vbroadcast v2, $0x0;
	_ =	sdelay $0x1  }
0x3fb: {  	v0 =	vsel vm13, v0, v51  }
0x3fc: {  	v0 =	vmul.f32 $8.000000000e+00, v0;
	_ =	sdelay $0x1  }
0x3fd: {  	[tilespmem:s1+$0xB0] =	vst v0  }
0x3fe: {  	v0 =	vld.idx.msk [tilespmem:v2+s2+$0x0], $0xffff  }
0x3ff: {  	v53 =	vld [tilespmem:s5+$0x100]  }
0x400: {  	v54 =	vld [tilespmem:s5+$0x140];
	_ =	sdelay $0x2  }
0x401: {  	v0 =	vand.u32 $0x1, v0  }
0x402: {  	vm14 =	veq.s32 v0, $0x0  }
0x403: {  	v0 =	vsel vm14, v53, v54  }
0x404: {  	v0 =	vmul.f32 $8.000000000e+00, v0;
	_ =	sdelay $0x1  }
0x405: {  	[tilespmem:s1+$0x100] =	vst v0  }
0x406: {  	v0 =	vld [tilespmem:s5+$0x110]  }
0x407: {  	v55 =	vld [tilespmem:s5+$0x150];
	_ =	sdelay $0x4  }
0x408: {  	v0 =	vsel vm14, v0, v55  }
0x409: {  	v0 =	vmul.f32 $8.000000000e+00, v0;
	_ =	sdelay $0x1  }
0x40a: {  	[tilespmem:s1+$0x110] =	vst v0  }
0x40b: {  	v0 =	vld [tilespmem:s5+$0x120]  }
0x40c: {  	v56 =	vld [tilespmem:s5+$0x160];
	_ =	sdelay $0x4  }
0x40d: {  	v0 =	vsel vm14, v0, v56  }
0x40e: {  	v0 =	vmul.f32 $8.000000000e+00, v0;
	_ =	sdelay $0x1  }
0x40f: {  	[tilespmem:s1+$0x120] =	vst v0  }
0x410: {  	s31 =	sadd.s32 $0x7, s0;
	v0 =	vld [tilespmem:s5+$0x130]  }
0x411: {  	v58 =	vmov s31;
	v57 =	vld [tilespmem:s5+$0x170]  }
0x412: {  	v2 =	vand.u32 $0x7F, v58  }
0x413: {  	v2 =	vor.u32 $0x6300, v2  }
0x414: {  	v2 =	vbroadcast v2, $0x0;
	_ =	sdelay $0x1  }
0x415: {  	v0 =	vsel vm14, v0, v57  }
0x416: {  	v0 =	vmul.f32 $8.000000000e+00, v0;
	_ =	sdelay $0x1  }
0x417: {  	[tilespmem:s1+$0x130] =	vst v0  }
0x418: {  	v0 =	vld.idx.msk [tilespmem:v2+s2+$0x0], $0xffff  }
0x419: {  	v59 =	vld [tilespmem:s5+$0x180]  }
0x41a: {  	v60 =	vld [tilespmem:s5+$0x1C0];
	_ =	sdelay $0x2  }
0x41b: {  	v0 =	vand.u32 $0x1, v0  }
0x41c: {  	vm15 =	veq.s32 v0, $0x0  }
0x41d: {  	v0 =	vsel vm15, v59, v60  }
0x41e: {  	v0 =	vmul.f32 $8.000000000e+00, v0;
	_ =	sdelay $0x1  }
0x41f: {  	[tilespmem:s1+$0x180] =	vst v0  }
0x420: {  	v0 =	vld [tilespmem:s5+$0x190]  }
0x421: {  	v61 =	vld [tilespmem:s5+$0x1D0];
	_ =	sdelay $0x4  }
0x422: {  	v0 =	vsel vm15, v0, v61  }
0x423: {  	v0 =	vmul.f32 $8.000000000e+00, v0;
	_ =	sdelay $0x1  }
0x424: {  	[tilespmem:s1+$0x190] =	vst v0  }
0x425: {  	v0 =	vld [tilespmem:s5+$0x1A0]  }
0x426: {  	v62 =	vld [tilespmem:s5+$0x1E0];
	_ =	sdelay $0x4  }
0x427: {  	v0 =	vsel vm15, v0, v62  }
0x428: {  	v0 =	vmul.f32 $8.000000000e+00, v0;
	_ =	sdelay $0x1  }
0x429: {  	[tilespmem:s1+$0x1A0] =	vst v0  }
0x42a: {  	v0 =	vld [tilespmem:s5+$0x1B0]  }
0x42b: {  	v63 =	vld [tilespmem:s5+$0x1F0];
	_ =	sdelay $0x2  }
0x42c: {  	p0 =	slt.u32 s0, $0x78  }
.Ltmp5:
0x42d: {  	_ = 	snop;
	(pc) =	sbr.rel @p0 .LBB2_11-.Ltmp5, $3  }
0x42e: {  	v0 =	vsel vm15, v0, v63  }
0x42f: {  	v0 =	vmul.f32 $8.000000000e+00, v0;
	_ =	sdelay $0x1  }
0x430: {  	s0 =	sadd.s32 $0x8, s0;
	s5 =	sadd.s32 $0x400, s5;
	[tilespmem:s1+$0x1B0] =	vst v0;
	s1 =	sadd.s32 $0x400, s1  }
0x431: {  	s0 =	rddreg [dreg:$0x4];
	s1 =	simm.s32 $0x0  }
0x432: {  	[hbm4b:s0+s13] =	stream.strided.scatter [tilespmem:s21], [sflag:$0x4], $0x4000, s14, s13, $0x38;
	v0 =	vmov s1;
	[tilespmem:$0x1E600] =	vst v63  }
0x433: {  	_ =	swait.ge [sflag:s22], $0x4000;
	v0 =	vand.u32 $0x78, v0  }
0x434: {  	[sflag:s22] =	ssyncset.done $0x0;
	v0 =	vor.u32 $0x6380, v0  }
0x435: {  	[sflag:s22] =	ssyncadd.s32 $0xFFFFC000;
	v0 =	vbroadcast v0, $0x0  }
0x436: {  	_ =	swait.ge [sflag:s28], $0x4000  }
0x437: {  	[sflag:s28] =	ssyncset.done $0x0  }
0x438: {  	s0 =	simm.s32 $0x0;
	[sflag:s28] =	ssyncadd.s32 $0xFFFFC000  }
0x439: {  	v1 =	vld [tilespmem:s0+$0xA620]  }
0x43a: {  	v2 =	vld [tilespmem:s0+$0xA650]  }
0x43b: {  	v0 =	vld.idx.msk [tilespmem:v0+s2+$0x0], $0xffff  }
0x43c: {  	v3 =	vld [tilespmem:s0+$0xA610]  }
0x43d: {  	v5 =	vld [tilespmem:s0+$0xA670]  }
0x43e: {  	v8 =	vld [tilespmem:s0+$0xA660]  }
0x43f: {  	v6 =	vld [tilespmem:s0+$0xA630]  }
0x440: {  	s5 =	simm.s32 $0x1;
	v4 =	vld [tilespmem:s0+$0xA640];
	v0 =	vand.u32 $0x1, v0  }
0x441: {  	v7 =	vld [tilespmem:s0+$0xA600];
	vm0 =	veq.s32 v0, $0x0;
	v0 =	vmov s5  }
0x442: {  	v0 =	vand.u32 $0x79, v0  }
0x443: {  	v1 =	vsel vm0, v1, v8;
	v0 =	vor.u32 $0x6380, v0  }
0x444: {  	v5 =	vsel vm0, v6, v5;
	v1 =	vmul.f32 $8.000000000e+00, v1;
	v0 =	vbroadcast v0, $0x0  }
0x445: {  	v2 =	vsel vm0, v3, v2;
	v5 =	vmul.f32 $8.000000000e+00, v5  }
0x446: {  	v2 =	vmul.f32 $8.000000000e+00, v2;
	[tilespmem:s0+$0x16620] =	vst v1;
	v1 =	vsel vm0, v7, v4  }
0x447: {  	[tilespmem:s0+$0x16630] =	vst v5;
	v1 =	vmul.f32 $8.000000000e+00, v1  }
0x448: {  	v9 =	vld [tilespmem:s0+$0xA6F0];
	[tilespmem:s0+$0x16610] =	vst v2  }
0x449: {  	v10 =	vld [tilespmem:s0+$0xA6E0];
	[tilespmem:s0+$0x16600] =	vst v1  }
0x44a: {  	v0 =	vld.idx.msk [tilespmem:v0+s2+$0x0], $0xffff  }
0x44b: {  	v11 =	vld [tilespmem:s0+$0xA6A0]  }
0x44c: {  	v12 =	vld [tilespmem:s0+$0xA6D0]  }
0x44d: {  	v2 =	vld [tilespmem:s0+$0xA6B0]  }
0x44e: {  	v14 =	vld [tilespmem:s0+$0xA680]  }
0x44f: {  	s11 =	simm.s32 $0x2;
	v4 =	vld [tilespmem:s0+$0xA6C0];
	v0 =	vand.u32 $0x1, v0  }
0x450: {  	v6 =	vld [tilespmem:s0+$0xA690];
	vm0 =	veq.s32 v0, $0x0;
	v0 =	vmov s11  }
0x451: {  	v0 =	vand.u32 $0x7A, v0  }
0x452: {  	v2 =	vsel vm0, v2, v9;
	v0 =	vor.u32 $0x6380, v0  }
0x453: {  	v10 =	vsel vm0, v11, v10;
	v2 =	vmul.f32 $8.000000000e+00, v2;
	v0 =	vbroadcast v0, $0x0  }
0x454: {  	v4 =	vsel vm0, v14, v4;
	v10 =	vmul.f32 $8.000000000e+00, v10  }
0x455: {  	v4 =	vmul.f32 $8.000000000e+00, v4;
	[tilespmem:s0+$0x166B0] =	vst v2;
	v2 =	vsel vm0, v6, v12  }
0x456: {  	v13 =	vld [tilespmem:s0+$0xA770];
	[tilespmem:s0+$0x166A0] =	vst v10;
	v2 =	vmul.f32 $8.000000000e+00, v2  }
0x457: {  	v59 =	vld [tilespmem:s0+$0xA760];
	[tilespmem:s0+$0x16680] =	vst v4  }
0x458: {  	v3 =	vld [tilespmem:s0+$0xA710];
	[tilespmem:s0+$0x16690] =	vst v2  }
0x459: {  	v0 =	vld.idx.msk [tilespmem:v0+s2+$0x0], $0xffff  }
0x45a: {  	v7 =	vld [tilespmem:s0+$0xA740]  }
0x45b: {  	v2 =	vld [tilespmem:s0+$0xA750]  }
0x45c: {  	v1 =	vld [tilespmem:s0+$0xA700]  }
0x45d: {  	s12 =	simm.s32 $0x3;
	v5 =	vld [tilespmem:s0+$0xA730]  }
0x45e: {  	v63 =	vld [tilespmem:s0+$0xA720];
	v4 =	vmov s12;
	v0 =	vand.u32 $0x1, v0  }
0x45f: {  	v4 =	vand.u32 $0x7B, v4;
	vm0 =	veq.s32 v0, $0x0  }
0x460: {  	v0 =	vor.u32 $0x6380, v4;
	v2 =	vsel vm0, v3, v2  }
0x461: {  	v0 =	vbroadcast v0, $0x0;
	v1 =	vsel vm0, v1, v7;
	v2 =	vmul.f32 $8.000000000e+00, v2  }
0x462: {  	v3 =	vsel vm0, v5, v13;
	v1 =	vmul.f32 $8.000000000e+00, v1  }
0x463: {  	v4 =	vsel vm0, v63, v59;
	v3 =	vmul.f32 $8.000000000e+00, v3;
	[tilespmem:s0+$0x16710] =	vst v2  }
0x464: {  	v2 =	vmul.f32 $8.000000000e+00, v4;
	[tilespmem:s0+$0x16700] =	vst v1  }
0x465: {  	v16 =	vld [tilespmem:s0+$0xA7D0];
	[tilespmem:s0+$0x16730] =	vst v3  }
0x466: {  	v60 =	vld [tilespmem:s0+$0xA790];
	[tilespmem:s0+$0x16720] =	vst v2  }
0x467: {  	v0 =	vld.idx.msk [tilespmem:v0+s2+$0x0], $0xffff  }
0x468: {  	v61 =	vld [tilespmem:s0+$0xA7C0]  }
0x469: {  	v62 =	vld [tilespmem:s0+$0xA7B0]  }
0x46a: {  	v1 =	vld [tilespmem:s0+$0xA7F0]  }
0x46b: {  	v6 =	vld [tilespmem:s0+$0xA780]  }
0x46c: {  	s31 =	simm.s32 $0x4;
	v15 =	vld [tilespmem:s0+$0xA7E0];
	v0 =	vand.u32 $0x1, v0  }
0x46d: {  	v2 =	vld [tilespmem:s0+$0xA7A0];
	vm0 =	veq.s32 v0, $0x0;
	v0 =	vmov s31  }
0x46e: {  	v0 =	vand.u32 $0x7C, v0  }
0x46f: {  	v3 =	vsel vm0, v60, v16;
	v1 =	vsel vm0, v62, v1;
	v0 =	vor.u32 $0x6380, v0  }
0x470: {  	v4 =	vsel vm0, v6, v61;
	v3 =	vmul.f32 $8.000000000e+00, v3;
	v6 =	vbroadcast v0, $0x0  }
0x471: {  	v1 =	vmul.f32 $8.000000000e+00, v1  }
0x472: {  	v2 =	vsel vm0, v2, v15;
	v0 =	vmul.f32 $8.000000000e+00, v4;
	[tilespmem:s0+$0x16790] =	vst v3  }
0x473: {  	[tilespmem:s0+$0x167B0] =	vst v1;
	v1 =	vmul.f32 $8.000000000e+00, v2  }
0x474: {  	v5 =	vld [tilespmem:s0+$0xA870];
	[tilespmem:s0+$0x16780] =	vst v0  }
0x475: {  	v7 =	vld [tilespmem:s0+$0xA830];
	[tilespmem:s0+$0x167A0] =	vst v1  }
0x476: {  	v2 =	vld.idx.msk [tilespmem:v6+s2+$0x0], $0xffff  }
0x477: {  	v4 =	vld [tilespmem:s0+$0xA840]  }
0x478: {  	v3 =	vld [tilespmem:s0+$0xA800]  }
0x479: {  	v1 =	vld [tilespmem:s0+$0xA850]  }
0x47a: {  	v6 =	vld [tilespmem:s0+$0xA810]  }
0x47b: {  	v0 =	vld [tilespmem:s0+$0xA860];
	v2 =	vand.u32 $0x1, v2  }
0x47c: {  	vm0 =	veq.s32 v2, $0x0;
	v2 =	vld [tilespmem:s0+$0xA820];
	_ =	sdelay $0x2  }
0x47d: {  	s7 =	simm.s32 $0x8;
	s8 =	simm.s32 $0x5;
	s5 =	simm.s32 $0x0;
	v4 =	vsel vm0, v3, v4;
	v3 =	vsel vm0, v6, v1;
	v1 =	vsel vm0, v7, v5  }
.LBB2_13:
0x47e: {  	p0 =	slt.u32 s7, $0x78  }
0x47f: {  	v4 =	vmul.f32 $8.000000000e+00, v4;
	v0 =	vsel vm0, v2, v0;
	v2 =	vmov s8;
	v5 =	vld [tilespmem:s0+$0xA8F0];
	s1 =	sadd.s32 $0x1000, s1;
	s8 =	smov.u32 s7;
	s7 =	sadd.s32 $0x8, s7  }
0x480: {  	v3 =	vmul.f32 $8.000000000e+00, v3;
	v1 =	vmul.f32 $8.000000000e+00, v1;
	v2 =	vand.u32 $0x7D, v2;
	v6 =	vld [tilespmem:s0+$0xA8E0]  }
0x481: {  	v0 =	vmul.f32 $8.000000000e+00, v0;
	[tilespmem:s0+$0x16800] =	vst v4;
	v2 =	vor.u32 $0x6380, v2;
	v4 =	vld [tilespmem:s0+$0xA8A0]  }
0x482: {  	[tilespmem:s0+$0x16810] =	vst v3;
	v2 =	vbroadcast v2, $0x0  }
0x483: {  	[tilespmem:s0+$0x16820] =	vst v0  }
0x484: {  	v0 =	vld [tilespmem:s0+$0xA890]  }
0x485: {  	v3 =	vld [tilespmem:s0+$0xA8C0]  }
0x486: {  	[tilespmem:s0+$0x16830] =	vst v1;
	v1 =	vld [tilespmem:s0+$0xA880]  }
0x487: {  	v7 =	vld [tilespmem:s0+$0xA8B0]  }
0x488: {  	v2 =	vld.idx.msk [tilespmem:v2+s2+$0x0], $0xffff;
	_ =	sdelay $0x2  }
0x489: {  	v8 =	vld [tilespmem:s0+$0xA8D0];
	_ =	sdelay $0x1  }
0x48a: {  	s9 =	sadd.s32 $0x6, s5  }
0x48b: {  	v9 =	vmov s9;
	v2 =	vand.u32 $0x1, v2  }
0x48c: {  	vm0 =	veq.s32 v2, $0x0;
	v2 =	vand.u32 $0x7E, v9  }
0x48d: {  	v1 =	vsel vm0, v1, v3;
	v3 =	vsel vm0, v4, v6;
	v0 =	vsel vm0, v0, v8  }
0x48e: {  	v4 =	vsel vm0, v7, v5;
	v1 =	vmul.f32 $8.000000000e+00, v1;
	v0 =	vmul.f32 $8.000000000e+00, v0  }
0x48f: {  	v2 =	vor.u32 $0x6380, v2;
	v4 =	vmul.f32 $8.000000000e+00, v4  }
0x490: {  	[tilespmem:s0+$0x16880] =	vst v1;
	v1 =	vbroadcast v2, $0x0;
	v2 =	vld [tilespmem:s0+$0xA970]  }
0x491: {  	[tilespmem:s0+$0x16890] =	vst v0;
	v0 =	vmul.f32 $8.000000000e+00, v3;
	v3 =	vld [tilespmem:s0+$0xA960]  }
0x492: {  	[tilespmem:s0+$0x168B0] =	vst v4;
	v4 =	vld [tilespmem:s0+$0xA920]  }
0x493: {  	[tilespmem:s0+$0x168A0] =	vst v0;
	v0 =	vld [tilespmem:s0+$0xA950];
	_ =	sdelay $0x1  }
0x494: {  	v5 =	vld [tilespmem:s0+$0xA910]  }
0x495: {  	v6 =	vmov s8;
	v1 =	vld.idx.msk [tilespmem:v1+s2+$0x0], $0xffff  }
0x496: {  	v6 =	vand.u32 $0x78, v6;
	v7 =	vld [tilespmem:s0+$0xA900]  }
0x497: {  	v6 =	vor.u32 $0x6380, v6;
	v8 =	vld [tilespmem:s0+$0xA930]  }
0x498: {  	v6 =	vbroadcast v6, $0x0;
	v9 =	vld [tilespmem:s0+$0xA940];
	_ =	sdelay $0x1  }
0x499: {  	s9 =	sadd.s32 $0x7, s5;
	s5 =	smov.u32 s8  }
0x49a: {  	v10 =	vmov s9;
	v1 =	vand.u32 $0x1, v1  }
0x49b: {  	vm0 =	veq.s32 v1, $0x0;
	v1 =	vand.u32 $0x7F, v10  }
0x49c: {  	v0 =	vsel vm0, v5, v0;
	v1 =	vor.u32 $0x6380, v1;
	v7 =	vsel vm0, v7, v9;
	v5 =	vld [tilespmem:s0+$0xA9F0]  }
0x49d: {  	v3 =	vsel vm0, v4, v3;
	v0 =	vmul.f32 $8.000000000e+00, v0;
	v1 =	vbroadcast v1, $0x0;
	v4 =	vld [tilespmem:s0+$0xA9B0]  }
0x49e: {  	v2 =	vsel vm0, v8, v2;
	v3 =	vmul.f32 $8.000000000e+00, v3;
	v7 =	vmul.f32 $8.000000000e+00, v7;
	v8 =	vld [tilespmem:s0+$0xA9E0]  }
0x49f: {  	s8 =	sshra.s32 s1, $0x2;
	[tilespmem:s0+$0x16910] =	vst v0;
	v0 =	vmul.f32 $8.000000000e+00, v2;
	v2 =	vld [tilespmem:s0+$0xA9A0]  }
0x4a0: {  	[tilespmem:s0+$0x16900] =	vst v7;
	v7 =	vld [tilespmem:s0+$0xA9D0]  }
0x4a1: {  	[tilespmem:s0+$0x16930] =	vst v0;
	v0 =	vld [tilespmem:s0+$0xA990]  }
0x4a2: {  	[tilespmem:s0+$0x16920] =	vst v3;
	v3 =	vld [tilespmem:s0+$0xA9C0]  }
0x4a3: {  	v1 =	vld.idx.msk [tilespmem:v1+s2+$0x0], $0xffff  }
0x4a4: {  	v9 =	vld [tilespmem:s8+$0xA620]  }
0x4a5: {  	v10 =	vld [tilespmem:s8+$0xA650]  }
0x4a6: {  	s9 =	sadd.s32 $0x1, s5;
	v11 =	vld [tilespmem:s0+$0xA980]  }
0x4a7: {  	v13 =	vmov s9;
	v12 =	vld [tilespmem:s8+$0xA610]  }
0x4a8: {  	v13 =	vand.u32 $0x79, v13;
	v14 =	vld [tilespmem:s8+$0xA640]  }
0x4a9: {  	v13 =	vor.u32 $0x6380, v13;
	v1 =	vand.u32 $0x1, v1;
	v15 =	vld [tilespmem:s8+$0xA670]  }
0x4aa: {  	v13 =	vbroadcast v13, $0x0;
	vm0 =	veq.s32 v1, $0x0;
	v16 =	vld [tilespmem:s8+$0xA630]  }
0x4ab: {  	v0 =	vsel vm0, v0, v7;
	v2 =	vsel vm0, v2, v8;
	v1 =	vld [tilespmem:s8+$0xA600];
	v3 =	vsel vm0, v11, v3  }
0x4ac: {  	v4 =	vsel vm0, v4, v5;
	v0 =	vmul.f32 $8.000000000e+00, v0;
	v7 =	vld [tilespmem:s8+$0xA6F0];
	v3 =	vmul.f32 $8.000000000e+00, v3  }
0x4ad: {  	v2 =	vmul.f32 $8.000000000e+00, v2;
	v4 =	vmul.f32 $8.000000000e+00, v4;
	v5 =	vld [tilespmem:s8+$0xA6E0]  }
0x4ae: {  	v8 =	vld [tilespmem:s8+$0xA6A0];
	[tilespmem:s0+$0x16980] =	vst v3  }
0x4af: {  	v3 =	vld [tilespmem:s8+$0xA6D0];
	[tilespmem:s0+$0x169B0] =	vst v4  }
0x4b0: {  	[tilespmem:s0+$0x169A0] =	vst v2  }
0x4b1: {  	[tilespmem:s0+$0x16990] =	vst v0;
	s0 =	smov.u32 s8;
	_ =	sdelay $0x2  }
0x4b2: {  	v0 =	vld.idx.msk [tilespmem:v6+s2+$0x0], $0xffff  }
0x4b3: {  	s8 =	sadd.s32 $0x2, s5;
	v2 =	vld [tilespmem:s0+$0xA660]  }
0x4b4: {  	v4 =	vmov s8  }
0x4b5: {  	v4 =	vand.u32 $0x7A, v4;
	_ =	sdelay $0x2  }
0x4b6: {  	v4 =	vor.u32 $0x6380, v4;
	v0 =	vand.u32 $0x1, v0  }
0x4b7: {  	vm0 =	veq.s32 v0, $0x0;
	v0 =	vbroadcast v4, $0x0;
	v4 =	vld [tilespmem:s0+$0xA770]  }
0x4b8: {  	v1 =	vsel vm0, v1, v14;
	v6 =	vsel vm0, v12, v10;
	v2 =	vsel vm0, v9, v2;
	v9 =	vld [tilespmem:s0+$0xA760]  }
0x4b9: {  	v10 =	vsel vm0, v16, v15;
	v6 =	vmul.f32 $8.000000000e+00, v6;
	v2 =	vmul.f32 $8.000000000e+00, v2  }
0x4ba: {  	v1 =	vmul.f32 $8.000000000e+00, v1;
	v10 =	vmul.f32 $8.000000000e+00, v10;
	v11 =	vld [tilespmem:s0+$0xA690]  }
0x4bb: {  	[tilespmem:s0+$0x16620] =	vst v2;
	v2 =	vld [tilespmem:s0+$0xA6C0]  }
0x4bc: {  	[tilespmem:s0+$0x16630] =	vst v10;
	v10 =	vld [tilespmem:s0+$0xA710]  }
0x4bd: {  	[tilespmem:s0+$0x16600] =	vst v1  }
0x4be: {  	[tilespmem:s0+$0x16610] =	vst v6;
	v1 =	vld [tilespmem:s0+$0xA700]  }
0x4bf: {  	v6 =	vld [tilespmem:s0+$0xA730]  }
0x4c0: {  	v12 =	vld [tilespmem:s0+$0xA740];
	_ =	sdelay $0x1  }
0x4c1: {  	v13 =	vld.idx.msk [tilespmem:v13+s2+$0x0], $0xffff;
	_ =	sdelay $0x1  }
0x4c2: {  	v14 =	vld [tilespmem:s0+$0xA6B0]  }
0x4c3: {  	s8 =	sadd.s32 $0x3, s5;
	v15 =	vld [tilespmem:s0+$0xA680];
	_ =	sdelay $0x1  }
0x4c4: {  	v16 =	vmov s8;
	v17 =	vld [tilespmem:s0+$0xA7E0]  }
0x4c5: {  	v16 =	vand.u32 $0x7B, v16;
	v13 =	vand.u32 $0x1, v13  }
0x4c6: {  	vm0 =	veq.s32 v13, $0x0;
	v13 =	vor.u32 $0x6380, v16;
	v16 =	vld [tilespmem:s0+$0xA7D0]  }
0x4c7: {  	v7 =	vsel vm0, v14, v7;
	v13 =	vbroadcast v13, $0x0;
	v2 =	vsel vm0, v15, v2  }
0x4c8: {  	v5 =	vsel vm0, v8, v5;
	v7 =	vmul.f32 $8.000000000e+00, v7;
	v2 =	vmul.f32 $8.000000000e+00, v2;
	v8 =	vld [tilespmem:s0+$0xA790]  }
0x4c9: {  	v3 =	vsel vm0, v11, v3;
	v5 =	vmul.f32 $8.000000000e+00, v5;
	v11 =	vld [tilespmem:s0+$0xA7C0]  }
0x4ca: {  	v3 =	vmul.f32 $8.000000000e+00, v3;
	[tilespmem:s0+$0x166B0] =	vst v7;
	v7 =	vld [tilespmem:s0+$0xA780]  }
0x4cb: {  	[tilespmem:s0+$0x166A0] =	vst v5;
	v5 =	vld [tilespmem:s0+$0xA7B0]  }
0x4cc: {  	[tilespmem:s0+$0x16690] =	vst v3  }
0x4cd: {  	[tilespmem:s0+$0x16680] =	vst v2  }
0x4ce: {  	v0 =	vld.idx.msk [tilespmem:v0+s2+$0x0], $0xffff  }
0x4cf: {  	v2 =	vld [tilespmem:s0+$0xA750];
	_ =	sdelay $0x2  }
0x4d0: {  	v3 =	vld [tilespmem:s0+$0xA720];
	_ =	sdelay $0x1  }
0x4d1: {  	v0 =	vand.u32 $0x1, v0  }
0x4d2: {  	vm0 =	veq.s32 v0, $0x0  }
0x4d3: {  	v0 =	vsel vm0, v1, v12;
	v1 =	vsel vm0, v10, v2;
	v2 =	vsel vm0, v6, v4  }
0x4d4: {  	v0 =	vmul.f32 $8.000000000e+00, v0;
	v1 =	vmul.f32 $8.000000000e+00, v1;
	v3 =	vsel vm0, v3, v9;
	v6 =	vld [tilespmem:s0+$0xA870]  }
0x4d5: {  	v2 =	vmul.f32 $8.000000000e+00, v2;
	v3 =	vmul.f32 $8.000000000e+00, v3  }
0x4d6: {  	[tilespmem:s0+$0x16710] =	vst v1  }
0x4d7: {  	[tilespmem:s0+$0x16700] =	vst v0  }
0x4d8: {  	[tilespmem:s0+$0x16730] =	vst v2  }
0x4d9: {  	[tilespmem:s0+$0x16720] =	vst v3  }
0x4da: {  	v0 =	vld.idx.msk [tilespmem:v13+s2+$0x0], $0xffff  }
0x4db: {  	v1 =	vld [tilespmem:s0+$0xA7A0]  }
0x4dc: {  	v9 =	vld [tilespmem:s0+$0xA830]  }
0x4dd: {  	s8 =	sadd.s32 $0x4, s5;
	v2 =	vld [tilespmem:s0+$0xA7F0]  }
0x4de: {  	v3 =	vmov s8  }
0x4df: {  	v3 =	vand.u32 $0x7C, v3  }
0x4e0: {  	v3 =	vor.u32 $0x6380, v3;
	v0 =	vand.u32 $0x1, v0  }
0x4e1: {  	vm0 =	veq.s32 v0, $0x0  }
0x4e2: {  	v3 =	vbroadcast v3, $0x0;
	v0 =	vsel vm0, v8, v16;
	v2 =	vsel vm0, v5, v2  }
0x4e3: {  	v4 =	vsel vm0, v7, v11;
	v1 =	vsel vm0, v1, v17;
	v0 =	vmul.f32 $8.000000000e+00, v0  }
0x4e4: {  	v1 =	vmul.f32 $8.000000000e+00, v1;
	v2 =	vmul.f32 $8.000000000e+00, v2  }
0x4e5: {  	v4 =	vmul.f32 $8.000000000e+00, v4;
	[tilespmem:s0+$0x16790] =	vst v0  }
0x4e6: {  	[tilespmem:s0+$0x167B0] =	vst v2  }
0x4e7: {  	[tilespmem:s0+$0x16780] =	vst v4;
	v0 =	vld [tilespmem:s0+$0xA860]  }
0x4e8: {  	[tilespmem:s0+$0x167A0] =	vst v1;
	v1 =	vld [tilespmem:s0+$0xA850]  }
0x4e9: {  	v3 =	vld.idx.msk [tilespmem:v3+s2+$0x0], $0xffff  }
0x4ea: {  	v4 =	vld [tilespmem:s0+$0xA800]  }
0x4eb: {  	v5 =	vld [tilespmem:s0+$0xA810]  }
0x4ec: {  	v7 =	vld [tilespmem:s0+$0xA840]  }
.Ltmp6:
0x4ed: {  	v2 =	vld [tilespmem:s0+$0xA820];
	(pc) =	sbr.rel @p0 .LBB2_13-.Ltmp6, $4  }
0x4ee: {  	_ = 	snop  }
0x4ef: {  	v3 =	vand.u32 $0x1, v3  }
0x4f0: {  	vm0 =	veq.s32 v3, $0x0  }
0x4f1: {  	s8 =	sadd.s32 $0x5, s5;
	v3 =	vsel vm0, v5, v1;
	v1 =	vsel vm0, v9, v6;
	v4 =	vsel vm0, v4, v7  }
0x4f2: {  	v5 =	vmov s8  }
0x4f3: {  	v5 =	vand.u32 $0x7D, v5  }
0x4f4: {  	v4 =	vmul.f32 $8.000000000e+00, v4;
	v33 =	vor.u32 $0x6380, v5  }
0x4f5: {  	v32 =	vmul.f32 $8.000000000e+00, v3;
	v3 =	vbroadcast v33, $0x0;
	_ =	sdelay $0x1  }
0x4f6: {  	v0 =	vsel vm0, v2, v0;
	v35 =	vmul.f32 $8.000000000e+00, v1;
	[tilespmem:s0+$0x16800] =	vst v4  }
0x4f7: {  	v6 =	vld [tilespmem:s0+$0xA8F0];
	v0 =	vmul.f32 $8.000000000e+00, v0;
	[tilespmem:s0+$0x16810] =	vst v32  }
0x4f8: {  	v7 =	vld [tilespmem:s0+$0xA8E0];
	[tilespmem:s0+$0x16830] =	vst v35  }
0x4f9: {  	v36 =	vld [tilespmem:s0+$0xA890];
	[tilespmem:s0+$0x16820] =	vst v0  }
0x4fa: {  	v0 =	vld.idx.msk [tilespmem:v3+s2+$0x0], $0xffff  }
0x4fb: {  	v37 =	vld [tilespmem:s0+$0xA8C0]  }
0x4fc: {  	v38 =	vld [tilespmem:s0+$0xA880]  }
0x4fd: {  	v39 =	vld [tilespmem:s0+$0xA8D0]  }
0x4fe: {  	v8 =	vld [tilespmem:s0+$0xA8B0];
	s1 =	sadd.s32 $0x6, s5  }
0x4ff: {  	v34 =	vld [tilespmem:s0+$0xA8A0];
	v40 =	vmov s1;
	v0 =	vand.u32 $0x1, v0  }
0x500: {  	v2 =	vand.u32 $0x7E, v40;
	vm13 =	veq.s32 v0, $0x0  }
0x501: {  	v2 =	vor.u32 $0x6380, v2;
	v0 =	vsel vm13, v38, v37  }
0x502: {  	v2 =	vbroadcast v2, $0x0;
	v1 =	vsel vm13, v36, v39;
	v0 =	vmul.f32 $8.000000000e+00, v0  }
0x503: {  	v41 =	vsel vm13, v8, v6;
	v1 =	vmul.f32 $8.000000000e+00, v1  }
0x504: {  	v43 =	vsel vm13, v34, v7;
	[tilespmem:s0+$0x16880] =	vst v0;
	v0 =	vmul.f32 $8.000000000e+00, v41  }
0x505: {  	[tilespmem:s0+$0x16890] =	vst v1;
	v1 =	vmul.f32 $8.000000000e+00, v43  }
0x506: {  	[tilespmem:s0+$0x168B0] =	vst v0  }
0x507: {  	v42 =	vld [tilespmem:s0+$0xA970];
	[tilespmem:s0+$0x168A0] =	vst v1  }
0x508: {  	v1 =	vld.idx.msk [tilespmem:v2+s2+$0x0], $0xffff  }
0x509: {  	v46 =	vld [tilespmem:s0+$0xA950]  }
0x50a: {  	v47 =	vld [tilespmem:s0+$0xA910]  }
0x50b: {  	v44 =	vld [tilespmem:s0+$0xA960]  }
0x50c: {  	v48 =	vld [tilespmem:s0+$0xA900]  }
0x50d: {  	v49 =	vld [tilespmem:s0+$0xA940];
	v1 =	vand.u32 $0x1, v1  }
0x50e: {  	v50 =	vld [tilespmem:s0+$0xA930];
	s11 =	sadd.s32 $0x7, s5;
	vm14 =	veq.s32 v1, $0x0  }
0x50f: {  	v45 =	vld [tilespmem:s0+$0xA920];
	v52 =	vmov s11;
	v1 =	vsel vm14, v47, v46  }
0x510: {  	v5 =	vand.u32 $0x7F, v52;
	v1 =	vmul.f32 $8.000000000e+00, v1  }
0x511: {  	v54 =	vor.u32 $0x6380, v5  }
0x512: {  	v6 =	vsel vm14, v48, v49;
	[tilespmem:s0+$0x16910] =	vst v1;
	v1 =	vbroadcast v54, $0x0  }
0x513: {  	v3 =	vsel vm14, v50, v42;
	v55 =	vmul.f32 $8.000000000e+00, v6  }
0x514: {  	v0 =	vsel vm14, v45, v44;
	v3 =	vmul.f32 $8.000000000e+00, v3  }
0x515: {  	v51 =	vld [tilespmem:s0+$0xA9F0];
	v0 =	vmul.f32 $8.000000000e+00, v0;
	[tilespmem:s0+$0x16900] =	vst v55  }
0x516: {  	v9 =	vld [tilespmem:s0+$0xA9B0];
	[tilespmem:s0+$0x16930] =	vst v3  }
0x517: {  	v53 =	vld [tilespmem:s0+$0xA9E0];
	[tilespmem:s0+$0x16920] =	vst v0  }
0x518: {  	v0 =	vld.idx.msk [tilespmem:v1+s2+$0x0], $0xffff  }
0x519: {  	v59 =	vld [tilespmem:s0+$0xA9C0]  }
0x51a: {  	v60 =	vld [tilespmem:s0+$0xA980]  }
0x51b: {  	v56 =	vld [tilespmem:s0+$0xA9A0]  }
0x51c: {  	v57 =	vld [tilespmem:s0+$0xA9D0]  }
0x51d: {  	v58 =	vld [tilespmem:s0+$0xA990];
	v0 =	vand.u32 $0x1, v0  }
0x51e: {  	vm15 =	veq.s32 v0, $0x0  }
0x51f: {  	v0 =	vsel vm15, v60, v59  }
0x520: {  	v61 =	vsel vm15, v9, v51;
	v0 =	vmul.f32 $8.000000000e+00, v0  }
0x521: {  	v62 =	vsel vm15, v56, v53;
	v1 =	vmul.f32 $8.000000000e+00, v61  }
0x522: {  	v3 =	vsel vm15, v58, v57;
	v2 =	vmul.f32 $8.000000000e+00, v62;
	[tilespmem:s0+$0x16980] =	vst v0  }
0x523: {  	v63 =	vmul.f32 $8.000000000e+00, v3;
	[tilespmem:s0+$0x169B0] =	vst v1  }
0x524: {  	[tilespmem:s0+$0x169A0] =	vst v2  }
0x525: {  	s12 =	rddreg [dreg:$0x5];
	[tilespmem:s0+$0x16990] =	vst v63  }
0x526: {  	[hbm4b:s12+s13] =	stream.strided.scatter [tilespmem:s23], [sflag:$0x5], $0x4000, s14, s13, $0x38;
	[tilespmem:$0x1E600] =	vst v63  }
0x527: {  	_ =	swait.ge [sflag:s26], $0x4000  }
0x528: {  	[sflag:s26] =	ssyncset.done $0x0  }
0x529: {  	[sflag:s26] =	ssyncadd.s32 $0xFFFFC000  }
0x52a: {  	_ =	swait.ge [sflag:s28], $0x4000  }
0x52b: {  	[sflag:s28] =	ssyncset.done $0x0  }
0x52c: {  	[sflag:s28] =	ssyncadd.s32 $0xFFFFC000  }
0x52d: {  	_ =	swait.ge [sflag:s29], $0x4000  }
0x52e: {  	s30 =	sadd.s32 $0x1, s30;
	s31 =	rddreg [dreg:$0x6]  }
0x52f: {  	p0 =	sne.s32 s30, s31  }
.Ltmp7:
0x530: {  	_ = 	snop;
	(pc) =	sbr.rel @p0 .LBB2_1-.Ltmp7, $3  }
0x531: {  	_ =	sdelay $0x1  }
0x532: {  	[sflag:s29] =	ssyncset.done $0x0  }
0x533: {  	[sflag:s29] =	ssyncadd.s32 $0xFFFFC000  }
0x534: {  	_ =	sfence.sel $0x180000  }
0x535: {  	[bflag:$0x0] =	sbarrier.arrive $0xFFFF  }
0x536: {  	_ =	strace $0x90000047  }
0x537: {  	s0 =	stileid.u32;
	[bflag:$0x2] =	sbarrier.arrive $0xFFFF  }
0x538: {  	p0 =	sne.s32 s0, $0x0;
	s0 =	rddreg [dreg:$0x2]  }
0x539: {  	s0 =	sadd.s32 @!p0 $0x100000, s0  }
0x53a: {  	[sflag:s0] =	ssyncadd.tile.s32 @!p0 $0x1;
	_ =	shalt  }
.Lfunc_end2:
_tile_overlayer_lowered:
.L_overlay_start_2:
0x53b: {  	(tag) =	ssettag $0x2  }
0x53c: {  	s0 =	rddreg [dreg:$0x0];
	s2 =	stileid.u32  }
0x53d: {  	s1 =	rddreg [dreg:$0x1];
	p0 =	sne.s32 s2, $0x0  }
0x53e: {  	s3 =	rddreg [dreg:$0x2];
	[bflag:$0x3] =	sbarrier.arrive $0xFFFF;
	s2 =	simm.s32 @!p0 $0x1C07  }
0x53f: {  	[timem:s3], [sflag:s2] =	dma.local @!p0 [hbm:s0], s1  }
0x540: {  	s0 =	simm.s32 @!p0 $0x7  }
0x541: {  	_ =	swait.ge @!p0 [sflag:s0], s1  }
0x542: {  	s1 =	ssub.s32 @!p0 $0x0, s1;
	[sflag:s0] =	ssyncset.done @!p0 $0x0  }
0x543: {  	[sflag:s0] =	ssyncadd.s32 @!p0 s1  }
0x544: {  	[bflag:$0x3] =	sbarrier.arrive $0xFFFF  }
0x545: {  	_ =	shalt  }

</sc_bundles>
